<compile_context>
chip_gen: v7x
topology: tpu7x:2x2x1
jax: 0.10.2.dev20260603
libtpu: 0.0.44.dev20260713+nightly
codegen_flags: <defaults>
</compile_context>

<pallas_src>
import functools

import jax
import jax.numpy as jnp
from jax import lax
from jax.experimental import pallas as pl
from jax.experimental.pallas import tpu as pltpu
from jax.experimental.pallas import tpu_sc as plsc

_ALPHA = 0.7
_KFRAC = 0.2
_L = 16
_NB = 64


def _positive_k(k, n):
    if k <= 0:
        return 0
    elif k < 1:
        return int(round(float(n) * float(k)))
    elif k > n:
        return int(n)
    else:
        return int(k)


def _keyu(v):
    i = lax.bitcast_convert_type(v, jnp.int32)
    return jnp.where(i < 0, ~i, i ^ jnp.int32(-2**31))


def _val_of_u(u):
    i = jnp.where(u < 0, u ^ jnp.int32(-2**31), ~u)
    return lax.bitcast_convert_type(i, jnp.float32)


def _digit(u, shift):
    s = jnp.full((_L,), shift, jnp.int32)
    return lax.shift_right_logical(u, s) & jnp.int32(_NB - 1)


def _sc_pool_kernel_body(n, kmax, kmin, B, C,
                         x_hbm, out_hbm,
                         data_v, listt_v, listb_v, listt2_v, listb2_v,
                         hcnt_v, hsum_v, outb_v, sem, sem_out):
    lanes = lax.iota(jnp.int32, _L)
    zi = jnp.zeros((_L,), jnp.int32)
    zf = jnp.zeros((_L,), jnp.float32)
    ones_i = jnp.ones((_L,), jnp.int32)

    ncores = 2
    nsub = 16
    wid = lax.axis_index("c") * nsub + lax.axis_index("s")
    ngroups = B * (C // _L)
    gpw = ngroups // (ncores * nsub)

    def zero_h(d, _):
        hcnt_v[d] = zi
        hsum_v[d] = zf
        return 0
    lax.fori_loop(0, _NB, zero_h, 0)

    def scan_top(m_vec, krem):
        thresh = m_vec - krem + 1
        init = (zi, zf, zi > 0, zi, zi, zf, zi)

        @plsc.parallel_loop(0, _NB, unroll=4, carry=init)
        def body(d, carry):
            cum_c, cum_s, crossed, D, cntle, sumle, bcnt = carry
            c = hcnt_v[d]
            s = hsum_v[d]
            hcnt_v[d] = zi
            hsum_v[d] = zf
            cum_c = cum_c + c
            cum_s = cum_s + s
            newly = jnp.logical_and(jnp.logical_not(crossed), cum_c >= thresh)
            dv = zi + d
            D = jnp.where(newly, dv, D)
            cntle = jnp.where(newly, cum_c, cntle)
            sumle = jnp.where(newly, cum_s, sumle)
            bcnt = jnp.where(newly, c, bcnt)
            crossed = jnp.logical_or(crossed, newly)
            return cum_c, cum_s, crossed, D, cntle, sumle, bcnt

        cum_c, cum_s, _, D, cntle, sumle, bcnt = body
        add_cnt = m_vec - cntle
        add_sum = cum_s - sumle
        return D, add_cnt, add_sum, bcnt

    def scan_bot(m_vec, krem):
        thresh = krem
        init = (zi, zf, zi > 0, zi, zi, zf, zi)

        @plsc.parallel_loop(0, _NB, unroll=4, carry=init)
        def body(d, carry):
            cum_c, cum_s, crossed, D, cntlt, sumlt, bcnt = carry
            c = hcnt_v[d]
            s = hsum_v[d]
            hcnt_v[d] = zi
            hsum_v[d] = zf
            cum_c = cum_c + c
            cum_s = cum_s + s
            newly = jnp.logical_and(jnp.logical_not(crossed), cum_c >= thresh)
            dv = zi + d
            D = jnp.where(newly, dv, D)
            cntlt = jnp.where(newly, cum_c - c, cntlt)
            sumlt = jnp.where(newly, cum_s - s, sumlt)
            bcnt = jnp.where(newly, c, bcnt)
            crossed = jnp.logical_or(crossed, newly)
            return cum_c, cum_s, crossed, D, cntlt, sumlt, bcnt

        _, _, _, D, cntlt, sumlt, bcnt = body
        return D, cntlt, sumlt, bcnt

    def gather_row(buf, list_v, j, m_vec):
        jv = zi + j
        valid = jv < m_vec
        idx = jnp.where(valid, list_v[j], 0)
        v = plsc.load_gather(data_v, [buf, idx, lanes])
        return idx, v, valid

    def hist_list(buf, list_v, m_vec, jmax, shift):
        @plsc.parallel_loop(0, jmax, unroll=4)
        def body(j):
            _, v, valid = gather_row(buf, list_v, j, m_vec)
            u = _keyu(v)
            d = jnp.where(valid, _digit(u, shift), 0)
            plsc.addupdate_scatter(hcnt_v, [d, lanes],
                                   jnp.where(valid, 1, 0).astype(jnp.int32))
            plsc.addupdate_scatter(hsum_v, [d, lanes],
                                   jnp.where(valid, v, 0.0))

    def compact_list(buf, src_v, dst_v, m_vec, jmax, D, shift):
        @plsc.parallel_loop(0, jmax, unroll=4, carry=zi)
        def body(j, cur):
            idx, v, valid = gather_row(buf, src_v, j, m_vec)
            u = _keyu(v)
            d = _digit(u, shift)
            mask = jnp.logical_and(valid, d == D)
            plsc.store_scatter(dst_v, [cur, lanes], idx, mask=mask)
            return cur + jnp.where(mask, 1, 0)

    def descent(buf, list_v, m_vec, jmax, prefix, krank):

        def bitbody(bi, t):
            bit = lax.shift_right_arithmetic(jnp.int32(1 << 13), bi)
            cand = t | bit

            @plsc.parallel_loop(0, jmax, unroll=4, carry=zi)
            def cnt(j, c):
                _, v, valid = gather_row(buf, list_v, j, m_vec)
                u = _keyu(v)
                hit = jnp.logical_and(valid, u >= cand)
                return c + jnp.where(hit, 1, 0)

            return jnp.where(cnt >= krank, cand, t)

        t = lax.fori_loop(0, 14, bitbody, prefix)

        @plsc.parallel_loop(0, jmax, unroll=4, carry=(zi, zf))
        def gtstats(j, carry):
            cg, sg = carry
            _, v, valid = gather_row(buf, list_v, j, m_vec)
            u = _keyu(v)
            g = jnp.logical_and(valid, u > t)
            return cg + jnp.where(g, 1, 0), sg + jnp.where(g, v, 0.0)

        cnt_gt, sum_gt = gtstats
        return t, cnt_gt, sum_gt

    def ltstats(buf, list_v, m_vec, jmax, t):
        @plsc.parallel_loop(0, jmax, unroll=4, carry=(zi, zf))
        def body(j, carry):
            cl, sl = carry
            _, v, valid = gather_row(buf, list_v, j, m_vec)
            u = _keyu(v)
            g = jnp.logical_and(valid, u < t)
            return cl + jnp.where(g, 1, 0), sl + jnp.where(g, v, 0.0)

        return body

    cpg = C // _L

    def dma_start(g):
        gid = wid * gpw + jnp.minimum(g, gpw - 1)
        b = gid // cpg
        c0 = (gid % cpg) * _L
        pltpu.async_copy(x_hbm.at[b, :, pl.ds(c0, _L)],
                         data_v.at[lax.rem(g, 2)], sem)

    dma_start(0)

    def group_body(g, _):
        gid = wid * gpw + g
        b = gid // cpg
        c0 = (gid % cpg) * _L
        buf = lax.rem(g, 2)
        bufv = zi + buf

        pltpu.make_async_copy(x_hbm.at[0, :, pl.ds(0, _L)],
                              data_v.at[buf], sem).wait()
        dma_start(g + 1)

        @plsc.parallel_loop(0, n, unroll=8)
        def histA(i):
            v = data_v[buf, i]
            u = _keyu(v)
            d = _digit(u, 26)
            plsc.addupdate_scatter(hcnt_v, [d, lanes], ones_i)
            plsc.addupdate_scatter(hsum_v, [d, lanes], v)

        m0 = zi + n
        k_t = zi + kmax
        k_b = zi + kmin
        D_t, add_c, add_s, bcnt_t = scan_top(m0, k_t)
        sel_c_t = add_c
        sel_s_t = add_s
        krem_t = k_t - add_c
        m_t = bcnt_t
        D_b, cntlt, sumlt, bcnt_b = scan_bot(m0, k_b)
        sel_c_b = cntlt
        sel_s_b = sumlt
        krem_b = k_b - cntlt
        m_b = bcnt_b

        @plsc.parallel_loop(0, n, unroll=8, carry=(zi, zi))
        def compactC(i, carry):
            cur_t, cur_b = carry
            v = data_v[buf, i]
            u = _keyu(v)
            d = _digit(u, 26)
            iv = zi + i
            mt = d == D_t
            plsc.store_scatter(listt_v, [cur_t, lanes], iv, mask=mt)
            mb = d == D_b
            plsc.store_scatter(listb_v, [cur_b, lanes], iv, mask=mb)
            return cur_t + jnp.where(mt, 1, 0), cur_b + jnp.where(mb, 1, 0)

        Dt1, Db1 = D_t, D_b
        Dts = [Dt1]
        Dbs = [Db1]
        srcs = ((listt_v, listb_v), (listt2_v, listb2_v))
        for ri, shift in enumerate((20, 14)):
            src_t, src_b = srcs[ri % 2]
            dst_t, dst_b = srcs[(ri + 1) % 2]
            jmax_t = jnp.max(m_t)
            hist_list(bufv, src_t, m_t, jmax_t, shift)
            D, add_c, add_s, bcnt = scan_top(m_t, krem_t)
            sel_c_t = sel_c_t + add_c
            sel_s_t = sel_s_t + add_s
            krem_t = krem_t - add_c
            compact_list(bufv, src_t, dst_t, m_t, jmax_t, D, shift)
            m_t = bcnt
            Dts.append(D)

            jmax_b = jnp.max(m_b)
            hist_list(bufv, src_b, m_b, jmax_b, shift)
            D, cntlt, sumlt, bcnt = scan_bot(m_b, krem_b)
            sel_c_b = sel_c_b + cntlt
            sel_s_b = sel_s_b + sumlt
            krem_b = krem_b - cntlt
            compact_list(bufv, src_b, dst_b, m_b, jmax_b, D, shift)
            m_b = bcnt
            Dbs.append(D)

        six = jnp.int32(6)
        pre_t = ((Dts[0] << six | Dts[1]) << six | Dts[2]) << jnp.int32(14)
        pre_b = ((Dbs[0] << six | Dbs[1]) << six | Dbs[2]) << jnp.int32(14)

        jmax_t = jnp.max(m_t)
        jmax_b = jnp.max(m_b)

        def top_fast(_):
            _, v, _valid = gather_row(bufv, listt_v, 0, m_t)
            return sel_s_t + v

        def top_slow(_):
            t_t, cgt, sgt = descent(bufv, listt_v, m_t, jmax_t, pre_t, krem_t)
            return (sel_s_t + sgt
                    + (krem_t - cgt).astype(jnp.float32) * _val_of_u(t_t))

        S_top = lax.cond(jmax_t == 1, top_fast, top_slow, 0)

        def bot_fast(_):
            _, v, _valid = gather_row(bufv, listb_v, 0, m_b)
            return sel_s_b + v

        def bot_slow(_):
            t_b, _, _ = descent(bufv, listb_v, m_b, jmax_b, pre_b,
                                m_b - krem_b + 1)
            clt, slt = ltstats(bufv, listb_v, m_b, jmax_b, t_b)
            return (sel_s_b + slt
                    + (krem_b - clt).astype(jnp.float32) * _val_of_u(t_b))

        S_bot = lax.cond(jmax_b == 1, bot_fast, bot_slow, 0)

        res = (S_top / jnp.float32(kmax)
               + S_bot * jnp.float32(_ALPHA) / jnp.float32(kmin)) * jnp.float32(0.5)
        outb_v[g] = res
        pltpu.async_copy(outb_v.at[g], out_hbm.at[b, pl.ds(c0, _L)], sem_out)
        return 0

    lax.fori_loop(0, gpw, group_body, 0)

    pltpu.make_async_copy(x_hbm.at[0, :, pl.ds(0, _L)],
                          data_v.at[lax.rem(jnp.int32(gpw), 2)], sem).wait()

    def drain(g, _):
        pltpu.make_async_copy(outb_v.at[0], out_hbm.at[0, pl.ds(0, _L)],
                              sem_out).wait()
        return 0

    lax.fori_loop(0, gpw, drain, 0)


def kernel(x):
    B, H, W, C = x.shape
    n = H * W
    kmax = _positive_k(_KFRAC, n)
    kmin = _positive_k(_KFRAC, n)
    xr = jnp.reshape(x, (B, n, C))

    mesh = plsc.VectorSubcoreMesh(core_axis_name="c", subcore_axis_name="s")
    body = functools.partial(_sc_pool_kernel_body, n, kmax, kmin, B, C)
    f = pl.kernel(
        body,
        mesh=mesh,
        out_type=jax.ShapeDtypeStruct((B, C), jnp.float32),
        scratch_types=[
            pltpu.VMEM((2, n, _L), jnp.float32),
            pltpu.VMEM((n, _L), jnp.int32),
            pltpu.VMEM((n, _L), jnp.int32),
            pltpu.VMEM((n, _L), jnp.int32),
            pltpu.VMEM((n, _L), jnp.int32),
            pltpu.VMEM((_NB, _L), jnp.int32),
            pltpu.VMEM((_NB, _L), jnp.float32),
            pltpu.VMEM((B * (C // _L) // 32, _L), jnp.float32),
            pltpu.SemaphoreType.DMA,
            pltpu.SemaphoreType.DMA,
        ],
        compiler_params=pltpu.CompilerParams(use_tc_tiling_on_sc=False,
                                             needs_layout_passes=False),
    )
    return f(xr)

# --- scband reference (transcript-rebuilt; emitter-appended) ---
"""Pipeline reference for scband-wildcat-pool2d-31207232372919 (READ-ONLY COPY).

The authoritative reference and input builder live on the scoring server;
editing this copy changes nothing except your own understanding.
"""

import jax, jax.numpy as jnp
import numpy as np

KMAX = 0.2
KMIN = 0.2
ALPHA = 0.7

def _get_positive_k(k, n):
    if k <= 0:
        return 0
    elif k < 1:
        return int(round(float(n) * float(k)))
    elif k > n:
        return int(n)
    else:
        return int(k)

def setup_inputs(seed: int = 0) -> dict:
    key = jax.random.key(seed)
    x = jax.random.normal(key, (16, 32, 32, 768), dtype=jnp.float32)
    return {"x": x}

def reference(x):
    B, H, W, C = x.shape
    n = H * W
    kmax = _get_positive_k(KMAX, n)
    kmin = _get_positive_k(KMIN, n)
    # reshape to (B, n, C) then permute to (B, C, n)
    xr = jnp.reshape(x, (B, n, C))
    xr = jnp.transpose(xr, (0, 2, 1))
    # sort descending along last axis
    xs = jnp.sort(xr, axis=-1)[..., ::-1]
    x_max = jnp.sum(xs[:, :, :kmax], axis=-1) / jnp.float32(kmax)
    x_min = jnp.sum(xs[:, :, n - kmin:n], axis=-1) * jnp.float32(ALPHA) / jnp.float32(kmin)
    # keras Average() layer: elementwise mean of the two tensors
    result = (x_max + x_min) / 2.0
    return result

if __name__ == "__main__":
    import jax
    _d = setup_inputs()
    print(jax.jit(kernel)(*tuple(_d.values())))

</pallas_src>

<mosaic_0001>
#map = affine_map<(d0, d1) -> (0, 0, 0)>
#map1 = affine_map<(d0, d1) -> (0, 0)>
module attributes {stable_mosaic.version = 14 : i64} {
  func.func @_sc_pool_kernel_body(%arg0: i32, %arg1: i32, %arg2: memref<16x1024x768xf32, #tpu.memory_space<hbm>>, %arg3: memref<16x768xf32, #tpu.memory_space<hbm>>, %arg4: memref<2x1024x16xf32, #tpu.memory_space<vmem>>, %arg5: memref<1024x16xi32, #tpu.memory_space<vmem>>, %arg6: memref<1024x16xi32, #tpu.memory_space<vmem>>, %arg7: memref<1024x16xi32, #tpu.memory_space<vmem>>, %arg8: memref<1024x16xi32, #tpu.memory_space<vmem>>, %arg9: memref<64x16xi32, #tpu.memory_space<vmem>>, %arg10: memref<64x16xf32, #tpu.memory_space<vmem>>, %arg11: memref<24x16xf32, #tpu.memory_space<vmem>>, %arg12: memref<!tpu.dma_semaphore, #tpu.memory_space<semaphore_mem>>, %arg13: memref<!tpu.dma_semaphore, #tpu.memory_space<semaphore_mem>>) attributes {dimension_semantics = [#tpu.dimension_semantics<core_parallel>, #tpu.dimension_semantics<subcore_parallel>], iteration_bounds = array<i64: 2, 16>, scalar_prefetch = 0 : i64, scratch_operands = 10 : i64, tpu.core_type = #tpu.core_type<sc_vector_subcore>, window_params = [{transform_indices = #map}, {transform_indices = #map1}]} {
    %iota3A = tpu.iota {dimensions = array<i32: 0>} : vector<16xi32>
    %broadcast_in_dim3A = arith.constant 0 : i32
    %broadcast_in_dim3A_0 = vector.broadcast %broadcast_in_dim3A : i32 to vector<16xi32>
    %broadcast_in_dim3A_1 = arith.constant 0.000000e+00 : f32
    %broadcast_in_dim3A_2 = vector.broadcast %broadcast_in_dim3A_1 : f32 to vector<16xf32>
    %broadcast_in_dim3A_3 = arith.constant 1 : i32
    %broadcast_in_dim3A_4 = vector.broadcast %broadcast_in_dim3A_3 : i32 to vector<16xi32>
    %mul3A = arith.constant 16 : i32
    %mul3A_5 = arith.muli %arg0, %mul3A : i32
    %add3A = arith.addi %mul3A_5, %arg1 : i32
    %scan3A = arith.constant 0 : i32
    %scan3A_6 = arith.constant 0 : i32
    %scan3A_7 = arith.constant 64 : i32
    %scan3A_8 = arith.addi %scan3A_6, %scan3A_7 : i32
    %scan3A_9 = arith.constant 1 : i32
    %scan3A_10 = scf.for %scan3A_98 = %scan3A_6 to %scan3A_8 step %scan3A_9 iter_args(%scan3A_99 = %scan3A) -> (i32)  : i32 {
      %swap3A = arith.index_cast %scan3A_98 : i32 to index
      %swap3A_100 = arith.constant 0 : index
      %swap3A_101 = tpu.vector_load %arg9[%swap3A, %swap3A_100] {strides = array<i32>} : memref<64x16xi32, #tpu.memory_space<vmem>>, vector<16xi32>,
      tpu.vector_store %arg9[%swap3A, %swap3A_100], %broadcast_in_dim3A_0 {strides = array<i32>} : memref<64x16xi32, #tpu.memory_space<vmem>>, vector<16xi32>,
      %swap3A_102 = arith.index_cast %scan3A_98 : i32 to index
      %swap3A_103 = arith.constant 0 : index
      %swap3A_104 = tpu.vector_load %arg10[%swap3A_102, %swap3A_103] {strides = array<i32>} : memref<64x16xf32, #tpu.memory_space<vmem>>, vector<16xf32>,
      tpu.vector_store %arg10[%swap3A_102, %swap3A_103], %broadcast_in_dim3A_2 {strides = array<i32>} : memref<64x16xf32, #tpu.memory_space<vmem>>, vector<16xf32>,
      %scan3A_105 = arith.constant 0 : i32
      scf.yield %scan3A_105 : i32
    }
    %scan3A_11 = arith.constant 64 : i32
    %mul3A_12 = arith.constant 24 : i32
    %mul3A_13 = arith.muli %add3A, %mul3A_12 : i32
    %min3A = arith.constant 0 : i32
    %min3A_14 = arith.constant 23 : i32
    %min3A_15 = arith.minsi %min3A, %min3A_14 : i32
    %add3A_16 = arith.addi %mul3A_13, %min3A_15 : i32
    %jit3A = arith.constant 48 : i32
    %div3A = arith.divsi %add3A_16, %jit3A : i32
    %sign3A = arith.constant 0 : i32
    %sign3A_17 = arith.cmpi sgt, %add3A_16, %sign3A : i32
    %sign3A_18 = arith.extui %sign3A_17 : i1 to i32
    %sign3A_19 = arith.constant 0 : i32
    %sign3A_20 = arith.cmpi slt, %add3A_16, %sign3A_19 : i32
    %sign3A_21 = arith.extui %sign3A_20 : i1 to i32
    %sign3A_22 = arith.subi %sign3A_18, %sign3A_21 : i32
    %sign3A_23 = arith.constant 0 : i32
    %sign3A_24 = arith.cmpi sgt, %jit3A, %sign3A_23 : i32
    %sign3A_25 = arith.extui %sign3A_24 : i1 to i32
    %sign3A_26 = arith.constant 0 : i32
    %sign3A_27 = arith.cmpi slt, %jit3A, %sign3A_26 : i32
    %sign3A_28 = arith.extui %sign3A_27 : i1 to i32
    %sign3A_29 = arith.subi %sign3A_25, %sign3A_28 : i32
    %ne3A = arith.cmpi ne, %sign3A_22, %sign3A_29 : i32
    %rem3A = arith.remsi %add3A_16, %jit3A : i32
    %ne3A_30 = arith.constant 0 : i32
    %ne3A_31 = arith.cmpi ne, %rem3A, %ne3A_30 : i32
    %and3A = arith.andi %ne3A, %ne3A_31 : i1
    %sub3A = arith.constant 1 : i32
    %sub3A_32 = arith.subi %div3A, %sub3A : i32
    %select_n3A = arith.select %and3A, %sub3A_32, %div3A : i32
    %jit3A_33 = arith.constant 48 : i32
    %eq3A = arith.constant 0 : i32
    %eq3A_34 = arith.cmpi eq, %jit3A_33, %eq3A : i32
    %jit3A_35 = arith.constant 1 : i32
    %select_n3A_36 = arith.select %eq3A_34, %jit3A_35, %jit3A_33 : i32
    %rem3A_37 = arith.remsi %add3A_16, %select_n3A_36 : i32
    %ne3A_38 = arith.constant 0 : i32
    %ne3A_39 = arith.cmpi ne, %rem3A_37, %ne3A_38 : i32
    %lt3A = arith.constant 0 : i32
    %lt3A_40 = arith.cmpi slt, %rem3A_37, %lt3A : i32
    %lt3A_41 = arith.constant 0 : i32
    %lt3A_42 = arith.cmpi slt, %select_n3A_36, %lt3A_41 : i32
    %ne3A_43 = arith.xori %lt3A_40, %lt3A_42 : i1
    %and3A_44 = arith.andi %ne3A_43, %ne3A_39 : i1
    %add3A_45 = arith.addi %rem3A_37, %select_n3A_36 : i32
    %select_n3A_46 = arith.select %and3A_44, %add3A_45, %rem3A_37 : i32
    %mul3A_47 = arith.constant 16 : i32
    %mul3A_48 = arith.muli %select_n3A_46, %mul3A_47 : i32
    %rem3A_49 = arith.constant 0 : i32
    %rem3A_50 = arith.constant 2 : i32
    %rem3A_51 = arith.remsi %rem3A_49, %rem3A_50 : i32
    %dma_start3A = arith.constant 0 : i32
    %dma_start3A_52 = arith.constant 0 : i32
    %dma_start3A_53 = tpu.memref_slice %arg4[%rem3A_51, %dma_start3A, %dma_start3A_52] : memref<2x1024x16xf32, #tpu.memory_space<vmem>> -> memref<1x1024x16xf32, #tpu.memory_space<vmem>>
    %dma_start3A_54 = tpu.memref_squeeze %dma_start3A_53 : memref<1x1024x16xf32, #tpu.memory_space<vmem>> -> memref<1024x16xf32, #tpu.memory_space<vmem>>
    %dma_start3A_55 = arith.constant 0 : i32
    %dma_start3A_56 = tpu.memref_slice %arg2[%select_n3A, %dma_start3A_55, %mul3A_48] : memref<16x1024x768xf32, #tpu.memory_space<hbm>> -> memref<1x1024x16xf32, #tpu.memory_space<hbm>>
    %dma_start3A_57 = tpu.memref_squeeze %dma_start3A_56 : memref<1x1024x16xf32, #tpu.memory_space<hbm>> -> memref<1024x16xf32, #tpu.memory_space<hbm>>
    %dma_start3A_58 = arith.constant 0 : i32
    %dma_start3A_59 = arith.constant 0 : i32
    %dma_start3A_60 = tpu.memref_slice %arg4[%rem3A_51, %dma_start3A_58, %dma_start3A_59] : memref<2x1024x16xf32, #tpu.memory_space<vmem>> -> memref<1x1024x16xf32, #tpu.memory_space<vmem>>
    %dma_start3A_61 = tpu.memref_squeeze %dma_start3A_60 : memref<1x1024x16xf32, #tpu.memory_space<vmem>> -> memref<1024x16xf32, #tpu.memory_space<vmem>>
    %dma_start3A_62 = arith.constant 0 : i32
    %dma_start3A_63 = tpu.memref_slice %arg2[%select_n3A, %dma_start3A_62, %mul3A_48] : memref<16x1024x768xf32, #tpu.memory_space<hbm>> -> memref<1x1024x16xf32, #tpu.memory_space<hbm>>
    %dma_start3A_64 = tpu.memref_squeeze %dma_start3A_63 : memref<1x1024x16xf32, #tpu.memory_space<hbm>> -> memref<1024x16xf32, #tpu.memory_space<hbm>>
    tpu.enqueue_dma source(%dma_start3A_64 : memref<1024x16xf32, #tpu.memory_space<hbm>>) target(%dma_start3A_61 : memref<1024x16xf32, #tpu.memory_space<vmem>>) target_semaphore(%arg12 : memref<!tpu.dma_semaphore, #tpu.memory_space<semaphore_mem>>)
    %scan3A_65 = arith.constant 0 : i32
    %scan3A_66 = arith.constant 0 : i32
    %scan3A_67 = arith.constant 24 : i32
    %scan3A_68 = arith.addi %scan3A_66, %scan3A_67 : i32
    %scan3A_69 = arith.constant 1 : i32
    %scan3A_70 = scf.for %scan3A_98 = %scan3A_66 to %scan3A_68 step %scan3A_69 iter_args(%scan3A_99 = %scan3A_65) -> (i32)  : i32 {
      %mul3A_100 = arith.constant 24 : i32
      %mul3A_101 = arith.muli %add3A, %mul3A_100 : i32
      %add3A_102 = arith.addi %mul3A_101, %scan3A_98 : i32
      %jit3A_103 = arith.constant 48 : i32
      %div3A_104 = arith.divsi %add3A_102, %jit3A_103 : i32
      %sign3A_105 = arith.constant 0 : i32
      %sign3A_106 = arith.cmpi sgt, %add3A_102, %sign3A_105 : i32
      %sign3A_107 = arith.extui %sign3A_106 : i1 to i32
      %sign3A_108 = arith.constant 0 : i32
      %sign3A_109 = arith.cmpi slt, %add3A_102, %sign3A_108 : i32
      %sign3A_110 = arith.extui %sign3A_109 : i1 to i32
      %sign3A_111 = arith.subi %sign3A_107, %sign3A_110 : i32
      %sign3A_112 = arith.constant 0 : i32
      %sign3A_113 = arith.cmpi sgt, %jit3A_103, %sign3A_112 : i32
      %sign3A_114 = arith.extui %sign3A_113 : i1 to i32
      %sign3A_115 = arith.constant 0 : i32
      %sign3A_116 = arith.cmpi slt, %jit3A_103, %sign3A_115 : i32
      %sign3A_117 = arith.extui %sign3A_116 : i1 to i32
      %sign3A_118 = arith.subi %sign3A_114, %sign3A_117 : i32
      %ne3A_119 = arith.cmpi ne, %sign3A_111, %sign3A_118 : i32
      %rem3A_120 = arith.remsi %add3A_102, %jit3A_103 : i32
      %ne3A_121 = arith.constant 0 : i32
      %ne3A_122 = arith.cmpi ne, %rem3A_120, %ne3A_121 : i32
      %and3A_123 = arith.andi %ne3A_119, %ne3A_122 : i1
      %sub3A_124 = arith.constant 1 : i32
      %sub3A_125 = arith.subi %div3A_104, %sub3A_124 : i32
      %select_n3A_126 = arith.select %and3A_123, %sub3A_125, %div3A_104 : i32
      %jit3A_127 = arith.constant 48 : i32
      %eq3A_128 = arith.constant 0 : i32
      %eq3A_129 = arith.cmpi eq, %jit3A_127, %eq3A_128 : i32
      %jit3A_130 = arith.constant 1 : i32
      %select_n3A_131 = arith.select %eq3A_129, %jit3A_130, %jit3A_127 : i32
      %rem3A_132 = arith.remsi %add3A_102, %select_n3A_131 : i32
      %ne3A_133 = arith.constant 0 : i32
      %ne3A_134 = arith.cmpi ne, %rem3A_132, %ne3A_133 : i32
      %lt3A_135 = arith.constant 0 : i32
      %lt3A_136 = arith.cmpi slt, %rem3A_132, %lt3A_135 : i32
      %lt3A_137 = arith.constant 0 : i32
      %lt3A_138 = arith.cmpi slt, %select_n3A_131, %lt3A_137 : i32
      %ne3A_139 = arith.xori %lt3A_136, %lt3A_138 : i1
      %and3A_140 = arith.andi %ne3A_139, %ne3A_134 : i1
      %add3A_141 = arith.addi %rem3A_132, %select_n3A_131 : i32
      %select_n3A_142 = arith.select %and3A_140, %add3A_141, %rem3A_132 : i32
      %mul3A_143 = arith.constant 16 : i32
      %mul3A_144 = arith.muli %select_n3A_142, %mul3A_143 : i32
      %rem3A_145 = arith.constant 2 : i32
      %rem3A_146 = arith.remsi %scan3A_98, %rem3A_145 : i32
      %add3A_147 = vector.broadcast %rem3A_146 : i32 to vector<16xi32>
      %add3A_148 = arith.addi %broadcast_in_dim3A_0, %add3A_147 : vector<16xi32>
      %dma_wait3A_149 = arith.constant 0 : i32
      %dma_wait3A_150 = arith.constant 0 : i32
      %dma_wait3A_151 = arith.constant 0 : i32
      %dma_wait3A_152 = tpu.memref_slice %arg4[%rem3A_146, %dma_wait3A_150, %dma_wait3A_151] : memref<2x1024x16xf32, #tpu.memory_space<vmem>> -> memref<1x1024x16xf32, #tpu.memory_space<vmem>>
      %dma_wait3A_153 = tpu.memref_squeeze %dma_wait3A_152 : memref<1x1024x16xf32, #tpu.memory_space<vmem>> -> memref<1024x16xf32, #tpu.memory_space<vmem>>
      %dma_wait3A_154 = arith.constant 0 : i32
      %dma_wait3A_155 = arith.constant 0 : i32
      %dma_wait3A_156 = tpu.memref_slice %arg2[%dma_wait3A_149, %dma_wait3A_154, %dma_wait3A_155] : memref<16x1024x768xf32, #tpu.memory_space<hbm>> -> memref<1x1024x16xf32, #tpu.memory_space<hbm>>
      %dma_wait3A_157 = tpu.memref_squeeze %dma_wait3A_156 : memref<1x1024x16xf32, #tpu.memory_space<hbm>> -> memref<1024x16xf32, #tpu.memory_space<hbm>>
      %dma_wait3A_158 = arith.constant 0 : i32
      %dma_wait3A_159 = arith.constant 0 : i32
      %dma_wait3A_160 = tpu.memref_slice %arg4[%rem3A_146, %dma_wait3A_158, %dma_wait3A_159] : memref<2x1024x16xf32, #tpu.memory_space<vmem>> -> memref<1x1024x16xf32, #tpu.memory_space<vmem>>
      %dma_wait3A_161 = tpu.memref_squeeze %dma_wait3A_160 : memref<1x1024x16xf32, #tpu.memory_space<vmem>> -> memref<1024x16xf32, #tpu.memory_space<vmem>>
      %dma_wait3A_162 = arith.constant 0 : i32
      %dma_wait3A_163 = arith.constant 0 : i32
      %dma_wait3A_164 = tpu.memref_slice %arg2[%dma_wait3A_149, %dma_wait3A_162, %dma_wait3A_163] : memref<16x1024x768xf32, #tpu.memory_space<hbm>> -> memref<1x1024x16xf32, #tpu.memory_space<hbm>>
      %dma_wait3A_165 = tpu.memref_squeeze %dma_wait3A_164 : memref<1x1024x16xf32, #tpu.memory_space<hbm>> -> memref<1024x16xf32, #tpu.memory_space<hbm>>
      tpu.wait_dma2 semaphore(%arg12 : memref<!tpu.dma_semaphore, #tpu.memory_space<semaphore_mem>>) src(%dma_wait3A_165 : memref<1024x16xf32, #tpu.memory_space<hbm>>) dst(%dma_wait3A_161 : memref<1024x16xf32, #tpu.memory_space<vmem>>)
      %add3A_166 = arith.constant 1 : i32
      %add3A_167 = arith.addi %scan3A_98, %add3A_166 : i32
      %mul3A_168 = arith.constant 24 : i32
      %mul3A_169 = arith.muli %add3A, %mul3A_168 : i32
      %min3A_170 = arith.constant 23 : i32
      %min3A_171 = arith.minsi %add3A_167, %min3A_170 : i32
      %add3A_172 = arith.addi %mul3A_169, %min3A_171 : i32
      %jit3A_173 = arith.constant 48 : i32
      %div3A_174 = arith.divsi %add3A_172, %jit3A_173 : i32
      %sign3A_175 = arith.constant 0 : i32
      %sign3A_176 = arith.cmpi sgt, %add3A_172, %sign3A_175 : i32
      %sign3A_177 = arith.extui %sign3A_176 : i1 to i32
      %sign3A_178 = arith.constant 0 : i32
      %sign3A_179 = arith.cmpi slt, %add3A_172, %sign3A_178 : i32
      %sign3A_180 = arith.extui %sign3A_179 : i1 to i32
      %sign3A_181 = arith.subi %sign3A_177, %sign3A_180 : i32
      %sign3A_182 = arith.constant 0 : i32
      %sign3A_183 = arith.cmpi sgt, %jit3A_173, %sign3A_182 : i32
      %sign3A_184 = arith.extui %sign3A_183 : i1 to i32
      %sign3A_185 = arith.constant 0 : i32
      %sign3A_186 = arith.cmpi slt, %jit3A_173, %sign3A_185 : i32
      %sign3A_187 = arith.extui %sign3A_186 : i1 to i32
      %sign3A_188 = arith.subi %sign3A_184, %sign3A_187 : i32
      %ne3A_189 = arith.cmpi ne, %sign3A_181, %sign3A_188 : i32
      %rem3A_190 = arith.remsi %add3A_172, %jit3A_173 : i32
      %ne3A_191 = arith.constant 0 : i32
      %ne3A_192 = arith.cmpi ne, %rem3A_190, %ne3A_191 : i32
      %and3A_193 = arith.andi %ne3A_189, %ne3A_192 : i1
      %sub3A_194 = arith.constant 1 : i32
      %sub3A_195 = arith.subi %div3A_174, %sub3A_194 : i32
      %select_n3A_196 = arith.select %and3A_193, %sub3A_195, %div3A_174 : i32
      %jit3A_197 = arith.constant 48 : i32
      %eq3A_198 = arith.constant 0 : i32
      %eq3A_199 = arith.cmpi eq, %jit3A_197, %eq3A_198 : i32
      %jit3A_200 = arith.constant 1 : i32
      %select_n3A_201 = arith.select %eq3A_199, %jit3A_200, %jit3A_197 : i32
      %rem3A_202 = arith.remsi %add3A_172, %select_n3A_201 : i32
      %ne3A_203 = arith.constant 0 : i32
      %ne3A_204 = arith.cmpi ne, %rem3A_202, %ne3A_203 : i32
      %lt3A_205 = arith.constant 0 : i32
      %lt3A_206 = arith.cmpi slt, %rem3A_202, %lt3A_205 : i32
      %lt3A_207 = arith.constant 0 : i32
      %lt3A_208 = arith.cmpi slt, %select_n3A_201, %lt3A_207 : i32
      %ne3A_209 = arith.xori %lt3A_206, %lt3A_208 : i1
      %and3A_210 = arith.andi %ne3A_209, %ne3A_204 : i1
      %add3A_211 = arith.addi %rem3A_202, %select_n3A_201 : i32
      %select_n3A_212 = arith.select %and3A_210, %add3A_211, %rem3A_202 : i32
      %mul3A_213 = arith.constant 16 : i32
      %mul3A_214 = arith.muli %select_n3A_212, %mul3A_213 : i32
      %rem3A_215 = arith.constant 2 : i32
      %rem3A_216 = arith.remsi %add3A_167, %rem3A_215 : i32
      %dma_start3A_217 = arith.constant 0 : i32
      %dma_start3A_218 = arith.constant 0 : i32
      %dma_start3A_219 = tpu.memref_slice %arg4[%rem3A_216, %dma_start3A_217, %dma_start3A_218] : memref<2x1024x16xf32, #tpu.memory_space<vmem>> -> memref<1x1024x16xf32, #tpu.memory_space<vmem>>
      %dma_start3A_220 = tpu.memref_squeeze %dma_start3A_219 : memref<1x1024x16xf32, #tpu.memory_space<vmem>> -> memref<1024x16xf32, #tpu.memory_space<vmem>>
      %dma_start3A_221 = arith.constant 0 : i32
      %dma_start3A_222 = tpu.memref_slice %arg2[%select_n3A_196, %dma_start3A_221, %mul3A_214] : memref<16x1024x768xf32, #tpu.memory_space<hbm>> -> memref<1x1024x16xf32, #tpu.memory_space<hbm>>
      %dma_start3A_223 = tpu.memref_squeeze %dma_start3A_222 : memref<1x1024x16xf32, #tpu.memory_space<hbm>> -> memref<1024x16xf32, #tpu.memory_space<hbm>>
      %dma_start3A_224 = arith.constant 0 : i32
      %dma_start3A_225 = arith.constant 0 : i32
      %dma_start3A_226 = tpu.memref_slice %arg4[%rem3A_216, %dma_start3A_224, %dma_start3A_225] : memref<2x1024x16xf32, #tpu.memory_space<vmem>> -> memref<1x1024x16xf32, #tpu.memory_space<vmem>>
      %dma_start3A_227 = tpu.memref_squeeze %dma_start3A_226 : memref<1x1024x16xf32, #tpu.memory_space<vmem>> -> memref<1024x16xf32, #tpu.memory_space<vmem>>
      %dma_start3A_228 = arith.constant 0 : i32
      %dma_start3A_229 = tpu.memref_slice %arg2[%select_n3A_196, %dma_start3A_228, %mul3A_214] : memref<16x1024x768xf32, #tpu.memory_space<hbm>> -> memref<1x1024x16xf32, #tpu.memory_space<hbm>>
      %dma_start3A_230 = tpu.memref_squeeze %dma_start3A_229 : memref<1x1024x16xf32, #tpu.memory_space<hbm>> -> memref<1024x16xf32, #tpu.memory_space<hbm>>
      tpu.enqueue_dma source(%dma_start3A_230 : memref<1024x16xf32, #tpu.memory_space<hbm>>) target(%dma_start3A_227 : memref<1024x16xf32, #tpu.memory_space<vmem>>) target_semaphore(%arg12 : memref<!tpu.dma_semaphore, #tpu.memory_space<semaphore_mem>>)
      %parallel_loop3A = arith.constant 0 : i32
      %parallel_loop3A_231 = arith.constant 1024 : i32
      %parallel_loop3A_232 = arith.constant 1 : i32
      scf.for %parallel_loop3A_444 = %parallel_loop3A to %parallel_loop3A_231 step %parallel_loop3A_232  : i32 {
        %parallel_loop3A_445 = arith.index_cast %rem3A_146 : i32 to index
        %parallel_loop3A_446 = arith.index_cast %parallel_loop3A_444 : i32 to index
        %parallel_loop3A_447 = arith.constant 0 : index
        %parallel_loop3A_448 = tpu.vector_load %arg4[%parallel_loop3A_445, %parallel_loop3A_446, %parallel_loop3A_447] {strides = array<i32>} : memref<2x1024x16xf32, #tpu.memory_space<vmem>>, vector<16xf32>,
        %parallel_loop3A_449 = tpu.bitcast %parallel_loop3A_448 : vector<16xf32> -> vector<16xi32>
        %parallel_loop3A_450 = arith.constant 0 : i32
        %parallel_loop3A_451 = vector.broadcast %parallel_loop3A_450 : i32 to vector<16xi32>
        %parallel_loop3A_452 = arith.cmpi slt, %parallel_loop3A_449, %parallel_loop3A_451 : vector<16xi32>
        %parallel_loop3A_453 = arith.constant dense<-1> : vector<16xi32>
        %parallel_loop3A_454 = arith.xori %parallel_loop3A_449, %parallel_loop3A_453 : vector<16xi32>
        %parallel_loop3A_455 = arith.constant -2147483648 : i32
        %parallel_loop3A_456 = vector.broadcast %parallel_loop3A_455 : i32 to vector<16xi32>
        %parallel_loop3A_457 = arith.xori %parallel_loop3A_449, %parallel_loop3A_456 : vector<16xi32>
        %parallel_loop3A_458 = arith.select %parallel_loop3A_452, %parallel_loop3A_454, %parallel_loop3A_457 : vector<16xi1>, vector<16xi32>
        %parallel_loop3A_459 = arith.constant 26 : i32
        %parallel_loop3A_460 = vector.broadcast %parallel_loop3A_459 : i32 to vector<16xi32>
        %parallel_loop3A_461 = arith.shrui %parallel_loop3A_458, %parallel_loop3A_460 : vector<16xi32>
        %parallel_loop3A_462 = arith.constant 63 : i32
        %parallel_loop3A_463 = vector.broadcast %parallel_loop3A_462 : i32 to vector<16xi32>
        %parallel_loop3A_464 = arith.andi %parallel_loop3A_461, %parallel_loop3A_463 : vector<16xi32>
        tpu.vector_store_idx %arg9[%parallel_loop3A_464, %iota3A], %broadcast_in_dim3A_4 {add = true} : memref<64x16xi32, #tpu.memory_space<vmem>>[vector<16xi32>, vector<16xi32>], vector<16xi32>,
        tpu.vector_store_idx %arg10[%parallel_loop3A_464, %iota3A], %parallel_loop3A_448 {add = true} : memref<64x16xf32, #tpu.memory_space<vmem>>[vector<16xi32>, vector<16xi32>], vector<16xf32>,
      } {sc.loop_unroll_factor = 8 : i64, sc.parallel_access}
      %add3A_233 = arith.constant 1024 : i32
      %add3A_234 = vector.broadcast %add3A_233 : i32 to vector<16xi32>
      %add3A_235 = arith.addi %broadcast_in_dim3A_0, %add3A_234 : vector<16xi32>
      %add3A_236 = arith.constant 205 : i32
      %add3A_237 = vector.broadcast %add3A_236 : i32 to vector<16xi32>
      %add3A_238 = arith.addi %broadcast_in_dim3A_0, %add3A_237 : vector<16xi32>
      %add3A_239 = arith.constant 205 : i32
      %add3A_240 = vector.broadcast %add3A_239 : i32 to vector<16xi32>
      %add3A_241 = arith.addi %broadcast_in_dim3A_0, %add3A_240 : vector<16xi32>
      %sub3A_242 = arith.subi %add3A_235, %add3A_238 : vector<16xi32>
      %add3A_243 = arith.constant 1 : i32
      %add3A_244 = vector.broadcast %add3A_243 : i32 to vector<16xi32>
      %add3A_245 = arith.addi %sub3A_242, %add3A_244 : vector<16xi32>
      %gt3A = arith.constant 0 : i32
      %gt3A_246 = vector.broadcast %gt3A : i32 to vector<16xi32>
      %gt3A_247 = arith.cmpi sgt, %broadcast_in_dim3A_0, %gt3A_246 : vector<16xi32>
      %parallel_loop3A_248 = arith.constant 0 : i32
      %parallel_loop3A_249 = arith.constant 64 : i32
      %parallel_loop3A_250 = arith.constant 1 : i32
      %parallel_loop3A_251:7 = scf.for %parallel_loop3A_444 = %parallel_loop3A_248 to %parallel_loop3A_249 step %parallel_loop3A_250 iter_args(%parallel_loop3A_445 = %broadcast_in_dim3A_0, %parallel_loop3A_446 = %broadcast_in_dim3A_2, %parallel_loop3A_447 = %gt3A_247, %parallel_loop3A_448 = %broadcast_in_dim3A_0, %parallel_loop3A_449 = %broadcast_in_dim3A_0, %parallel_loop3A_450 = %broadcast_in_dim3A_2, %parallel_loop3A_451 = %broadcast_in_dim3A_0) -> (vector<16xi32>, vector<16xf32>, vector<16xi1>, vector<16xi32>, vector<16xi32>, vector<16xf32>, vector<16xi32>)  : i32 {
        %parallel_loop3A_452 = arith.index_cast %parallel_loop3A_444 : i32 to index
        %parallel_loop3A_453 = arith.constant 0 : index
        %parallel_loop3A_454 = tpu.vector_load %arg9[%parallel_loop3A_452, %parallel_loop3A_453] {strides = array<i32>} : memref<64x16xi32, #tpu.memory_space<vmem>>, vector<16xi32>,
        %parallel_loop3A_455 = arith.index_cast %parallel_loop3A_444 : i32 to index
        %parallel_loop3A_456 = arith.constant 0 : index
        %parallel_loop3A_457 = tpu.vector_load %arg10[%parallel_loop3A_455, %parallel_loop3A_456] {strides = array<i32>} : memref<64x16xf32, #tpu.memory_space<vmem>>, vector<16xf32>,
        %parallel_loop3A_458 = arith.index_cast %parallel_loop3A_444 : i32 to index
        %parallel_loop3A_459 = arith.constant 0 : index
        %parallel_loop3A_460 = tpu.vector_load %arg9[%parallel_loop3A_458, %parallel_loop3A_459] {strides = array<i32>} : memref<64x16xi32, #tpu.memory_space<vmem>>, vector<16xi32>,
        tpu.vector_store %arg9[%parallel_loop3A_458, %parallel_loop3A_459], %broadcast_in_dim3A_0 {strides = array<i32>} : memref<64x16xi32, #tpu.memory_space<vmem>>, vector<16xi32>,
        %parallel_loop3A_461 = arith.index_cast %parallel_loop3A_444 : i32 to index
        %parallel_loop3A_462 = arith.constant 0 : index
        %parallel_loop3A_463 = tpu.vector_load %arg10[%parallel_loop3A_461, %parallel_loop3A_462] {strides = array<i32>} : memref<64x16xf32, #tpu.memory_space<vmem>>, vector<16xf32>,
        tpu.vector_store %arg10[%parallel_loop3A_461, %parallel_loop3A_462], %broadcast_in_dim3A_2 {strides = array<i32>} : memref<64x16xf32, #tpu.memory_space<vmem>>, vector<16xf32>,
        %parallel_loop3A_464 = arith.addi %parallel_loop3A_445, %parallel_loop3A_454 : vector<16xi32>
        %parallel_loop3A_465 = arith.addf %parallel_loop3A_446, %parallel_loop3A_457 : vector<16xf32>
        %parallel_loop3A_466 = arith.constant dense<true> : vector<16xi1>
        %parallel_loop3A_467 = arith.xori %parallel_loop3A_447, %parallel_loop3A_466 : vector<16xi1>
        %parallel_loop3A_468 = arith.cmpi sge, %parallel_loop3A_464, %add3A_245 : vector<16xi32>
        %parallel_loop3A_469 = arith.andi %parallel_loop3A_467, %parallel_loop3A_468 : vector<16xi1>
        %parallel_loop3A_470 = vector.broadcast %parallel_loop3A_444 : i32 to vector<16xi32>
        %parallel_loop3A_471 = arith.addi %broadcast_in_dim3A_0, %parallel_loop3A_470 : vector<16xi32>
        %parallel_loop3A_472 = arith.select %parallel_loop3A_469, %parallel_loop3A_471, %parallel_loop3A_448 : vector<16xi1>, vector<16xi32>
        %parallel_loop3A_473 = arith.select %parallel_loop3A_469, %parallel_loop3A_464, %parallel_loop3A_449 : vector<16xi1>, vector<16xi32>
        %parallel_loop3A_474 = arith.select %parallel_loop3A_469, %parallel_loop3A_465, %parallel_loop3A_450 : vector<16xi1>, vector<16xf32>
        %parallel_loop3A_475 = arith.select %parallel_loop3A_469, %parallel_loop3A_454, %parallel_loop3A_451 : vector<16xi1>, vector<16xi32>
        %parallel_loop3A_476 = arith.ori %parallel_loop3A_447, %parallel_loop3A_469 : vector<16xi1>
        scf.yield %parallel_loop3A_464, %parallel_loop3A_465, %parallel_loop3A_476, %parallel_loop3A_472, %parallel_loop3A_473, %parallel_loop3A_474, %parallel_loop3A_475 : vector<16xi32>, vector<16xf32>, vector<16xi1>, vector<16xi32>, vector<16xi32>, vector<16xf32>, vector<16xi32>
      } {sc.loop_unroll_factor = 4 : i64, sc.parallel_access}
      %sub3A_252 = arith.subi %add3A_235, %parallel_loop3A_251#4 : vector<16xi32>
      %sub3A_253 = arith.subf %parallel_loop3A_251#1, %parallel_loop3A_251#5 : vector<16xf32>
      %sub3A_254 = arith.subi %add3A_238, %sub3A_252 : vector<16xi32>
      %gt3A_255 = arith.constant 0 : i32
      %gt3A_256 = vector.broadcast %gt3A_255 : i32 to vector<16xi32>
      %gt3A_257 = arith.cmpi sgt, %broadcast_in_dim3A_0, %gt3A_256 : vector<16xi32>
      %parallel_loop3A_258 = arith.constant 0 : i32
      %parallel_loop3A_259 = arith.constant 64 : i32
      %parallel_loop3A_260 = arith.constant 1 : i32
      %parallel_loop3A_261:7 = scf.for %parallel_loop3A_444 = %parallel_loop3A_258 to %parallel_loop3A_259 step %parallel_loop3A_260 iter_args(%parallel_loop3A_445 = %broadcast_in_dim3A_0, %parallel_loop3A_446 = %broadcast_in_dim3A_2, %parallel_loop3A_447 = %gt3A_257, %parallel_loop3A_448 = %broadcast_in_dim3A_0, %parallel_loop3A_449 = %broadcast_in_dim3A_0, %parallel_loop3A_450 = %broadcast_in_dim3A_2, %parallel_loop3A_451 = %broadcast_in_dim3A_0) -> (vector<16xi32>, vector<16xf32>, vector<16xi1>, vector<16xi32>, vector<16xi32>, vector<16xf32>, vector<16xi32>)  : i32 {
        %parallel_loop3A_452 = arith.index_cast %parallel_loop3A_444 : i32 to index
        %parallel_loop3A_453 = arith.constant 0 : index
        %parallel_loop3A_454 = tpu.vector_load %arg9[%parallel_loop3A_452, %parallel_loop3A_453] {strides = array<i32>} : memref<64x16xi32, #tpu.memory_space<vmem>>, vector<16xi32>,
        %parallel_loop3A_455 = arith.index_cast %parallel_loop3A_444 : i32 to index
        %parallel_loop3A_456 = arith.constant 0 : index
        %parallel_loop3A_457 = tpu.vector_load %arg10[%parallel_loop3A_455, %parallel_loop3A_456] {strides = array<i32>} : memref<64x16xf32, #tpu.memory_space<vmem>>, vector<16xf32>,
        %parallel_loop3A_458 = arith.index_cast %parallel_loop3A_444 : i32 to index
        %parallel_loop3A_459 = arith.constant 0 : index
        %parallel_loop3A_460 = tpu.vector_load %arg9[%parallel_loop3A_458, %parallel_loop3A_459] {strides = array<i32>} : memref<64x16xi32, #tpu.memory_space<vmem>>, vector<16xi32>,
        tpu.vector_store %arg9[%parallel_loop3A_458, %parallel_loop3A_459], %broadcast_in_dim3A_0 {strides = array<i32>} : memref<64x16xi32, #tpu.memory_space<vmem>>, vector<16xi32>,
        %parallel_loop3A_461 = arith.index_cast %parallel_loop3A_444 : i32 to index
        %parallel_loop3A_462 = arith.constant 0 : index
        %parallel_loop3A_463 = tpu.vector_load %arg10[%parallel_loop3A_461, %parallel_loop3A_462] {strides = array<i32>} : memref<64x16xf32, #tpu.memory_space<vmem>>, vector<16xf32>,
        tpu.vector_store %arg10[%parallel_loop3A_461, %parallel_loop3A_462], %broadcast_in_dim3A_2 {strides = array<i32>} : memref<64x16xf32, #tpu.memory_space<vmem>>, vector<16xf32>,
        %parallel_loop3A_464 = arith.addi %parallel_loop3A_445, %parallel_loop3A_454 : vector<16xi32>
        %parallel_loop3A_465 = arith.addf %parallel_loop3A_446, %parallel_loop3A_457 : vector<16xf32>
        %parallel_loop3A_466 = arith.constant dense<true> : vector<16xi1>
        %parallel_loop3A_467 = arith.xori %parallel_loop3A_447, %parallel_loop3A_466 : vector<16xi1>
        %parallel_loop3A_468 = arith.cmpi sge, %parallel_loop3A_464, %add3A_241 : vector<16xi32>
        %parallel_loop3A_469 = arith.andi %parallel_loop3A_467, %parallel_loop3A_468 : vector<16xi1>
        %parallel_loop3A_470 = vector.broadcast %parallel_loop3A_444 : i32 to vector<16xi32>
        %parallel_loop3A_471 = arith.addi %broadcast_in_dim3A_0, %parallel_loop3A_470 : vector<16xi32>
        %parallel_loop3A_472 = arith.select %parallel_loop3A_469, %parallel_loop3A_471, %parallel_loop3A_448 : vector<16xi1>, vector<16xi32>
        %parallel_loop3A_473 = arith.subi %parallel_loop3A_464, %parallel_loop3A_454 : vector<16xi32>
        %parallel_loop3A_474 = arith.select %parallel_loop3A_469, %parallel_loop3A_473, %parallel_loop3A_449 : vector<16xi1>, vector<16xi32>
        %parallel_loop3A_475 = arith.subf %parallel_loop3A_465, %parallel_loop3A_457 : vector<16xf32>
        %parallel_loop3A_476 = arith.select %parallel_loop3A_469, %parallel_loop3A_475, %parallel_loop3A_450 : vector<16xi1>, vector<16xf32>
        %parallel_loop3A_477 = arith.select %parallel_loop3A_469, %parallel_loop3A_454, %parallel_loop3A_451 : vector<16xi1>, vector<16xi32>
        %parallel_loop3A_478 = arith.ori %parallel_loop3A_447, %parallel_loop3A_469 : vector<16xi1>
        scf.yield %parallel_loop3A_464, %parallel_loop3A_465, %parallel_loop3A_478, %parallel_loop3A_472, %parallel_loop3A_474, %parallel_loop3A_476, %parallel_loop3A_477 : vector<16xi32>, vector<16xf32>, vector<16xi1>, vector<16xi32>, vector<16xi32>, vector<16xf32>, vector<16xi32>
      } {sc.loop_unroll_factor = 4 : i64, sc.parallel_access}
      %sub3A_262 = arith.subi %add3A_241, %parallel_loop3A_261#4 : vector<16xi32>
      %parallel_loop3A_263 = arith.constant 0 : i32
      %parallel_loop3A_264 = arith.constant 1024 : i32
      %parallel_loop3A_265 = arith.constant 1 : i32
      %parallel_loop3A_266:2 = scf.for %parallel_loop3A_444 = %parallel_loop3A_263 to %parallel_loop3A_264 step %parallel_loop3A_265 iter_args(%parallel_loop3A_445 = %broadcast_in_dim3A_0, %parallel_loop3A_446 = %broadcast_in_dim3A_0) -> (vector<16xi32>, vector<16xi32>)  : i32 {
        %parallel_loop3A_447 = arith.index_cast %rem3A_146 : i32 to index
        %parallel_loop3A_448 = arith.index_cast %parallel_loop3A_444 : i32 to index
        %parallel_loop3A_449 = arith.constant 0 : index
        %parallel_loop3A_450 = tpu.vector_load %arg4[%parallel_loop3A_447, %parallel_loop3A_448, %parallel_loop3A_449] {strides = array<i32>} : memref<2x1024x16xf32, #tpu.memory_space<vmem>>, vector<16xf32>,
        %parallel_loop3A_451 = tpu.bitcast %parallel_loop3A_450 : vector<16xf32> -> vector<16xi32>
        %parallel_loop3A_452 = arith.constant 0 : i32
        %parallel_loop3A_453 = vector.broadcast %parallel_loop3A_452 : i32 to vector<16xi32>
        %parallel_loop3A_454 = arith.cmpi slt, %parallel_loop3A_451, %parallel_loop3A_453 : vector<16xi32>
        %parallel_loop3A_455 = arith.constant dense<-1> : vector<16xi32>
        %parallel_loop3A_456 = arith.xori %parallel_loop3A_451, %parallel_loop3A_455 : vector<16xi32>
        %parallel_loop3A_457 = arith.constant -2147483648 : i32
        %parallel_loop3A_458 = vector.broadcast %parallel_loop3A_457 : i32 to vector<16xi32>
        %parallel_loop3A_459 = arith.xori %parallel_loop3A_451, %parallel_loop3A_458 : vector<16xi32>
        %parallel_loop3A_460 = arith.select %parallel_loop3A_454, %parallel_loop3A_456, %parallel_loop3A_459 : vector<16xi1>, vector<16xi32>
        %parallel_loop3A_461 = arith.constant 26 : i32
        %parallel_loop3A_462 = vector.broadcast %parallel_loop3A_461 : i32 to vector<16xi32>
        %parallel_loop3A_463 = arith.shrui %parallel_loop3A_460, %parallel_loop3A_462 : vector<16xi32>
        %parallel_loop3A_464 = arith.constant 63 : i32
        %parallel_loop3A_465 = vector.broadcast %parallel_loop3A_464 : i32 to vector<16xi32>
        %parallel_loop3A_466 = arith.andi %parallel_loop3A_463, %parallel_loop3A_465 : vector<16xi32>
        %parallel_loop3A_467 = vector.broadcast %parallel_loop3A_444 : i32 to vector<16xi32>
        %parallel_loop3A_468 = arith.addi %broadcast_in_dim3A_0, %parallel_loop3A_467 : vector<16xi32>
        %parallel_loop3A_469 = arith.cmpi eq, %parallel_loop3A_466, %parallel_loop3A_251#3 : vector<16xi32>
        tpu.vector_store_idx %arg5[%parallel_loop3A_445, %iota3A], %parallel_loop3A_468 masked %parallel_loop3A_469 : memref<1024x16xi32, #tpu.memory_space<vmem>>[vector<16xi32>, vector<16xi32>], vector<16xi32>, vector<16xi1>
        %parallel_loop3A_470 = arith.cmpi eq, %parallel_loop3A_466, %parallel_loop3A_261#3 : vector<16xi32>
        tpu.vector_store_idx %arg6[%parallel_loop3A_446, %iota3A], %parallel_loop3A_468 masked %parallel_loop3A_470 : memref<1024x16xi32, #tpu.memory_space<vmem>>[vector<16xi32>, vector<16xi32>], vector<16xi32>, vector<16xi1>
        %parallel_loop3A_471 = arith.constant 1 : i32
        %parallel_loop3A_472 = arith.constant 0 : i32
        %parallel_loop3A_473 = vector.broadcast %parallel_loop3A_471 : i32 to vector<16xi32>
        %parallel_loop3A_474 = vector.broadcast %parallel_loop3A_472 : i32 to vector<16xi32>
        %parallel_loop3A_475 = arith.select %parallel_loop3A_469, %parallel_loop3A_473, %parallel_loop3A_474 : vector<16xi1>, vector<16xi32>
        %parallel_loop3A_476 = arith.addi %parallel_loop3A_445, %parallel_loop3A_475 : vector<16xi32>
        %parallel_loop3A_477 = arith.constant 1 : i32
        %parallel_loop3A_478 = arith.constant 0 : i32
        %parallel_loop3A_479 = vector.broadcast %parallel_loop3A_477 : i32 to vector<16xi32>
        %parallel_loop3A_480 = vector.broadcast %parallel_loop3A_478 : i32 to vector<16xi32>
        %parallel_loop3A_481 = arith.select %parallel_loop3A_470, %parallel_loop3A_479, %parallel_loop3A_480 : vector<16xi1>, vector<16xi32>
        %parallel_loop3A_482 = arith.addi %parallel_loop3A_446, %parallel_loop3A_481 : vector<16xi32>
        scf.yield %parallel_loop3A_476, %parallel_loop3A_482 : vector<16xi32>, vector<16xi32>
      } {sc.loop_unroll_factor = 8 : i64, sc.parallel_access}
      %reduce_max3A = arith.constant true
      %reduce_max3A_267 = vector.broadcast %reduce_max3A : i1 to vector<16xi1>
      %reduce_max3A_268 = arith.constant -2147483648 : i32
      %reduce_max3A_269 = vector.broadcast %reduce_max3A_268 : i32 to vector<16xi32>
      %reduce_max3A_270 = arith.xori %parallel_loop3A_251#6, %reduce_max3A_269 : vector<16xi32>
      %reduce_max3A_271 = tpu.scan <max>, %reduce_max3A_270 masked %reduce_max3A_267 : vector<16xi32>, vector<16xi1> -> vector<16xi32>
      %reduce_max3A_272 = arith.xori %reduce_max3A_271, %reduce_max3A_269 : vector<16xi32>
      %reduce_max3A_273 = vector.extract %reduce_max3A_272[15] : i32 from vector<16xi32>
      %parallel_loop3A_274 = arith.constant 0 : i32
      %parallel_loop3A_275 = arith.constant 1 : i32
      scf.for %parallel_loop3A_444 = %parallel_loop3A_274 to %reduce_max3A_273 step %parallel_loop3A_275  : i32 {
        %parallel_loop3A_445 = vector.broadcast %parallel_loop3A_444 : i32 to vector<16xi32>
        %parallel_loop3A_446 = arith.addi %broadcast_in_dim3A_0, %parallel_loop3A_445 : vector<16xi32>
        %parallel_loop3A_447 = arith.cmpi slt, %parallel_loop3A_446, %parallel_loop3A_251#6 : vector<16xi32>
        %parallel_loop3A_448 = arith.index_cast %parallel_loop3A_444 : i32 to index
        %parallel_loop3A_449 = arith.constant 0 : index
        %parallel_loop3A_450 = tpu.vector_load %arg5[%parallel_loop3A_448, %parallel_loop3A_449] {strides = array<i32>} : memref<1024x16xi32, #tpu.memory_space<vmem>>, vector<16xi32>,
        %parallel_loop3A_451 = arith.constant 0 : i32
        %parallel_loop3A_452 = vector.broadcast %parallel_loop3A_451 : i32 to vector<16xi32>
        %parallel_loop3A_453 = arith.select %parallel_loop3A_447, %parallel_loop3A_450, %parallel_loop3A_452 : vector<16xi1>, vector<16xi32>
        %parallel_loop3A_454 = tpu.vector_load_idx %arg4[%add3A_148, %parallel_loop3A_453, %iota3A] : memref<2x1024x16xf32, #tpu.memory_space<vmem>>[vector<16xi32>, vector<16xi32>, vector<16xi32>], vector<16xf32>,
        %parallel_loop3A_455 = tpu.bitcast %parallel_loop3A_454 : vector<16xf32> -> vector<16xi32>
        %parallel_loop3A_456 = arith.constant 0 : i32
        %parallel_loop3A_457 = vector.broadcast %parallel_loop3A_456 : i32 to vector<16xi32>
        %parallel_loop3A_458 = arith.cmpi slt, %parallel_loop3A_455, %parallel_loop3A_457 : vector<16xi32>
        %parallel_loop3A_459 = arith.constant dense<-1> : vector<16xi32>
        %parallel_loop3A_460 = arith.xori %parallel_loop3A_455, %parallel_loop3A_459 : vector<16xi32>
        %parallel_loop3A_461 = arith.constant -2147483648 : i32
        %parallel_loop3A_462 = vector.broadcast %parallel_loop3A_461 : i32 to vector<16xi32>
        %parallel_loop3A_463 = arith.xori %parallel_loop3A_455, %parallel_loop3A_462 : vector<16xi32>
        %parallel_loop3A_464 = arith.select %parallel_loop3A_458, %parallel_loop3A_460, %parallel_loop3A_463 : vector<16xi1>, vector<16xi32>
        %parallel_loop3A_465 = arith.constant 20 : i32
        %parallel_loop3A_466 = vector.broadcast %parallel_loop3A_465 : i32 to vector<16xi32>
        %parallel_loop3A_467 = arith.shrui %parallel_loop3A_464, %parallel_loop3A_466 : vector<16xi32>
        %parallel_loop3A_468 = arith.constant 63 : i32
        %parallel_loop3A_469 = vector.broadcast %parallel_loop3A_468 : i32 to vector<16xi32>
        %parallel_loop3A_470 = arith.andi %parallel_loop3A_467, %parallel_loop3A_469 : vector<16xi32>
        %parallel_loop3A_471 = arith.constant 0 : i32
        %parallel_loop3A_472 = vector.broadcast %parallel_loop3A_471 : i32 to vector<16xi32>
        %parallel_loop3A_473 = arith.select %parallel_loop3A_447, %parallel_loop3A_470, %parallel_loop3A_472 : vector<16xi1>, vector<16xi32>
        %parallel_loop3A_474 = arith.constant 1 : i32
        %parallel_loop3A_475 = arith.constant 0 : i32
        %parallel_loop3A_476 = vector.broadcast %parallel_loop3A_474 : i32 to vector<16xi32>
        %parallel_loop3A_477 = vector.broadcast %parallel_loop3A_475 : i32 to vector<16xi32>
        %parallel_loop3A_478 = arith.select %parallel_loop3A_447, %parallel_loop3A_476, %parallel_loop3A_477 : vector<16xi1>, vector<16xi32>
        tpu.vector_store_idx %arg9[%parallel_loop3A_473, %iota3A], %parallel_loop3A_478 {add = true} : memref<64x16xi32, #tpu.memory_space<vmem>>[vector<16xi32>, vector<16xi32>], vector<16xi32>,
        %parallel_loop3A_479 = arith.constant 0.000000e+00 : f32
        %parallel_loop3A_480 = vector.broadcast %parallel_loop3A_479 : f32 to vector<16xf32>
        %parallel_loop3A_481 = arith.select %parallel_loop3A_447, %parallel_loop3A_454, %parallel_loop3A_480 : vector<16xi1>, vector<16xf32>
        tpu.vector_store_idx %arg10[%parallel_loop3A_473, %iota3A], %parallel_loop3A_481 {add = true} : memref<64x16xf32, #tpu.memory_space<vmem>>[vector<16xi32>, vector<16xi32>], vector<16xf32>,
      } {sc.loop_unroll_factor = 4 : i64, sc.parallel_access}
      %sub3A_276 = arith.subi %parallel_loop3A_251#6, %sub3A_254 : vector<16xi32>
      %add3A_277 = arith.constant 1 : i32
      %add3A_278 = vector.broadcast %add3A_277 : i32 to vector<16xi32>
      %add3A_279 = arith.addi %sub3A_276, %add3A_278 : vector<16xi32>
      %gt3A_280 = arith.constant 0 : i32
      %gt3A_281 = vector.broadcast %gt3A_280 : i32 to vector<16xi32>
      %gt3A_282 = arith.cmpi sgt, %broadcast_in_dim3A_0, %gt3A_281 : vector<16xi32>
      %parallel_loop3A_283 = arith.constant 0 : i32
      %parallel_loop3A_284 = arith.constant 64 : i32
      %parallel_loop3A_285 = arith.constant 1 : i32
      %parallel_loop3A_286:7 = scf.for %parallel_loop3A_444 = %parallel_loop3A_283 to %parallel_loop3A_284 step %parallel_loop3A_285 iter_args(%parallel_loop3A_445 = %broadcast_in_dim3A_0, %parallel_loop3A_446 = %broadcast_in_dim3A_2, %parallel_loop3A_447 = %gt3A_282, %parallel_loop3A_448 = %broadcast_in_dim3A_0, %parallel_loop3A_449 = %broadcast_in_dim3A_0, %parallel_loop3A_450 = %broadcast_in_dim3A_2, %parallel_loop3A_451 = %broadcast_in_dim3A_0) -> (vector<16xi32>, vector<16xf32>, vector<16xi1>, vector<16xi32>, vector<16xi32>, vector<16xf32>, vector<16xi32>)  : i32 {
        %parallel_loop3A_452 = arith.index_cast %parallel_loop3A_444 : i32 to index
        %parallel_loop3A_453 = arith.constant 0 : index
        %parallel_loop3A_454 = tpu.vector_load %arg9[%parallel_loop3A_452, %parallel_loop3A_453] {strides = array<i32>} : memref<64x16xi32, #tpu.memory_space<vmem>>, vector<16xi32>,
        %parallel_loop3A_455 = arith.index_cast %parallel_loop3A_444 : i32 to index
        %parallel_loop3A_456 = arith.constant 0 : index
        %parallel_loop3A_457 = tpu.vector_load %arg10[%parallel_loop3A_455, %parallel_loop3A_456] {strides = array<i32>} : memref<64x16xf32, #tpu.memory_space<vmem>>, vector<16xf32>,
        %parallel_loop3A_458 = arith.index_cast %parallel_loop3A_444 : i32 to index
        %parallel_loop3A_459 = arith.constant 0 : index
        %parallel_loop3A_460 = tpu.vector_load %arg9[%parallel_loop3A_458, %parallel_loop3A_459] {strides = array<i32>} : memref<64x16xi32, #tpu.memory_space<vmem>>, vector<16xi32>,
        tpu.vector_store %arg9[%parallel_loop3A_458, %parallel_loop3A_459], %broadcast_in_dim3A_0 {strides = array<i32>} : memref<64x16xi32, #tpu.memory_space<vmem>>, vector<16xi32>,
        %parallel_loop3A_461 = arith.index_cast %parallel_loop3A_444 : i32 to index
        %parallel_loop3A_462 = arith.constant 0 : index
        %parallel_loop3A_463 = tpu.vector_load %arg10[%parallel_loop3A_461, %parallel_loop3A_462] {strides = array<i32>} : memref<64x16xf32, #tpu.memory_space<vmem>>, vector<16xf32>,
        tpu.vector_store %arg10[%parallel_loop3A_461, %parallel_loop3A_462], %broadcast_in_dim3A_2 {strides = array<i32>} : memref<64x16xf32, #tpu.memory_space<vmem>>, vector<16xf32>,
        %parallel_loop3A_464 = arith.addi %parallel_loop3A_445, %parallel_loop3A_454 : vector<16xi32>
        %parallel_loop3A_465 = arith.addf %parallel_loop3A_446, %parallel_loop3A_457 : vector<16xf32>
        %parallel_loop3A_466 = arith.constant dense<true> : vector<16xi1>
        %parallel_loop3A_467 = arith.xori %parallel_loop3A_447, %parallel_loop3A_466 : vector<16xi1>
        %parallel_loop3A_468 = arith.cmpi sge, %parallel_loop3A_464, %add3A_279 : vector<16xi32>
        %parallel_loop3A_469 = arith.andi %parallel_loop3A_467, %parallel_loop3A_468 : vector<16xi1>
        %parallel_loop3A_470 = vector.broadcast %parallel_loop3A_444 : i32 to vector<16xi32>
        %parallel_loop3A_471 = arith.addi %broadcast_in_dim3A_0, %parallel_loop3A_470 : vector<16xi32>
        %parallel_loop3A_472 = arith.select %parallel_loop3A_469, %parallel_loop3A_471, %parallel_loop3A_448 : vector<16xi1>, vector<16xi32>
        %parallel_loop3A_473 = arith.select %parallel_loop3A_469, %parallel_loop3A_464, %parallel_loop3A_449 : vector<16xi1>, vector<16xi32>
        %parallel_loop3A_474 = arith.select %parallel_loop3A_469, %parallel_loop3A_465, %parallel_loop3A_450 : vector<16xi1>, vector<16xf32>
        %parallel_loop3A_475 = arith.select %parallel_loop3A_469, %parallel_loop3A_454, %parallel_loop3A_451 : vector<16xi1>, vector<16xi32>
        %parallel_loop3A_476 = arith.ori %parallel_loop3A_447, %parallel_loop3A_469 : vector<16xi1>
        scf.yield %parallel_loop3A_464, %parallel_loop3A_465, %parallel_loop3A_476, %parallel_loop3A_472, %parallel_loop3A_473, %parallel_loop3A_474, %parallel_loop3A_475 : vector<16xi32>, vector<16xf32>, vector<16xi1>, vector<16xi32>, vector<16xi32>, vector<16xf32>, vector<16xi32>
      } {sc.loop_unroll_factor = 4 : i64, sc.parallel_access}
      %sub3A_287 = arith.subi %parallel_loop3A_251#6, %parallel_loop3A_286#4 : vector<16xi32>
      %sub3A_288 = arith.subf %parallel_loop3A_286#1, %parallel_loop3A_286#5 : vector<16xf32>
      %add3A_289 = arith.addi %sub3A_252, %sub3A_287 : vector<16xi32>
      %add3A_290 = arith.addf %sub3A_253, %sub3A_288 : vector<16xf32>
      %sub3A_291 = arith.subi %sub3A_254, %sub3A_287 : vector<16xi32>
      %parallel_loop3A_292 = arith.constant 0 : i32
      %parallel_loop3A_293 = arith.constant 1 : i32
      %parallel_loop3A_294 = scf.for %parallel_loop3A_444 = %parallel_loop3A_292 to %reduce_max3A_273 step %parallel_loop3A_293 iter_args(%parallel_loop3A_445 = %broadcast_in_dim3A_0) -> (vector<16xi32>)  : i32 {
        %parallel_loop3A_446 = vector.broadcast %parallel_loop3A_444 : i32 to vector<16xi32>
        %parallel_loop3A_447 = arith.addi %broadcast_in_dim3A_0, %parallel_loop3A_446 : vector<16xi32>
        %parallel_loop3A_448 = arith.cmpi slt, %parallel_loop3A_447, %parallel_loop3A_251#6 : vector<16xi32>
        %parallel_loop3A_449 = arith.index_cast %parallel_loop3A_444 : i32 to index
        %parallel_loop3A_450 = arith.constant 0 : index
        %parallel_loop3A_451 = tpu.vector_load %arg5[%parallel_loop3A_449, %parallel_loop3A_450] {strides = array<i32>} : memref<1024x16xi32, #tpu.memory_space<vmem>>, vector<16xi32>,
        %parallel_loop3A_452 = arith.constant 0 : i32
        %parallel_loop3A_453 = vector.broadcast %parallel_loop3A_452 : i32 to vector<16xi32>
        %parallel_loop3A_454 = arith.select %parallel_loop3A_448, %parallel_loop3A_451, %parallel_loop3A_453 : vector<16xi1>, vector<16xi32>
        %parallel_loop3A_455 = tpu.vector_load_idx %arg4[%add3A_148, %parallel_loop3A_454, %iota3A] : memref<2x1024x16xf32, #tpu.memory_space<vmem>>[vector<16xi32>, vector<16xi32>, vector<16xi32>], vector<16xf32>,
        %parallel_loop3A_456 = tpu.bitcast %parallel_loop3A_455 : vector<16xf32> -> vector<16xi32>
        %parallel_loop3A_457 = arith.constant 0 : i32
        %parallel_loop3A_458 = vector.broadcast %parallel_loop3A_457 : i32 to vector<16xi32>
        %parallel_loop3A_459 = arith.cmpi slt, %parallel_loop3A_456, %parallel_loop3A_458 : vector<16xi32>
        %parallel_loop3A_460 = arith.constant dense<-1> : vector<16xi32>
        %parallel_loop3A_461 = arith.xori %parallel_loop3A_456, %parallel_loop3A_460 : vector<16xi32>
        %parallel_loop3A_462 = arith.constant -2147483648 : i32
        %parallel_loop3A_463 = vector.broadcast %parallel_loop3A_462 : i32 to vector<16xi32>
        %parallel_loop3A_464 = arith.xori %parallel_loop3A_456, %parallel_loop3A_463 : vector<16xi32>
        %parallel_loop3A_465 = arith.select %parallel_loop3A_459, %parallel_loop3A_461, %parallel_loop3A_464 : vector<16xi1>, vector<16xi32>
        %parallel_loop3A_466 = arith.constant 20 : i32
        %parallel_loop3A_467 = vector.broadcast %parallel_loop3A_466 : i32 to vector<16xi32>
        %parallel_loop3A_468 = arith.shrui %parallel_loop3A_465, %parallel_loop3A_467 : vector<16xi32>
        %parallel_loop3A_469 = arith.constant 63 : i32
        %parallel_loop3A_470 = vector.broadcast %parallel_loop3A_469 : i32 to vector<16xi32>
        %parallel_loop3A_471 = arith.andi %parallel_loop3A_468, %parallel_loop3A_470 : vector<16xi32>
        %parallel_loop3A_472 = arith.cmpi eq, %parallel_loop3A_471, %parallel_loop3A_286#3 : vector<16xi32>
        %parallel_loop3A_473 = arith.andi %parallel_loop3A_448, %parallel_loop3A_472 : vector<16xi1>
        tpu.vector_store_idx %arg7[%parallel_loop3A_445, %iota3A], %parallel_loop3A_454 masked %parallel_loop3A_473 : memref<1024x16xi32, #tpu.memory_space<vmem>>[vector<16xi32>, vector<16xi32>], vector<16xi32>, vector<16xi1>
        %parallel_loop3A_474 = arith.constant 1 : i32
        %parallel_loop3A_475 = arith.constant 0 : i32
        %parallel_loop3A_476 = vector.broadcast %parallel_loop3A_474 : i32 to vector<16xi32>
        %parallel_loop3A_477 = vector.broadcast %parallel_loop3A_475 : i32 to vector<16xi32>
        %parallel_loop3A_478 = arith.select %parallel_loop3A_473, %parallel_loop3A_476, %parallel_loop3A_477 : vector<16xi1>, vector<16xi32>
        %parallel_loop3A_479 = arith.addi %parallel_loop3A_445, %parallel_loop3A_478 : vector<16xi32>
        scf.yield %parallel_loop3A_479 : vector<16xi32>
      } {sc.loop_unroll_factor = 4 : i64, sc.parallel_access}
      %reduce_max3A_295 = arith.constant true
      %reduce_max3A_296 = vector.broadcast %reduce_max3A_295 : i1 to vector<16xi1>
      %reduce_max3A_297 = arith.constant -2147483648 : i32
      %reduce_max3A_298 = vector.broadcast %reduce_max3A_297 : i32 to vector<16xi32>
      %reduce_max3A_299 = arith.xori %parallel_loop3A_261#6, %reduce_max3A_298 : vector<16xi32>
      %reduce_max3A_300 = tpu.scan <max>, %reduce_max3A_299 masked %reduce_max3A_296 : vector<16xi32>, vector<16xi1> -> vector<16xi32>
      %reduce_max3A_301 = arith.xori %reduce_max3A_300, %reduce_max3A_298 : vector<16xi32>
      %reduce_max3A_302 = vector.extract %reduce_max3A_301[15] : i32 from vector<16xi32>
      %parallel_loop3A_303 = arith.constant 0 : i32
      %parallel_loop3A_304 = arith.constant 1 : i32
      scf.for %parallel_loop3A_444 = %parallel_loop3A_303 to %reduce_max3A_302 step %parallel_loop3A_304  : i32 {
        %parallel_loop3A_445 = vector.broadcast %parallel_loop3A_444 : i32 to vector<16xi32>
        %parallel_loop3A_446 = arith.addi %broadcast_in_dim3A_0, %parallel_loop3A_445 : vector<16xi32>
        %parallel_loop3A_447 = arith.cmpi slt, %parallel_loop3A_446, %parallel_loop3A_261#6 : vector<16xi32>
        %parallel_loop3A_448 = arith.index_cast %parallel_loop3A_444 : i32 to index
        %parallel_loop3A_449 = arith.constant 0 : index
        %parallel_loop3A_450 = tpu.vector_load %arg6[%parallel_loop3A_448, %parallel_loop3A_449] {strides = array<i32>} : memref<1024x16xi32, #tpu.memory_space<vmem>>, vector<16xi32>,
        %parallel_loop3A_451 = arith.constant 0 : i32
        %parallel_loop3A_452 = vector.broadcast %parallel_loop3A_451 : i32 to vector<16xi32>
        %parallel_loop3A_453 = arith.select %parallel_loop3A_447, %parallel_loop3A_450, %parallel_loop3A_452 : vector<16xi1>, vector<16xi32>
        %parallel_loop3A_454 = tpu.vector_load_idx %arg4[%add3A_148, %parallel_loop3A_453, %iota3A] : memref<2x1024x16xf32, #tpu.memory_space<vmem>>[vector<16xi32>, vector<16xi32>, vector<16xi32>], vector<16xf32>,
        %parallel_loop3A_455 = tpu.bitcast %parallel_loop3A_454 : vector<16xf32> -> vector<16xi32>
        %parallel_loop3A_456 = arith.constant 0 : i32
        %parallel_loop3A_457 = vector.broadcast %parallel_loop3A_456 : i32 to vector<16xi32>
        %parallel_loop3A_458 = arith.cmpi slt, %parallel_loop3A_455, %parallel_loop3A_457 : vector<16xi32>
        %parallel_loop3A_459 = arith.constant dense<-1> : vector<16xi32>
        %parallel_loop3A_460 = arith.xori %parallel_loop3A_455, %parallel_loop3A_459 : vector<16xi32>
        %parallel_loop3A_461 = arith.constant -2147483648 : i32
        %parallel_loop3A_462 = vector.broadcast %parallel_loop3A_461 : i32 to vector<16xi32>
        %parallel_loop3A_463 = arith.xori %parallel_loop3A_455, %parallel_loop3A_462 : vector<16xi32>
        %parallel_loop3A_464 = arith.select %parallel_loop3A_458, %parallel_loop3A_460, %parallel_loop3A_463 : vector<16xi1>, vector<16xi32>
        %parallel_loop3A_465 = arith.constant 20 : i32
        %parallel_loop3A_466 = vector.broadcast %parallel_loop3A_465 : i32 to vector<16xi32>
        %parallel_loop3A_467 = arith.shrui %parallel_loop3A_464, %parallel_loop3A_466 : vector<16xi32>
        %parallel_loop3A_468 = arith.constant 63 : i32
        %parallel_loop3A_469 = vector.broadcast %parallel_loop3A_468 : i32 to vector<16xi32>
        %parallel_loop3A_470 = arith.andi %parallel_loop3A_467, %parallel_loop3A_469 : vector<16xi32>
        %parallel_loop3A_471 = arith.constant 0 : i32
        %parallel_loop3A_472 = vector.broadcast %parallel_loop3A_471 : i32 to vector<16xi32>
        %parallel_loop3A_473 = arith.select %parallel_loop3A_447, %parallel_loop3A_470, %parallel_loop3A_472 : vector<16xi1>, vector<16xi32>
        %parallel_loop3A_474 = arith.constant 1 : i32
        %parallel_loop3A_475 = arith.constant 0 : i32
        %parallel_loop3A_476 = vector.broadcast %parallel_loop3A_474 : i32 to vector<16xi32>
        %parallel_loop3A_477 = vector.broadcast %parallel_loop3A_475 : i32 to vector<16xi32>
        %parallel_loop3A_478 = arith.select %parallel_loop3A_447, %parallel_loop3A_476, %parallel_loop3A_477 : vector<16xi1>, vector<16xi32>
        tpu.vector_store_idx %arg9[%parallel_loop3A_473, %iota3A], %parallel_loop3A_478 {add = true} : memref<64x16xi32, #tpu.memory_space<vmem>>[vector<16xi32>, vector<16xi32>], vector<16xi32>,
        %parallel_loop3A_479 = arith.constant 0.000000e+00 : f32
        %parallel_loop3A_480 = vector.broadcast %parallel_loop3A_479 : f32 to vector<16xf32>
        %parallel_loop3A_481 = arith.select %parallel_loop3A_447, %parallel_loop3A_454, %parallel_loop3A_480 : vector<16xi1>, vector<16xf32>
        tpu.vector_store_idx %arg10[%parallel_loop3A_473, %iota3A], %parallel_loop3A_481 {add = true} : memref<64x16xf32, #tpu.memory_space<vmem>>[vector<16xi32>, vector<16xi32>], vector<16xf32>,
      } {sc.loop_unroll_factor = 4 : i64, sc.parallel_access}
      %gt3A_305 = arith.constant 0 : i32
      %gt3A_306 = vector.broadcast %gt3A_305 : i32 to vector<16xi32>
      %gt3A_307 = arith.cmpi sgt, %broadcast_in_dim3A_0, %gt3A_306 : vector<16xi32>
      %parallel_loop3A_308 = arith.constant 0 : i32
      %parallel_loop3A_309 = arith.constant 64 : i32
      %parallel_loop3A_310 = arith.constant 1 : i32
      %parallel_loop3A_311:7 = scf.for %parallel_loop3A_444 = %parallel_loop3A_308 to %parallel_loop3A_309 step %parallel_loop3A_310 iter_args(%parallel_loop3A_445 = %broadcast_in_dim3A_0, %parallel_loop3A_446 = %broadcast_in_dim3A_2, %parallel_loop3A_447 = %gt3A_307, %parallel_loop3A_448 = %broadcast_in_dim3A_0, %parallel_loop3A_449 = %broadcast_in_dim3A_0, %parallel_loop3A_450 = %broadcast_in_dim3A_2, %parallel_loop3A_451 = %broadcast_in_dim3A_0) -> (vector<16xi32>, vector<16xf32>, vector<16xi1>, vector<16xi32>, vector<16xi32>, vector<16xf32>, vector<16xi32>)  : i32 {
        %parallel_loop3A_452 = arith.index_cast %parallel_loop3A_444 : i32 to index
        %parallel_loop3A_453 = arith.constant 0 : index
        %parallel_loop3A_454 = tpu.vector_load %arg9[%parallel_loop3A_452, %parallel_loop3A_453] {strides = array<i32>} : memref<64x16xi32, #tpu.memory_space<vmem>>, vector<16xi32>,
        %parallel_loop3A_455 = arith.index_cast %parallel_loop3A_444 : i32 to index
        %parallel_loop3A_456 = arith.constant 0 : index
        %parallel_loop3A_457 = tpu.vector_load %arg10[%parallel_loop3A_455, %parallel_loop3A_456] {strides = array<i32>} : memref<64x16xf32, #tpu.memory_space<vmem>>, vector<16xf32>,
        %parallel_loop3A_458 = arith.index_cast %parallel_loop3A_444 : i32 to index
        %parallel_loop3A_459 = arith.constant 0 : index
        %parallel_loop3A_460 = tpu.vector_load %arg9[%parallel_loop3A_458, %parallel_loop3A_459] {strides = array<i32>} : memref<64x16xi32, #tpu.memory_space<vmem>>, vector<16xi32>,
        tpu.vector_store %arg9[%parallel_loop3A_458, %parallel_loop3A_459], %broadcast_in_dim3A_0 {strides = array<i32>} : memref<64x16xi32, #tpu.memory_space<vmem>>, vector<16xi32>,
        %parallel_loop3A_461 = arith.index_cast %parallel_loop3A_444 : i32 to index
        %parallel_loop3A_462 = arith.constant 0 : index
        %parallel_loop3A_463 = tpu.vector_load %arg10[%parallel_loop3A_461, %parallel_loop3A_462] {strides = array<i32>} : memref<64x16xf32, #tpu.memory_space<vmem>>, vector<16xf32>,
        tpu.vector_store %arg10[%parallel_loop3A_461, %parallel_loop3A_462], %broadcast_in_dim3A_2 {strides = array<i32>} : memref<64x16xf32, #tpu.memory_space<vmem>>, vector<16xf32>,
        %parallel_loop3A_464 = arith.addi %parallel_loop3A_445, %parallel_loop3A_454 : vector<16xi32>
        %parallel_loop3A_465 = arith.addf %parallel_loop3A_446, %parallel_loop3A_457 : vector<16xf32>
        %parallel_loop3A_466 = arith.constant dense<true> : vector<16xi1>
        %parallel_loop3A_467 = arith.xori %parallel_loop3A_447, %parallel_loop3A_466 : vector<16xi1>
        %parallel_loop3A_468 = arith.cmpi sge, %parallel_loop3A_464, %sub3A_262 : vector<16xi32>
        %parallel_loop3A_469 = arith.andi %parallel_loop3A_467, %parallel_loop3A_468 : vector<16xi1>
        %parallel_loop3A_470 = vector.broadcast %parallel_loop3A_444 : i32 to vector<16xi32>
        %parallel_loop3A_471 = arith.addi %broadcast_in_dim3A_0, %parallel_loop3A_470 : vector<16xi32>
        %parallel_loop3A_472 = arith.select %parallel_loop3A_469, %parallel_loop3A_471, %parallel_loop3A_448 : vector<16xi1>, vector<16xi32>
        %parallel_loop3A_473 = arith.subi %parallel_loop3A_464, %parallel_loop3A_454 : vector<16xi32>
        %parallel_loop3A_474 = arith.select %parallel_loop3A_469, %parallel_loop3A_473, %parallel_loop3A_449 : vector<16xi1>, vector<16xi32>
        %parallel_loop3A_475 = arith.subf %parallel_loop3A_465, %parallel_loop3A_457 : vector<16xf32>
        %parallel_loop3A_476 = arith.select %parallel_loop3A_469, %parallel_loop3A_475, %parallel_loop3A_450 : vector<16xi1>, vector<16xf32>
        %parallel_loop3A_477 = arith.select %parallel_loop3A_469, %parallel_loop3A_454, %parallel_loop3A_451 : vector<16xi1>, vector<16xi32>
        %parallel_loop3A_478 = arith.ori %parallel_loop3A_447, %parallel_loop3A_469 : vector<16xi1>
        scf.yield %parallel_loop3A_464, %parallel_loop3A_465, %parallel_loop3A_478, %parallel_loop3A_472, %parallel_loop3A_474, %parallel_loop3A_476, %parallel_loop3A_477 : vector<16xi32>, vector<16xf32>, vector<16xi1>, vector<16xi32>, vector<16xi32>, vector<16xf32>, vector<16xi32>
      } {sc.loop_unroll_factor = 4 : i64, sc.parallel_access}
      %add3A_312 = arith.addi %parallel_loop3A_261#4, %parallel_loop3A_311#4 : vector<16xi32>
      %add3A_313 = arith.addf %parallel_loop3A_261#5, %parallel_loop3A_311#5 : vector<16xf32>
      %sub3A_314 = arith.subi %sub3A_262, %parallel_loop3A_311#4 : vector<16xi32>
      %parallel_loop3A_315 = arith.constant 0 : i32
      %parallel_loop3A_316 = arith.constant 1 : i32
      %parallel_loop3A_317 = scf.for %parallel_loop3A_444 = %parallel_loop3A_315 to %reduce_max3A_302 step %parallel_loop3A_316 iter_args(%parallel_loop3A_445 = %broadcast_in_dim3A_0) -> (vector<16xi32>)  : i32 {
        %parallel_loop3A_446 = vector.broadcast %parallel_loop3A_444 : i32 to vector<16xi32>
        %parallel_loop3A_447 = arith.addi %broadcast_in_dim3A_0, %parallel_loop3A_446 : vector<16xi32>
        %parallel_loop3A_448 = arith.cmpi slt, %parallel_loop3A_447, %parallel_loop3A_261#6 : vector<16xi32>
        %parallel_loop3A_449 = arith.index_cast %parallel_loop3A_444 : i32 to index
        %parallel_loop3A_450 = arith.constant 0 : index
        %parallel_loop3A_451 = tpu.vector_load %arg6[%parallel_loop3A_449, %parallel_loop3A_450] {strides = array<i32>} : memref<1024x16xi32, #tpu.memory_space<vmem>>, vector<16xi32>,
        %parallel_loop3A_452 = arith.constant 0 : i32
        %parallel_loop3A_453 = vector.broadcast %parallel_loop3A_452 : i32 to vector<16xi32>
        %parallel_loop3A_454 = arith.select %parallel_loop3A_448, %parallel_loop3A_451, %parallel_loop3A_453 : vector<16xi1>, vector<16xi32>
        %parallel_loop3A_455 = tpu.vector_load_idx %arg4[%add3A_148, %parallel_loop3A_454, %iota3A] : memref<2x1024x16xf32, #tpu.memory_space<vmem>>[vector<16xi32>, vector<16xi32>, vector<16xi32>], vector<16xf32>,
        %parallel_loop3A_456 = tpu.bitcast %parallel_loop3A_455 : vector<16xf32> -> vector<16xi32>
        %parallel_loop3A_457 = arith.constant 0 : i32
        %parallel_loop3A_458 = vector.broadcast %parallel_loop3A_457 : i32 to vector<16xi32>
        %parallel_loop3A_459 = arith.cmpi slt, %parallel_loop3A_456, %parallel_loop3A_458 : vector<16xi32>
        %parallel_loop3A_460 = arith.constant dense<-1> : vector<16xi32>
        %parallel_loop3A_461 = arith.xori %parallel_loop3A_456, %parallel_loop3A_460 : vector<16xi32>
        %parallel_loop3A_462 = arith.constant -2147483648 : i32
        %parallel_loop3A_463 = vector.broadcast %parallel_loop3A_462 : i32 to vector<16xi32>
        %parallel_loop3A_464 = arith.xori %parallel_loop3A_456, %parallel_loop3A_463 : vector<16xi32>
        %parallel_loop3A_465 = arith.select %parallel_loop3A_459, %parallel_loop3A_461, %parallel_loop3A_464 : vector<16xi1>, vector<16xi32>
        %parallel_loop3A_466 = arith.constant 20 : i32
        %parallel_loop3A_467 = vector.broadcast %parallel_loop3A_466 : i32 to vector<16xi32>
        %parallel_loop3A_468 = arith.shrui %parallel_loop3A_465, %parallel_loop3A_467 : vector<16xi32>
        %parallel_loop3A_469 = arith.constant 63 : i32
        %parallel_loop3A_470 = vector.broadcast %parallel_loop3A_469 : i32 to vector<16xi32>
        %parallel_loop3A_471 = arith.andi %parallel_loop3A_468, %parallel_loop3A_470 : vector<16xi32>
        %parallel_loop3A_472 = arith.cmpi eq, %parallel_loop3A_471, %parallel_loop3A_311#3 : vector<16xi32>
        %parallel_loop3A_473 = arith.andi %parallel_loop3A_448, %parallel_loop3A_472 : vector<16xi1>
        tpu.vector_store_idx %arg8[%parallel_loop3A_445, %iota3A], %parallel_loop3A_454 masked %parallel_loop3A_473 : memref<1024x16xi32, #tpu.memory_space<vmem>>[vector<16xi32>, vector<16xi32>], vector<16xi32>, vector<16xi1>
        %parallel_loop3A_474 = arith.constant 1 : i32
        %parallel_loop3A_475 = arith.constant 0 : i32
        %parallel_loop3A_476 = vector.broadcast %parallel_loop3A_474 : i32 to vector<16xi32>
        %parallel_loop3A_477 = vector.broadcast %parallel_loop3A_475 : i32 to vector<16xi32>
        %parallel_loop3A_478 = arith.select %parallel_loop3A_473, %parallel_loop3A_476, %parallel_loop3A_477 : vector<16xi1>, vector<16xi32>
        %parallel_loop3A_479 = arith.addi %parallel_loop3A_445, %parallel_loop3A_478 : vector<16xi32>
        scf.yield %parallel_loop3A_479 : vector<16xi32>
      } {sc.loop_unroll_factor = 4 : i64, sc.parallel_access}
      %reduce_max3A_318 = arith.constant true
      %reduce_max3A_319 = vector.broadcast %reduce_max3A_318 : i1 to vector<16xi1>
      %reduce_max3A_320 = arith.constant -2147483648 : i32
      %reduce_max3A_321 = vector.broadcast %reduce_max3A_320 : i32 to vector<16xi32>
      %reduce_max3A_322 = arith.xori %parallel_loop3A_286#6, %reduce_max3A_321 : vector<16xi32>
      %reduce_max3A_323 = tpu.scan <max>, %reduce_max3A_322 masked %reduce_max3A_319 : vector<16xi32>, vector<16xi1> -> vector<16xi32>
      %reduce_max3A_324 = arith.xori %reduce_max3A_323, %reduce_max3A_321 : vector<16xi32>
      %reduce_max3A_325 = vector.extract %reduce_max3A_324[15] : i32 from vector<16xi32>
      %parallel_loop3A_326 = arith.constant 0 : i32
      %parallel_loop3A_327 = arith.constant 1 : i32
      scf.for %parallel_loop3A_444 = %parallel_loop3A_326 to %reduce_max3A_325 step %parallel_loop3A_327  : i32 {
        %parallel_loop3A_445 = vector.broadcast %parallel_loop3A_444 : i32 to vector<16xi32>
        %parallel_loop3A_446 = arith.addi %broadcast_in_dim3A_0, %parallel_loop3A_445 : vector<16xi32>
        %parallel_loop3A_447 = arith.cmpi slt, %parallel_loop3A_446, %parallel_loop3A_286#6 : vector<16xi32>
        %parallel_loop3A_448 = arith.index_cast %parallel_loop3A_444 : i32 to index
        %parallel_loop3A_449 = arith.constant 0 : index
        %parallel_loop3A_450 = tpu.vector_load %arg7[%parallel_loop3A_448, %parallel_loop3A_449] {strides = array<i32>} : memref<1024x16xi32, #tpu.memory_space<vmem>>, vector<16xi32>,
        %parallel_loop3A_451 = arith.constant 0 : i32
        %parallel_loop3A_452 = vector.broadcast %parallel_loop3A_451 : i32 to vector<16xi32>
        %parallel_loop3A_453 = arith.select %parallel_loop3A_447, %parallel_loop3A_450, %parallel_loop3A_452 : vector<16xi1>, vector<16xi32>
        %parallel_loop3A_454 = tpu.vector_load_idx %arg4[%add3A_148, %parallel_loop3A_453, %iota3A] : memref<2x1024x16xf32, #tpu.memory_space<vmem>>[vector<16xi32>, vector<16xi32>, vector<16xi32>], vector<16xf32>,
        %parallel_loop3A_455 = tpu.bitcast %parallel_loop3A_454 : vector<16xf32> -> vector<16xi32>
        %parallel_loop3A_456 = arith.constant 0 : i32
        %parallel_loop3A_457 = vector.broadcast %parallel_loop3A_456 : i32 to vector<16xi32>
        %parallel_loop3A_458 = arith.cmpi slt, %parallel_loop3A_455, %parallel_loop3A_457 : vector<16xi32>
        %parallel_loop3A_459 = arith.constant dense<-1> : vector<16xi32>
        %parallel_loop3A_460 = arith.xori %parallel_loop3A_455, %parallel_loop3A_459 : vector<16xi32>
        %parallel_loop3A_461 = arith.constant -2147483648 : i32
        %parallel_loop3A_462 = vector.broadcast %parallel_loop3A_461 : i32 to vector<16xi32>
        %parallel_loop3A_463 = arith.xori %parallel_loop3A_455, %parallel_loop3A_462 : vector<16xi32>
        %parallel_loop3A_464 = arith.select %parallel_loop3A_458, %parallel_loop3A_460, %parallel_loop3A_463 : vector<16xi1>, vector<16xi32>
        %parallel_loop3A_465 = arith.constant 14 : i32
        %parallel_loop3A_466 = vector.broadcast %parallel_loop3A_465 : i32 to vector<16xi32>
        %parallel_loop3A_467 = arith.shrui %parallel_loop3A_464, %parallel_loop3A_466 : vector<16xi32>
        %parallel_loop3A_468 = arith.constant 63 : i32
        %parallel_loop3A_469 = vector.broadcast %parallel_loop3A_468 : i32 to vector<16xi32>
        %parallel_loop3A_470 = arith.andi %parallel_loop3A_467, %parallel_loop3A_469 : vector<16xi32>
        %parallel_loop3A_471 = arith.constant 0 : i32
        %parallel_loop3A_472 = vector.broadcast %parallel_loop3A_471 : i32 to vector<16xi32>
        %parallel_loop3A_473 = arith.select %parallel_loop3A_447, %parallel_loop3A_470, %parallel_loop3A_472 : vector<16xi1>, vector<16xi32>
        %parallel_loop3A_474 = arith.constant 1 : i32
        %parallel_loop3A_475 = arith.constant 0 : i32
        %parallel_loop3A_476 = vector.broadcast %parallel_loop3A_474 : i32 to vector<16xi32>
        %parallel_loop3A_477 = vector.broadcast %parallel_loop3A_475 : i32 to vector<16xi32>
        %parallel_loop3A_478 = arith.select %parallel_loop3A_447, %parallel_loop3A_476, %parallel_loop3A_477 : vector<16xi1>, vector<16xi32>
        tpu.vector_store_idx %arg9[%parallel_loop3A_473, %iota3A], %parallel_loop3A_478 {add = true} : memref<64x16xi32, #tpu.memory_space<vmem>>[vector<16xi32>, vector<16xi32>], vector<16xi32>,
        %parallel_loop3A_479 = arith.constant 0.000000e+00 : f32
        %parallel_loop3A_480 = vector.broadcast %parallel_loop3A_479 : f32 to vector<16xf32>
        %parallel_loop3A_481 = arith.select %parallel_loop3A_447, %parallel_loop3A_454, %parallel_loop3A_480 : vector<16xi1>, vector<16xf32>
        tpu.vector_store_idx %arg10[%parallel_loop3A_473, %iota3A], %parallel_loop3A_481 {add = true} : memref<64x16xf32, #tpu.memory_space<vmem>>[vector<16xi32>, vector<16xi32>], vector<16xf32>,
      } {sc.loop_unroll_factor = 4 : i64, sc.parallel_access}
      %sub3A_328 = arith.subi %parallel_loop3A_286#6, %sub3A_291 : vector<16xi32>
      %add3A_329 = arith.constant 1 : i32
      %add3A_330 = vector.broadcast %add3A_329 : i32 to vector<16xi32>
      %add3A_331 = arith.addi %sub3A_328, %add3A_330 : vector<16xi32>
      %gt3A_332 = arith.constant 0 : i32
      %gt3A_333 = vector.broadcast %gt3A_332 : i32 to vector<16xi32>
      %gt3A_334 = arith.cmpi sgt, %broadcast_in_dim3A_0, %gt3A_333 : vector<16xi32>
      %parallel_loop3A_335 = arith.constant 0 : i32
      %parallel_loop3A_336 = arith.constant 64 : i32
      %parallel_loop3A_337 = arith.constant 1 : i32
      %parallel_loop3A_338:7 = scf.for %parallel_loop3A_444 = %parallel_loop3A_335 to %parallel_loop3A_336 step %parallel_loop3A_337 iter_args(%parallel_loop3A_445 = %broadcast_in_dim3A_0, %parallel_loop3A_446 = %broadcast_in_dim3A_2, %parallel_loop3A_447 = %gt3A_334, %parallel_loop3A_448 = %broadcast_in_dim3A_0, %parallel_loop3A_449 = %broadcast_in_dim3A_0, %parallel_loop3A_450 = %broadcast_in_dim3A_2, %parallel_loop3A_451 = %broadcast_in_dim3A_0) -> (vector<16xi32>, vector<16xf32>, vector<16xi1>, vector<16xi32>, vector<16xi32>, vector<16xf32>, vector<16xi32>)  : i32 {
        %parallel_loop3A_452 = arith.index_cast %parallel_loop3A_444 : i32 to index
        %parallel_loop3A_453 = arith.constant 0 : index
        %parallel_loop3A_454 = tpu.vector_load %arg9[%parallel_loop3A_452, %parallel_loop3A_453] {strides = array<i32>} : memref<64x16xi32, #tpu.memory_space<vmem>>, vector<16xi32>,
        %parallel_loop3A_455 = arith.index_cast %parallel_loop3A_444 : i32 to index
        %parallel_loop3A_456 = arith.constant 0 : index
        %parallel_loop3A_457 = tpu.vector_load %arg10[%parallel_loop3A_455, %parallel_loop3A_456] {strides = array<i32>} : memref<64x16xf32, #tpu.memory_space<vmem>>, vector<16xf32>,
        %parallel_loop3A_458 = arith.index_cast %parallel_loop3A_444 : i32 to index
        %parallel_loop3A_459 = arith.constant 0 : index
        %parallel_loop3A_460 = tpu.vector_load %arg9[%parallel_loop3A_458, %parallel_loop3A_459] {strides = array<i32>} : memref<64x16xi32, #tpu.memory_space<vmem>>, vector<16xi32>,
        tpu.vector_store %arg9[%parallel_loop3A_458, %parallel_loop3A_459], %broadcast_in_dim3A_0 {strides = array<i32>} : memref<64x16xi32, #tpu.memory_space<vmem>>, vector<16xi32>,
        %parallel_loop3A_461 = arith.index_cast %parallel_loop3A_444 : i32 to index
        %parallel_loop3A_462 = arith.constant 0 : index
        %parallel_loop3A_463 = tpu.vector_load %arg10[%parallel_loop3A_461, %parallel_loop3A_462] {strides = array<i32>} : memref<64x16xf32, #tpu.memory_space<vmem>>, vector<16xf32>,
        tpu.vector_store %arg10[%parallel_loop3A_461, %parallel_loop3A_462], %broadcast_in_dim3A_2 {strides = array<i32>} : memref<64x16xf32, #tpu.memory_space<vmem>>, vector<16xf32>,
        %parallel_loop3A_464 = arith.addi %parallel_loop3A_445, %parallel_loop3A_454 : vector<16xi32>
        %parallel_loop3A_465 = arith.addf %parallel_loop3A_446, %parallel_loop3A_457 : vector<16xf32>
        %parallel_loop3A_466 = arith.constant dense<true> : vector<16xi1>
        %parallel_loop3A_467 = arith.xori %parallel_loop3A_447, %parallel_loop3A_466 : vector<16xi1>
        %parallel_loop3A_468 = arith.cmpi sge, %parallel_loop3A_464, %add3A_331 : vector<16xi32>
        %parallel_loop3A_469 = arith.andi %parallel_loop3A_467, %parallel_loop3A_468 : vector<16xi1>
        %parallel_loop3A_470 = vector.broadcast %parallel_loop3A_444 : i32 to vector<16xi32>
        %parallel_loop3A_471 = arith.addi %broadcast_in_dim3A_0, %parallel_loop3A_470 : vector<16xi32>
        %parallel_loop3A_472 = arith.select %parallel_loop3A_469, %parallel_loop3A_471, %parallel_loop3A_448 : vector<16xi1>, vector<16xi32>
        %parallel_loop3A_473 = arith.select %parallel_loop3A_469, %parallel_loop3A_464, %parallel_loop3A_449 : vector<16xi1>, vector<16xi32>
        %parallel_loop3A_474 = arith.select %parallel_loop3A_469, %parallel_loop3A_465, %parallel_loop3A_450 : vector<16xi1>, vector<16xf32>
        %parallel_loop3A_475 = arith.select %parallel_loop3A_469, %parallel_loop3A_454, %parallel_loop3A_451 : vector<16xi1>, vector<16xi32>
        %parallel_loop3A_476 = arith.ori %parallel_loop3A_447, %parallel_loop3A_469 : vector<16xi1>
        scf.yield %parallel_loop3A_464, %parallel_loop3A_465, %parallel_loop3A_476, %parallel_loop3A_472, %parallel_loop3A_473, %parallel_loop3A_474, %parallel_loop3A_475 : vector<16xi32>, vector<16xf32>, vector<16xi1>, vector<16xi32>, vector<16xi32>, vector<16xf32>, vector<16xi32>
      } {sc.loop_unroll_factor = 4 : i64, sc.parallel_access}
      %sub3A_339 = arith.subi %parallel_loop3A_286#6, %parallel_loop3A_338#4 : vector<16xi32>
      %sub3A_340 = arith.subf %parallel_loop3A_338#1, %parallel_loop3A_338#5 : vector<16xf32>
      %add3A_341 = arith.addi %add3A_289, %sub3A_339 : vector<16xi32>
      %add3A_342 = arith.addf %add3A_290, %sub3A_340 : vector<16xf32>
      %sub3A_343 = arith.subi %sub3A_291, %sub3A_339 : vector<16xi32>
      %parallel_loop3A_344 = arith.constant 0 : i32
      %parallel_loop3A_345 = arith.constant 1 : i32
      %parallel_loop3A_346 = scf.for %parallel_loop3A_444 = %parallel_loop3A_344 to %reduce_max3A_325 step %parallel_loop3A_345 iter_args(%parallel_loop3A_445 = %broadcast_in_dim3A_0) -> (vector<16xi32>)  : i32 {
        %parallel_loop3A_446 = vector.broadcast %parallel_loop3A_444 : i32 to vector<16xi32>
        %parallel_loop3A_447 = arith.addi %broadcast_in_dim3A_0, %parallel_loop3A_446 : vector<16xi32>
        %parallel_loop3A_448 = arith.cmpi slt, %parallel_loop3A_447, %parallel_loop3A_286#6 : vector<16xi32>
        %parallel_loop3A_449 = arith.index_cast %parallel_loop3A_444 : i32 to index
        %parallel_loop3A_450 = arith.constant 0 : index
        %parallel_loop3A_451 = tpu.vector_load %arg7[%parallel_loop3A_449, %parallel_loop3A_450] {strides = array<i32>} : memref<1024x16xi32, #tpu.memory_space<vmem>>, vector<16xi32>,
        %parallel_loop3A_452 = arith.constant 0 : i32
        %parallel_loop3A_453 = vector.broadcast %parallel_loop3A_452 : i32 to vector<16xi32>
        %parallel_loop3A_454 = arith.select %parallel_loop3A_448, %parallel_loop3A_451, %parallel_loop3A_453 : vector<16xi1>, vector<16xi32>
        %parallel_loop3A_455 = tpu.vector_load_idx %arg4[%add3A_148, %parallel_loop3A_454, %iota3A] : memref<2x1024x16xf32, #tpu.memory_space<vmem>>[vector<16xi32>, vector<16xi32>, vector<16xi32>], vector<16xf32>,
        %parallel_loop3A_456 = tpu.bitcast %parallel_loop3A_455 : vector<16xf32> -> vector<16xi32>
        %parallel_loop3A_457 = arith.constant 0 : i32
        %parallel_loop3A_458 = vector.broadcast %parallel_loop3A_457 : i32 to vector<16xi32>
        %parallel_loop3A_459 = arith.cmpi slt, %parallel_loop3A_456, %parallel_loop3A_458 : vector<16xi32>
        %parallel_loop3A_460 = arith.constant dense<-1> : vector<16xi32>
        %parallel_loop3A_461 = arith.xori %parallel_loop3A_456, %parallel_loop3A_460 : vector<16xi32>
        %parallel_loop3A_462 = arith.constant -2147483648 : i32
        %parallel_loop3A_463 = vector.broadcast %parallel_loop3A_462 : i32 to vector<16xi32>
        %parallel_loop3A_464 = arith.xori %parallel_loop3A_456, %parallel_loop3A_463 : vector<16xi32>
        %parallel_loop3A_465 = arith.select %parallel_loop3A_459, %parallel_loop3A_461, %parallel_loop3A_464 : vector<16xi1>, vector<16xi32>
        %parallel_loop3A_466 = arith.constant 14 : i32
        %parallel_loop3A_467 = vector.broadcast %parallel_loop3A_466 : i32 to vector<16xi32>
        %parallel_loop3A_468 = arith.shrui %parallel_loop3A_465, %parallel_loop3A_467 : vector<16xi32>
        %parallel_loop3A_469 = arith.constant 63 : i32
        %parallel_loop3A_470 = vector.broadcast %parallel_loop3A_469 : i32 to vector<16xi32>
        %parallel_loop3A_471 = arith.andi %parallel_loop3A_468, %parallel_loop3A_470 : vector<16xi32>
        %parallel_loop3A_472 = arith.cmpi eq, %parallel_loop3A_471, %parallel_loop3A_338#3 : vector<16xi32>
        %parallel_loop3A_473 = arith.andi %parallel_loop3A_448, %parallel_loop3A_472 : vector<16xi1>
        tpu.vector_store_idx %arg5[%parallel_loop3A_445, %iota3A], %parallel_loop3A_454 masked %parallel_loop3A_473 : memref<1024x16xi32, #tpu.memory_space<vmem>>[vector<16xi32>, vector<16xi32>], vector<16xi32>, vector<16xi1>
        %parallel_loop3A_474 = arith.constant 1 : i32
        %parallel_loop3A_475 = arith.constant 0 : i32
        %parallel_loop3A_476 = vector.broadcast %parallel_loop3A_474 : i32 to vector<16xi32>
        %parallel_loop3A_477 = vector.broadcast %parallel_loop3A_475 : i32 to vector<16xi32>
        %parallel_loop3A_478 = arith.select %parallel_loop3A_473, %parallel_loop3A_476, %parallel_loop3A_477 : vector<16xi1>, vector<16xi32>
        %parallel_loop3A_479 = arith.addi %parallel_loop3A_445, %parallel_loop3A_478 : vector<16xi32>
        scf.yield %parallel_loop3A_479 : vector<16xi32>
      } {sc.loop_unroll_factor = 4 : i64, sc.parallel_access}
      %reduce_max3A_347 = arith.constant true
      %reduce_max3A_348 = vector.broadcast %reduce_max3A_347 : i1 to vector<16xi1>
      %reduce_max3A_349 = arith.constant -2147483648 : i32
      %reduce_max3A_350 = vector.broadcast %reduce_max3A_349 : i32 to vector<16xi32>
      %reduce_max3A_351 = arith.xori %parallel_loop3A_311#6, %reduce_max3A_350 : vector<16xi32>
      %reduce_max3A_352 = tpu.scan <max>, %reduce_max3A_351 masked %reduce_max3A_348 : vector<16xi32>, vector<16xi1> -> vector<16xi32>
      %reduce_max3A_353 = arith.xori %reduce_max3A_352, %reduce_max3A_350 : vector<16xi32>
      %reduce_max3A_354 = vector.extract %reduce_max3A_353[15] : i32 from vector<16xi32>
      %parallel_loop3A_355 = arith.constant 0 : i32
      %parallel_loop3A_356 = arith.constant 1 : i32
      scf.for %parallel_loop3A_444 = %parallel_loop3A_355 to %reduce_max3A_354 step %parallel_loop3A_356  : i32 {
        %parallel_loop3A_445 = vector.broadcast %parallel_loop3A_444 : i32 to vector<16xi32>
        %parallel_loop3A_446 = arith.addi %broadcast_in_dim3A_0, %parallel_loop3A_445 : vector<16xi32>
        %parallel_loop3A_447 = arith.cmpi slt, %parallel_loop3A_446, %parallel_loop3A_311#6 : vector<16xi32>
        %parallel_loop3A_448 = arith.index_cast %parallel_loop3A_444 : i32 to index
        %parallel_loop3A_449 = arith.constant 0 : index
        %parallel_loop3A_450 = tpu.vector_load %arg8[%parallel_loop3A_448, %parallel_loop3A_449] {strides = array<i32>} : memref<1024x16xi32, #tpu.memory_space<vmem>>, vector<16xi32>,
        %parallel_loop3A_451 = arith.constant 0 : i32
        %parallel_loop3A_452 = vector.broadcast %parallel_loop3A_451 : i32 to vector<16xi32>
        %parallel_loop3A_453 = arith.select %parallel_loop3A_447, %parallel_loop3A_450, %parallel_loop3A_452 : vector<16xi1>, vector<16xi32>
        %parallel_loop3A_454 = tpu.vector_load_idx %arg4[%add3A_148, %parallel_loop3A_453, %iota3A] : memref<2x1024x16xf32, #tpu.memory_space<vmem>>[vector<16xi32>, vector<16xi32>, vector<16xi32>], vector<16xf32>,
        %parallel_loop3A_455 = tpu.bitcast %parallel_loop3A_454 : vector<16xf32> -> vector<16xi32>
        %parallel_loop3A_456 = arith.constant 0 : i32
        %parallel_loop3A_457 = vector.broadcast %parallel_loop3A_456 : i32 to vector<16xi32>
        %parallel_loop3A_458 = arith.cmpi slt, %parallel_loop3A_455, %parallel_loop3A_457 : vector<16xi32>
        %parallel_loop3A_459 = arith.constant dense<-1> : vector<16xi32>
        %parallel_loop3A_460 = arith.xori %parallel_loop3A_455, %parallel_loop3A_459 : vector<16xi32>
        %parallel_loop3A_461 = arith.constant -2147483648 : i32
        %parallel_loop3A_462 = vector.broadcast %parallel_loop3A_461 : i32 to vector<16xi32>
        %parallel_loop3A_463 = arith.xori %parallel_loop3A_455, %parallel_loop3A_462 : vector<16xi32>
        %parallel_loop3A_464 = arith.select %parallel_loop3A_458, %parallel_loop3A_460, %parallel_loop3A_463 : vector<16xi1>, vector<16xi32>
        %parallel_loop3A_465 = arith.constant 14 : i32
        %parallel_loop3A_466 = vector.broadcast %parallel_loop3A_465 : i32 to vector<16xi32>
        %parallel_loop3A_467 = arith.shrui %parallel_loop3A_464, %parallel_loop3A_466 : vector<16xi32>
        %parallel_loop3A_468 = arith.constant 63 : i32
        %parallel_loop3A_469 = vector.broadcast %parallel_loop3A_468 : i32 to vector<16xi32>
        %parallel_loop3A_470 = arith.andi %parallel_loop3A_467, %parallel_loop3A_469 : vector<16xi32>
        %parallel_loop3A_471 = arith.constant 0 : i32
        %parallel_loop3A_472 = vector.broadcast %parallel_loop3A_471 : i32 to vector<16xi32>
        %parallel_loop3A_473 = arith.select %parallel_loop3A_447, %parallel_loop3A_470, %parallel_loop3A_472 : vector<16xi1>, vector<16xi32>
        %parallel_loop3A_474 = arith.constant 1 : i32
        %parallel_loop3A_475 = arith.constant 0 : i32
        %parallel_loop3A_476 = vector.broadcast %parallel_loop3A_474 : i32 to vector<16xi32>
        %parallel_loop3A_477 = vector.broadcast %parallel_loop3A_475 : i32 to vector<16xi32>
        %parallel_loop3A_478 = arith.select %parallel_loop3A_447, %parallel_loop3A_476, %parallel_loop3A_477 : vector<16xi1>, vector<16xi32>
        tpu.vector_store_idx %arg9[%parallel_loop3A_473, %iota3A], %parallel_loop3A_478 {add = true} : memref<64x16xi32, #tpu.memory_space<vmem>>[vector<16xi32>, vector<16xi32>], vector<16xi32>,
        %parallel_loop3A_479 = arith.constant 0.000000e+00 : f32
        %parallel_loop3A_480 = vector.broadcast %parallel_loop3A_479 : f32 to vector<16xf32>
        %parallel_loop3A_481 = arith.select %parallel_loop3A_447, %parallel_loop3A_454, %parallel_loop3A_480 : vector<16xi1>, vector<16xf32>
        tpu.vector_store_idx %arg10[%parallel_loop3A_473, %iota3A], %parallel_loop3A_481 {add = true} : memref<64x16xf32, #tpu.memory_space<vmem>>[vector<16xi32>, vector<16xi32>], vector<16xf32>,
      } {sc.loop_unroll_factor = 4 : i64, sc.parallel_access}
      %gt3A_357 = arith.constant 0 : i32
      %gt3A_358 = vector.broadcast %gt3A_357 : i32 to vector<16xi32>
      %gt3A_359 = arith.cmpi sgt, %broadcast_in_dim3A_0, %gt3A_358 : vector<16xi32>
      %parallel_loop3A_360 = arith.constant 0 : i32
      %parallel_loop3A_361 = arith.constant 64 : i32
      %parallel_loop3A_362 = arith.constant 1 : i32
      %parallel_loop3A_363:7 = scf.for %parallel_loop3A_444 = %parallel_loop3A_360 to %parallel_loop3A_361 step %parallel_loop3A_362 iter_args(%parallel_loop3A_445 = %broadcast_in_dim3A_0, %parallel_loop3A_446 = %broadcast_in_dim3A_2, %parallel_loop3A_447 = %gt3A_359, %parallel_loop3A_448 = %broadcast_in_dim3A_0, %parallel_loop3A_449 = %broadcast_in_dim3A_0, %parallel_loop3A_450 = %broadcast_in_dim3A_2, %parallel_loop3A_451 = %broadcast_in_dim3A_0) -> (vector<16xi32>, vector<16xf32>, vector<16xi1>, vector<16xi32>, vector<16xi32>, vector<16xf32>, vector<16xi32>)  : i32 {
        %parallel_loop3A_452 = arith.index_cast %parallel_loop3A_444 : i32 to index
        %parallel_loop3A_453 = arith.constant 0 : index
        %parallel_loop3A_454 = tpu.vector_load %arg9[%parallel_loop3A_452, %parallel_loop3A_453] {strides = array<i32>} : memref<64x16xi32, #tpu.memory_space<vmem>>, vector<16xi32>,
        %parallel_loop3A_455 = arith.index_cast %parallel_loop3A_444 : i32 to index
        %parallel_loop3A_456 = arith.constant 0 : index
        %parallel_loop3A_457 = tpu.vector_load %arg10[%parallel_loop3A_455, %parallel_loop3A_456] {strides = array<i32>} : memref<64x16xf32, #tpu.memory_space<vmem>>, vector<16xf32>,
        %parallel_loop3A_458 = arith.index_cast %parallel_loop3A_444 : i32 to index
        %parallel_loop3A_459 = arith.constant 0 : index
        %parallel_loop3A_460 = tpu.vector_load %arg9[%parallel_loop3A_458, %parallel_loop3A_459] {strides = array<i32>} : memref<64x16xi32, #tpu.memory_space<vmem>>, vector<16xi32>,
        tpu.vector_store %arg9[%parallel_loop3A_458, %parallel_loop3A_459], %broadcast_in_dim3A_0 {strides = array<i32>} : memref<64x16xi32, #tpu.memory_space<vmem>>, vector<16xi32>,
        %parallel_loop3A_461 = arith.index_cast %parallel_loop3A_444 : i32 to index
        %parallel_loop3A_462 = arith.constant 0 : index
        %parallel_loop3A_463 = tpu.vector_load %arg10[%parallel_loop3A_461, %parallel_loop3A_462] {strides = array<i32>} : memref<64x16xf32, #tpu.memory_space<vmem>>, vector<16xf32>,
        tpu.vector_store %arg10[%parallel_loop3A_461, %parallel_loop3A_462], %broadcast_in_dim3A_2 {strides = array<i32>} : memref<64x16xf32, #tpu.memory_space<vmem>>, vector<16xf32>,
        %parallel_loop3A_464 = arith.addi %parallel_loop3A_445, %parallel_loop3A_454 : vector<16xi32>
        %parallel_loop3A_465 = arith.addf %parallel_loop3A_446, %parallel_loop3A_457 : vector<16xf32>
        %parallel_loop3A_466 = arith.constant dense<true> : vector<16xi1>
        %parallel_loop3A_467 = arith.xori %parallel_loop3A_447, %parallel_loop3A_466 : vector<16xi1>
        %parallel_loop3A_468 = arith.cmpi sge, %parallel_loop3A_464, %sub3A_314 : vector<16xi32>
        %parallel_loop3A_469 = arith.andi %parallel_loop3A_467, %parallel_loop3A_468 : vector<16xi1>
        %parallel_loop3A_470 = vector.broadcast %parallel_loop3A_444 : i32 to vector<16xi32>
        %parallel_loop3A_471 = arith.addi %broadcast_in_dim3A_0, %parallel_loop3A_470 : vector<16xi32>
        %parallel_loop3A_472 = arith.select %parallel_loop3A_469, %parallel_loop3A_471, %parallel_loop3A_448 : vector<16xi1>, vector<16xi32>
        %parallel_loop3A_473 = arith.subi %parallel_loop3A_464, %parallel_loop3A_454 : vector<16xi32>
        %parallel_loop3A_474 = arith.select %parallel_loop3A_469, %parallel_loop3A_473, %parallel_loop3A_449 : vector<16xi1>, vector<16xi32>
        %parallel_loop3A_475 = arith.subf %parallel_loop3A_465, %parallel_loop3A_457 : vector<16xf32>
        %parallel_loop3A_476 = arith.select %parallel_loop3A_469, %parallel_loop3A_475, %parallel_loop3A_450 : vector<16xi1>, vector<16xf32>
        %parallel_loop3A_477 = arith.select %parallel_loop3A_469, %parallel_loop3A_454, %parallel_loop3A_451 : vector<16xi1>, vector<16xi32>
        %parallel_loop3A_478 = arith.ori %parallel_loop3A_447, %parallel_loop3A_469 : vector<16xi1>
        scf.yield %parallel_loop3A_464, %parallel_loop3A_465, %parallel_loop3A_478, %parallel_loop3A_472, %parallel_loop3A_474, %parallel_loop3A_476, %parallel_loop3A_477 : vector<16xi32>, vector<16xf32>, vector<16xi1>, vector<16xi32>, vector<16xi32>, vector<16xf32>, vector<16xi32>
      } {sc.loop_unroll_factor = 4 : i64, sc.parallel_access}
      %add3A_364 = arith.addi %add3A_312, %parallel_loop3A_363#4 : vector<16xi32>
      %add3A_365 = arith.addf %add3A_313, %parallel_loop3A_363#5 : vector<16xf32>
      %sub3A_366 = arith.subi %sub3A_314, %parallel_loop3A_363#4 : vector<16xi32>
      %parallel_loop3A_367 = arith.constant 0 : i32
      %parallel_loop3A_368 = arith.constant 1 : i32
      %parallel_loop3A_369 = scf.for %parallel_loop3A_444 = %parallel_loop3A_367 to %reduce_max3A_354 step %parallel_loop3A_368 iter_args(%parallel_loop3A_445 = %broadcast_in_dim3A_0) -> (vector<16xi32>)  : i32 {
        %parallel_loop3A_446 = vector.broadcast %parallel_loop3A_444 : i32 to vector<16xi32>
        %parallel_loop3A_447 = arith.addi %broadcast_in_dim3A_0, %parallel_loop3A_446 : vector<16xi32>
        %parallel_loop3A_448 = arith.cmpi slt, %parallel_loop3A_447, %parallel_loop3A_311#6 : vector<16xi32>
        %parallel_loop3A_449 = arith.index_cast %parallel_loop3A_444 : i32 to index
        %parallel_loop3A_450 = arith.constant 0 : index
        %parallel_loop3A_451 = tpu.vector_load %arg8[%parallel_loop3A_449, %parallel_loop3A_450] {strides = array<i32>} : memref<1024x16xi32, #tpu.memory_space<vmem>>, vector<16xi32>,
        %parallel_loop3A_452 = arith.constant 0 : i32
        %parallel_loop3A_453 = vector.broadcast %parallel_loop3A_452 : i32 to vector<16xi32>
        %parallel_loop3A_454 = arith.select %parallel_loop3A_448, %parallel_loop3A_451, %parallel_loop3A_453 : vector<16xi1>, vector<16xi32>
        %parallel_loop3A_455 = tpu.vector_load_idx %arg4[%add3A_148, %parallel_loop3A_454, %iota3A] : memref<2x1024x16xf32, #tpu.memory_space<vmem>>[vector<16xi32>, vector<16xi32>, vector<16xi32>], vector<16xf32>,
        %parallel_loop3A_456 = tpu.bitcast %parallel_loop3A_455 : vector<16xf32> -> vector<16xi32>
        %parallel_loop3A_457 = arith.constant 0 : i32
        %parallel_loop3A_458 = vector.broadcast %parallel_loop3A_457 : i32 to vector<16xi32>
        %parallel_loop3A_459 = arith.cmpi slt, %parallel_loop3A_456, %parallel_loop3A_458 : vector<16xi32>
        %parallel_loop3A_460 = arith.constant dense<-1> : vector<16xi32>
        %parallel_loop3A_461 = arith.xori %parallel_loop3A_456, %parallel_loop3A_460 : vector<16xi32>
        %parallel_loop3A_462 = arith.constant -2147483648 : i32
        %parallel_loop3A_463 = vector.broadcast %parallel_loop3A_462 : i32 to vector<16xi32>
        %parallel_loop3A_464 = arith.xori %parallel_loop3A_456, %parallel_loop3A_463 : vector<16xi32>
        %parallel_loop3A_465 = arith.select %parallel_loop3A_459, %parallel_loop3A_461, %parallel_loop3A_464 : vector<16xi1>, vector<16xi32>
        %parallel_loop3A_466 = arith.constant 14 : i32
        %parallel_loop3A_467 = vector.broadcast %parallel_loop3A_466 : i32 to vector<16xi32>
        %parallel_loop3A_468 = arith.shrui %parallel_loop3A_465, %parallel_loop3A_467 : vector<16xi32>
        %parallel_loop3A_469 = arith.constant 63 : i32
        %parallel_loop3A_470 = vector.broadcast %parallel_loop3A_469 : i32 to vector<16xi32>
        %parallel_loop3A_471 = arith.andi %parallel_loop3A_468, %parallel_loop3A_470 : vector<16xi32>
        %parallel_loop3A_472 = arith.cmpi eq, %parallel_loop3A_471, %parallel_loop3A_363#3 : vector<16xi32>
        %parallel_loop3A_473 = arith.andi %parallel_loop3A_448, %parallel_loop3A_472 : vector<16xi1>
        tpu.vector_store_idx %arg6[%parallel_loop3A_445, %iota3A], %parallel_loop3A_454 masked %parallel_loop3A_473 : memref<1024x16xi32, #tpu.memory_space<vmem>>[vector<16xi32>, vector<16xi32>], vector<16xi32>, vector<16xi1>
        %parallel_loop3A_474 = arith.constant 1 : i32
        %parallel_loop3A_475 = arith.constant 0 : i32
        %parallel_loop3A_476 = vector.broadcast %parallel_loop3A_474 : i32 to vector<16xi32>
        %parallel_loop3A_477 = vector.broadcast %parallel_loop3A_475 : i32 to vector<16xi32>
        %parallel_loop3A_478 = arith.select %parallel_loop3A_473, %parallel_loop3A_476, %parallel_loop3A_477 : vector<16xi1>, vector<16xi32>
        %parallel_loop3A_479 = arith.addi %parallel_loop3A_445, %parallel_loop3A_478 : vector<16xi32>
        scf.yield %parallel_loop3A_479 : vector<16xi32>
      } {sc.loop_unroll_factor = 4 : i64, sc.parallel_access}
      %shift_left3A = arith.constant 6 : i32
      %shift_left3A_370 = vector.broadcast %shift_left3A : i32 to vector<16xi32>
      %shift_left3A_371 = arith.shli %parallel_loop3A_251#3, %shift_left3A_370 : vector<16xi32>
      %or3A = arith.ori %shift_left3A_371, %parallel_loop3A_286#3 : vector<16xi32>
      %shift_left3A_372 = arith.constant 6 : i32
      %shift_left3A_373 = vector.broadcast %shift_left3A_372 : i32 to vector<16xi32>
      %shift_left3A_374 = arith.shli %or3A, %shift_left3A_373 : vector<16xi32>
      %or3A_375 = arith.ori %shift_left3A_374, %parallel_loop3A_338#3 : vector<16xi32>
      %shift_left3A_376 = arith.constant 14 : i32
      %shift_left3A_377 = vector.broadcast %shift_left3A_376 : i32 to vector<16xi32>
      %shift_left3A_378 = arith.shli %or3A_375, %shift_left3A_377 : vector<16xi32>
      %shift_left3A_379 = arith.constant 6 : i32
      %shift_left3A_380 = vector.broadcast %shift_left3A_379 : i32 to vector<16xi32>
      %shift_left3A_381 = arith.shli %parallel_loop3A_261#3, %shift_left3A_380 : vector<16xi32>
      %or3A_382 = arith.ori %shift_left3A_381, %parallel_loop3A_311#3 : vector<16xi32>
      %shift_left3A_383 = arith.constant 6 : i32
      %shift_left3A_384 = vector.broadcast %shift_left3A_383 : i32 to vector<16xi32>
      %shift_left3A_385 = arith.shli %or3A_382, %shift_left3A_384 : vector<16xi32>
      %or3A_386 = arith.ori %shift_left3A_385, %parallel_loop3A_363#3 : vector<16xi32>
      %shift_left3A_387 = arith.constant 14 : i32
      %shift_left3A_388 = vector.broadcast %shift_left3A_387 : i32 to vector<16xi32>
      %shift_left3A_389 = arith.shli %or3A_386, %shift_left3A_388 : vector<16xi32>
      %reduce_max3A_390 = arith.constant true
      %reduce_max3A_391 = vector.broadcast %reduce_max3A_390 : i1 to vector<16xi1>
      %reduce_max3A_392 = arith.constant -2147483648 : i32
      %reduce_max3A_393 = vector.broadcast %reduce_max3A_392 : i32 to vector<16xi32>
      %reduce_max3A_394 = arith.xori %parallel_loop3A_338#6, %reduce_max3A_393 : vector<16xi32>
      %reduce_max3A_395 = tpu.scan <max>, %reduce_max3A_394 masked %reduce_max3A_391 : vector<16xi32>, vector<16xi1> -> vector<16xi32>
      %reduce_max3A_396 = arith.xori %reduce_max3A_395, %reduce_max3A_393 : vector<16xi32>
      %reduce_max3A_397 = vector.extract %reduce_max3A_396[15] : i32 from vector<16xi32>
      %reduce_max3A_398 = arith.constant true
      %reduce_max3A_399 = vector.broadcast %reduce_max3A_398 : i1 to vector<16xi1>
      %reduce_max3A_400 = arith.constant -2147483648 : i32
      %reduce_max3A_401 = vector.broadcast %reduce_max3A_400 : i32 to vector<16xi32>
      %reduce_max3A_402 = arith.xori %parallel_loop3A_363#6, %reduce_max3A_401 : vector<16xi32>
      %reduce_max3A_403 = tpu.scan <max>, %reduce_max3A_402 masked %reduce_max3A_399 : vector<16xi32>, vector<16xi1> -> vector<16xi32>
      %reduce_max3A_404 = arith.xori %reduce_max3A_403, %reduce_max3A_401 : vector<16xi32>
      %reduce_max3A_405 = vector.extract %reduce_max3A_404[15] : i32 from vector<16xi32>
      %eq3A_406 = arith.constant 1 : i32
      %eq3A_407 = arith.cmpi eq, %reduce_max3A_397, %eq3A_406 : i32
      %convert_element_type3A = arith.extui %eq3A_407 : i1 to i32
      %cond3A = arith.constant 0 : i32
      %cond3A_408 = arith.constant 0 : i32
      %cond3A_409 = arith.cmpi ne, %convert_element_type3A, %cond3A_408 : i32
      %cond3A_410 = scf.if %cond3A_409 -> (vector<16xf32>) {
        %add3A_444 = arith.constant 0 : i32
        %add3A_445 = vector.broadcast %add3A_444 : i32 to vector<16xi32>
        %add3A_446 = arith.addi %broadcast_in_dim3A_0, %add3A_445 : vector<16xi32>
        %lt3A_447 = arith.cmpi slt, %add3A_446, %parallel_loop3A_338#6 : vector<16xi32>
        %get3A = arith.constant 0 : i32
        %get3A_448 = arith.index_cast %get3A : i32 to index
        %get3A_449 = arith.constant 0 : index
        %get3A_450 = tpu.vector_load %arg5[%get3A_448, %get3A_449] {strides = array<i32>} : memref<1024x16xi32, #tpu.memory_space<vmem>>, vector<16xi32>,
        %jit3A_451 = arith.constant 0 : i32
        %broadcast_in_dim3A_452 = vector.broadcast %jit3A_451 : i32 to vector<16xi32>
        %select_n3A_453 = arith.select %lt3A_447, %get3A_450, %broadcast_in_dim3A_452 : vector<16xi1>, vector<16xi32>
        %gather3A = tpu.vector_load_idx %arg4[%add3A_148, %select_n3A_453, %iota3A] : memref<2x1024x16xf32, #tpu.memory_space<vmem>>[vector<16xi32>, vector<16xi32>, vector<16xi32>], vector<16xf32>,
        %add3A_454 = arith.addf %add3A_342, %gather3A : vector<16xf32>
        scf.yield %add3A_454 : vector<16xf32>
      } else {
        %scan3A_444 = arith.constant 0 : i32
        %scan3A_445 = arith.constant 14 : i32
        %scan3A_446 = arith.addi %scan3A_444, %scan3A_445 : i32
        %scan3A_447 = arith.constant 1 : i32
        %scan3A_448 = scf.for %scan3A_465 = %scan3A_444 to %scan3A_446 step %scan3A_447 iter_args(%scan3A_466 = %shift_left3A_378) -> (vector<16xi32>)  : i32 {
          %shift_right_arithmetic3A = arith.constant 8192 : i32
          %shift_right_arithmetic3A_467 = arith.shrsi %shift_right_arithmetic3A, %scan3A_465 : i32
          %or3A_468 = vector.broadcast %shift_right_arithmetic3A_467 : i32 to vector<16xi32>
          %or3A_469 = arith.ori %scan3A_466, %or3A_468 : vector<16xi32>
          %parallel_loop3A_470 = arith.constant 0 : i32
          %parallel_loop3A_471 = arith.constant 1 : i32
          %parallel_loop3A_472 = scf.for %parallel_loop3A_474 = %parallel_loop3A_470 to %reduce_max3A_397 step %parallel_loop3A_471 iter_args(%parallel_loop3A_475 = %broadcast_in_dim3A_0) -> (vector<16xi32>)  : i32 {
            %parallel_loop3A_476 = vector.broadcast %parallel_loop3A_474 : i32 to vector<16xi32>
            %parallel_loop3A_477 = arith.addi %broadcast_in_dim3A_0, %parallel_loop3A_476 : vector<16xi32>
            %parallel_loop3A_478 = arith.cmpi slt, %parallel_loop3A_477, %parallel_loop3A_338#6 : vector<16xi32>
            %parallel_loop3A_479 = arith.index_cast %parallel_loop3A_474 : i32 to index
            %parallel_loop3A_480 = arith.constant 0 : index
            %parallel_loop3A_481 = tpu.vector_load %arg5[%parallel_loop3A_479, %parallel_loop3A_480] {strides = array<i32>} : memref<1024x16xi32, #tpu.memory_space<vmem>>, vector<16xi32>,
            %parallel_loop3A_482 = arith.constant 0 : i32
            %parallel_loop3A_483 = vector.broadcast %parallel_loop3A_482 : i32 to vector<16xi32>
            %parallel_loop3A_484 = arith.select %parallel_loop3A_478, %parallel_loop3A_481, %parallel_loop3A_483 : vector<16xi1>, vector<16xi32>
            %parallel_loop3A_485 = tpu.vector_load_idx %arg4[%add3A_148, %parallel_loop3A_484, %iota3A] : memref<2x1024x16xf32, #tpu.memory_space<vmem>>[vector<16xi32>, vector<16xi32>, vector<16xi32>], vector<16xf32>,
            %parallel_loop3A_486 = tpu.bitcast %parallel_loop3A_485 : vector<16xf32> -> vector<16xi32>
            %parallel_loop3A_487 = arith.constant 0 : i32
            %parallel_loop3A_488 = vector.broadcast %parallel_loop3A_487 : i32 to vector<16xi32>
            %parallel_loop3A_489 = arith.cmpi slt, %parallel_loop3A_486, %parallel_loop3A_488 : vector<16xi32>
            %parallel_loop3A_490 = arith.constant dense<-1> : vector<16xi32>
            %parallel_loop3A_491 = arith.xori %parallel_loop3A_486, %parallel_loop3A_490 : vector<16xi32>
            %parallel_loop3A_492 = arith.constant -2147483648 : i32
            %parallel_loop3A_493 = vector.broadcast %parallel_loop3A_492 : i32 to vector<16xi32>
            %parallel_loop3A_494 = arith.xori %parallel_loop3A_486, %parallel_loop3A_493 : vector<16xi32>
            %parallel_loop3A_495 = arith.select %parallel_loop3A_489, %parallel_loop3A_491, %parallel_loop3A_494 : vector<16xi1>, vector<16xi32>
            %parallel_loop3A_496 = arith.cmpi sge, %parallel_loop3A_495, %or3A_469 : vector<16xi32>
            %parallel_loop3A_497 = arith.andi %parallel_loop3A_478, %parallel_loop3A_496 : vector<16xi1>
            %parallel_loop3A_498 = arith.constant 1 : i32
            %parallel_loop3A_499 = arith.constant 0 : i32
            %parallel_loop3A_500 = vector.broadcast %parallel_loop3A_498 : i32 to vector<16xi32>
            %parallel_loop3A_501 = vector.broadcast %parallel_loop3A_499 : i32 to vector<16xi32>
            %parallel_loop3A_502 = arith.select %parallel_loop3A_497, %parallel_loop3A_500, %parallel_loop3A_501 : vector<16xi1>, vector<16xi32>
            %parallel_loop3A_503 = arith.addi %parallel_loop3A_475, %parallel_loop3A_502 : vector<16xi32>
            scf.yield %parallel_loop3A_503 : vector<16xi32>
          } {sc.loop_unroll_factor = 4 : i64, sc.parallel_access}
          %ge3A = arith.cmpi sge, %parallel_loop3A_472, %sub3A_343 : vector<16xi32>
          %select_n3A_473 = arith.select %ge3A, %or3A_469, %scan3A_466 : vector<16xi1>, vector<16xi32>
          scf.yield %select_n3A_473 : vector<16xi32>
        }
        %scan3A_449 = arith.constant 14 : i32
        %parallel_loop3A_450 = arith.constant 0 : i32
        %parallel_loop3A_451 = arith.constant 1 : i32
        %parallel_loop3A_452:2 = scf.for %parallel_loop3A_465 = %parallel_loop3A_450 to %reduce_max3A_397 step %parallel_loop3A_451 iter_args(%parallel_loop3A_466 = %broadcast_in_dim3A_0, %parallel_loop3A_467 = %broadcast_in_dim3A_2) -> (vector<16xi32>, vector<16xf32>)  : i32 {
          %parallel_loop3A_468 = vector.broadcast %parallel_loop3A_465 : i32 to vector<16xi32>
          %parallel_loop3A_469 = arith.addi %broadcast_in_dim3A_0, %parallel_loop3A_468 : vector<16xi32>
          %parallel_loop3A_470 = arith.cmpi slt, %parallel_loop3A_469, %parallel_loop3A_338#6 : vector<16xi32>
          %parallel_loop3A_471 = arith.index_cast %parallel_loop3A_465 : i32 to index
          %parallel_loop3A_472 = arith.constant 0 : index
          %parallel_loop3A_473 = tpu.vector_load %arg5[%parallel_loop3A_471, %parallel_loop3A_472] {strides = array<i32>} : memref<1024x16xi32, #tpu.memory_space<vmem>>, vector<16xi32>,
          %parallel_loop3A_474 = arith.constant 0 : i32
          %parallel_loop3A_475 = vector.broadcast %parallel_loop3A_474 : i32 to vector<16xi32>
          %parallel_loop3A_476 = arith.select %parallel_loop3A_470, %parallel_loop3A_473, %parallel_loop3A_475 : vector<16xi1>, vector<16xi32>
          %parallel_loop3A_477 = tpu.vector_load_idx %arg4[%add3A_148, %parallel_loop3A_476, %iota3A] : memref<2x1024x16xf32, #tpu.memory_space<vmem>>[vector<16xi32>, vector<16xi32>, vector<16xi32>], vector<16xf32>,
          %parallel_loop3A_478 = tpu.bitcast %parallel_loop3A_477 : vector<16xf32> -> vector<16xi32>
          %parallel_loop3A_479 = arith.constant 0 : i32
          %parallel_loop3A_480 = vector.broadcast %parallel_loop3A_479 : i32 to vector<16xi32>
          %parallel_loop3A_481 = arith.cmpi slt, %parallel_loop3A_478, %parallel_loop3A_480 : vector<16xi32>
          %parallel_loop3A_482 = arith.constant dense<-1> : vector<16xi32>
          %parallel_loop3A_483 = arith.xori %parallel_loop3A_478, %parallel_loop3A_482 : vector<16xi32>
          %parallel_loop3A_484 = arith.constant -2147483648 : i32
          %parallel_loop3A_485 = vector.broadcast %parallel_loop3A_484 : i32 to vector<16xi32>
          %parallel_loop3A_486 = arith.xori %parallel_loop3A_478, %parallel_loop3A_485 : vector<16xi32>
          %parallel_loop3A_487 = arith.select %parallel_loop3A_481, %parallel_loop3A_483, %parallel_loop3A_486 : vector<16xi1>, vector<16xi32>
          %parallel_loop3A_488 = arith.cmpi sgt, %parallel_loop3A_487, %scan3A_448 : vector<16xi32>
          %parallel_loop3A_489 = arith.andi %parallel_loop3A_470, %parallel_loop3A_488 : vector<16xi1>
          %parallel_loop3A_490 = arith.constant 1 : i32
          %parallel_loop3A_491 = arith.constant 0 : i32
          %parallel_loop3A_492 = vector.broadcast %parallel_loop3A_490 : i32 to vector<16xi32>
          %parallel_loop3A_493 = vector.broadcast %parallel_loop3A_491 : i32 to vector<16xi32>
          %parallel_loop3A_494 = arith.select %parallel_loop3A_489, %parallel_loop3A_492, %parallel_loop3A_493 : vector<16xi1>, vector<16xi32>
          %parallel_loop3A_495 = arith.addi %parallel_loop3A_466, %parallel_loop3A_494 : vector<16xi32>
          %parallel_loop3A_496 = arith.constant 0.000000e+00 : f32
          %parallel_loop3A_497 = vector.broadcast %parallel_loop3A_496 : f32 to vector<16xf32>
          %parallel_loop3A_498 = arith.select %parallel_loop3A_489, %parallel_loop3A_477, %parallel_loop3A_497 : vector<16xi1>, vector<16xf32>
          %parallel_loop3A_499 = arith.addf %parallel_loop3A_467, %parallel_loop3A_498 : vector<16xf32>
          scf.yield %parallel_loop3A_495, %parallel_loop3A_499 : vector<16xi32>, vector<16xf32>
        } {sc.loop_unroll_factor = 4 : i64, sc.parallel_access}
        %add3A_453 = arith.addf %add3A_342, %parallel_loop3A_452#1 : vector<16xf32>
        %sub3A_454 = arith.subi %sub3A_343, %parallel_loop3A_452#0 : vector<16xi32>
        %convert_element_type3A_455 = arith.sitofp %sub3A_454 : vector<16xi32> to vector<16xf32>
        %lt3A_456 = arith.constant 0 : i32
        %lt3A_457 = vector.broadcast %lt3A_456 : i32 to vector<16xi32>
        %lt3A_458 = arith.cmpi slt, %scan3A_448, %lt3A_457 : vector<16xi32>
        %xor3A = arith.constant -2147483648 : i32
        %xor3A_459 = vector.broadcast %xor3A : i32 to vector<16xi32>
        %xor3A_460 = arith.xori %scan3A_448, %xor3A_459 : vector<16xi32>
        %not3A = arith.constant dense<-1> : vector<16xi32>
        %not3A_461 = arith.xori %scan3A_448, %not3A : vector<16xi32>
        %select_n3A_462 = arith.select %lt3A_458, %xor3A_460, %not3A_461 : vector<16xi1>, vector<16xi32>
        %bitcast_convert_type3A = tpu.bitcast %select_n3A_462 : vector<16xi32> -> vector<16xf32>
        %mul3A_463 = arith.mulf %convert_element_type3A_455, %bitcast_convert_type3A : vector<16xf32>
        %add3A_464 = arith.addf %add3A_453, %mul3A_463 : vector<16xf32>
        scf.yield %add3A_464 : vector<16xf32>
      }
      %eq3A_411 = arith.constant 1 : i32
      %eq3A_412 = arith.cmpi eq, %reduce_max3A_405, %eq3A_411 : i32
      %convert_element_type3A_413 = arith.extui %eq3A_412 : i1 to i32
      %cond3A_414 = arith.constant 0 : i32
      %cond3A_415 = arith.constant 0 : i32
      %cond3A_416 = arith.cmpi ne, %convert_element_type3A_413, %cond3A_415 : i32
      %cond3A_417 = scf.if %cond3A_416 -> (vector<16xf32>) {
        %add3A_444 = arith.constant 0 : i32
        %add3A_445 = vector.broadcast %add3A_444 : i32 to vector<16xi32>
        %add3A_446 = arith.addi %broadcast_in_dim3A_0, %add3A_445 : vector<16xi32>
        %lt3A_447 = arith.cmpi slt, %add3A_446, %parallel_loop3A_363#6 : vector<16xi32>
        %get3A = arith.constant 0 : i32
        %get3A_448 = arith.index_cast %get3A : i32 to index
        %get3A_449 = arith.constant 0 : index
        %get3A_450 = tpu.vector_load %arg6[%get3A_448, %get3A_449] {strides = array<i32>} : memref<1024x16xi32, #tpu.memory_space<vmem>>, vector<16xi32>,
        %jit3A_451 = arith.constant 0 : i32
        %broadcast_in_dim3A_452 = vector.broadcast %jit3A_451 : i32 to vector<16xi32>
        %select_n3A_453 = arith.select %lt3A_447, %get3A_450, %broadcast_in_dim3A_452 : vector<16xi1>, vector<16xi32>
        %gather3A = tpu.vector_load_idx %arg4[%add3A_148, %select_n3A_453, %iota3A] : memref<2x1024x16xf32, #tpu.memory_space<vmem>>[vector<16xi32>, vector<16xi32>, vector<16xi32>], vector<16xf32>,
        %add3A_454 = arith.addf %add3A_365, %gather3A : vector<16xf32>
        scf.yield %add3A_454 : vector<16xf32>
      } else {
        %sub3A_444 = arith.subi %parallel_loop3A_363#6, %sub3A_366 : vector<16xi32>
        %add3A_445 = arith.constant 1 : i32
        %add3A_446 = vector.broadcast %add3A_445 : i32 to vector<16xi32>
        %add3A_447 = arith.addi %sub3A_444, %add3A_446 : vector<16xi32>
        %scan3A_448 = arith.constant 0 : i32
        %scan3A_449 = arith.constant 14 : i32
        %scan3A_450 = arith.addi %scan3A_448, %scan3A_449 : i32
        %scan3A_451 = arith.constant 1 : i32
        %scan3A_452 = scf.for %scan3A_472 = %scan3A_448 to %scan3A_450 step %scan3A_451 iter_args(%scan3A_473 = %shift_left3A_389) -> (vector<16xi32>)  : i32 {
          %shift_right_arithmetic3A = arith.constant 8192 : i32
          %shift_right_arithmetic3A_474 = arith.shrsi %shift_right_arithmetic3A, %scan3A_472 : i32
          %or3A_475 = vector.broadcast %shift_right_arithmetic3A_474 : i32 to vector<16xi32>
          %or3A_476 = arith.ori %scan3A_473, %or3A_475 : vector<16xi32>
          %parallel_loop3A_477 = arith.constant 0 : i32
          %parallel_loop3A_478 = arith.constant 1 : i32
          %parallel_loop3A_479 = scf.for %parallel_loop3A_481 = %parallel_loop3A_477 to %reduce_max3A_405 step %parallel_loop3A_478 iter_args(%parallel_loop3A_482 = %broadcast_in_dim3A_0) -> (vector<16xi32>)  : i32 {
            %parallel_loop3A_483 = vector.broadcast %parallel_loop3A_481 : i32 to vector<16xi32>
            %parallel_loop3A_484 = arith.addi %broadcast_in_dim3A_0, %parallel_loop3A_483 : vector<16xi32>
            %parallel_loop3A_485 = arith.cmpi slt, %parallel_loop3A_484, %parallel_loop3A_363#6 : vector<16xi32>
            %parallel_loop3A_486 = arith.index_cast %parallel_loop3A_481 : i32 to index
            %parallel_loop3A_487 = arith.constant 0 : index
            %parallel_loop3A_488 = tpu.vector_load %arg6[%parallel_loop3A_486, %parallel_loop3A_487] {strides = array<i32>} : memref<1024x16xi32, #tpu.memory_space<vmem>>, vector<16xi32>,
            %parallel_loop3A_489 = arith.constant 0 : i32
            %parallel_loop3A_490 = vector.broadcast %parallel_loop3A_489 : i32 to vector<16xi32>
            %parallel_loop3A_491 = arith.select %parallel_loop3A_485, %parallel_loop3A_488, %parallel_loop3A_490 : vector<16xi1>, vector<16xi32>
            %parallel_loop3A_492 = tpu.vector_load_idx %arg4[%add3A_148, %parallel_loop3A_491, %iota3A] : memref<2x1024x16xf32, #tpu.memory_space<vmem>>[vector<16xi32>, vector<16xi32>, vector<16xi32>], vector<16xf32>,
            %parallel_loop3A_493 = tpu.bitcast %parallel_loop3A_492 : vector<16xf32> -> vector<16xi32>
            %parallel_loop3A_494 = arith.constant 0 : i32
            %parallel_loop3A_495 = vector.broadcast %parallel_loop3A_494 : i32 to vector<16xi32>
            %parallel_loop3A_496 = arith.cmpi slt, %parallel_loop3A_493, %parallel_loop3A_495 : vector<16xi32>
            %parallel_loop3A_497 = arith.constant dense<-1> : vector<16xi32>
            %parallel_loop3A_498 = arith.xori %parallel_loop3A_493, %parallel_loop3A_497 : vector<16xi32>
            %parallel_loop3A_499 = arith.constant -2147483648 : i32
            %parallel_loop3A_500 = vector.broadcast %parallel_loop3A_499 : i32 to vector<16xi32>
            %parallel_loop3A_501 = arith.xori %parallel_loop3A_493, %parallel_loop3A_500 : vector<16xi32>
            %parallel_loop3A_502 = arith.select %parallel_loop3A_496, %parallel_loop3A_498, %parallel_loop3A_501 : vector<16xi1>, vector<16xi32>
            %parallel_loop3A_503 = arith.cmpi sge, %parallel_loop3A_502, %or3A_476 : vector<16xi32>
            %parallel_loop3A_504 = arith.andi %parallel_loop3A_485, %parallel_loop3A_503 : vector<16xi1>
            %parallel_loop3A_505 = arith.constant 1 : i32
            %parallel_loop3A_506 = arith.constant 0 : i32
            %parallel_loop3A_507 = vector.broadcast %parallel_loop3A_505 : i32 to vector<16xi32>
            %parallel_loop3A_508 = vector.broadcast %parallel_loop3A_506 : i32 to vector<16xi32>
            %parallel_loop3A_509 = arith.select %parallel_loop3A_504, %parallel_loop3A_507, %parallel_loop3A_508 : vector<16xi1>, vector<16xi32>
            %parallel_loop3A_510 = arith.addi %parallel_loop3A_482, %parallel_loop3A_509 : vector<16xi32>
            scf.yield %parallel_loop3A_510 : vector<16xi32>
          } {sc.loop_unroll_factor = 4 : i64, sc.parallel_access}
          %ge3A = arith.cmpi sge, %parallel_loop3A_479, %add3A_447 : vector<16xi32>
          %select_n3A_480 = arith.select %ge3A, %or3A_476, %scan3A_473 : vector<16xi1>, vector<16xi32>
          scf.yield %select_n3A_480 : vector<16xi32>
        }
        %scan3A_453 = arith.constant 14 : i32
        %parallel_loop3A_454 = arith.constant 0 : i32
        %parallel_loop3A_455 = arith.constant 1 : i32
        %parallel_loop3A_456:2 = scf.for %parallel_loop3A_472 = %parallel_loop3A_454 to %reduce_max3A_405 step %parallel_loop3A_455 iter_args(%parallel_loop3A_473 = %broadcast_in_dim3A_0, %parallel_loop3A_474 = %broadcast_in_dim3A_2) -> (vector<16xi32>, vector<16xf32>)  : i32 {
          %parallel_loop3A_475 = vector.broadcast %parallel_loop3A_472 : i32 to vector<16xi32>
          %parallel_loop3A_476 = arith.addi %broadcast_in_dim3A_0, %parallel_loop3A_475 : vector<16xi32>
          %parallel_loop3A_477 = arith.cmpi slt, %parallel_loop3A_476, %parallel_loop3A_363#6 : vector<16xi32>
          %parallel_loop3A_478 = arith.index_cast %parallel_loop3A_472 : i32 to index
          %parallel_loop3A_479 = arith.constant 0 : index
          %parallel_loop3A_480 = tpu.vector_load %arg6[%parallel_loop3A_478, %parallel_loop3A_479] {strides = array<i32>} : memref<1024x16xi32, #tpu.memory_space<vmem>>, vector<16xi32>,
          %parallel_loop3A_481 = arith.constant 0 : i32
          %parallel_loop3A_482 = vector.broadcast %parallel_loop3A_481 : i32 to vector<16xi32>
          %parallel_loop3A_483 = arith.select %parallel_loop3A_477, %parallel_loop3A_480, %parallel_loop3A_482 : vector<16xi1>, vector<16xi32>
          %parallel_loop3A_484 = tpu.vector_load_idx %arg4[%add3A_148, %parallel_loop3A_483, %iota3A] : memref<2x1024x16xf32, #tpu.memory_space<vmem>>[vector<16xi32>, vector<16xi32>, vector<16xi32>], vector<16xf32>,
          %parallel_loop3A_485 = tpu.bitcast %parallel_loop3A_484 : vector<16xf32> -> vector<16xi32>
          %parallel_loop3A_486 = arith.constant 0 : i32
          %parallel_loop3A_487 = vector.broadcast %parallel_loop3A_486 : i32 to vector<16xi32>
          %parallel_loop3A_488 = arith.cmpi slt, %parallel_loop3A_485, %parallel_loop3A_487 : vector<16xi32>
          %parallel_loop3A_489 = arith.constant dense<-1> : vector<16xi32>
          %parallel_loop3A_490 = arith.xori %parallel_loop3A_485, %parallel_loop3A_489 : vector<16xi32>
          %parallel_loop3A_491 = arith.constant -2147483648 : i32
          %parallel_loop3A_492 = vector.broadcast %parallel_loop3A_491 : i32 to vector<16xi32>
          %parallel_loop3A_493 = arith.xori %parallel_loop3A_485, %parallel_loop3A_492 : vector<16xi32>
          %parallel_loop3A_494 = arith.select %parallel_loop3A_488, %parallel_loop3A_490, %parallel_loop3A_493 : vector<16xi1>, vector<16xi32>
          %parallel_loop3A_495 = arith.cmpi sgt, %parallel_loop3A_494, %scan3A_452 : vector<16xi32>
          %parallel_loop3A_496 = arith.andi %parallel_loop3A_477, %parallel_loop3A_495 : vector<16xi1>
          %parallel_loop3A_497 = arith.constant 1 : i32
          %parallel_loop3A_498 = arith.constant 0 : i32
          %parallel_loop3A_499 = vector.broadcast %parallel_loop3A_497 : i32 to vector<16xi32>
          %parallel_loop3A_500 = vector.broadcast %parallel_loop3A_498 : i32 to vector<16xi32>
          %parallel_loop3A_501 = arith.select %parallel_loop3A_496, %parallel_loop3A_499, %parallel_loop3A_500 : vector<16xi1>, vector<16xi32>
          %parallel_loop3A_502 = arith.addi %parallel_loop3A_473, %parallel_loop3A_501 : vector<16xi32>
          %parallel_loop3A_503 = arith.constant 0.000000e+00 : f32
          %parallel_loop3A_504 = vector.broadcast %parallel_loop3A_503 : f32 to vector<16xf32>
          %parallel_loop3A_505 = arith.select %parallel_loop3A_496, %parallel_loop3A_484, %parallel_loop3A_504 : vector<16xi1>, vector<16xf32>
          %parallel_loop3A_506 = arith.addf %parallel_loop3A_474, %parallel_loop3A_505 : vector<16xf32>
          scf.yield %parallel_loop3A_502, %parallel_loop3A_506 : vector<16xi32>, vector<16xf32>
        } {sc.loop_unroll_factor = 4 : i64, sc.parallel_access}
        %parallel_loop3A_457 = arith.constant 0 : i32
        %parallel_loop3A_458 = arith.constant 1 : i32
        %parallel_loop3A_459:2 = scf.for %parallel_loop3A_472 = %parallel_loop3A_457 to %reduce_max3A_405 step %parallel_loop3A_458 iter_args(%parallel_loop3A_473 = %broadcast_in_dim3A_0, %parallel_loop3A_474 = %broadcast_in_dim3A_2) -> (vector<16xi32>, vector<16xf32>)  : i32 {
          %parallel_loop3A_475 = vector.broadcast %parallel_loop3A_472 : i32 to vector<16xi32>
          %parallel_loop3A_476 = arith.addi %broadcast_in_dim3A_0, %parallel_loop3A_475 : vector<16xi32>
          %parallel_loop3A_477 = arith.cmpi slt, %parallel_loop3A_476, %parallel_loop3A_363#6 : vector<16xi32>
          %parallel_loop3A_478 = arith.index_cast %parallel_loop3A_472 : i32 to index
          %parallel_loop3A_479 = arith.constant 0 : index
          %parallel_loop3A_480 = tpu.vector_load %arg6[%parallel_loop3A_478, %parallel_loop3A_479] {strides = array<i32>} : memref<1024x16xi32, #tpu.memory_space<vmem>>, vector<16xi32>,
          %parallel_loop3A_481 = arith.constant 0 : i32
          %parallel_loop3A_482 = vector.broadcast %parallel_loop3A_481 : i32 to vector<16xi32>
          %parallel_loop3A_483 = arith.select %parallel_loop3A_477, %parallel_loop3A_480, %parallel_loop3A_482 : vector<16xi1>, vector<16xi32>
          %parallel_loop3A_484 = tpu.vector_load_idx %arg4[%add3A_148, %parallel_loop3A_483, %iota3A] : memref<2x1024x16xf32, #tpu.memory_space<vmem>>[vector<16xi32>, vector<16xi32>, vector<16xi32>], vector<16xf32>,
          %parallel_loop3A_485 = tpu.bitcast %parallel_loop3A_484 : vector<16xf32> -> vector<16xi32>
          %parallel_loop3A_486 = arith.constant 0 : i32
          %parallel_loop3A_487 = vector.broadcast %parallel_loop3A_486 : i32 to vector<16xi32>
          %parallel_loop3A_488 = arith.cmpi slt, %parallel_loop3A_485, %parallel_loop3A_487 : vector<16xi32>
          %parallel_loop3A_489 = arith.constant dense<-1> : vector<16xi32>
          %parallel_loop3A_490 = arith.xori %parallel_loop3A_485, %parallel_loop3A_489 : vector<16xi32>
          %parallel_loop3A_491 = arith.constant -2147483648 : i32
          %parallel_loop3A_492 = vector.broadcast %parallel_loop3A_491 : i32 to vector<16xi32>
          %parallel_loop3A_493 = arith.xori %parallel_loop3A_485, %parallel_loop3A_492 : vector<16xi32>
          %parallel_loop3A_494 = arith.select %parallel_loop3A_488, %parallel_loop3A_490, %parallel_loop3A_493 : vector<16xi1>, vector<16xi32>
          %parallel_loop3A_495 = arith.cmpi slt, %parallel_loop3A_494, %scan3A_452 : vector<16xi32>
          %parallel_loop3A_496 = arith.andi %parallel_loop3A_477, %parallel_loop3A_495 : vector<16xi1>
          %parallel_loop3A_497 = arith.constant 1 : i32
          %parallel_loop3A_498 = arith.constant 0 : i32
          %parallel_loop3A_499 = vector.broadcast %parallel_loop3A_497 : i32 to vector<16xi32>
          %parallel_loop3A_500 = vector.broadcast %parallel_loop3A_498 : i32 to vector<16xi32>
          %parallel_loop3A_501 = arith.select %parallel_loop3A_496, %parallel_loop3A_499, %parallel_loop3A_500 : vector<16xi1>, vector<16xi32>
          %parallel_loop3A_502 = arith.addi %parallel_loop3A_473, %parallel_loop3A_501 : vector<16xi32>
          %parallel_loop3A_503 = arith.constant 0.000000e+00 : f32
          %parallel_loop3A_504 = vector.broadcast %parallel_loop3A_503 : f32 to vector<16xf32>
          %parallel_loop3A_505 = arith.select %parallel_loop3A_496, %parallel_loop3A_484, %parallel_loop3A_504 : vector<16xi1>, vector<16xf32>
          %parallel_loop3A_506 = arith.addf %parallel_loop3A_474, %parallel_loop3A_505 : vector<16xf32>
          scf.yield %parallel_loop3A_502, %parallel_loop3A_506 : vector<16xi32>, vector<16xf32>
        } {sc.loop_unroll_factor = 4 : i64, sc.parallel_access}
        %add3A_460 = arith.addf %add3A_365, %parallel_loop3A_459#1 : vector<16xf32>
        %sub3A_461 = arith.subi %sub3A_366, %parallel_loop3A_459#0 : vector<16xi32>
        %convert_element_type3A_462 = arith.sitofp %sub3A_461 : vector<16xi32> to vector<16xf32>
        %lt3A_463 = arith.constant 0 : i32
        %lt3A_464 = vector.broadcast %lt3A_463 : i32 to vector<16xi32>
        %lt3A_465 = arith.cmpi slt, %scan3A_452, %lt3A_464 : vector<16xi32>
        %xor3A = arith.constant -2147483648 : i32
        %xor3A_466 = vector.broadcast %xor3A : i32 to vector<16xi32>
        %xor3A_467 = arith.xori %scan3A_452, %xor3A_466 : vector<16xi32>
        %not3A = arith.constant dense<-1> : vector<16xi32>
        %not3A_468 = arith.xori %scan3A_452, %not3A : vector<16xi32>
        %select_n3A_469 = arith.select %lt3A_465, %xor3A_467, %not3A_468 : vector<16xi1>, vector<16xi32>
        %bitcast_convert_type3A = tpu.bitcast %select_n3A_469 : vector<16xi32> -> vector<16xf32>
        %mul3A_470 = arith.mulf %convert_element_type3A_462, %bitcast_convert_type3A : vector<16xf32>
        %add3A_471 = arith.addf %add3A_460, %mul3A_470 : vector<16xf32>
        scf.yield %add3A_471 : vector<16xf32>
      }
      %div3A_418 = arith.constant 2.050000e+02 : f32
      %div3A_419 = vector.broadcast %div3A_418 : f32 to vector<16xf32>
      %div3A_420 = arith.divf %cond3A_410, %div3A_419 : vector<16xf32>
      %mul3A_421 = arith.constant 0.699999988 : f32
      %mul3A_422 = vector.broadcast %mul3A_421 : f32 to vector<16xf32>
      %mul3A_423 = arith.mulf %cond3A_417, %mul3A_422 : vector<16xf32>
      %div3A_424 = arith.constant 2.050000e+02 : f32
      %div3A_425 = vector.broadcast %div3A_424 : f32 to vector<16xf32>
      %div3A_426 = arith.divf %mul3A_423, %div3A_425 : vector<16xf32>
      %add3A_427 = arith.addf %div3A_420, %div3A_426 : vector<16xf32>
      %mul3A_428 = arith.constant 5.000000e-01 : f32
      %mul3A_429 = vector.broadcast %mul3A_428 : f32 to vector<16xf32>
      %mul3A_430 = arith.mulf %add3A_427, %mul3A_429 : vector<16xf32>
      %swap3A = arith.index_cast %scan3A_98 : i32 to index
      %swap3A_431 = arith.constant 0 : index
      %swap3A_432 = tpu.vector_load %arg11[%swap3A, %swap3A_431] {strides = array<i32>} : memref<24x16xf32, #tpu.memory_space<vmem>>, vector<16xf32>,
      tpu.vector_store %arg11[%swap3A, %swap3A_431], %mul3A_430 {strides = array<i32>} : memref<24x16xf32, #tpu.memory_space<vmem>>, vector<16xf32>,
      %dma_start3A_433 = arith.constant 0 : i32
      %dma_start3A_434 = tpu.memref_slice %arg11[%scan3A_98, %dma_start3A_433] : memref<24x16xf32, #tpu.memory_space<vmem>> -> memref<1x16xf32, #tpu.memory_space<vmem>>
      %dma_start3A_435 = tpu.memref_squeeze %dma_start3A_434 : memref<1x16xf32, #tpu.memory_space<vmem>> -> memref<16xf32, #tpu.memory_space<vmem>>
      %dma_start3A_436 = tpu.memref_slice %arg3[%select_n3A_126, %mul3A_144] : memref<16x768xf32, #tpu.memory_space<hbm>> -> memref<1x16xf32, #tpu.memory_space<hbm>>
      %dma_start3A_437 = tpu.memref_squeeze %dma_start3A_436 : memref<1x16xf32, #tpu.memory_space<hbm>> -> memref<16xf32, #tpu.memory_space<hbm>>
      %dma_start3A_438 = tpu.memref_slice %arg3[%select_n3A_126, %mul3A_144] : memref<16x768xf32, #tpu.memory_space<hbm>> -> memref<1x16xf32, #tpu.memory_space<hbm>>
      %dma_start3A_439 = tpu.memref_squeeze %dma_start3A_438 : memref<1x16xf32, #tpu.memory_space<hbm>> -> memref<16xf32, #tpu.memory_space<hbm>>
      %dma_start3A_440 = arith.constant 0 : i32
      %dma_start3A_441 = tpu.memref_slice %arg11[%scan3A_98, %dma_start3A_440] : memref<24x16xf32, #tpu.memory_space<vmem>> -> memref<1x16xf32, #tpu.memory_space<vmem>>
      %dma_start3A_442 = tpu.memref_squeeze %dma_start3A_441 : memref<1x16xf32, #tpu.memory_space<vmem>> -> memref<16xf32, #tpu.memory_space<vmem>>
      tpu.enqueue_dma source(%dma_start3A_442 : memref<16xf32, #tpu.memory_space<vmem>>) target(%dma_start3A_439 : memref<16xf32, #tpu.memory_space<hbm>>) target_semaphore(%arg13 : memref<!tpu.dma_semaphore, #tpu.memory_space<semaphore_mem>>)
      %scan3A_443 = arith.constant 0 : i32
      scf.yield %scan3A_443 : i32
    }
    %scan3A_71 = arith.constant 24 : i32
    %rem3A_72 = arith.constant 24 : i32
    %rem3A_73 = arith.constant 2 : i32
    %rem3A_74 = arith.remsi %rem3A_72, %rem3A_73 : i32
    %dma_wait3A = arith.constant 0 : i32
    %dma_wait3A_75 = arith.constant 0 : i32
    %dma_wait3A_76 = arith.constant 0 : i32
    %dma_wait3A_77 = tpu.memref_slice %arg4[%rem3A_74, %dma_wait3A_75, %dma_wait3A_76] : memref<2x1024x16xf32, #tpu.memory_space<vmem>> -> memref<1x1024x16xf32, #tpu.memory_space<vmem>>
    %dma_wait3A_78 = tpu.memref_squeeze %dma_wait3A_77 : memref<1x1024x16xf32, #tpu.memory_space<vmem>> -> memref<1024x16xf32, #tpu.memory_space<vmem>>
    %dma_wait3A_79 = arith.constant 0 : i32
    %dma_wait3A_80 = arith.constant 0 : i32
    %dma_wait3A_81 = tpu.memref_slice %arg2[%dma_wait3A, %dma_wait3A_79, %dma_wait3A_80] : memref<16x1024x768xf32, #tpu.memory_space<hbm>> -> memref<1x1024x16xf32, #tpu.memory_space<hbm>>
    %dma_wait3A_82 = tpu.memref_squeeze %dma_wait3A_81 : memref<1x1024x16xf32, #tpu.memory_space<hbm>> -> memref<1024x16xf32, #tpu.memory_space<hbm>>
    %dma_wait3A_83 = arith.constant 0 : i32
    %dma_wait3A_84 = arith.constant 0 : i32
    %dma_wait3A_85 = tpu.memref_slice %arg4[%rem3A_74, %dma_wait3A_83, %dma_wait3A_84] : memref<2x1024x16xf32, #tpu.memory_space<vmem>> -> memref<1x1024x16xf32, #tpu.memory_space<vmem>>
    %dma_wait3A_86 = tpu.memref_squeeze %dma_wait3A_85 : memref<1x1024x16xf32, #tpu.memory_space<vmem>> -> memref<1024x16xf32, #tpu.memory_space<vmem>>
    %dma_wait3A_87 = arith.constant 0 : i32
    %dma_wait3A_88 = arith.constant 0 : i32
    %dma_wait3A_89 = tpu.memref_slice %arg2[%dma_wait3A, %dma_wait3A_87, %dma_wait3A_88] : memref<16x1024x768xf32, #tpu.memory_space<hbm>> -> memref<1x1024x16xf32, #tpu.memory_space<hbm>>
    %dma_wait3A_90 = tpu.memref_squeeze %dma_wait3A_89 : memref<1x1024x16xf32, #tpu.memory_space<hbm>> -> memref<1024x16xf32, #tpu.memory_space<hbm>>
    tpu.wait_dma2 semaphore(%arg12 : memref<!tpu.dma_semaphore, #tpu.memory_space<semaphore_mem>>) src(%dma_wait3A_90 : memref<1024x16xf32, #tpu.memory_space<hbm>>) dst(%dma_wait3A_86 : memref<1024x16xf32, #tpu.memory_space<vmem>>)
    %scan3A_91 = arith.constant 0 : i32
    %scan3A_92 = arith.constant 0 : i32
    %scan3A_93 = arith.constant 24 : i32
    %scan3A_94 = arith.addi %scan3A_92, %scan3A_93 : i32
    %scan3A_95 = arith.constant 1 : i32
    %scan3A_96 = scf.for %scan3A_98 = %scan3A_92 to %scan3A_94 step %scan3A_95 iter_args(%scan3A_99 = %scan3A_91) -> (i32)  : i32 {
      %dma_wait3A_100 = arith.constant 0 : i32
      %dma_wait3A_101 = arith.constant 0 : i32
      %dma_wait3A_102 = arith.constant 0 : i32
      %dma_wait3A_103 = tpu.memref_slice %arg11[%dma_wait3A_100, %dma_wait3A_102] : memref<24x16xf32, #tpu.memory_space<vmem>> -> memref<1x16xf32, #tpu.memory_space<vmem>>
      %dma_wait3A_104 = tpu.memref_squeeze %dma_wait3A_103 : memref<1x16xf32, #tpu.memory_space<vmem>> -> memref<16xf32, #tpu.memory_space<vmem>>
      %dma_wait3A_105 = arith.constant 0 : i32
      %dma_wait3A_106 = tpu.memref_slice %arg3[%dma_wait3A_101, %dma_wait3A_105] : memref<16x768xf32, #tpu.memory_space<hbm>> -> memref<1x16xf32, #tpu.memory_space<hbm>>
      %dma_wait3A_107 = tpu.memref_squeeze %dma_wait3A_106 : memref<1x16xf32, #tpu.memory_space<hbm>> -> memref<16xf32, #tpu.memory_space<hbm>>
      %dma_wait3A_108 = arith.constant 0 : i32
      %dma_wait3A_109 = tpu.memref_slice %arg3[%dma_wait3A_101, %dma_wait3A_108] : memref<16x768xf32, #tpu.memory_space<hbm>> -> memref<1x16xf32, #tpu.memory_space<hbm>>
      %dma_wait3A_110 = tpu.memref_squeeze %dma_wait3A_109 : memref<1x16xf32, #tpu.memory_space<hbm>> -> memref<16xf32, #tpu.memory_space<hbm>>
      %dma_wait3A_111 = arith.constant 0 : i32
      %dma_wait3A_112 = tpu.memref_slice %arg11[%dma_wait3A_100, %dma_wait3A_111] : memref<24x16xf32, #tpu.memory_space<vmem>> -> memref<1x16xf32, #tpu.memory_space<vmem>>
      %dma_wait3A_113 = tpu.memref_squeeze %dma_wait3A_112 : memref<1x16xf32, #tpu.memory_space<vmem>> -> memref<16xf32, #tpu.memory_space<vmem>>
      tpu.wait_dma2 semaphore(%arg13 : memref<!tpu.dma_semaphore, #tpu.memory_space<semaphore_mem>>) src(%dma_wait3A_113 : memref<16xf32, #tpu.memory_space<vmem>>) dst(%dma_wait3A_110 : memref<16xf32, #tpu.memory_space<hbm>>)
      %scan3A_114 = arith.constant 0 : i32
      scf.yield %scan3A_114 : i32
    }
    %scan3A_97 = arith.constant 24 : i32
    return
  }
}

</mosaic_0001>

<sc_bundles>
// kernel: kernel.3.cloned.1.call-start
scs
__scs_entry_jumppad:
0x0: {  	(pc) =	sbr.rel $0x88, $3  }
0x1: {  	(tag) =	ssettag $0x0;
	lr =	simm.s32 $0x1  }
0x2: {  	[smem:$0x3FA0] =	sst lr;
	_ =	strace $0xD0000000  }
0x3: {  	_ = 	snop  }
0x4: {  	_ = 	snop  }
0x5: {  	_ = 	snop  }
0x6: {  	_ = 	snop  }
0x7: {  	_ = 	snop  }
__scs_overlays_trampoline_lowered:
0x8: {  	[smem:$0x3FAF] =	sst s0  }
0x9: {  	[smem:$0x3FB0] =	sst s1  }
0xa: {  	[smem:$0x3FB1] =	sst s2  }
0xb: {  	[smem:$0x3FB2] =	sst s3  }
0xc: {  	[smem:$0x3FB3] =	sst s4  }
0xd: {  	[smem:$0x3FB4] =	sst s5  }
0xe: {  	[smem:$0x3FB5] =	sst s6  }
0xf: {  	[smem:$0x3FB6] =	sst s7  }
0x10: {  	[smem:$0x3FB7] =	sst s8  }
0x11: {  	[smem:$0x3FB8] =	sst s9;
	s0 =	simm.s32 @!p0 $0x0  }
0x12: {  	s1 =	sld [smem:$0x3F9E];
	s0 =	simm.s32 @p0 $0x1  }
0x13: {  	[smem:$0x3FB9] =	sst s0;
	s0 =	simm.s32 @!p1 $0x0  }
0x14: {  	s2 =	sld [smem:$0x3F9D];
	s0 =	simm.s32 @p1 $0x1  }
0x15: {  	[smem:$0x3FBA] =	sst s0;
	s0 =	simm.s32 @!p2 $0x0  }
0x16: {  	s3 =	sld [smem:$0x3FDB];
	s0 =	simm.s32 @p2 $0x1  }
0x17: {  	s4 =	simm.s32 $0x1BF5;
	[smem:$0x3FBC] =	sst s0  }
0x18: {  	s0 =	sld [smem:$0x3F9F];
	_ =	swait.ge [sflag:s4], $0x0  }
0x19: {  	s7 =	sld [smem:$0x3FA0]  }
0x1a: {  	s8 =	sadd.s32 $0xFFFFE003, lr  }
0x1b: {  	s9 =	sadd.s32 $0xFFFFFEF7, lr;
	s5 =	simm.s32 $0xFFFFFFFF;
	p2 =	slt.u32 s8, $0xFFFFF086  }
0x1c: {  	p1 =	slt.u32 s9, $0xF7A;
	s5 =	simm.s32 @!p2 $0x0  }
0x1d: {  	s5 =	simm.s32 @p1 $0x1;
	p0 =	seq.s32 s7, s2  }
0x1e: {  	s7 =	smul.u32 @!p0 $0xF7A, s2;
	p2 =	seq.s32 @!p0 s5, $0x0  }
0x1f: {  	s9 =	smul.u32 $0xF7A, s1;
	s8 =	simm.s32 @!p0 $0x1BF5;
	p2 =	por !p2, p0  }
0x20: {  	[sflag:s8] =	ssyncset.s32 @!p0 $0xFFFFF086;
	s6 =	sadd.s32 @!p0 s3, s7;
	s7 =	simm.s32 @!p0 $0x108  }
0x21: {  	s3 =	sadd.s32 s3, s9;
	s6 =	sadd.s32 @!p0 $0x88, s6;
	s7 =	simm.s32 @p2 $0x1082  }
0x22: {  	[simem:s7], [sflag:s8] =	dma.local @!p0 [hbm:s6], $0xF7A  }
0x23: {  	s9 =	sor.u32 $0xD0000000, s2;
	s6 =	simm.s32 $0x108;
	_ =	swait.ge @!p0 [sflag:s8], $0x0  }
0x24: {  	s3 =	sadd.s32 $0x88, s3;
	s6 =	simm.s32 @!p1 $0x1082;
	[sflag:s4] =	ssyncset.s32 $0xFFFFF086  }
0x25: {  	[simem:s6], [sflag:s4] =	dma.local [hbm:s3], $0xF7A  }
0x26: {  	[smem:$0x3FA0] =	sst s1;
	(tag) =	ssettag s2;
	_ =	strace s9  }
0x27: {  	s1 =	sld [smem:$0x3FB0]  }
0x28: {  	s2 =	sld [smem:$0x3FB1]  }
0x29: {  	s4 =	sld [smem:$0x3FB3]  }
0x2a: {  	p0 =	seq.s32 s5, $0x0;
	s5 =	sld [smem:$0x3FB4]  }
0x2b: {  	s6 =	sld [smem:$0x3FB5]  }
0x2c: {  	s7 =	sld [smem:$0x3FB6]  }
0x2d: {  	s3 =	simm.s32 $0x108;
	s8 =	sld [smem:$0x3FB7]  }
0x2e: {  	s3 =	simm.s32 @!p0 $0x1082;
	s9 =	sld [smem:$0x3FB8]  }
0x2f: {  	lr =	sadd.s32 s0, s3;
	s0 =	sld [smem:$0x3FAF]  }
0x30: {  	s3 =	sld [smem:$0x3FB2]  }
0x31: {  	[smem:$0x3FBB] =	sst s10  }
0x32: {  	s10 =	sld [smem:$0x3FB9];
	_ =	sdelay $0x3  }
0x33: {  	p0 =	seq.s32 s10, $0x1;
	s10 =	sld [smem:$0x3FBB];
	_ =	sdelay $0x3  }
0x34: {  	[smem:$0x3FBB] =	sst s10  }
0x35: {  	s10 =	sld [smem:$0x3FBA];
	_ =	sdelay $0x3  }
0x36: {  	p1 =	seq.s32 s10, $0x1;
	s10 =	sld [smem:$0x3FBB];
	_ =	sdelay $0x3  }
0x37: {  	[smem:$0x3FBB] =	sst s10  }
0x38: {  	s10 =	sld [smem:$0x3FBC]  }
0x39: {  	_ = 	snop;
	(pc) =	sbr.ind lr, $3  }
0x3a: {  	_ = 	snop  }
0x3b: {  	_ = 	snop  }
0x3c: {  	p2 =	seq.s32 s10, $0x1;
	s10 =	sld [smem:$0x3FBB]  }
0x3d: {  	_ =	shalt  }
0x3e: {  	_ =	shalt  }
0x3f: {  	_ =	shalt  }
0x40: {  	_ =	shalt  }
0x41: {  	_ =	shalt  }
0x42: {  	_ =	shalt  }
0x43: {  	_ =	shalt  }
0x44: {  	_ =	shalt  }
0x45: {  	_ =	shalt  }
0x46: {  	_ =	shalt  }
0x47: {  	_ =	shalt  }
0x48: {  	_ =	shalt  }
0x49: {  	_ =	shalt  }
0x4a: {  	_ =	shalt  }
0x4b: {  	_ =	shalt  }
0x4c: {  	_ =	shalt  }
0x4d: {  	_ =	shalt  }
0x4e: {  	_ =	shalt  }
0x4f: {  	_ =	shalt  }
0x50: {  	_ =	shalt  }
0x51: {  	_ =	shalt  }
0x52: {  	_ =	shalt  }
0x53: {  	_ =	shalt  }
0x54: {  	_ =	shalt  }
0x55: {  	_ =	shalt  }
0x56: {  	_ =	shalt  }
0x57: {  	_ =	shalt  }
0x58: {  	_ =	shalt  }
0x59: {  	_ =	shalt  }
0x5a: {  	_ =	shalt  }
0x5b: {  	_ =	shalt  }
0x5c: {  	_ =	shalt  }
0x5d: {  	_ =	shalt  }
0x5e: {  	_ =	shalt  }
0x5f: {  	_ =	shalt  }
0x60: {  	_ =	shalt  }
0x61: {  	_ =	shalt  }
0x62: {  	_ =	shalt  }
0x63: {  	_ =	shalt  }
0x64: {  	_ =	shalt  }
0x65: {  	_ =	shalt  }
0x66: {  	_ =	shalt  }
0x67: {  	_ =	shalt  }
0x68: {  	_ =	shalt  }
0x69: {  	_ =	shalt  }
0x6a: {  	_ =	shalt  }
0x6b: {  	_ =	shalt  }
0x6c: {  	_ =	shalt  }
0x6d: {  	_ =	shalt  }
0x6e: {  	_ =	shalt  }
0x6f: {  	_ =	shalt  }
0x70: {  	_ =	shalt  }
0x71: {  	_ =	shalt  }
0x72: {  	_ =	shalt  }
0x73: {  	_ =	shalt  }
0x74: {  	_ =	shalt  }
0x75: {  	_ =	shalt  }
0x76: {  	_ =	shalt  }
0x77: {  	_ =	shalt  }
0x78: {  	_ =	shalt  }
0x79: {  	_ =	shalt  }
0x7a: {  	_ =	shalt  }
0x7b: {  	_ =	shalt  }
0x7c: {  	_ =	shalt  }
0x7d: {  	_ =	shalt  }
0x7e: {  	_ =	shalt  }
0x7f: {  	_ =	shalt  }
0x80: {  	_ =	shalt  }
0x81: {  	_ =	shalt  }
0x82: {  	_ =	shalt  }
0x83: {  	_ =	shalt  }
0x84: {  	_ =	shalt  }
0x85: {  	_ =	shalt  }
0x86: {  	_ =	shalt  }
0x87: {  	_ =	shalt  }
.Lfunc_end0:
.L_simem_size_0:
called_computation_lowered:
.L_overlay_start_0:
0x88: {  	s2 =	sld [smem:$0x3FD9]  }
0x89: {  	s3 =	sld [smem:$0x3FFE];
	_ =	sdelay $0x1  }
0x8a: {  	s1 =	srdreg.scid  }
0x8b: {  	s0 =	sand.u32 $0x1, s1  }
0x8c: {  	s16 =	sshll.u32 s0, $0xA;
	s2 =	sadd.s32 s3, s2  }
0x8d: {  	s2 =	sadd.s32 s2, s16  }
0x8e: {  	[smem:$0x3FC7] =	sst s2  }
0x8f: {  	_ = 	snop  }
0x90: {  	(tm) =	ssettm $0x1  }
0x91: {  	s17 =	sld [smem:$0x3FFB];
	_ =	sdelay $0x3  }
0x92: {  	_ =	strace s17  }
0x93: {  	s2 =	sld [smem:$0x3FFC];
	_ =	sdelay $0x3  }
0x94: {  	_ =	strace s2  }
0x95: {  	s2 =	sld [smem:$0x3FFD];
	_ =	sdelay $0x3  }
0x96: {  	_ =	strace s2  }
0x97: {  	_ =	strace $0x8FFFFFFF  }
0x98: {  	s18 =	sld [smem:$0x3FDB];
	_ =	sdelay $0x1  }
0x99: {  	s19 =	simm.s32 $_scs_section_size  }
0x9a: {  	s4 =	simm.s32 $_size__tile_overlayer_lowered;
	s5 =	simm.s32 $_tile_overlayer_lowered  }
0x9b: {  	s22 =	simm.s32 $0x1BFF;
	s21 =	sshll.u32 s5, $0x1;
	s2 =	sadd.s32 s19, s18  }
0x9c: {  	s6 =	simm.s32 $0x0;
	s20 =	sshll.u32 s4, $0x1;
	s4 =	sadd.s32 s21, s2  }
0x9d: {  	[timem:s6], [sflag:s22] =	dma.local [hbm:s4], s20  }
0x9e: {  	_ =	swait.ge [sflag:s22], s20  }
0x9f: {  	s3 =	ssub.s32 $0x0, s20;
	[sflag:s22] =	ssyncset.done $0x0  }
0xa0: {  	[sflag:s22] =	ssyncadd.s32 s3;
	_ =	sdelay $0x1  }
0xa1: {  	s23 =	simm.s32 $0x1B8B  }
0xa2: {  	_ =	swait.ge [sflag:s23], $0x1  }
0xa3: {  	[sflag:s23] =	ssyncset.done $0x0  }
0xa4: {  	s25 =	simm.s32 $0x1B8E;
	s24 =	sld [smem:$0x3FFE];
	[sflag:s23] =	ssyncadd.s32 $0xFFFFFFFF  }
0xa5: {  	s26 =	simm.s32 $execute0_lowered;
	[smem:$0x3FD2] =	sst s25  }
0xa6: {  	s4 =	sshll.u32 s26, $0x1;
	_ =	strace $0x80000046;
	[dreg:$0x1] =	wrdreg $0xFFFFFFFF  }
0xa7: {  	s28 =	simm.s32 $_size_execute0_lowered;
	s2 =	sadd.s32 s2, s4;
	[dreg:$0x0] =	wrdreg $0x0  }
0xa8: {  	s4 =	sshll.u32 s28, $0x1;
	[dreg:$0x2] =	wrdreg s2  }
0xa9: {  	[dreg:$0x3] =	wrdreg s4  }
0xaa: {  	[dreg:$0x4] =	wrdreg $0xC0  }
0xab: {  	_ =	task [dreg:s6], $0x5FFFF  }
0xac: {  	[dreg:$0x1] =	wrdreg $0xFFFFFFFF  }
0xad: {  	[dreg:$0x0] =	wrdreg $0x60  }
0xae: {  	[dreg:$0x2] =	wrdreg s24  }
0xaf: {  	[dreg:$0x3] =	wrdreg $0x9  }
0xb0: {  	_ =	task.clear_ibuf [dreg:s6], $0x4FFFF;
	_ =	strace $0x90000046  }
0xb1: {  	s29 =	simm.s32 $0x9;
	_ =	strace $0x80000048  }
0xb2: {  	_ =	swait.ge [sflag:s29], $0x1  }
0xb3: {  	[sflag:s29] =	ssyncadd.s32 $0xFFFFFFFF  }
0xb4: {  	_ =	strace $0x90000048  }
0xb5: {  	_ =	sfence  }
0xb6: {  	s30 =	sld [smem:$0x0];
	_ =	sdelay $0x2  }
0xb7: {  	s31 =	sshll.u32 s1, $0xD;
	s1 =	sshrl.u32 s1, $0x2  }
0xb8: {  	s3 =	sand.u32 $0x4000, s31;
	s1 =	sadd.s32 s1, s30  }
0xb9: {  	s0 =	sor.u32 s3, s0;
	s1 =	sshll.u32 s1, $0x11  }
0xba: {  	s0 =	sor.u32 s1, s0  }
0xbb: {  	s0 =	sadd.s32 $0x8F2B, s0  }
0xbc: {  	[sflag:s0] =	ssyncadd.remote.s32 $0x1  }
0xbd: {  	_ =	sfence.sel $0xFFFF  }
0xbe: {  	[dreg:$0x0] =	wrdreg $0xFFFFFFFF;
	(pc) =	sbr.abs _section_cstart, $3  }
0xbf: {  	[dreg:$0x1] =	wrdreg $0xFFFFFFFF  }
0xc0: {  	_ =	task.clear_ibuf [dreg:s6], $0x2FFFF;
	_ =	strace $0x9FFFFFFF  }
0xc1: {  	(tm) =	ssettm $0x7FFFFFFF  }
tec
execute0_lowered:
.L_overlay_start_1:
0x0: {  	(tag) =	ssettag $0x1  }
0x1: {  	s0 =	srdreg.scid  }
0x2: {  	s0 =	sand.u32 $0x1, s0  }
0x3: {  	s2 =	stileid.u32;
	s1 =	sshll.u32 s0, $0x4  }
0x4: {  	s1 =	sor.u32 s2, s1;
	s2 =	simm.s32 $0x0  }
0x5: {  	s4 =	smul.u32 $0x8010, s1;
	[smem:$0x7FF] =	sst s2  }
0x6: {  	s5 =	rddreg [dreg:$0x0];
	v0 =	vimm.f32 $2.050000000e+02;
	s9 =	simm.s32 $0x300;
	_ =	strace $0x80000047  }
0x7: {  	s10 =	simm.s32 $0x1;
	s3 =	smul.u32 $0x18, s1;
	s4 =	sshrl.u32 s4, $0x10;
	(erf) = vrcp.f32 v0  }
0x8: {  	s11 =	simm.s32 $0x18000;
	s12 =	simm.s32 $0x18400;
	s4 =	smul.u32 $0x30, s4  }
0x9: {  	s13 =	simm.s32 $0x8000;
	s14 =	simm.s32 $0xC000;
	s15 =	simm.s32 $0x10000  }
0xa: {  	s16 =	simm.s32 $0x14000;
	s1 =	sshrl.u32 s1, $0x1;
	s4 =	ssub.s32 s3, s4  }
0xb: {  	s0 =	ssub.s32 $0x2, s0;
	s1 =	smul.u32 $0xC0000, s1;
	s4 =	sshll.u32 s4, $0x4  }
.Ltmp0:
0xc: {  	s6 =	sshrl.u32 s0, $0x1;
	s4 =	sand.u32 $0xFF80, s4;
	(pc) =	sbr.rel .LBB2_1-.Ltmp0, $4  }
0xd: {  	s17 =	simm.s32 $0x2;
	s0 =	ssub.s32 s0, s6;
	s1 =	sor.u32 s4, s1  }
0xe: {  	s0 =	smax.u32 s0, $0x1;
	s4 =	sadd.s32 $0x400, s5;
	s1 =	sshrl.u32 s1, $0x3  }
0xf: {  	v1 =	vimm.f32 $0.0e+00;
	v2 =	vlaneseq.u32;
	v4 =	vimm.s32 $0x1;
	s18 =	simm.s32 $0x2000;
	[dreg:$0x3] =	wrdreg s0;
	s1 =	sadd.s32 s4, s1  }
0x10: {  	vm13 =	vmxor vm13, vm13;
	v5 =	vimm.s32 $0x80000000;
	v0 =	vimm.s32 $0x0;
	s5 =	sadd.s32 $0x180400, s5;
	[dreg:$0x2] =	wrdreg s1;
	v3 =	vpop (erf);
	s1 =	simm.s32 $0x0  }
.LBB2_143:
0x11: {  	_ =	swait.ge [sflag:s10], $0x4000  }
0x12: {  	[sflag:s10] =	ssyncset.done $0x0  }
0x13: {  	[sflag:s10] =	ssyncadd.s32 $0xFFFFC000  }
0x14: {  	_ =	swait.ge [sflag:s17], $0x10  }
0x15: {  	[sflag:s17] =	ssyncset.done $0x0  }
0x16: {  	[sflag:s17] =	ssyncadd.s32 $0xFFFFFFF0  }
0x17: {  	_ =	swait.ge [sflag:s17], $0x10  }
0x18: {  	[sflag:s17] =	ssyncset.done $0x0  }
0x19: {  	[sflag:s17] =	ssyncadd.s32 $0xFFFFFFF0  }
0x1a: {  	_ =	swait.ge [sflag:s17], $0x10  }
0x1b: {  	[sflag:s17] =	ssyncset.done $0x0  }
0x1c: {  	[sflag:s17] =	ssyncadd.s32 $0xFFFFFFF0  }
0x1d: {  	_ =	swait.ge [sflag:s17], $0x10  }
0x1e: {  	[sflag:s17] =	ssyncset.done $0x0  }
0x1f: {  	[sflag:s17] =	ssyncadd.s32 $0xFFFFFFF0  }
0x20: {  	_ =	swait.ge [sflag:s17], $0x10  }
0x21: {  	[sflag:s17] =	ssyncset.done $0x0  }
0x22: {  	[sflag:s17] =	ssyncadd.s32 $0xFFFFFFF0  }
0x23: {  	_ =	swait.ge [sflag:s17], $0x10  }
0x24: {  	[sflag:s17] =	ssyncset.done $0x0  }
0x25: {  	[sflag:s17] =	ssyncadd.s32 $0xFFFFFFF0  }
0x26: {  	_ =	swait.ge [sflag:s17], $0x10  }
0x27: {  	[sflag:s17] =	ssyncset.done $0x0  }
0x28: {  	[sflag:s17] =	ssyncadd.s32 $0xFFFFFFF0  }
0x29: {  	_ =	swait.ge [sflag:s17], $0x10  }
0x2a: {  	[sflag:s17] =	ssyncset.done $0x0  }
0x2b: {  	[sflag:s17] =	ssyncadd.s32 $0xFFFFFFF0  }
0x2c: {  	_ =	swait.ge [sflag:s17], $0x10  }
0x2d: {  	[sflag:s17] =	ssyncset.done $0x0  }
0x2e: {  	[sflag:s17] =	ssyncadd.s32 $0xFFFFFFF0  }
0x2f: {  	_ =	swait.ge [sflag:s17], $0x10  }
0x30: {  	[sflag:s17] =	ssyncset.done $0x0  }
0x31: {  	[sflag:s17] =	ssyncadd.s32 $0xFFFFFFF0  }
0x32: {  	_ =	swait.ge [sflag:s17], $0x10  }
0x33: {  	[sflag:s17] =	ssyncset.done $0x0  }
0x34: {  	[sflag:s17] =	ssyncadd.s32 $0xFFFFFFF0  }
0x35: {  	_ =	swait.ge [sflag:s17], $0x10  }
0x36: {  	[sflag:s17] =	ssyncset.done $0x0  }
0x37: {  	[sflag:s17] =	ssyncadd.s32 $0xFFFFFFF0  }
0x38: {  	_ =	swait.ge [sflag:s17], $0x10  }
0x39: {  	[sflag:s17] =	ssyncset.done $0x0  }
0x3a: {  	[sflag:s17] =	ssyncadd.s32 $0xFFFFFFF0  }
0x3b: {  	_ =	swait.ge [sflag:s17], $0x10  }
0x3c: {  	[sflag:s17] =	ssyncset.done $0x0  }
0x3d: {  	[sflag:s17] =	ssyncadd.s32 $0xFFFFFFF0  }
0x3e: {  	_ =	swait.ge [sflag:s17], $0x10  }
0x3f: {  	[sflag:s17] =	ssyncset.done $0x0  }
0x40: {  	[sflag:s17] =	ssyncadd.s32 $0xFFFFFFF0  }
0x41: {  	_ =	swait.ge [sflag:s17], $0x10  }
0x42: {  	[sflag:s17] =	ssyncset.done $0x0  }
0x43: {  	[sflag:s17] =	ssyncadd.s32 $0xFFFFFFF0  }
0x44: {  	_ =	swait.ge [sflag:s17], $0x10  }
0x45: {  	[sflag:s17] =	ssyncset.done $0x0  }
0x46: {  	[sflag:s17] =	ssyncadd.s32 $0xFFFFFFF0  }
0x47: {  	_ =	swait.ge [sflag:s17], $0x10  }
0x48: {  	[sflag:s17] =	ssyncset.done $0x0  }
0x49: {  	[sflag:s17] =	ssyncadd.s32 $0xFFFFFFF0  }
0x4a: {  	_ =	swait.ge [sflag:s17], $0x10  }
0x4b: {  	[sflag:s17] =	ssyncset.done $0x0  }
0x4c: {  	[sflag:s17] =	ssyncadd.s32 $0xFFFFFFF0  }
0x4d: {  	_ =	swait.ge [sflag:s17], $0x10  }
0x4e: {  	[sflag:s17] =	ssyncset.done $0x0  }
0x4f: {  	[sflag:s17] =	ssyncadd.s32 $0xFFFFFFF0  }
0x50: {  	_ =	swait.ge [sflag:s17], $0x10  }
0x51: {  	[sflag:s17] =	ssyncset.done $0x0  }
0x52: {  	[sflag:s17] =	ssyncadd.s32 $0xFFFFFFF0  }
0x53: {  	_ =	swait.ge [sflag:s17], $0x10  }
0x54: {  	[sflag:s17] =	ssyncset.done $0x0  }
0x55: {  	[sflag:s17] =	ssyncadd.s32 $0xFFFFFFF0  }
0x56: {  	_ =	swait.ge [sflag:s17], $0x10  }
0x57: {  	[sflag:s17] =	ssyncset.done $0x0  }
0x58: {  	[sflag:s17] =	ssyncadd.s32 $0xFFFFFFF0  }
0x59: {  	_ =	swait.ge [sflag:s17], $0x10  }
0x5a: {  	s1 =	rddreg [dreg:$0x4]  }
0x5b: {  	s0 =	rddreg [dreg:$0x3];
	s1 =	sadd.s32 $0x1, s1  }
0x5c: {  	p0 =	sne.s32 s1, s0  }
.Ltmp1:
0x5d: {  	_ = 	snop;
	(pc) =	sbr.rel @!p0 .LBB2_144-.Ltmp1, $3  }
0x5e: {  	_ =	sdelay $0x1  }
0x5f: {  	[sflag:s17] =	ssyncset.done $0x0  }
0x60: {  	[sflag:s17] =	ssyncadd.s32 $0xFFFFFFF0  }
.LBB2_1:
0x61: {  	[dreg:$0x4] =	wrdreg s1;
	s0 =	simm.s32 $0x40;
	s1 =	simm.s32 $0x0  }
.LBB2_2:
0x62: {  	p0 =	sne.s32 s0, $0xFC0;
	[tilespmem:s1+$0x18000] =	vst v0;
	s6 =	smov.u32 s0;
	s0 =	sadd.s32 $0x40, s0  }
.Ltmp2:
0x63: {  	[tilespmem:s1+$0x18400] =	vst v1;
	(pc) =	sbr.rel @p0 .LBB2_2-.Ltmp2, $2  }
0x64: {  	_ =	sdelay $0x2  }
0x65: {  	s1 =	sshra.s32 s6, $0x2  }
.Ltmp3:
0x66: {  	(pc) =	sbr.rel .LBB2_4-.Ltmp3, $4  }
0x67: {  	_ = 	snop  }
0x68: {  	[tilespmem:s1+$0x18000] =	vst v0;
	s20 =	simm.s32 $0x0  }
0x69: {  	[tilespmem:s1+$0x18400] =	vst v1;
	s0 =	rddreg [dreg:$0x2];
	s31 =	simm.s32 $0x10;
	p0 =	por $0x0, $0x0  }
0x6a: {  	[tilespmem:s20], [sflag:$0x1] =	stream.strided.gather [hbm4b:s0+s31], $0x4000, s9, s31, $0x38;
	[tilespmem:$0x18980] =	vst v63  }
.LBB2_141:
0x6b: {  	v6 =	vsub.s32 v7, v12;
	vm0 =	vgt.s32 v9, $0xFFFFFFFF  }
0x6c: {  	v6 =	vcvt.s32.f32 v6;
	v7 =	vsel vm0, $0xFFFFFFFF, v5  }
0x6d: {  	v7 =	vxor.u32 v9, v7  }
0x6e: {  	v9 =	vadd.f32 v11, v10;
	v6 =	vmul.f32 v6, v7;
	_ =	sdelay $0x1  }
0x6f: {  	v6 =	vadd.f32 v6, v9  }
.LBB2_142:
0x70: {  	_ = 	snop  }
0x71: {  	v6 =	vmul.f32 $6.999999880e-01, v6;
	_ =	sdelay $0x1  }
0x72: {  	v7 =	vmul.f32 v8, v3;
	v6 =	vmul.f32 v6, v3;
	_ =	sdelay $0x1  }
0x73: {  	s0 =	smul.u32 $0x300, s22;
	p1 =	sne.s32 s20, $0x18;
	v6 =	vadd.f32 v6, v7  }
.Ltmp4:
0x74: {  	_ = 	snop;
	(pc) =	sbr.rel @!p1 .LBB2_143-.Ltmp4, $4  }
0x75: {  	s1 =	sshll.u32 s21, $0x4;
	s0 =	sadd.s32 s23, s0;
	v6 =	vmul.f32 $5.000000000e-01, v6  }
0x76: {  	s1 =	sand.u32 $0x3FFFFFF0, s1;
	s0 =	sshrl.u32 s0, $0x3  }
0x77: {  	p0 =	por !p0, !p0;
	s6 =	sadd.s32 $0x18800, s1;
	s0 =	sadd.s32 s5, s0;
	[tilespmem:s1+$0x18800] =	vst v6  }
0x78: {  	[hbm4b:s0+s2] =	stream.linear.scatter [tilespmem:s6], [sflag:$0x2], $0x10, $0x38;
	[tilespmem:$0x18980] =	vst v63  }
.LBB2_4:
0x79: {  	s21 =	smov.u32 s20;
	s20 =	sadd.s32 $0x1, s20  }
0x7a: {  	s0 =	smin.u32 s20, $0x17  }
0x7b: {  	s0 =	sadd.s32 s3, s0  }
0x7c: {  	s1 =	smulhi.u32 $0x5555556, s0;
	_ =	sdelay $0x1  }
0x7d: {  	s6 =	smul.u32 $0x30, s1  }
0x7e: {  	s7 =	simm.s32 $0x1  }
0x7f: {  	_ =	swait.ge [sflag:s10], $0x4000;
	s1 =	smul.u32 $0xC0000, s1;
	s0 =	ssub.s32 s0, s6  }
0x80: {  	s31 =	simm.s32 $0x10;
	s7 =	simm.s32 @!p0 $0x0;
	s0 =	sshll.u32 s0, $0x4  }
0x81: {  	[sflag:s10] =	ssyncset.done $0x0;
	s30 =	sshll.u32 s20, $0xE;
	s0 =	sor.u32 s0, s1  }
0x82: {  	s29 =	sshll.u32 s7, $0xE;
	[sflag:s10] =	ssyncadd.s32 $0xFFFFC000;
	s0 =	sshrl.u32 s0, $0x3  }
0x83: {  	s23 =	sor.u32 $0x40, s29;
	s1 =	sand.u32 $0x4000, s30;
	s0 =	sadd.s32 s4, s0  }
0x84: {  	[tilespmem:s1], [sflag:$0x1] =	stream.strided.gather [hbm4b:s0+s31], $0x4000, s9, s31, $0x38;
	[tilespmem:$0x18980] =	vst v63  }
0x85: {  	v10 =	vld [tilespmem:s23+$0x30];
	_ =	sdelay $0x4  }
0x86: {  	v9 =	vld [tilespmem:s23+$0x10];
	vm0 =	vlt.s32 v10, $0x0;
	v8 =	vxor.u32 $0x80000000, v10;
	v11 =	vxor.u32 $0xFFFFFFFF, v10  }
0x87: {  	v6 =	vld [tilespmem:s23+$0xFFFFFFD0];
	v8 =	vsel vm0, v11, v8  }
0x88: {  	v7 =	vld [tilespmem:s23+$0xFFFFFFE0];
	v11 =	vshrl.u32 v8, $0x16  }
0x89: {  	v11 =	vand.u32 $0x3F0, v11  }
0x8a: {  	v11 =	vor.u32 v2, v11  }
0x8b: {  	vm11 =	vlt.s32 v9, $0x0;
	v12 =	vxor.u32 $0xFFFFFFFF, v9;
	v13 =	vxor.u32 $0x80000000, v9;
	v8 =	vld [tilespmem:s23+$0x20]  }
0x8c: {  	v14 =	vxor.u32 $0xFFFFFFFF, v6;
	v15 =	vxor.u32 $0x80000000, v6;
	vm2 =	vlt.s32 v6, $0x0  }
0x8d: {  	vm1 =	vlt.s32 v7, $0x0;
	v16 =	vxor.u32 $0x80000000, v7;
	v14 =	vsel vm2, v14, v15  }
0x8e: {  	v12 =	vsel vm11, v12, v13;
	v13 =	vxor.u32 $0xFFFFFFFF, v7;
	v14 =	vshrl.u32 v14, $0x16  }
0x8f: {  	v12 =	vshrl.u32 v12, $0x16;
	v16 =	vsel vm1, v13, v16;
	v14 =	vand.u32 $0x3F0, v14;
	[tilespmem:v11+s11+$0x0] =	vst.idx.add.s32.msk $0xffff, v4  }
0x90: {  	v12 =	vand.u32 $0x3F0, v12;
	vm3 =	vlt.s32 v8, $0x0;
	[tilespmem:v11+s12+$0x0] =	vst.idx.add.f32.msk $0xffff, v10;
	v11 =	vor.u32 v2, v14  }
0x91: {  	v15 =	vxor.u32 $0xFFFFFFFF, v8;
	v10 =	vxor.u32 $0x80000000, v8;
	v14 =	vshrl.u32 v16, $0x16  }
0x92: {  	v13 =	vld [tilespmem:s23+$0x0];
	v10 =	vsel vm3, v15, v10;
	v16 =	vand.u32 $0x3F0, v14;
	v14 =	vor.u32 v2, v12  }
0x93: {  	s25 =	simm.s32 $0x18020;
	v15 =	vshrl.u32 v10, $0x16;
	v10 =	vld [tilespmem:s23+$0xFFFFFFC0]  }
0x94: {  	s22 =	sand.u32 $0x1, s21;
	s26 =	sadd.s32 $0x80, s23;
	s1 =	simm.s32 $0x0;
	v12 =	vld [tilespmem:s23+$0xFFFFFFF0];
	v15 =	vand.u32 $0x3F0, v15  }
.LBB2_5:
0x95: {  	s1 =	sadd.s32 $0x8, s1;
	[tilespmem:v11+s11+$0x0] =	vst.idx.add.s32.msk $0xffff, v4;
	s24 =	simm.s32 $0x18420  }
0x96: {  	v16 =	vor.u32 v2, v16;
	v17 =	vld [tilespmem:s26+$0x10];
	p1 =	slt.u32 s1, $0x3F8  }
0x97: {  	vm0 =	vlt.s32 v13, $0x0;
	v18 =	vxor.u32 $0xFFFFFFFF, v13;
	v19 =	vxor.u32 $0x80000000, v13;
	[tilespmem:v14+s11+$0x0] =	vst.idx.add.s32.msk $0xffff, v4  }
0x98: {  	v15 =	vor.u32 v2, v15;
	v20 =	vld [tilespmem:s26+$0x30];
	v21 =	vxor.u32 $0xFFFFFFFF, v10;
	v18 =	vsel vm0, v18, v19  }
0x99: {  	v22 =	vxor.u32 $0x80000000, v10;
	v19 =	vld [tilespmem:s26+$0xFFFFFFD0];
	v23 =	vxor.u32 $0x80000000, v12;
	v18 =	vshrl.u32 v18, $0x16  }
0x9a: {  	vm0 =	vlt.s32 v10, $0x0;
	v24 =	vxor.u32 $0xFFFFFFFF, v12;
	v18 =	vand.u32 $0x3F0, v18;
	[tilespmem:v14+s12+$0x0] =	vst.idx.add.f32.msk $0xffff, v9  }
0x9b: {  	v25 =	vsel vm0, v21, v22;
	vm0 =	vlt.s32 v12, $0x0;
	[tilespmem:v16+s11+$0x0] =	vst.idx.add.s32.msk $0xffff, v4;
	v14 =	vor.u32 v2, v18  }
0x9c: {  	v21 =	vshrl.u32 v25, $0x16;
	v22 =	vsel vm0, v24, v23;
	v9 =	vmov v17;
	v18 =	vld [tilespmem:s26+$0xFFFFFFE0]  }
0x9d: {  	v22 =	vshrl.u32 v22, $0x16;
	vm0 =	vlt.s32 v20, $0x0;
	v17 =	vxor.u32 $0x80000000, v20;
	[tilespmem:v15+s11+$0x0] =	vst.idx.add.s32.msk $0xffff, v4  }
0x9e: {  	v21 =	vand.u32 $0x3F0, v21;
	v22 =	vand.u32 $0x3F0, v22;
	v23 =	vxor.u32 $0xFFFFFFFF, v20;
	[tilespmem:v15+s12+$0x0] =	vst.idx.add.f32.msk $0xffff, v8  }
0x9f: {  	v15 =	vsel vm0, v23, v17;
	v17 =	vor.u32 v2, v22;
	v8 =	vld [tilespmem:s26+$0x20]  }
0xa0: {  	v21 =	vor.u32 v2, v21;
	vm0 =	vlt.s32 v9, $0x0;
	v22 =	vxor.u32 $0xFFFFFFFF, v9;
	[tilespmem:v14+s11+$0x0] =	vst.idx.add.s32.msk $0xffff, v4  }
0xa1: {  	v23 =	vxor.u32 $0x80000000, v9;
	v15 =	vshrl.u32 v15, $0x16;
	[tilespmem:v14+s12+$0x0] =	vst.idx.add.f32.msk $0xffff, v13  }
0xa2: {  	vm1 =	vlt.s32 v18, $0x0;
	v13 =	vand.u32 $0x3F0, v15;
	[tilespmem:v16+s12+$0x0] =	vst.idx.add.f32.msk $0xffff, v7;
	v7 =	vmov v18  }
0xa3: {  	v14 =	vxor.u32 $0xFFFFFFFF, v19;
	v15 =	vxor.u32 $0x80000000, v19;
	v13 =	vor.u32 v2, v13;
	[tilespmem:v11+s12+$0x0] =	vst.idx.add.f32.msk $0xffff, v6;
	v6 =	vmovc v19  }
0xa4: {  	v11 =	vxor.u32 $0x80000000, v7;
	vm2 =	vlt.s32 v6, $0x0;
	vm3 =	vlt.s32 v8, $0x0;
	[tilespmem:v17+s11+$0x0] =	vst.idx.add.s32.msk $0xffff, v4  }
0xa5: {  	v16 =	vsel vm0, v22, v23;
	v14 =	vsel vm2, v14, v15;
	v15 =	vxor.u32 $0xFFFFFFFF, v7;
	[tilespmem:v17+s12+$0x0] =	vst.idx.add.f32.msk $0xffff, v12  }
0xa6: {  	v12 =	vshrl.u32 v14, $0x16;
	v14 =	vshrl.u32 v16, $0x16;
	v16 =	vxor.u32 $0xFFFFFFFF, v8;
	[tilespmem:v21+s11+$0x0] =	vst.idx.add.s32.msk $0xffff, v4  }
0xa7: {  	v17 =	vxor.u32 $0x80000000, v8;
	v15 =	vsel vm1, v15, v11;
	v12 =	vand.u32 $0x3F0, v12;
	[tilespmem:v21+s12+$0x0] =	vst.idx.add.f32.msk $0xffff, v10  }
.Ltmp5:
0xa8: {  	v10 =	vsel vm3, v16, v17;
	v11 =	vor.u32 v2, v12;
	[tilespmem:v13+s11+$0x0] =	vst.idx.add.s32.msk $0xffff, v4;
	(pc) =	sbr.rel @p1 .LBB2_5-.Ltmp5, $4  }
0xa9: {  	v14 =	vand.u32 $0x3F0, v14;
	v12 =	vshrl.u32 v15, $0x16;
	v10 =	vshrl.u32 v10, $0x16;
	[tilespmem:v13+s12+$0x0] =	vst.idx.add.f32.msk $0xffff, v20  }
0xaa: {  	v14 =	vor.u32 v2, v14;
	v16 =	vand.u32 $0x3F0, v12;
	v15 =	vand.u32 $0x3F0, v10;
	v13 =	vld [tilespmem:s26+$0x0]  }
0xab: {  	v10 =	vld [tilespmem:s26+$0xFFFFFFC0]  }
0xac: {  	v12 =	vld [tilespmem:s26+$0xFFFFFFF0];
	s26 =	sadd.s32 $0x80, s26  }
0xad: {  	_ =	sdelay $0x1  }
0xae: {  	vm0 =	vlt.s32 v13, $0x0;
	v17 =	vxor.u32 $0xFFFFFFFF, v13;
	v18 =	vxor.u32 $0x80000000, v13  }
0xaf: {  	v15 =	vor.u32 v2, v15;
	v17 =	vsel vm0, v17, v18  }
0xb0: {  	v16 =	vor.u32 v2, v16;
	[tilespmem:v11+s11+$0x0] =	vst.idx.add.s32.msk $0xffff, v4;
	v20 =	vxor.u32 $0xFFFFFFFF, v10;
	v17 =	vshrl.u32 v17, $0x16  }
0xb1: {  	[tilespmem:v14+s11+$0x0] =	vst.idx.add.s32.msk $0xffff, v4;
	v18 =	vxor.u32 $0x80000000, v12;
	v19 =	vxor.u32 $0xFFFFFFFF, v12;
	vm0 =	vlt.s32 v12, $0x0  }
0xb2: {  	[tilespmem:v14+s12+$0x0] =	vst.idx.add.f32.msk $0xffff, v9;
	v14 =	vxor.u32 $0x80000000, v10;
	v17 =	vand.u32 $0x3F0, v17;
	v9 =	vsel vm0, v19, v18  }
0xb3: {  	[tilespmem:v11+s12+$0x0] =	vst.idx.add.f32.msk $0xffff, v6;
	vm0 =	vlt.s32 v10, $0x0;
	v17 =	vor.u32 v2, v17;
	v9 =	vshrl.u32 v9, $0x16  }
0xb4: {  	[tilespmem:v15+s11+$0x0] =	vst.idx.add.s32.msk $0xffff, v4;
	v14 =	vsel vm0, v20, v14;
	v9 =	vand.u32 $0x3F0, v9  }
0xb5: {  	[tilespmem:v15+s12+$0x0] =	vst.idx.add.f32.msk $0xffff, v8;
	v14 =	vshrl.u32 v14, $0x16;
	v8 =	vor.u32 v2, v9  }
0xb6: {  	[tilespmem:v16+s11+$0x0] =	vst.idx.add.s32.msk $0xffff, v4;
	v9 =	vand.u32 $0x3F0, v14  }
0xb7: {  	[tilespmem:v16+s12+$0x0] =	vst.idx.add.f32.msk $0xffff, v7;
	v9 =	vor.u32 v2, v9  }
0xb8: {  	[tilespmem:v17+s11+$0x0] =	vst.idx.add.s32.msk $0xffff, v4  }
0xb9: {  	[tilespmem:v17+s12+$0x0] =	vst.idx.add.f32.msk $0xffff, v13  }
0xba: {  	[tilespmem:v8+s11+$0x0] =	vst.idx.add.s32.msk $0xffff, v4  }
0xbb: {  	[tilespmem:v8+s12+$0x0] =	vst.idx.add.f32.msk $0xffff, v12  }
0xbc: {  	[tilespmem:v9+s11+$0x0] =	vst.idx.add.s32.msk $0xffff, v4  }
0xbd: {  	[tilespmem:v9+s12+$0x0] =	vst.idx.add.f32.msk $0xffff, v10  }
0xbe: {  	v7 =	vld [tilespmem:s24+$0xFFFFFFE0]  }
0xbf: {  	v11 =	vld [tilespmem:s25+$0xFFFFFFE0]  }
0xc0: {  	v6 =	vld [tilespmem:s25+$0xFFFFFFF0]  }
0xc1: {  	v10 =	vld [tilespmem:s24+$0xFFFFFFF0]  }
0xc2: {  	v14 =	vld [tilespmem:s24+$0x0]  }
0xc3: {  	v12 =	vimm.s32 $0x0;
	v9 =	vimm.f32 $0.0e+00;
	v8 =	vld [tilespmem:s25+$0x0]  }
0xc4: {  	[tilespmem:s25+$0xFFFFFFF0] =	vst v12;
	v15 =	vadd.f32 v7, v9;
	v19 =	vadd.s32 v12, v11  }
0xc5: {  	vm6 =	vmneg vm13;
	v16 =	vld [tilespmem:s24+$0x10];
	[tilespmem:s25+$0xFFFFFFE0] =	vst v12;
	vm1 =	vgt.s32 v19, $0x333;
	v13 =	vadd.s32 v19, v6  }
0xc6: {  	[tilespmem:s25+$0x0] =	vst v12;
	v7 =	vld [tilespmem:s25+$0x10];
	v17 =	vadd.f32 v10, v15;
	vm0 =	vmor vm13, vm1;
	vm2 =	vgt.s32 v13, $0x333  }
0xc7: {  	v22 =	vimm.f32 $0.0e+00;
	[tilespmem:s24+$0xFFFFFFE0] =	vst v9;
	vm3 =	vmneg vm0;
	vm5 =	vmor vm0, vm2  }
0xc8: {  	[tilespmem:s24+$0xFFFFFFF0] =	vst v9;
	v18 =	vadd.f32 v14, v17;
	v14 =	vadd.s32 v13, v8;
	vm0 =	vmand vm2, vm3  }
0xc9: {  	s1 =	simm.s32 $0x0;
	[tilespmem:s24+$0x0] =	vst v9;
	vm2 =	vmand vm1, vm6;
	vm4 =	vmneg vm5;
	vm3 =	vgt.s32 v14, $0x333  }
0xca: {  	s6 =	simm.s32 $0x4;
	[tilespmem:s25+$0x10] =	vst v12;
	v20 =	vsel vm2, s1, v12;
	v21 =	vsel vm2, v19, v12;
	v19 =	vimm.s32 $0x0  }
0xcb: {  	s7 =	simm.s32 $0x18460;
	s26 =	simm.s32 $0x18060;
	s0 =	simm.s32 $0x0;
	[tilespmem:s24+$0x10] =	vst v9;
	v10 =	vadd.f32 v16, v18;
	vm1 =	vmor vm5, vm3;
	v16 =	vadd.s32 v14, v7  }
.LBB2_7:
0xcc: {  	v23 =	vld [tilespmem:s7+$0xFFFFFFE0];
	p1 =	slt.u32 s6, $0x3C;
	v15 =	vsel vm2, v15, v22;
	vm3 =	vmand vm3, vm4;
	vm4 =	vgt.s32 v16, $0x333;
	s28 =	smov.u32 s6;
	s6 =	sadd.s32 $0x4, s6  }
0xcd: {  	v19 =	vsel vm2, v11, v19;
	v24 =	vld [tilespmem:s7+$0xFFFFFFF0];
	v15 =	vsel vm0, v17, v15;
	vm2 =	vmor vm1, vm4  }
0xce: {  	s29 =	sadd.s32 $0x1, s0;
	v17 =	vsel vm0, v6, v19;
	vm1 =	vmneg vm1;
	v11 =	vld [tilespmem:s26+$0xFFFFFFE0];
	[tilespmem:s26+$0xFFFFFFF0] =	vst v12;
	v18 =	vsel vm3, v18, v15  }
0xcf: {  	v13 =	vsel vm0, v13, v21;
	v15 =	vsel vm0, s29, v20;
	s29 =	sadd.s32 $0x2, s0;
	v17 =	vsel vm3, v8, v17;
	[tilespmem:s26+$0xFFFFFFE0] =	vst v12;
	v6 =	vld [tilespmem:s26+$0xFFFFFFF0]  }
0xd0: {  	v13 =	vsel vm3, v14, v13;
	vm0 =	vmand vm4, vm1;
	v19 =	vsel vm3, s29, v15;
	s29 =	sadd.s32 $0x3, s0;
	s0 =	smov.u32 s28;
	[tilespmem:s7+$0xFFFFFFE0] =	vst v9;
	v20 =	vld [tilespmem:s7+$0x0]  }
0xd1: {  	v21 =	vsel vm0, s29, v19;
	v15 =	vadd.f32 v23, v10;
	[tilespmem:s7+$0xFFFFFFF0] =	vst v9;
	v8 =	vld [tilespmem:s26+$0x0];
	v23 =	vsel vm0, v16, v13  }
0xd2: {  	v22 =	vsel vm0, v10, v18;
	v19 =	vsel vm0, v7, v17;
	[tilespmem:s26+$0x0] =	vst v12;
	v25 =	vld [tilespmem:s7+$0x10]  }
0xd3: {  	v16 =	vadd.s32 v16, v11;
	v17 =	vadd.f32 v24, v15;
	[tilespmem:s7+$0x0] =	vst v9  }
0xd4: {  	vm1 =	vmneg vm2;
	vm4 =	vgt.s32 v16, $0x333;
	v13 =	vadd.s32 v16, v6;
	v7 =	vld [tilespmem:s26+$0x10]  }
.Ltmp6:
0xd5: {  	vm0 =	vmor vm2, vm4;
	vm2 =	vgt.s32 v13, $0x333;
	v18 =	vadd.f32 v20, v17;
	[tilespmem:s26+$0x10] =	vst v12;
	(pc) =	sbr.rel @p1 .LBB2_7-.Ltmp6, $4  }
0xd6: {  	vm3 =	vmneg vm0;
	vm5 =	vmor vm0, vm2;
	v14 =	vadd.s32 v13, v8;
	[tilespmem:s7+$0x10] =	vst v9  }
0xd7: {  	vm0 =	vmand vm2, vm3;
	vm3 =	vgt.s32 v14, $0x333;
	v10 =	vadd.f32 v25, v18  }
0xd8: {  	vm2 =	vmand vm4, vm1;
	vm4 =	vmneg vm5;
	vm1 =	vmor vm5, vm3  }
0xd9: {  	s26 =	sadd.s32 $0x40, s26;
	s7 =	sadd.s32 $0x40, s7;
	v20 =	vsel vm2, s0, v21;
	v21 =	vsel vm2, v16, v23;
	v16 =	vadd.s32 v14, v7  }
0xda: {  	v15 =	vsel vm2, v15, v22;
	v22 =	vld [tilespmem:s25+$0xFFFFFFE0];
	vm3 =	vmand vm3, vm4;
	v11 =	vsel vm2, v11, v19  }
0xdb: {  	vm2 =	vgt.s32 v16, $0x333;
	v24 =	vld [tilespmem:s25+$0xFFFFFFF0];
	vm1 =	vmneg vm1;
	v13 =	vsel vm0, v13, v21  }
0xdc: {  	s6 =	sadd.s32 $0x1, s0;
	v15 =	vsel vm0, v17, v15;
	v6 =	vsel vm0, v6, v11;
	v17 =	vld [tilespmem:s24+$0xFFFFFFE0];
	v13 =	vsel vm3, v14, v13  }
0xdd: {  	v23 =	vld [tilespmem:s25+$0x0];
	s7 =	sadd.s32 $0x2, s0;
	v11 =	vsel vm3, v18, v15;
	v15 =	vsel vm0, s6, v20;
	vm0 =	vmand vm2, vm1  }
0xde: {  	v6 =	vsel vm3, v8, v6;
	v8 =	vsel vm3, s7, v15;
	v15 =	vsel vm0, v16, v13  }
0xdf: {  	s8 =	sadd.s32 $0x3, s0;
	v13 =	vsel vm0, v10, v11;
	v16 =	vld [tilespmem:s24+$0xFFFFFFF0];
	v11 =	vsel vm0, v7, v6;
	v7 =	vimm.s32 $0x0  }
0xe0: {  	v6 =	vld [tilespmem:s25+$0x10];
	v8 =	vsel vm0, s8, v8;
	v7 =	vsel vm6, $0xFFFFFFFF, v7;
	v18 =	vadd.s32 v12, v22  }
0xe1: {  	vm1 =	vgt.s32 v18, $0xCC;
	v20 =	vadd.s32 v18, v24;
	v14 =	vadd.f32 v17, v9  }
0xe2: {  	vm0 =	vmor vm13, vm1;
	vm2 =	vgt.s32 v20, $0xCC;
	v27 =	vadd.s32 v20, v23  }
0xe3: {  	vm5 =	vmand vm1, vm6;
	vm3 =	vmneg vm0;
	vm4 =	vmor vm0, vm2  }
0xe4: {  	v21 =	vld [tilespmem:s24+$0x0];
	vm0 =	vgt.s32 v27, $0xCC;
	v19 =	vadd.f32 v16, v14;
	v26 =	vsel vm5, v12, v12  }
0xe5: {  	v25 =	vld [tilespmem:s24+$0x10];
	s26 =	simm.s32 $0x18060;
	[tilespmem:$0x1FFF0] =	vst v7;
	v17 =	vsub.f32 v14, v17;
	v14 =	vadd.s32 v27, v6;
	v29 =	vsel vm5, s1, v12  }
0xe6: {  	v7 =	vld [tilespmem:s26+$0xFFFFFFE0];
	v12 =	vsel vm5, v22, v12;
	v22 =	vimm.s32 $0x0;
	vm6 =	vmor vm4, vm0  }
0xe7: {  	vm2 =	vmand vm2, vm3;
	vm1 =	vmneg vm4;
	vm4 =	vgt.s32 v14, $0xCC  }
0xe8: {  	vm3 =	vmneg vm6;
	v26 =	vsel vm2, v18, v26;
	v16 =	vsub.f32 v19, v16  }
0xe9: {  	s28 =	simm.s32 $0x18460;
	s19 =	simm.s32 $0x1;
	v28 =	vadd.f32 v21, v19;
	v9 =	vsel vm5, v17, v9;
	vm6 =	vmor vm6, vm4  }
0xea: {  	v18 =	vld [tilespmem:s28+$0xFFFFFFE0];
	v29 =	vsel vm2, s19, v29;
	v31 =	vsel vm2, v24, v12;
	vm1 =	vmand vm0, vm1  }
0xeb: {  	s30 =	simm.s32 $0x2;
	v17 =	vld [tilespmem:s26+$0xFFFFFFF0];
	v19 =	vadd.s32 v14, v7;
	vm4 =	vmand vm4, vm3;
	vm3 =	vmneg vm6  }
0xec: {  	v33 =	vsel vm1, v20, v26;
	v26 =	vsel vm1, s30, v29;
	v30 =	vsel vm2, v16, v9;
	v9 =	vld [tilespmem:s26+$0x0]  }
0xed: {  	s31 =	simm.s32 $0x3;
	[tilespmem:s25+$0xFFFFFFE0] =	vst v22;
	v16 =	vadd.f32 v25, v28;
	vm5 =	vgt.s32 v19, $0xCC;
	v28 =	vsub.f32 v28, v21  }
0xee: {  	[tilespmem:s25+$0x0] =	vst v22;
	v26 =	vsel vm4, s31, v26;
	v29 =	vsel vm4, v27, v33;
	vm2 =	vmor vm6, vm5  }
0xef: {  	[tilespmem:s25+$0xFFFFFFF0] =	vst v22;
	v24 =	vld [tilespmem:s28+$0xFFFFFFF0];
	vm5 =	vmand vm5, vm3;
	v32 =	vsub.f32 v16, v25;
	vm6 =	vmneg vm2  }
0xf0: {  	[tilespmem:s25+$0x10] =	vst v22;
	v21 =	vld [tilespmem:s26+$0x10];
	v30 =	vsel vm1, v28, v30;
	v25 =	vadd.f32 v18, v16;
	v16 =	vadd.s32 v19, v17  }
0xf1: {  	[tilespmem:s24+$0xFFFFFFE0] =	vst v1;
	v28 =	vsel vm1, v23, v31;
	vm7 =	vgt.s32 v16, $0xCC;
	v12 =	vadd.s32 v16, v9  }
0xf2: {  	s29 =	simm.s32 $0x8;
	[tilespmem:s24+$0x0] =	vst v1;
	v23 =	vld [tilespmem:s28+$0x0];
	v27 =	vsel vm4, v32, v30;
	vm8 =	vmor vm2, vm7;
	vm2 =	vgt.s32 v12, $0xCC  }
0xf3: {  	s0 =	simm.s32 $0x184A0;
	s6 =	simm.s32 $0x180A0;
	s1 =	simm.s32 $0x4;
	[tilespmem:s24+$0xFFFFFFF0] =	vst v1;
	v20 =	vld [tilespmem:s28+$0x10];
	vm6 =	vmand vm7, vm6;
	vm3 =	vmneg vm8;
	vm0 =	vmor vm8, vm2  }
.LBB2_9:
0xf4: {  	p1 =	slt.u32 s29, $0x3C;
	s7 =	smov.u32 s29  }
0xf5: {  	v30 =	vld [tilespmem:s6+$0xFFFFFFE0];
	v31 =	vadd.f32 v24, v25;
	vm1 =	vmneg vm0;
	[tilespmem:s24+$0x10] =	vst v1;
	v28 =	vsel vm4, v6, v28;
	v6 =	vmovc v21;
	s29 =	sadd.s32 $0x4, s29;
	s24 =	smov.u32 s28;
	s28 =	smov.u32 s0  }
0xf6: {  	v21 =	vsel vm5, v14, v29;
	v25 =	vsub.f32 v25, v18;
	v32 =	vld [tilespmem:s0+$0xFFFFFFF0];
	v14 =	vadd.s32 v12, v6  }
0xf7: {  	v33 =	vsel vm6, v19, v21;
	v29 =	vld [tilespmem:s6+$0x0];
	v19 =	vsub.f32 v31, v24;
	v31 =	vadd.f32 v23, v31  }
0xf8: {  	v24 =	vsel vm5, s1, v26;
	v21 =	vsel vm5, v25, v27;
	vm4 =	vgt.s32 v14, $0xCC;
	v18 =	vld [tilespmem:s0+$0xFFFFFFE0]  }
0xf9: {  	s25 =	sadd.s32 $0x1, s1;
	vm7 =	vmor vm0, vm4;
	v26 =	vld [tilespmem:s6+$0xFFFFFFF0];
	v27 =	vsel vm6, v19, v21;
	v25 =	vadd.f32 v20, v31  }
0xfa: {  	v28 =	vsel vm5, v7, v28;
	v34 =	vsel vm6, s25, v24;
	v19 =	vadd.s32 v14, v30;
	v21 =	vld [tilespmem:s6+$0x10];
	v7 =	vmovc v30  }
0xfb: {  	v28 =	vsel vm6, v17, v28;
	vm0 =	vgt.s32 v19, $0xCC;
	v30 =	vsub.f32 v25, v20;
	v20 =	vld [tilespmem:s0+$0x10];
	v24 =	vmovc v32  }
0xfc: {  	vm4 =	vmand vm4, vm1;
	vm5 =	vmor vm7, vm0  }
0xfd: {  	vm1 =	vmneg vm7;
	v25 =	vadd.f32 v18, v25;
	vm6 =	vmneg vm5;
	[tilespmem:s26+$0xFFFFFFE0] =	vst v22  }
0xfe: {  	vm3 =	vmand vm2, vm3;
	v31 =	vsub.f32 v31, v23;
	v32 =	vadd.s32 v19, v26;
	[tilespmem:s26+$0x0] =	vst v22;
	v17 =	vmovc v26  }
.Ltmp7:
0xff: {  	v33 =	vsel vm3, v16, v33;
	s25 =	sadd.s32 $0x2, s1;
	vm7 =	vgt.s32 v32, $0xCC;
	v35 =	vadd.s32 v32, v29;
	[tilespmem:s24+$0xFFFFFFE0] =	vst v1;
	v16 =	vmovc v32;
	(pc) =	sbr.rel @p1 .LBB2_9-.Ltmp7, $4  }
0x100: {  	v26 =	vsel vm3, s25, v34;
	s25 =	sadd.s32 $0x3, s1;
	s1 =	smov.u32 s7;
	vm8 =	vmor vm5, vm7;
	vm2 =	vgt.s32 v35, $0xCC;
	[tilespmem:s24+$0x0] =	vst v1  }
0x101: {  	v27 =	vsel vm3, v31, v27;
	vm5 =	vmand vm0, vm1;
	v23 =	vld [tilespmem:s0+$0x0];
	vm0 =	vmor vm8, vm2;
	[tilespmem:s26+$0xFFFFFFF0] =	vst v22  }
0x102: {  	v28 =	vsel vm3, v9, v28;
	v9 =	vmovc v29;
	v26 =	vsel vm4, s25, v26;
	vm6 =	vmand vm7, vm6;
	[tilespmem:s24+$0xFFFFFFF0] =	vst v1  }
0x103: {  	v27 =	vsel vm4, v30, v27;
	v29 =	vsel vm4, v12, v33;
	v12 =	vmovc v35;
	vm3 =	vmneg vm8;
	s0 =	sadd.s32 $0x40, s0;
	[tilespmem:s26+$0x10] =	vst v22;
	s26 =	smov.u32 s6;
	s6 =	sadd.s32 $0x40, s6  }
0x104: {  	[tilespmem:s24+$0x10] =	vst v1;
	v22 =	vimm.s32 $0x0  }
0x105: {  	[tilespmem:s26+$0xFFFFFFE0] =	vst v22  }
0x106: {  	[tilespmem:s26+$0x0] =	vst v22  }
0x107: {  	[tilespmem:s26+$0xFFFFFFF0] =	vst v22  }
0x108: {  	[tilespmem:s26+$0x10] =	vst v22  }
0x109: {  	[tilespmem:s28+$0xFFFFFFE0] =	vst v1  }
0x10a: {  	[tilespmem:s28+$0x0] =	vst v1  }
0x10b: {  	v30 =	vadd.f32 v24, v25;
	[tilespmem:s28+$0xFFFFFFF0] =	vst v1  }
0x10c: {  	vm0 =	vmneg vm0;
	v6 =	vsel vm4, v6, v28;
	v14 =	vsel vm5, v14, v29;
	[tilespmem:s28+$0x10] =	vst v1  }
0x10d: {  	v18 =	vsub.f32 v25, v18;
	v25 =	vadd.s32 v12, v21;
	v26 =	vsel vm5, s1, v26;
	v28 =	vld [tilespmem:s23+$0x30]  }
0x10e: {  	v14 =	vsel vm6, v19, v14;
	vm1 =	vgt.s32 v25, $0xCC;
	v6 =	vsel vm5, v7, v6;
	v29 =	vld [tilespmem:s23+$0x20]  }
0x10f: {  	v19 =	vsub.f32 v30, v24;
	v24 =	vadd.f32 v23, v30;
	v18 =	vsel vm5, v18, v27;
	v25 =	vld [tilespmem:s23+$0x10]  }
0x110: {  	v6 =	vsel vm6, v17, v6;
	vm0 =	vmand vm1, vm0;
	vm1 =	vmand vm2, vm3;
	v27 =	vld [tilespmem:s23+$0x0]  }
0x111: {  	s0 =	sadd.s32 $0x1, s1;
	v6 =	vsel vm1, v9, v6;
	v9 =	vld [tilespmem:s23+$0xFFFFFFC0];
	v18 =	vsel vm6, v19, v18;
	v19 =	vadd.f32 v20, v24  }
0x112: {  	s8 =	sadd.s32 $0x2, s1;
	v7 =	vsel vm6, s0, v26;
	v14 =	vsel vm1, v16, v14;
	v17 =	vsub.f32 v24, v23;
	v23 =	vld [tilespmem:s23+$0xFFFFFFF0]  }
0x113: {  	v7 =	vsel vm1, s8, v7;
	v16 =	vsel vm0, v12, v14;
	v19 =	vsub.f32 v19, v20  }
0x114: {  	s19 =	sadd.s32 $0x3, s1;
	v14 =	vsel vm0, v21, v6;
	v6 =	vshll.u32 v22, $0x4;
	v17 =	vsel vm1, v17, v18  }
0x115: {  	v7 =	vsel vm0, s19, v7;
	v12 =	vsel vm0, v19, v17;
	v19 =	vor.u32 v2, v6  }
0x116: {  	v20 =	vld [tilespmem:s23+$0xFFFFFFE0];
	v17 =	vshra.s32 v25, $0x1F;
	v24 =	vshra.s32 v29, $0x1F;
	v26 =	vshra.s32 v28, $0x1F  }
0x117: {  	v18 =	vld [tilespmem:s23+$0xFFFFFFD0];
	v32 =	vshra.s32 v27, $0x1F;
	v33 =	vshra.s32 v9, $0x1F;
	v31 =	vshra.s32 v23, $0x1F  }
0x118: {  	v26 =	vor.u32 $0x80000000, v26;
	v32 =	vor.u32 $0x80000000, v32;
	v17 =	vor.u32 $0x80000000, v17  }
0x119: {  	v24 =	vor.u32 $0x80000000, v24;
	v33 =	vor.u32 $0x80000000, v33;
	v31 =	vor.u32 $0x80000000, v31  }
0x11a: {  	v24 =	vxor.u32 v29, v24;
	v26 =	vxor.u32 v28, v26;
	v27 =	vxor.u32 v27, v32  }
0x11b: {  	v17 =	vxor.u32 v25, v17;
	v9 =	vxor.u32 v9, v33;
	v30 =	vshra.s32 v20, $0x1F  }
0x11c: {  	v34 =	vshra.s32 v18, $0x1F;
	v23 =	vxor.u32 v23, v31;
	v17 =	vshrl.u32 v17, $0x1A  }
0x11d: {  	v24 =	vshrl.u32 v24, $0x1A;
	v25 =	vshrl.u32 v26, $0x1A;
	v26 =	vshrl.u32 v27, $0x1A  }
0x11e: {  	v9 =	vshrl.u32 v9, $0x1A;
	v34 =	vor.u32 $0x80000000, v34;
	v30 =	vor.u32 $0x80000000, v30  }
0x11f: {  	v23 =	vshrl.u32 v23, $0x1A;
	vm15 =	veq.s32 v25, v8;
	vm13 =	veq.s32 v24, v8  }
0x120: {  	vm12 =	veq.s32 v24, v7;
	vm14 =	veq.s32 v25, v7;
	vm7 =	veq.s32 v26, v8  }
0x121: {  	vm6 =	veq.s32 v17, v8;
	vm11 =	veq.s32 v17, v7;
	v17 =	vimm.s32 $0x0  }
0x122: {  	vm8 =	veq.s32 v26, v7;
	vm1 =	veq.s32 v9, v8;
	vm0 =	veq.s32 v9, v7  }
0x123: {  	v18 =	vxor.u32 v18, v34;
	v20 =	vxor.u32 v20, v30;
	v17 =	vsel vm11, $0xFFFFFFFF, v17  }
0x124: {  	vm4 =	veq.s32 v23, v8;
	vm5 =	veq.s32 v23, v7;
	v9 =	vsel vm6, $0x1, v0  }
0x125: {  	v24 =	vsel vm7, $0x1, v0;
	v25 =	vsel vm1, $0x1, v0;
	v26 =	vsel vm0, $0x1, v0  }
0x126: {  	v30 =	vsel vm8, $0x1, v0;
	v31 =	vsel vm11, $0x1, v0;
	v20 =	vshrl.u32 v20, $0x1A  }
0x127: {  	v18 =	vshrl.u32 v18, $0x1A;
	[tilespmem:$0x1FFE0] =	vst v17;
	v17 =	vsel vm13, $0x1, v0;
	v23 =	vsel vm4, $0x1, v0  }
0x128: {  	v25 =	vadd.s32 v25, v22;
	v22 =	vadd.s32 v26, v22;
	v26 =	vimm.s32 $0x0  }
0x129: {  	vm2 =	veq.s32 v18, v8;
	vm3 =	veq.s32 v20, v8;
	vm10 =	veq.s32 v18, v7  }
0x12a: {  	vm9 =	veq.s32 v20, v7;
	v27 =	vsel vm2, $0x1, v0;
	v26 =	vsel vm10, $0xFFFFFFFF, v26  }
0x12b: {  	v20 =	vsel vm3, $0x1, v0;
	[tilespmem:$0x1FFD0] =	vst v26;
	v26 =	vsel vm10, $0x1, v0;
	v27 =	vadd.s32 v27, v25  }
0x12c: {  	v28 =	vsel vm9, $0x1, v0;
	v26 =	vadd.s32 v26, v22;
	v20 =	vadd.s32 v20, v27  }
0x12d: {  	v29 =	vsel vm5, $0x1, v0;
	v28 =	vadd.s32 v28, v26;
	v23 =	vadd.s32 v23, v20  }
0x12e: {  	v18 =	vsel vm15, $0x1, v0;
	v29 =	vadd.s32 v29, v28;
	v24 =	vadd.s32 v24, v23  }
0x12f: {  	v30 =	vadd.s32 v30, v29;
	v60 =	vadd.s32 v9, v24;
	v9 =	vsel vm12, $0x1, v0  }
0x130: {  	v24 =	vshll.u32 v24, $0x4;
	v31 =	vadd.s32 v31, v30;
	v17 =	vadd.s32 v17, v60  }
0x131: {  	v45 =	vor.u32 v2, v24;
	v61 =	vadd.s32 v9, v31;
	v35 =	vshll.u32 v17, $0x4  }
0x132: {  	s24 =	simm.s32 $0x0;
	v17 =	vadd.s32 v18, v17;
	v18 =	vshll.u32 v60, $0x4;
	v43 =	vor.u32 v2, v35  }
0x133: {  	v21 =	vmov s24;
	v33 =	vshll.u32 v61, $0x4;
	v42 =	vor.u32 v2, v18  }
0x134: {  	s31 =	simm.s32 $0x5;
	[tilespmem:v19+s13+$0x0] =	vst.idx.msk vm1, v21;
	v31 =	vshll.u32 v31, $0x4;
	v44 =	vor.u32 v2, v33  }
0x135: {  	s25 =	simm.s32 $0x7;
	v50 =	vmov s31;
	[tilespmem:v19+s14+$0x0] =	vst.idx.msk vm0, v21;
	v46 =	vor.u32 v2, v31  }
0x136: {  	s6 =	simm.s32 $0x6;
	v6 =	vmov s25;
	[tilespmem:v45+s13+$0x0] =	vst.idx.msk vm6, v50  }
0x137: {  	v62 =	vmov s6;
	[tilespmem:v43+s13+$0x0] =	vst.idx.msk vm15, v6  }
0x138: {  	s24 =	sadd.s32 $0x80, s23;
	[tilespmem:v42+s13+$0x0] =	vst.idx.msk vm13, v62  }
0x139: {  	vm11 =	vmmov vm7;
	v39 =	vshll.u32 v25, $0x4;
	vm10 =	vmmov vm2;
	v32 =	vld [tilespmem:s24+$0x10];
	[tilespmem:v44+s14+$0x0] =	vst.idx.msk vm14, v6  }
0x13a: {  	v25 =	vshll.u32 v27, $0x4;
	v38 =	vld [tilespmem:s24+$0xFFFFFFD0];
	v20 =	vshll.u32 v20, $0x4;
	v26 =	vshll.u32 v26, $0x4;
	[tilespmem:v46+s14+$0x0] =	vst.idx.msk vm12, v62  }
0x13b: {  	s30 =	simm.s32 $0x4;
	v21 =	vshll.u32 v22, $0x4;
	v25 =	vor.u32 v2, v25;
	v22 =	vor.u32 v2, v39;
	v63 =	vld [tilespmem:$0x1FFE0]  }
0x13c: {  	v37 =	vld [tilespmem:s24+$0xFFFFFFF0];
	v39 =	vmov s30;
	v23 =	vshll.u32 v23, $0x4;
	v28 =	vshll.u32 v28, $0x4  }
0x13d: {  	v40 =	vld [tilespmem:s24+$0xFFFFFFC0];
	v27 =	vor.u32 v2, v20;
	v21 =	vor.u32 v2, v21;
	v29 =	vshll.u32 v29, $0x4  }
0x13e: {  	s28 =	simm.s32 $0x2;
	v36 =	vshll.u32 v30, $0x4;
	v30 =	vld [tilespmem:s24+$0x30];
	v29 =	vor.u32 v2, v29;
	v24 =	vor.u32 v2, v26  }
0x13f: {  	v26 =	vor.u32 v2, v28;
	v28 =	vmov s28;
	v49 =	vor.u32 v2, v36;
	v36 =	vld [tilespmem:s24+$0xFFFFFFE0]  }
0x140: {  	v9 =	vsel vm14, $0x1, v0;
	v47 =	vshra.s32 v38, $0x1F;
	v35 =	vld [tilespmem:s24+$0x0];
	vm0 =	vnez.u8 v63  }
0x141: {  	s26 =	simm.s32 $0x1;
	v34 =	vld [tilespmem:s24+$0x20];
	v9 =	vadd.s32 v9, v61;
	v19 =	vshll.u32 v17, $0x4;
	v31 =	vor.u32 v2, v23  }
0x142: {  	s29 =	simm.s32 $0x3;
	s23 =	simm.s32 $0x8;
	v23 =	vmov s26;
	v41 =	vshll.u32 v9, $0x4;
	v18 =	vor.u32 v2, v19  }
0x143: {  	v19 =	vmov s23;
	v33 =	vmov s29;
	v20 =	vor.u32 v2, v41  }
0x144: {  	v51 =	vshra.s32 v30, $0x1F;
	v45 =	vshra.s32 v40, $0x1F;
	v41 =	vshra.s32 v36, $0x1F  }
0x145: {  	s7 =	simm.s32 $0xF;
	v43 =	vshra.s32 v32, $0x1F;
	v42 =	vshra.s32 v37, $0x1F;
	v48 =	vshra.s32 v35, $0x1F  }
0x146: {  	s25 =	simm.s32 $0x10;
	v6 =	vmov s7;
	v44 =	vshra.s32 v34, $0x1F;
	v46 =	vor.u32 $0x80000000, v51;
	[tilespmem:v49+s14+$0x0] =	vst.idx.msk vm0, v50  }
.LBB2_11:
0x147: {  	_ = 	snop  }
0x148: {  	[tilespmem:v31+s13+$0x0] =	vst.idx.msk vm11, v39  }
0x149: {  	vm0 =	vmmov vm10;
	v31 =	vimm.s32 $0x0;
	[tilespmem:v27+s13+$0x0] =	vst.idx.msk vm4, v33  }
0x14a: {  	[tilespmem:v25+s13+$0x0] =	vst.idx.msk vm3, v28;
	v31 =	vsel vm0, $0xFFFFFFFF, v31  }
0x14b: {  	v48 =	vor.u32 $0x80000000, v48;
	v43 =	vor.u32 $0x80000000, v43;
	v44 =	vor.u32 $0x80000000, v44;
	[tilespmem:$0x1FF90] =	vst v31;
	v31 =	vld [tilespmem:$0x1FFD0]  }
0x14c: {  	v41 =	vor.u32 $0x80000000, v41;
	v42 =	vor.u32 $0x80000000, v42;
	[tilespmem:v29+s14+$0x0] =	vst.idx.msk vm8, v39;
	v29 =	vor.u32 $0x80000000, v45  }
0x14d: {  	v34 =	vxor.u32 v34, v44;
	v27 =	vxor.u32 v37, v42;
	v32 =	vxor.u32 v32, v43  }
0x14e: {  	[tilespmem:v24+s14+$0x0] =	vst.idx.msk vm9, v28;
	v24 =	vimm.s32 $0x0;
	v29 =	vxor.u32 v40, v29;
	v34 =	vshrl.u32 v34, $0x1A  }
0x14f: {  	v27 =	vshrl.u32 v27, $0x1A;
	v25 =	vshrl.u32 v29, $0x1A;
	vm2 =	veq.s32 v34, v8  }
0x150: {  	vm7 =	veq.s32 v27, v8;
	vm12 =	veq.s32 v27, v7;
	v27 =	vld [tilespmem:$0x1FF90];
	vm0 =	vnez.u8 v31  }
0x151: {  	v24 =	vsel vm2, $0xFFFFFFFF, v24;
	v31 =	vimm.s32 $0x0;
	vm1 =	vmmov vm0  }
0x152: {  	v32 =	vshrl.u32 v32, $0x1A;
	vm4 =	veq.s32 v25, v8;
	[tilespmem:$0x1FFB0] =	vst v24;
	v31 =	vsel vm1, $0xFFFFFFFF, v31  }
0x153: {  	v24 =	vimm.s32 $0x0;
	vm0 =	veq.s32 v32, v8;
	[tilespmem:$0x1FFA0] =	vst v31;
	v31 =	vor.u32 $0x80000000, v47  }
0x154: {  	vm6 =	veq.s32 v25, v7;
	v24 =	vsel vm0, $0xFFFFFFFF, v24;
	v31 =	vxor.u32 v38, v31  }
0x155: {  	[tilespmem:$0x1FFC0] =	vst v24;
	v24 =	vsel vm0, $0x1, v0;
	vm0 =	vnez.u8 v27;
	v29 =	vshrl.u32 v31, $0x1A  }
0x156: {  	s24 =	sadd.s32 $0x80, s24;
	v35 =	vxor.u32 v35, v48;
	vm10 =	veq.s32 v29, v8;
	vm1 =	veq.s32 v29, v7;
	v29 =	vld [tilespmem:$0x1FFA0]  }
0x157: {  	v30 =	vxor.u32 v30, v46;
	s6 =	sadd.s32 $0x6, s23;
	s30 =	sadd.s32 $0x4, s23;
	v36 =	vxor.u32 v36, v41;
	[tilespmem:v26+s14+$0x0] =	vst.idx.msk vm5, v33;
	v51 =	vshrl.u32 v35, $0x1A;
	v35 =	vld [tilespmem:s24+$0x0]  }
0x158: {  	v30 =	vshrl.u32 v30, $0x1A;
	v61 =	vmov s6;
	v39 =	vmov s30;
	v37 =	vld [tilespmem:s24+$0xFFFFFFF0]  }
0x159: {  	s31 =	sadd.s32 $0x5, s23;
	v26 =	vshrl.u32 v36, $0x1A;
	vm3 =	veq.s32 v30, v8;
	vm15 =	veq.s32 v30, v7;
	v36 =	vld [tilespmem:s24+$0xFFFFFFE0];
	[tilespmem:v18+s13+$0x0] =	vst.idx.msk vm4, v19  }
0x15a: {  	v50 =	vmov s31;
	vm14 =	veq.s32 v34, v7;
	vm11 =	veq.s32 v51, v8;
	v34 =	vld [tilespmem:s24+$0x20];
	[tilespmem:v20+s14+$0x0] =	vst.idx.msk vm6, v19  }
0x15b: {  	vm13 =	veq.s32 v32, v7;
	vm8 =	veq.s32 v51, v7;
	v32 =	vld [tilespmem:s24+$0x10];
	[tilespmem:v22+s13+$0x0] =	vst.idx.msk vm0, v23;
	vm0 =	vnez.u8 v29  }
0x15c: {  	vm5 =	veq.s32 v26, v8;
	vm9 =	veq.s32 v26, v7;
	v26 =	vsel vm3, $0x1, v0;
	v40 =	vld [tilespmem:s24+$0xFFFFFFC0]  }
0x15d: {  	v25 =	vsel vm2, $0x1, v0;
	vm2 =	vmmov vm3;
	v28 =	vsel vm11, $0x1, v0  }
0x15e: {  	vm3 =	vmmov vm5;
	v41 =	vshra.s32 v36, $0x1F;
	v42 =	vshra.s32 v37, $0x1F  }
0x15f: {  	v48 =	vshra.s32 v35, $0x1F;
	v44 =	vshra.s32 v34, $0x1F;
	v27 =	vsel vm7, $0x1, v0  }
0x160: {  	v63 =	vld [tilespmem:$0x1FFC0];
	v43 =	vshra.s32 v32, $0x1F;
	v22 =	vsel vm5, $0x1, v0;
	vm5 =	vmmov vm12  }
0x161: {  	v45 =	vshra.s32 v40, $0x1F;
	v29 =	vsel vm10, $0x1, v0;
	[tilespmem:v21+s14+$0x0] =	vst.idx.msk vm0, v23;
	v23 =	vsel vm6, $0x1, v0  }
0x162: {  	v21 =	vsel vm4, $0x1, v0;
	v23 =	vadd.s32 v23, v9;
	v9 =	vimm.s32 $0x0  }
0x163: {  	vm4 =	vmmov vm7;
	v21 =	vadd.s32 v21, v17;
	v9 =	vsel vm1, $0xFFFFFFFF, v9  }
0x164: {  	v29 =	vadd.s32 v29, v21;
	v21 =	vshll.u32 v21, $0x4;
	[tilespmem:$0x1FFD0] =	vst v9;
	v9 =	vsel vm1, $0x1, v0  }
0x165: {  	v18 =	vadd.s32 v22, v29;
	v53 =	vshll.u32 v29, $0x4;
	vm1 =	vnez.u8 v63  }
0x166: {  	v31 =	vadd.s32 v9, v23;
	v9 =	vsel vm9, $0x1, v0;
	v19 =	vadd.s32 v27, v18  }
0x167: {  	v18 =	vshll.u32 v18, $0x4;
	v23 =	vshll.u32 v23, $0x4;
	v22 =	vadd.s32 v9, v31  }
0x168: {  	v9 =	vsel vm12, $0x1, v0;
	v27 =	vadd.s32 v28, v19;
	v19 =	vshll.u32 v19, $0x4  }
0x169: {  	v54 =	vshll.u32 v31, $0x4;
	v20 =	vadd.s32 v9, v22;
	v24 =	vadd.s32 v24, v27  }
0x16a: {  	v9 =	vsel vm8, $0x1, v0;
	v27 =	vshll.u32 v27, $0x4;
	v17 =	vadd.s32 v25, v24  }
0x16b: {  	v22 =	vshll.u32 v22, $0x4;
	v31 =	vor.u32 v2, v19;
	v52 =	vshll.u32 v17, $0x4  }
0x16c: {  	v62 =	vld [tilespmem:$0x1FFB0];
	v19 =	vmov s25;
	v28 =	vadd.s32 v9, v20;
	v33 =	vor.u32 v2, v52  }
0x16d: {  	v38 =	vld [tilespmem:s24+$0xFFFFFFD0];
	v9 =	vsel vm13, $0x1, v0;
	v24 =	vshll.u32 v24, $0x4;
	v59 =	vor.u32 v2, v27  }
0x16e: {  	v30 =	vadd.s32 v9, v28;
	v9 =	vsel vm14, $0x1, v0;
	v17 =	vadd.s32 v26, v17  }
0x16f: {  	v28 =	vshll.u32 v28, $0x4;
	v25 =	vadd.s32 v9, v30;
	v9 =	vsel vm15, $0x1, v0  }
0x170: {  	v49 =	vor.u32 v2, v28;
	v9 =	vadd.s32 v9, v25;
	v25 =	vshll.u32 v25, $0x4  }
0x171: {  	v26 =	vshll.u32 v30, $0x4;
	v30 =	vld [tilespmem:s24+$0x30];
	v58 =	vor.u32 v2, v25;
	[tilespmem:v33+s13+$0x0] =	vst.idx.msk vm2, v6;
	vm2 =	vnez.u8 v62  }
0x172: {  	v47 =	vshra.s32 v38, $0x1F;
	v20 =	vshll.u32 v20, $0x4;
	v57 =	vor.u32 v2, v24  }
0x173: {  	p1 =	slt.u32 s25, $0x3F8;
	v27 =	vor.u32 v2, v18;
	v29 =	vor.u32 v2, v20;
	v60 =	vor.u32 v2, v26  }
.Ltmp8:
0x174: {  	s29 =	sadd.s32 $0x2, s23;
	v24 =	vor.u32 v2, v54;
	v55 =	vshll.u32 v17, $0x4;
	v26 =	vor.u32 v2, v22;
	[tilespmem:v59+s13+$0x0] =	vst.idx.msk vm1, v50;
	(pc) =	sbr.rel @p1 .LBB2_11-.Ltmp8, $4  }
0x175: {  	s0 =	sadd.s32 $0x1, s23;
	v28 =	vmov s29;
	v18 =	vor.u32 v2, v55;
	v22 =	vor.u32 v2, v21;
	[tilespmem:v49+s14+$0x0] =	vst.idx.msk vm13, v50  }
0x176: {  	v21 =	vor.u32 v2, v23;
	v23 =	vmov s0;
	v56 =	vshll.u32 v9, $0x4;
	[tilespmem:v58+s14+$0x0] =	vst.idx.msk vm15, v6  }
0x177: {  	s1 =	sadd.s32 $0x3, s23;
	s7 =	sadd.s32 $0x7, s25;
	v25 =	vor.u32 v2, v53;
	v20 =	vor.u32 v2, v56;
	v51 =	vshra.s32 v30, $0x1F;
	[tilespmem:v57+s13+$0x0] =	vst.idx.msk vm2, v61  }
0x178: {  	s23 =	smov.u32 s25;
	s25 =	sadd.s32 $0x8, s25;
	v33 =	vmov s1;
	v46 =	vor.u32 $0x80000000, v51;
	v6 =	vmov s7;
	[tilespmem:v60+s14+$0x0] =	vst.idx.msk vm14, v61  }
0x179: {  	vm0 =	vmmov vm10  }
0x17a: {  	v49 =	vimm.s32 $0x0;
	v62 =	vld [tilespmem:$0x1FFD0];
	v63 =	vimm.s32 $0x0;
	v47 =	vor.u32 $0x80000000, v47  }
0x17b: {  	v41 =	vor.u32 $0x80000000, v41;
	v42 =	vor.u32 $0x80000000, v42;
	v45 =	vor.u32 $0x80000000, v45  }
0x17c: {  	v30 =	vxor.u32 v30, v46;
	v46 =	vimm.s32 $0x0;
	vm7 =	vmmov vm11  }
0x17d: {  	v49 =	vsel vm0, $0xFFFFFFFF, v49;
	v37 =	vxor.u32 v37, v42;
	v40 =	vxor.u32 v40, v45  }
0x17e: {  	v38 =	vxor.u32 v38, v47;
	v36 =	vxor.u32 v36, v41;
	v37 =	vshrl.u32 v37, $0x1A  }
0x17f: {  	v45 =	vimm.s32 $0x0;
	vm6 =	veq.s32 v37, v8;
	vm10 =	vnez.u8 v62  }
0x180: {  	[tilespmem:$0x1FF40] =	vst v49;
	v38 =	vshrl.u32 v38, $0x1A;
	v41 =	vsel vm6, $0xFFFFFFFF, v45;
	vm0 =	vmmov vm10  }
0x181: {  	v36 =	vshrl.u32 v36, $0x1A;
	[tilespmem:$0x1FF70] =	vst v41;
	vm10 =	veq.s32 v38, v8;
	v49 =	vsel vm0, $0xFFFFFFFF, v63  }
0x182: {  	v47 =	vimm.s32 $0x0;
	vm2 =	veq.s32 v36, v8;
	v41 =	vsel vm10, $0xFFFFFFFF, v46;
	[tilespmem:$0x1FF50] =	vst v49  }
0x183: {  	[tilespmem:$0x1FF60] =	vst v41;
	v41 =	vsel vm2, $0xFFFFFFFF, v47  }
0x184: {  	v51 =	vsel vm2, $0x1, v0;
	vm2 =	vmmov vm5;
	[tilespmem:$0x1FF80] =	vst v41  }
0x185: {  	v40 =	vshrl.u32 v40, $0x1A;
	[tilespmem:v31+s13+$0x0] =	vst.idx.msk vm7, v39  }
0x186: {  	vm0 =	veq.s32 v40, v8;
	[tilespmem:v27+s13+$0x0] =	vst.idx.msk vm4, v33  }
0x187: {  	v54 =	vsel vm0, $0x1, v0;
	[tilespmem:v25+s13+$0x0] =	vst.idx.msk vm3, v28  }
0x188: {  	v56 =	vsel vm10, $0x1, v0;
	v17 =	vadd.s32 v54, v17;
	[tilespmem:v29+s14+$0x0] =	vst.idx.msk vm8, v39  }
0x189: {  	v43 =	vor.u32 $0x80000000, v43;
	vm11 =	veq.s32 v36, v7;
	v36 =	vadd.s32 v56, v17;
	[tilespmem:v24+s14+$0x0] =	vst.idx.msk vm9, v28  }
0x18a: {  	v32 =	vxor.u32 v32, v43;
	v52 =	vsel vm6, $0x1, v0;
	v43 =	vadd.s32 v51, v36;
	[tilespmem:v26+s14+$0x0] =	vst.idx.msk vm2, v33  }
0x18b: {  	v59 =	vadd.s32 v52, v43;
	v52 =	vld [tilespmem:$0x1FF40]  }
0x18c: {  	v48 =	vor.u32 $0x80000000, v48;
	v44 =	vor.u32 $0x80000000, v44  }
0x18d: {  	v34 =	vxor.u32 v34, v44;
	v35 =	vxor.u32 v35, v48  }
0x18e: {  	v30 =	vshrl.u32 v30, $0x1A;
	v34 =	vshrl.u32 v34, $0x1A;
	v35 =	vshrl.u32 v35, $0x1A  }
0x18f: {  	v32 =	vshrl.u32 v32, $0x1A;
	vm12 =	veq.s32 v34, v8;
	vm15 =	veq.s32 v35, v8  }
0x190: {  	vm14 =	veq.s32 v32, v8;
	vm1 =	veq.s32 v40, v7;
	vm8 =	vnez.u8 v52  }
0x191: {  	vm13 =	veq.s32 v38, v7;
	v48 =	vsel vm14, $0x1, v0;
	v55 =	vsel vm1, $0x1, v0  }
0x192: {  	v50 =	vsel vm12, $0x1, v0;
	v9 =	vadd.s32 v55, v9;
	v38 =	vsel vm13, $0x1, v0  }
0x193: {  	v57 =	vsel vm11, $0x1, v0;
	v38 =	vadd.s32 v38, v9;
	vm10 =	veq.s32 v37, v7  }
0x194: {  	v53 =	vsel vm15, $0x1, v0;
	v45 =	vadd.s32 v57, v38;
	v58 =	vsel vm10, $0x1, v0  }
0x195: {  	vm6 =	veq.s32 v32, v7;
	vm5 =	veq.s32 v34, v7;
	v61 =	vadd.s32 v58, v45  }
0x196: {  	v49 =	vxor.u32 $0x80000000, v11;
	vm7 =	veq.s32 v35, v7;
	v63 =	vadd.s32 v53, v59;
	[tilespmem:v22+s13+$0x0] =	vst.idx.msk vm8, v23  }
0x197: {  	v46 =	vsel vm5, $0x1, v0;
	v62 =	vsel vm7, $0x1, v0;
	v41 =	vadd.s32 v48, v63;
	v54 =	vld [tilespmem:$0x1FF50]  }
0x198: {  	v39 =	vsel vm6, $0x1, v0;
	v31 =	vadd.s32 v62, v61;
	v47 =	vadd.s32 v50, v41  }
0x199: {  	(xrf0) =	vmax.scan.msk.u32 $0xffff, v49;
	v44 =	vadd.s32 v39, v31;
	vm2 =	veq.s32 v30, v8;
	v49 =	vshll.u32 v47, $0x4  }
0x19a: {  	v48 =	vadd.s32 v46, v44;
	v51 =	vor.u32 v2, v49  }
0x19b: {  	vm3 =	veq.s32 v30, v7;
	v50 =	vshll.u32 v48, $0x4  }
0x19c: {  	v24 =	vor.u32 v2, v50;
	vm9 =	vnez.u8 v54  }
0x19d: {  	v53 =	vshll.u32 v41, $0x4  }
0x19e: {  	v22 =	vor.u32 v2, v53;
	[tilespmem:v18+s13+$0x0] =	vst.idx.msk vm0, v19;
	v18 =	vshll.u32 v63, $0x4  }
0x19f: {  	v56 =	vshll.u32 v59, $0x4;
	[tilespmem:v51+s13+$0x0] =	vst.idx.msk vm2, v6;
	v18 =	vor.u32 v2, v18  }
0x1a0: {  	[tilespmem:v20+s14+$0x0] =	vst.idx.msk vm1, v19;
	v19 =	vshll.u32 v31, $0x4;
	v20 =	vor.u32 v2, v56  }
0x1a1: {  	s0 =	sadd.s32 $0x6, s23;
	v55 =	vshll.u32 v44, $0x4;
	[tilespmem:v24+s14+$0x0] =	vst.idx.msk vm3, v6;
	v19 =	vor.u32 v2, v19  }
0x1a2: {  	s25 =	sadd.s32 $0x5, s23;
	v57 =	vmov s0;
	v60, _, _ =	vpop (xrf0);
	v6 =	vshll.u32 v61, $0x4;
	[tilespmem:v21+s14+$0x0] =	vst.idx.msk vm9, v23;
	v21 =	vor.u32 v2, v55  }
0x1a3: {  	s26 =	sadd.s32 $0x4, s23;
	(v2sf) =	vpush v60, $0xF;
	v60 =	vmov s25;
	v6 =	vor.u32 v2, v6;
	[tilespmem:v22+s13+$0x0] =	vst.idx.msk vm12, v57  }
0x1a4: {  	v61 =	vmov s26;
	[tilespmem:v18+s13+$0x0] =	vst.idx.msk vm14, v60  }
0x1a5: {  	[tilespmem:v20+s13+$0x0] =	vst.idx.msk vm15, v61  }
0x1a6: {  	[tilespmem:v19+s14+$0x0] =	vst.idx.msk vm6, v60  }
0x1a7: {  	[tilespmem:v21+s14+$0x0] =	vst.idx.msk vm5, v57  }
0x1a8: {  	v20 =	vld [tilespmem:$0x1FF60];
	[tilespmem:v6+s14+$0x0] =	vst.idx.msk vm7, v61  }
0x1a9: {  	v62 =	vld [tilespmem:$0x1FF70];
	_ =	sdelay $0x4  }
0x1aa: {  	v58 =	vshll.u32 v43, $0x4;
	vm9 =	vnez.u8 v62  }
0x1ab: {  	v59 =	vshll.u32 v45, $0x4;
	v22 =	vor.u32 v2, v58  }
0x1ac: {  	v21 =	vor.u32 v2, v59;
	_ =	sdelay $0x1  }
0x1ad: {  	s28 =	sadd.s32 $0x3, s23;
	v17 =	vshll.u32 v17, $0x4  }
0x1ae: {  	v6 =	vor.u32 v2, v17;
	v17 =	vmov s28  }
0x1af: {  	[tilespmem:v22+s13+$0x0] =	vst.idx.msk vm9, v17  }
0x1b0: {  	[tilespmem:v21+s14+$0x0] =	vst.idx.msk vm10, v17  }
0x1b1: {  	v17 =	vld [tilespmem:$0x1FF80];
	_ =	sdelay $0x1  }
0x1b2: {  	vm6 =	vnez.u8 v20  }
0x1b3: {  	vm0 =	vmmov vm6  }
0x1b4: {  	v9 =	vshll.u32 v9, $0x4  }
0x1b5: {  	v63 =	vor.u32 v2, v9;
	v18 =	vshll.u32 v36, $0x4;
	vm10 =	vnez.u8 v17  }
0x1b6: {  	v19 =	vshll.u32 v38, $0x4;
	v18 =	vor.u32 v2, v18  }
0x1b7: {  	s31 =	sadd.s32 $0x1, s23;
	s25 =	spop (v2sf);
	v19 =	vor.u32 v2, v19  }
0x1b8: {  	s24 =	sxor.u32 $0x80000000, s25;
	v17 =	vmov s31  }
0x1b9: {  	s29 =	sadd.s32 $0x2, s23;
	s1 =	sshra.s32 s24, $0x1F;
	[tilespmem:v6+s13+$0x0] =	vst.idx.msk vm0, v17  }
0x1ba: {  	v9 =	vmov s29;
	s30 =	sshrl.u32 s1, $0x1E;
	[tilespmem:v63+s14+$0x0] =	vst.idx.msk vm13, v17  }
0x1bb: {  	s0 =	sadd.s32 s30, s24;
	[tilespmem:v18+s13+$0x0] =	vst.idx.msk vm10, v9  }
0x1bc: {  	s26 =	sand.u32 $0xFFFFFFFC, s0;
	[tilespmem:v19+s14+$0x0] =	vst.idx.msk vm11, v9  }
0x1bd: {  	p2 =	slt.s32 s26, $0x1;
	v17 =	vld [tilespmem:$0x1FFF0]  }
.Ltmp9:
0x1be: {  	_ = 	snop;
	(pc) =	sbr.rel @p2 .LBB2_15-.Ltmp9, $4  }
0x1bf: {  	_ = 	snop  }
0x1c0: {  	v9 =	vmov s22  }
0x1c1: {  	vm8 =	vmmov vm13;
	v9 =	vshll.u32 v9, $0xE  }
0x1c2: {  	vm13 =	vmxor vm13, vm13;
	v6 =	vor.u32 v2, v9;
	vm14 =	vnez.u8 v17  }
0x1c3: {  	s0 =	simm.s32 $0x8020  }
0x1c4: {  	v17 =	vld [tilespmem:s0+$0x10]  }
0x1c5: {  	v18 =	vld [tilespmem:s0+$0xFFFFFFE0];
	_ =	sdelay $0x1  }
0x1c6: {  	s6 =	simm.s32 $0x3  }
0x1c7: {  	s1 =	simm.s32 $0x0;
	v19 =	vmov s6  }
0x1c8: {  	v20 =	vmov s1;
	v21 =	vld [tilespmem:s0+$0xFFFFFFF0];
	vm7 =	vlt.s32 v19, v11;
	v17 =	vshll.u32 v17, $0x4  }
0x1c9: {  	vm3 =	vlt.s32 v20, v11;
	v19 =	vld [tilespmem:s0+$0x0];
	v18 =	vshll.u32 v18, $0x4;
	v17 =	vnsel vm7, $0x0, v17  }
0x1ca: {  	v18 =	vnsel vm3, $0x0, v18;
	v17 =	vadd.s32 v6, v17  }
0x1cb: {  	s30 =	simm.s32 $0x1;
	p3 =	sgt.s32 s26, $0x4;
	v20 =	vadd.s32 v6, v18  }
.Ltmp10:
0x1cc: {  	s31 =	simm.s32 $0x2;
	v18 =	vmov s30;
	(pc) =	sbr.rel @!p3 .LBB2_14-.Ltmp10, $4  }
0x1cd: {  	vm6 =	vlt.s32 v18, v11;
	v18 =	vmov s31  }
0x1ce: {  	v19 =	vshll.u32 v19, $0x4;
	vm2 =	vlt.s32 v18, v11;
	v18 =	vshll.u32 v21, $0x4  }
0x1cf: {  	v21 =	vnsel vm6, $0x0, v18;
	v19 =	vnsel vm2, $0x0, v19;
	v18 =	vld.idx.msk [tilespmem:v17+s2+$0x0], $0xffff  }
0x1d0: {  	p1 =	por $0x0, $0x0;
	s0 =	simm.s32 $0x4;
	v26 =	vadd.s32 v6, v21;
	v23 =	vadd.s32 v6, v19;
	v17 =	vld.idx.msk [tilespmem:v20+s2+$0x0], $0xffff  }
0x1d1: {  	_ =	sdelay $0x2  }
0x1d2: {  	vm0 =	vmmov vm3  }
0x1d3: {  	s1 =	simm.s32 $0x5;
	v20 =	vld.idx.msk [tilespmem:v26+s2+$0x0], $0xffff;
	vm4 =	vmmov vm6;
	vm5 =	vmmov vm2;
	v19 =	vmov s0  }
0x1d4: {  	vm1 =	vmmov vm7;
	s30 =	simm.s32 $0x6;
	v27 =	vld.idx.msk [tilespmem:v23+s2+$0x0], $0xffff;
	s31 =	simm.s32 $0x7;
	v21 =	vmov s1;
	vm3 =	vlt.s32 v19, v11  }
0x1d5: {  	v19 =	vmov s30;
	v29 =	vmov s31;
	vm6 =	vlt.s32 v21, v11  }
0x1d6: {  	s1 =	simm.s32 $0x8060;
	vm2 =	vlt.s32 v19, v11;
	vm7 =	vlt.s32 v18, $0x0;
	v22 =	vxor.u32 $0xFFFFFFFF, v18  }
0x1d7: {  	v21 =	vld [tilespmem:s1+$0x10];
	v19 =	vsel vm7, v22, v18;
	vm7 =	vlt.s32 v17, $0x0;
	v22 =	vxor.u32 $0xFFFFFFFF, v17  }
0x1d8: {  	v23 =	vld [tilespmem:s1+$0xFFFFFFE0];
	v18 =	vnsel vm1, $0x0, v18;
	v19 =	vshrl.u32 v19, $0x10;
	vm8 =	vlt.s32 v20, $0x0  }
0x1d9: {  	v25 =	vld [tilespmem:s1+$0xFFFFFFF0];
	v24 =	vxor.u32 $0xFFFFFFFF, v20;
	vm9 =	vlt.s32 v27, $0x0;
	v26 =	vxor.u32 $0xFFFFFFFF, v27  }
0x1da: {  	v22 =	vsel vm7, v22, v17;
	vm7 =	vlt.s32 v29, v11;
	v19 =	vand.u32 $0x3F0, v19  }
0x1db: {  	v28 =	vld [tilespmem:s1+$0x0];
	v24 =	vsel vm8, v24, v20;
	v22 =	vshrl.u32 v22, $0x10;
	v19 =	vor.u32 v2, v19  }
0x1dc: {  	v26 =	vsel vm9, v26, v27;
	vm9 =	vmmov vm0;
	v19 =	vsel vm1, v19, v2  }
0x1dd: {  	v21 =	vshll.u32 v21, $0x4;
	v24 =	vshrl.u32 v24, $0x10;
	v23 =	vshll.u32 v23, $0x4  }
0x1de: {  	v63 =	vshrl.u32 v26, $0x10;
	v25 =	vshll.u32 v25, $0x4;
	v21 =	vnsel vm7, $0x0, v21  }
0x1df: {  	v26 =	vsel vm1, $0x1, v0;
	v23 =	vnsel vm3, $0x0, v23;
	v21 =	vadd.s32 v6, v21  }
0x1e0: {  	p3 =	sgt.s32 s26, $0x8;
	v28 =	vshll.u32 v28, $0x4;
	v30 =	vadd.s32 v6, v23;
	v23 =	vnsel vm6, $0x0, v25  }
.Ltmp11:
0x1e1: {  	v22 =	vand.u32 $0x3F0, v22;
	v25 =	vnsel vm2, $0x0, v28;
	[tilespmem:v19+s11+$0x0] =	vst.idx.add.s32.msk $0xffff, v26;
	v26 =	vadd.s32 v6, v23;
	(pc) =	sbr.rel @!p3 .LBB2_30-.Ltmp11, $4  }
0x1e2: {  	v23 =	vadd.s32 v6, v25;
	v25 =	vnsel vm0, $0x0, v17;
	[tilespmem:v19+s12+$0x0] =	vst.idx.add.f32.msk $0xffff, v18;
	v19 =	vand.u32 $0x3F0, v24  }
0x1e3: {  	v18 =	vor.u32 v2, v22;
	v22 =	vand.u32 $0x3F0, v63;
	v19 =	vor.u32 v2, v19  }
0x1e4: {  	v24 =	vsel vm0, v18, v2;
	v22 =	vor.u32 v2, v22;
	v18 =	vld.idx.msk [tilespmem:v21+s2+$0x0], $0xffff;
	v21 =	vsel vm4, v19, v2  }
0x1e5: {  	s22 =	simm.s32 $0x8;
	p1 =	por $0x1, $0x1;
	v17 =	vld.idx.msk [tilespmem:v30+s2+$0x0], $0xffff;
	v19 =	vsel vm5, v22, v2;
	v22 =	vnsel vm4, $0x0, v20;
	v20 =	vnsel vm5, $0x0, v27  }
.LBB2_29:
0x1e6: {  	vm8 =	vmmov vm3;
	vm1 =	vmmov vm4;
	vm4 =	vmmov vm6  }
0x1e7: {  	s0 =	sadd.s32 $0x1, s22;
	v27 =	vld.idx.msk [tilespmem:v26+s2+$0x0], $0xffff;
	vm10 =	vmmov vm5;
	vm5 =	vmmov vm2;
	vm0 =	vmmov vm7;
	s6 =	smov.u32 s22  }
0x1e8: {  	v26 =	vmov s22;
	v28 =	vmov s0;
	s0 =	sadd.s32 $0x2, s22;
	v29 =	vld.idx.msk [tilespmem:v23+s2+$0x0], $0xffff;
	v23 =	vsel vm9, $0x1, v0  }
0x1e9: {  	vm3 =	vlt.s32 v26, v11;
	vm6 =	vlt.s32 v28, v11;
	v26 =	vmov s0;
	[tilespmem:v24+s11+$0x0] =	vst.idx.add.s32.msk $0xffff, v23  }
0x1ea: {  	vm7 =	vlt.s32 v18, $0x0;
	v23 =	vxor.u32 $0xFFFFFFFF, v18;
	[tilespmem:v24+s12+$0x0] =	vst.idx.add.f32.msk $0xffff, v25;
	v24 =	vsel vm1, $0x1, v0  }
0x1eb: {  	s1 =	sadd.s32 $0x40, s1;
	vm2 =	vlt.s32 v26, v11;
	v23 =	vsel vm7, v23, v18;
	[tilespmem:v21+s11+$0x0] =	vst.idx.add.s32.msk $0xffff, v24;
	v24 =	vsel vm10, $0x1, v0  }
0x1ec: {  	vm1 =	vlt.s32 v17, $0x0;
	v26 =	vxor.u32 $0xFFFFFFFF, v17;
	v23 =	vshrl.u32 v23, $0x10;
	v25 =	vld [tilespmem:s1+$0x10]  }
0x1ed: {  	s22 =	sadd.s32 $0x4, s22;
	vm7 =	vlt.s32 v27, $0x0;
	v30 =	vxor.u32 $0xFFFFFFFF, v27;
	v23 =	vand.u32 $0x3F0, v23;
	v28 =	vld [tilespmem:s1+$0xFFFFFFE0]  }
0x1ee: {  	p3 =	slt.s32 s22, s26;
	vm9 =	vlt.s32 v29, $0x0;
	v32 =	vxor.u32 $0xFFFFFFFF, v29;
	v23 =	vor.u32 v2, v23;
	v31 =	vld [tilespmem:s1+$0xFFFFFFF0]  }
0x1ef: {  	s0 =	sadd.s32 $0x3, s6;
	v26 =	vsel vm1, v26, v17;
	v30 =	vsel vm7, v30, v27;
	v23 =	vsel vm0, v23, v2;
	v33 =	vld [tilespmem:s1+$0x0]  }
0x1f0: {  	v34 =	vmov s0;
	v35 =	vshrl.u32 v26, $0x10;
	v26 =	vsel vm9, v32, v29;
	[tilespmem:v21+s12+$0x0] =	vst.idx.add.f32.msk $0xffff, v22  }
0x1f1: {  	vm7 =	vlt.s32 v34, v11;
	v22 =	vshrl.u32 v30, $0x10;
	v21 =	vshll.u32 v25, $0x4;
	[tilespmem:v19+s11+$0x0] =	vst.idx.add.s32.msk $0xffff, v24  }
0x1f2: {  	v25 =	vshrl.u32 v26, $0x10;
	v24 =	vshll.u32 v28, $0x4;
	v21 =	vnsel vm7, $0x0, v21;
	[tilespmem:v19+s12+$0x0] =	vst.idx.add.f32.msk $0xffff, v20  }
0x1f3: {  	v19 =	vshll.u32 v31, $0x4;
	v20 =	vadd.s32 v6, v21;
	v21 =	vsel vm0, $0x1, v0  }
0x1f4: {  	v18 =	vnsel vm0, $0x0, v18;
	v24 =	vnsel vm3, $0x0, v24;
	v26 =	vshll.u32 v33, $0x4;
	[tilespmem:v23+s11+$0x0] =	vst.idx.add.s32.msk $0xffff, v21  }
0x1f5: {  	v28 =	vadd.s32 v6, v24;
	v19 =	vnsel vm6, $0x0, v19;
	v21 =	vnsel vm2, $0x0, v26;
	[tilespmem:v23+s12+$0x0] =	vst.idx.add.f32.msk $0xffff, v18  }
.Ltmp12:
0x1f6: {  	v26 =	vadd.s32 v6, v19;
	v18 =	vand.u32 $0x3F0, v35;
	v23 =	vadd.s32 v6, v21;
	(pc) =	sbr.rel @p3 .LBB2_29-.Ltmp12, $4  }
0x1f7: {  	v19 =	vor.u32 v2, v18;
	v21 =	vand.u32 $0x3F0, v22;
	v22 =	vand.u32 $0x3F0, v25  }
0x1f8: {  	v24 =	vsel vm8, v19, v2;
	v19 =	vor.u32 v2, v21;
	v18 =	vld.idx.msk [tilespmem:v20+s2+$0x0], $0xffff;
	v20 =	vor.u32 v2, v22  }
0x1f9: {  	v25 =	vnsel vm8, $0x0, v17;
	v21 =	vsel vm4, v19, v2;
	v19 =	vsel vm5, v20, v2  }
0x1fa: {  	vm9 =	vmmov vm8;
	v22 =	vnsel vm4, $0x0, v27;
	v20 =	vnsel vm5, $0x0, v29;
	v17 =	vld.idx.msk [tilespmem:v28+s2+$0x0], $0xffff  }
.LBB2_30:
0x1fb: {  	_ =	sdelay $0x3  }
0x1fc: {  	v26 =	vld.idx.msk [tilespmem:v26+s2+$0x0], $0xffff  }
0x1fd: {  	vm1 =	vmmov vm3;
	vm4 =	vmmov @p1 vm4;
	vm0 =	vmmov vm6  }
0x1fe: {  	vm5 =	vmmov @p1 vm5;
	vm3 =	vmmov vm7;
	v23 =	vld.idx.msk [tilespmem:v23+s2+$0x0], $0xffff;
	v27 =	vsel @p1 vm9, $0x1, v0  }
0x1ff: {  	v29 =	vsel @p1 vm4, $0x1, v0;
	vm9 =	vlt.s32 v18, $0x0;
	v28 =	vxor.u32 $0xFFFFFFFF, v18  }
0x200: {  	v30 =	vsel @p1 vm5, $0x1, v0;
	v28 =	vsel vm9, v28, v18;
	vm10 =	vlt.s32 v17, $0x0  }
0x201: {  	v31 =	vxor.u32 $0xFFFFFFFF, v17;
	v28 =	vshrl.u32 v28, $0x10;
	vm11 =	vlt.s32 v26, $0x0  }
0x202: {  	v31 =	vsel vm10, v31, v17;
	v32 =	vxor.u32 $0xFFFFFFFF, v26;
	v28 =	vand.u32 $0x3F0, v28  }
0x203: {  	[tilespmem:v24+s11+$0x0] =	vst.idx.add.s32.msk @p1 $0xffff, v27;
	vm8 =	vlt.s32 v23, $0x0;
	v55 =	vshrl.u32 v31, $0x10;
	v54 =	vor.u32 v2, v28  }
0x204: {  	[tilespmem:v24+s12+$0x0] =	vst.idx.add.f32.msk @p1 $0xffff, v25;
	v56 =	vsel vm11, v32, v26;
	v58 =	vand.u32 $0x3F0, v55;
	v57 =	vsel vm3, v54, v2  }
0x205: {  	[tilespmem:v21+s11+$0x0] =	vst.idx.add.s32.msk @p1 $0xffff, v29;
	v59 =	vxor.u32 $0xFFFFFFFF, v23;
	v24 =	vshrl.u32 v56, $0x10;
	v27 =	vor.u32 v2, v58  }
0x206: {  	[tilespmem:v19+s11+$0x0] =	vst.idx.add.s32.msk @p1 $0xffff, v30;
	v28 =	vsel vm8, v59, v23;
	v60 =	vand.u32 $0x3F0, v24;
	v61 =	vsel vm1, v27, v2  }
0x207: {  	vm2 =	vmmov vm2;
	[tilespmem:v21+s12+$0x0] =	vst.idx.add.f32.msk @p1 $0xffff, v22;
	v62 =	vshrl.u32 v28, $0x10;
	v21 =	vor.u32 v2, v60  }
0x208: {  	[tilespmem:v19+s12+$0x0] =	vst.idx.add.f32.msk @p1 $0xffff, v20;
	v19 =	vsel vm3, $0x1, v0;
	v63 =	vand.u32 $0x3F0, v62;
	v21 =	vsel vm0, v21, v2  }
0x209: {  	v18 =	vnsel vm3, $0x0, v18;
	vm9 =	vmmov vm1;
	[tilespmem:v57+s11+$0x0] =	vst.idx.add.s32.msk $0xffff, v19;
	v19 =	vor.u32 v2, v63  }
0x20a: {  	[tilespmem:v57+s12+$0x0] =	vst.idx.add.f32.msk $0xffff, v18;
	v18 =	vsel vm2, v19, v2;
	v19 =	vsel vm9, $0x1, v0  }
0x20b: {  	v17 =	vnsel vm1, $0x0, v17;
	vm10 =	vmmov vm0;
	[tilespmem:v61+s11+$0x0] =	vst.idx.add.s32.msk $0xffff, v19  }
0x20c: {  	[tilespmem:v61+s12+$0x0] =	vst.idx.add.f32.msk $0xffff, v17;
	v17 =	vsel vm10, $0x1, v0  }
0x20d: {  	vm11 =	vmmov vm2;
	v19 =	vnsel vm0, $0x0, v26;
	[tilespmem:v21+s11+$0x0] =	vst.idx.add.s32.msk $0xffff, v17  }
0x20e: {  	v17 =	vsel vm11, $0x1, v0;
	[tilespmem:v21+s12+$0x0] =	vst.idx.add.f32.msk $0xffff, v19  }
0x20f: {  	v19 =	vnsel vm2, $0x0, v23;
	[tilespmem:v18+s11+$0x0] =	vst.idx.add.s32.msk $0xffff, v17  }
0x210: {  	[tilespmem:v18+s12+$0x0] =	vst.idx.add.f32.msk $0xffff, v19  }
.LBB2_15:
0x211: {  	p1 =	sge.s32 s26, s24  }
.Ltmp13:
0x212: {  	_ = 	snop;
	(pc) =	sbr.rel @p1 .LBB2_18-.Ltmp13, $2  }
0x213: {  	_ =	sdelay $0x2  }
0x214: {  	s28 =	ssub.s32 s24, s26  }
0x215: {  	s0 =	sshll.u32 s25, $0x6;
	s1 =	sshll.u32 s28, $0x6  }
0x216: {  	s0 =	ssub.s32 s0, s1  }
0x217: {  	s1 =	sshra.s32 s0, $0x2  }
0x218: {  	s0 =	ssub.s32 $0x0, s28;
	s1 =	sadd.s32 $0x8000, s1  }
.LBB2_17:
0x219: {  	v17 =	vld [tilespmem:s1+$0x0];
	_ =	sdelay $0x2  }
0x21a: {  	s6 =	sadd.s32 s0, s24  }
0x21b: {  	v18 =	vmov s6  }
0x21c: {  	vm0 =	vlt.s32 v18, v11;
	v17 =	vshll.u32 v17, $0x4  }
0x21d: {  	v17 =	vnsel vm0, $0x0, v17  }
0x21e: {  	v17 =	vadd.s32 v6, v17;
	_ =	sdelay $0x4  }
0x21f: {  	v17 =	vld.idx.msk [tilespmem:v17+s2+$0x0], $0xffff;
	_ =	sdelay $0x4  }
0x220: {  	vm1 =	vlt.s32 v17, $0x0;
	v18 =	vxor.u32 $0xFFFFFFFF, v17  }
0x221: {  	v18 =	vsel vm1, v18, v17  }
0x222: {  	v18 =	vshrl.u32 v18, $0x10  }
0x223: {  	v18 =	vand.u32 $0x3F0, v18  }
0x224: {  	v18 =	vor.u32 v2, v18  }
0x225: {  	s0 =	sadd.s32 $0x1, s0;
	v18 =	vsel vm0, v18, v2  }
0x226: {  	p3 =	seq.s32 s0, $0x0  }
.Ltmp14:
0x227: {  	_ = 	snop;
	(pc) =	sbr.rel @!p3 .LBB2_17-.Ltmp14, $4  }
0x228: {  	_ = 	snop  }
0x229: {  	v19 =	vsel vm0, $0x1, v0  }
0x22a: {  	v17 =	vnsel vm0, $0x0, v17;
	[tilespmem:v18+s11+$0x0] =	vst.idx.add.s32.msk $0xffff, v19  }
0x22b: {  	s1 =	sadd.s32 $0x10, s1;
	[tilespmem:v18+s12+$0x0] =	vst.idx.add.f32.msk $0xffff, v17  }
.LBB2_18:
0x22c: {  	s6 =	simm.s32 $0x18420  }
0x22d: {  	v17 =	vld [tilespmem:s6+$0xFFFFFFE0]  }
0x22e: {  	s0 =	simm.s32 $0x18020;
	v18 =	vld [tilespmem:s6+$0xFFFFFFF0]  }
0x22f: {  	v20 =	vld [tilespmem:s0+$0xFFFFFFE0]  }
0x230: {  	v19 =	vld [tilespmem:s0+$0xFFFFFFF0]  }
0x231: {  	v24 =	vimm.f32 $0.0e+00;
	v26 =	vld [tilespmem:s6+$0x0]  }
0x232: {  	s1 =	sadd.s32 s3, s21;
	v15 =	vadd.s32 $0xFFFFFCCD, v15;
	v21 =	vld [tilespmem:s0+$0x0];
	v22 =	vadd.f32 v17, v24  }
0x233: {  	v25 =	vimm.s32 $0x0;
	s7 =	smulhi.u32 $0xAAAAAAAB, s1;
	[tilespmem:s0+$0xFFFFFFF0] =	vst v0;
	v17 =	vsub.f32 v10, v13;
	v10 =	vsub.s32 v11, v15  }
0x234: {  	v28 =	vld [tilespmem:s6+$0x10];
	[tilespmem:s0+$0xFFFFFFE0] =	vst v0;
	v30 =	vadd.s32 v25, v20;
	v10 =	vadd.s32 $0x1, v10;
	v27 =	vadd.f32 v18, v22  }
0x235: {  	v16 =	vsub.s32 $0xCD, v16;
	[tilespmem:s0+$0x0] =	vst v0;
	s22 =	sshrl.u32 s7, $0x5;
	v13 =	vld [tilespmem:s0+$0x10];
	v23 =	vadd.s32 v30, v19;
	vm1 =	vge.s32 v30, v10  }
0x236: {  	[tilespmem:s6+$0xFFFFFFE0] =	vst v1;
	s7 =	smul.u32 $0x30, s22;
	vm2 =	vge.s32 v23, v10;
	vm0 =	vmor vm13, vm1;
	v29 =	vadd.f32 v26, v27  }
0x237: {  	[tilespmem:s6+$0xFFFFFFF0] =	vst v1;
	vm3 =	vmneg vm0;
	vm5 =	vmor vm0, vm2;
	v26 =	vadd.s32 v23, v21  }
0x238: {  	[tilespmem:s6+$0x0] =	vst v1;
	s1 =	ssub.s32 s1, s7;
	vm0 =	vmand vm2, vm3;
	vm2 =	vge.s32 v26, v10;
	vm3 =	vmand vm1, vm14  }
0x239: {  	[tilespmem:s0+$0x10] =	vst v0;
	s23 =	sshll.u32 s1, $0x4;
	s1 =	simm.s32 $0x0;
	vm4 =	vmneg vm5;
	v18 =	vadd.f32 v28, v29;
	vm1 =	vmor vm5, vm2  }
0x23a: {  	s0 =	simm.s32 $0x4;
	s7 =	simm.s32 $0x18060;
	[tilespmem:s6+$0x10] =	vst v1;
	s6 =	simm.s32 $0x18460;
	v31 =	vsel vm3, s1, v25;
	v30 =	vsel vm3, v30, v25;
	v28 =	vadd.s32 v26, v13  }
.LBB2_19:
0x23b: {  	v32 =	vld [tilespmem:s6+$0xFFFFFFE0];
	p3 =	slt.u32 s0, $0x3C;
	v22 =	vsel vm3, v22, v24;
	vm4 =	vmand vm2, vm4;
	vm5 =	vge.s32 v28, v10;
	s29 =	smov.u32 s0;
	s0 =	sadd.s32 $0x4, s0  }
0x23c: {  	v24 =	vsel vm3, v20, v25;
	v33 =	vld [tilespmem:s6+$0xFFFFFFF0];
	v22 =	vsel vm0, v27, v22;
	vm2 =	vmor vm1, vm5  }
0x23d: {  	s30 =	sadd.s32 $0x1, s1;
	v24 =	vsel vm0, v19, v24;
	vm1 =	vmneg vm1;
	v20 =	vld [tilespmem:s7+$0xFFFFFFE0];
	[tilespmem:s7+$0xFFFFFFF0] =	vst v0;
	v25 =	vsel vm4, v29, v22  }
0x23e: {  	v23 =	vsel vm0, v23, v30;
	v22 =	vsel vm0, s30, v31;
	s30 =	sadd.s32 $0x2, s1;
	v27 =	vsel vm4, v21, v24;
	[tilespmem:s7+$0xFFFFFFE0] =	vst v0;
	v19 =	vld [tilespmem:s7+$0xFFFFFFF0]  }
0x23f: {  	v23 =	vsel vm4, v26, v23;
	vm0 =	vmand vm5, vm1;
	v24 =	vsel vm4, s30, v22;
	s30 =	sadd.s32 $0x3, s1;
	s1 =	smov.u32 s29;
	[tilespmem:s6+$0xFFFFFFE0] =	vst v1;
	v29 =	vld [tilespmem:s6+$0x0]  }
0x240: {  	v30 =	vsel vm0, s30, v24;
	v22 =	vadd.f32 v32, v18;
	[tilespmem:s6+$0xFFFFFFF0] =	vst v1;
	v21 =	vld [tilespmem:s7+$0x0];
	v32 =	vsel vm0, v28, v23  }
0x241: {  	v24 =	vsel vm0, v18, v25;
	v25 =	vsel vm0, v13, v27;
	[tilespmem:s7+$0x0] =	vst v0;
	v31 =	vld [tilespmem:s6+$0x10]  }
0x242: {  	v28 =	vadd.s32 v28, v20;
	v27 =	vadd.f32 v33, v22;
	[tilespmem:s6+$0x0] =	vst v1  }
0x243: {  	vm1 =	vmneg vm2;
	vm3 =	vge.s32 v28, v10;
	v23 =	vadd.s32 v28, v19;
	v13 =	vld [tilespmem:s7+$0x10]  }
.Ltmp15:
0x244: {  	vm0 =	vmor vm2, vm3;
	vm2 =	vge.s32 v23, v10;
	v29 =	vadd.f32 v29, v27;
	[tilespmem:s7+$0x10] =	vst v0;
	(pc) =	sbr.rel @p3 .LBB2_19-.Ltmp15, $4  }
0x245: {  	vm4 =	vmneg vm0;
	vm5 =	vmor vm0, vm2;
	v26 =	vadd.s32 v23, v21;
	[tilespmem:s6+$0x10] =	vst v1  }
0x246: {  	vm0 =	vmand vm2, vm4;
	vm2 =	vge.s32 v26, v10;
	v18 =	vadd.f32 v31, v29  }
0x247: {  	vm3 =	vmand vm3, vm1;
	vm4 =	vmneg vm5;
	vm1 =	vmor vm5, vm2  }
0x248: {  	s7 =	sadd.s32 $0x40, s7;
	s6 =	sadd.s32 $0x40, s6;
	v31 =	vsel vm3, s1, v30;
	v30 =	vsel vm3, v28, v32;
	v28 =	vadd.s32 v26, v13  }
0x249: {  	v22 =	vsel vm3, v22, v24  }
0x24a: {  	vm2 =	vmand vm2, vm4;
	v20 =	vsel vm3, v20, v25;
	vm10 =	vge.s32 v28, v10  }
.Ltmp16:
0x24b: {  	vm1 =	vmneg vm1;
	v10 =	vsel vm0, v27, v22;
	v19 =	vsel vm0, v19, v20;
	(pc) =	sbr.rel @p2 .LBB2_21-.Ltmp16, $4  }
0x24c: {  	s0 =	sadd.s32 $0x1, s1;
	v22 =	vsel vm0, v23, v30;
	vm11 =	vmand vm10, vm1;
	v20 =	vsel vm2, v29, v10  }
0x24d: {  	s30 =	sadd.s32 $0x2, s1;
	v10 =	vsel vm0, s0, v31;
	v21 =	vsel vm2, v21, v19;
	v19 =	vsel vm2, v26, v22  }
0x24e: {  	s31 =	sadd.s32 $0x3, s1;
	v10 =	vsel vm2, s30, v10;
	v19 =	vsel vm11, v28, v19  }
0x24f: {  	v20 =	vsel vm11, v18, v20;
	v13 =	vsel vm11, v13, v21;
	v10 =	vsel vm11, s31, v10  }
0x250: {  	s1 =	simm.s32 $0x8020  }
0x251: {  	v22 =	vld [tilespmem:s1+$0x10]  }
0x252: {  	v21 =	vld [tilespmem:s1+$0x0]  }
0x253: {  	v26 =	vld [tilespmem:s1+$0xFFFFFFF0]  }
0x254: {  	s0 =	simm.s32 $0x0;
	v24 =	vld [tilespmem:s1+$0xFFFFFFE0]  }
0x255: {  	v25 =	vimm.s32 $0x0;
	s30 =	simm.s32 $0x2;
	s31 =	simm.s32 $0x3;
	p3 =	sgt.s32 s26, $0x4;
	v23 =	vmov s0  }
.Ltmp17:
0x256: {  	s6 =	simm.s32 $0x1;
	v27 =	vmov s31;
	vm3 =	vlt.s32 v23, v11;
	v23 =	vmov s30;
	(pc) =	sbr.rel @!p3 .LBB2_32-.Ltmp17, $4  }
0x257: {  	v28 =	vmov s6;
	vm5 =	vlt.s32 v27, v11;
	vm4 =	vlt.s32 v23, v11  }
0x258: {  	vm2 =	vlt.s32 v28, v11;
	v21 =	vnsel vm4, $0x0, v21;
	v23 =	vnsel vm5, $0x0, v22  }
0x259: {  	v24 =	vnsel vm3, $0x0, v24;
	v22 =	vnsel vm2, $0x0, v26;
	v26 =	vshll.u32 v23, $0x4  }
0x25a: {  	p2 =	por $0x0, $0x0;
	s0 =	simm.s32 $0x4;
	s1 =	simm.s32 $0x8060;
	v32 =	vshll.u32 v22, $0x4;
	v33 =	vshll.u32 v21, $0x4;
	v28 =	vadd.s32 v6, v26  }
0x25b: {  	_ =	sdelay $0x2  }
0x25c: {  	v27 =	vld [tilespmem:s1+$0x10];
	v29 =	vadd.s32 v6, v33  }
0x25d: {  	v26 =	vshll.u32 v24, $0x4;
	v31 =	vadd.s32 v6, v32;
	v35 =	vld.idx.msk [tilespmem:v28+s2+$0x0], $0xffff  }
0x25e: {  	v30 =	vld [tilespmem:s1+$0x0];
	vm6 =	vmmov vm3;
	v58 =	vadd.s32 v6, v26  }
0x25f: {  	vm1 =	vmmov vm4;
	vm0 =	vmmov vm5;
	v34 =	vld [tilespmem:s1+$0xFFFFFFE0];
	v28 =	vmov s0;
	s30 =	simm.s32 $0x6  }
0x260: {  	v57 =	vld [tilespmem:s1+$0xFFFFFFF0];
	v26 =	vshll.u32 v25, $0x4;
	vm3 =	vlt.s32 v28, v11;
	v28 =	vmov s30  }
0x261: {  	s31 =	simm.s32 $0x7;
	vm7 =	vmmov vm2;
	s6 =	simm.s32 $0x5;
	v26 =	vor.u32 v2, v26;
	vm4 =	vlt.s32 v28, v11;
	v36 =	vld.idx.msk [tilespmem:v29+s2+$0x0], $0xffff  }
0x262: {  	v29 =	vmov s31;
	v37 =	vld.idx.msk [tilespmem:v31+s2+$0x0], $0xffff;
	v31 =	vmov s6;
	vm9 =	vlt.s32 v35, $0x0  }
0x263: {  	v59 =	vxor.u32 $0xFFFFFFFF, v35;
	vm5 =	vlt.s32 v29, v11;
	v38 =	vld.idx.msk [tilespmem:v58+s2+$0x0], $0xffff;
	vm2 =	vlt.s32 v31, v11  }
0x264: {  	v29 =	vnsel vm4, $0x0, v30;
	v30 =	vnsel vm5, $0x0, v27;
	v27 =	vnsel vm3, $0x0, v34  }
0x265: {  	v31 =	vnsel vm2, $0x0, v57;
	v33 =	vshll.u32 v29, $0x4;
	v34 =	vsel vm9, v59, v35  }
0x266: {  	v28 =	vshll.u32 v30, $0x4;
	v32 =	vshll.u32 v31, $0x4;
	v34 =	vshrl.u32 v34, $0x14  }
0x267: {  	v28 =	vadd.s32 v6, v28;
	v34 =	vand.u32 $0x3F, v34;
	vm8 =	vlt.s32 v36, $0x0  }
0x268: {  	vm10 =	vlt.s32 v37, $0x0;
	vm11 =	vlt.s32 v38, $0x0;
	v41 =	vxor.u32 $0xFFFFFFFF, v38  }
0x269: {  	v39 =	vxor.u32 $0xFFFFFFFF, v37;
	v40 =	vxor.u32 $0xFFFFFFFF, v36;
	v60 =	vsel vm11, v41, v38  }
0x26a: {  	v37 =	vsel vm10, v39, v37;
	v36 =	vsel vm8, v40, v36;
	v35 =	vshrl.u32 v60, $0x14  }
0x26b: {  	p3 =	sgt.s32 s26, $0x8;
	v36 =	vshrl.u32 v36, $0x14;
	v37 =	vshrl.u32 v37, $0x14;
	v35 =	vand.u32 $0x3F, v35  }
.Ltmp18:
0x26c: {  	v61 =	vand.u32 $0x3F, v37;
	v36 =	vand.u32 $0x3F, v36;
	vm8 =	veq.s32 v35, v10;
	(pc) =	sbr.rel @!p3 .LBB2_34-.Ltmp18, $4  }
0x26d: {  	vm9 =	vmand vm6, vm8;
	vm6 =	veq.s32 v61, v10;
	vm8 =	veq.s32 v34, v10  }
0x26e: {  	v62 =	vsel vm9, $0x1, v0;
	vm6 =	vmand vm7, vm6;
	vm7 =	veq.s32 v36, v10  }
0x26f: {  	v34 =	vadd.s32 v62, v25;
	v63 =	vsel vm6, $0x1, v0;
	vm7 =	vmand vm1, vm7  }
0x270: {  	s1 =	simm.s32 $0x8;
	s29 =	simm.s32 $0x80A0;
	p2 =	por $0x1, $0x1;
	vm8 =	vmand vm0, vm8;
	v35 =	vadd.s32 v63, v34;
	v39 =	vsel vm7, $0x1, v0  }
.LBB2_35:
0x271: {  	v33 =	vadd.s32 v6, v33;
	v37 =	vadd.s32 v39, v35;
	v38 =	vsel vm8, $0x1, v0  }
0x272: {  	v36 =	vld [tilespmem:s29+$0x10];
	vm12 =	vmmov vm3;
	vm11 =	vmmov vm4;
	vm10 =	vmmov vm5  }
0x273: {  	v40 =	vshll.u32 v27, $0x4;
	v32 =	vadd.s32 v6, v32;
	v39 =	vld [tilespmem:s29+$0x0];
	v38 =	vadd.s32 v38, v37  }
0x274: {  	v35 =	vshll.u32 v35, $0x4;
	v40 =	vadd.s32 v6, v40;
	v41 =	vld [tilespmem:s29+$0xFFFFFFF0];
	[tilespmem:v26+s15+$0x0] =	vst.idx.msk vm9, v24;
	v26 =	vshll.u32 v37, $0x4;
	v24 =	vmovc v27  }
0x275: {  	v34 =	vshll.u32 v34, $0x4;
	v37 =	vshll.u32 v38, $0x4;
	v27 =	vld [tilespmem:s29+$0xFFFFFFE0];
	v42 =	vor.u32 v2, v26  }
0x276: {  	v34 =	vor.u32 v2, v34;
	v26 =	vor.u32 v2, v37;
	v37 =	vld.idx.msk [tilespmem:v28+s2+$0x0], $0xffff;
	v28 =	vor.u32 v2, v35  }
0x277: {  	s0 =	sadd.s32 $0x2, s1;
	s6 =	sadd.s32 $0x3, s1;
	vm0 =	vmmov vm2;
	v35 =	vmov s1;
	v43 =	vld.idx.msk [tilespmem:v33+s2+$0x0], $0xffff  }
0x278: {  	s7 =	sadd.s32 $0x1, s1;
	vm3 =	vlt.s32 v35, v11;
	v33 =	vmov s0;
	v35 =	vmov s6;
	v44 =	vld.idx.msk [tilespmem:v32+s2+$0x0], $0xffff  }
0x279: {  	v32 =	vmov s7;
	vm4 =	vlt.s32 v33, v11;
	vm5 =	vlt.s32 v35, v11;
	v35 =	vld.idx.msk [tilespmem:v40+s2+$0x0], $0xffff  }
0x27a: {  	vm2 =	vlt.s32 v32, v11;
	v32 =	vnsel vm4, $0x0, v39;
	[tilespmem:v42+s15+$0x0] =	vst.idx.msk vm8, v23;
	v23 =	vmovc v30;
	v30 =	vnsel vm5, $0x0, v36  }
0x27b: {  	v27 =	vnsel vm3, $0x0, v27;
	v36 =	vnsel vm2, $0x0, v41;
	v39 =	vshll.u32 v30, $0x4;
	[tilespmem:v28+s15+$0x0] =	vst.idx.msk vm7, v21;
	v21 =	vmovc v29;
	v29 =	vmovc v32  }
0x27c: {  	v32 =	vshll.u32 v36, $0x4;
	v33 =	vshll.u32 v29, $0x4;
	v28 =	vadd.s32 v6, v39;
	[tilespmem:v34+s15+$0x0] =	vst.idx.msk vm6, v22;
	v22 =	vmovc v31  }
0x27d: {  	s1 =	sadd.s32 $0x4, s1;
	vm1 =	vlt.s32 v43, $0x0;
	vm6 =	vlt.s32 v37, $0x0;
	v34 =	vxor.u32 $0xFFFFFFFF, v37;
	v31 =	vmovc v36  }
0x27e: {  	p3 =	slt.s32 s1, s26;
	v39 =	vxor.u32 $0xFFFFFFFF, v43;
	vm7 =	vlt.s32 v44, $0x0;
	v36 =	vxor.u32 $0xFFFFFFFF, v44  }
0x27f: {  	v34 =	vsel vm6, v34, v37;
	vm8 =	vlt.s32 v35, $0x0;
	v40 =	vxor.u32 $0xFFFFFFFF, v35  }
0x280: {  	v37 =	vsel vm1, v39, v43;
	v36 =	vsel vm7, v36, v44;
	v35 =	vsel vm8, v40, v35  }
0x281: {  	v37 =	vshrl.u32 v37, $0x14;
	v34 =	vshrl.u32 v34, $0x14;
	v35 =	vshrl.u32 v35, $0x14  }
0x282: {  	v36 =	vshrl.u32 v36, $0x14;
	v34 =	vand.u32 $0x3F, v34;
	v35 =	vand.u32 $0x3F, v35  }
.Ltmp19:
0x283: {  	vm1 =	veq.s32 v35, v10;
	v35 =	vand.u32 $0x3F, v36;
	v36 =	vand.u32 $0x3F, v37;
	(pc) =	sbr.rel @p3 .LBB2_35-.Ltmp19, $4  }
0x284: {  	vm8 =	veq.s32 v34, v10;
	vm9 =	vmand vm12, vm1;
	vm1 =	veq.s32 v35, v10  }
0x285: {  	v34 =	vsel vm9, $0x1, v0;
	vm6 =	vmand vm0, vm1;
	vm0 =	veq.s32 v36, v10  }
0x286: {  	v34 =	vadd.s32 v34, v38;
	v35 =	vsel vm6, $0x1, v0;
	vm7 =	vmand vm11, vm0  }
0x287: {  	s29 =	sadd.s32 $0x40, s29;
	vm8 =	vmand vm10, vm8;
	v35 =	vadd.s32 v35, v34;
	v39 =	vsel vm7, $0x1, v0  }
0x288: {  	v36 =	vmov v23  }
0x289: {  	v37 =	vmovc v21;
	v38 =	vmovc v22;
	v23 =	vmov v30;
	v21 =	vmov v29;
	v22 =	vmov v31  }
.LBB2_37:
0x28a: {  	_ = 	snop  }
0x28b: {  	v29 =	vadd.s32 v6, v33  }
0x28c: {  	v30 =	vshll.u32 v27, $0x4;
	v31 =	vadd.s32 v6, v32  }
0x28d: {  	v30 =	vadd.s32 v6, v30  }
0x28e: {  	v28 =	vld.idx.msk [tilespmem:v28+s2+$0x0], $0xffff;
	_ =	sdelay $0x1  }
0x28f: {  	v32 =	vadd.s32 @p2 v39, v35;
	v33 =	vsel @p2 vm8, $0x1, v0;
	v29 =	vld.idx.msk [tilespmem:v29+s2+$0x0], $0xffff  }
0x290: {  	v35 =	vshll.u32 @p2 v35, $0x4;
	v34 =	vshll.u32 @p2 v34, $0x4;
	vm2 =	vmmov vm2;
	v31 =	vld.idx.msk [tilespmem:v31+s2+$0x0], $0xffff  }
0x291: {  	v33 =	vadd.s32 @p2 v33, v32;
	v32 =	vshll.u32 @p2 v32, $0x4;
	v35 =	vor.u32 @p2 v2, v35;
	v30 =	vld.idx.msk [tilespmem:v30+s2+$0x0], $0xffff  }
0x292: {  	v25 =	vpsel p2, v33, v25;
	vm1 =	vlt.s32 v28, $0x0;
	v52 =	vxor.u32 $0xFFFFFFFF, v28  }
0x293: {  	v32 =	vor.u32 @p2 v2, v32;
	v33 =	vshll.u32 v25, $0x4;
	v28 =	vsel vm1, v52, v28  }
0x294: {  	v60 =	vor.u32 v2, v33;
	vm1 =	vmmov vm4;
	v28 =	vshrl.u32 v28, $0x14  }
0x295: {  	v28 =	vand.u32 $0x3F, v28;
	vm0 =	vlt.s32 v29, $0x0;
	vm10 =	vlt.s32 v31, $0x0  }
0x296: {  	v53 =	vxor.u32 $0xFFFFFFFF, v31;
	vm11 =	vlt.s32 v30, $0x0;
	v54 =	vxor.u32 $0xFFFFFFFF, v30  }
0x297: {  	v40 =	vxor.u32 $0xFFFFFFFF, v29;
	v31 =	vsel vm10, v53, v31;
	v30 =	vsel vm11, v54, v30  }
0x298: {  	v29 =	vsel vm0, v40, v29;
	vm11 =	vmmov vm3;
	v30 =	vshrl.u32 v30, $0x14  }
0x299: {  	vm3 =	vmmov vm5;
	v31 =	vshrl.u32 v31, $0x14;
	v30 =	vand.u32 $0x3F, v30  }
0x29a: {  	v29 =	vshrl.u32 v29, $0x14;
	v55 =	vand.u32 $0x3F, v31;
	vm10 =	veq.s32 v30, v10  }
0x29b: {  	v29 =	vand.u32 $0x3F, v29;
	vm0 =	vmand vm11, vm10;
	vm11 =	veq.s32 v55, v10  }
0x29c: {  	vm10 =	veq.s32 v29, v10;
	v56 =	vsel vm0, $0x1, v0;
	vm2 =	vmand vm2, vm11  }
0x29d: {  	vm1 =	vmand vm1, vm10;
	v25 =	vadd.s32 v56, v25;
	v57 =	vsel vm2, $0x1, v0  }
0x29e: {  	v31 =	vor.u32 @p2 v2, v34;
	v58 =	vsel vm1, $0x1, v0;
	v29 =	vadd.s32 v57, v25  }
0x29f: {  	vm11 =	veq.s32 v28, v10;
	v25 =	vshll.u32 v25, $0x4;
	v59 =	vadd.s32 v58, v29  }
0x2a0: {  	[tilespmem:v26+s15+$0x0] =	vst.idx.msk @p2 vm9, v24;
	vm3 =	vmand vm3, vm11;
	v25 =	vor.u32 v2, v25;
	v61 =	vshll.u32 v59, $0x4  }
0x2a1: {  	[tilespmem:v35+s15+$0x0] =	vst.idx.msk @p2 vm7, v37;
	v62 =	vshll.u32 v29, $0x4;
	v63 =	vor.u32 v2, v61  }
0x2a2: {  	[tilespmem:v32+s15+$0x0] =	vst.idx.msk @p2 vm8, v36;
	v24 =	vor.u32 v2, v62  }
.Ltmp20:
0x2a3: {  	[tilespmem:v31+s15+$0x0] =	vst.idx.msk @p2 vm6, v38;
	(pc) =	sbr.rel .LBB2_22-.Ltmp20, $4  }
0x2a4: {  	[tilespmem:v60+s15+$0x0] =	vst.idx.msk vm0, v27  }
0x2a5: {  	[tilespmem:v25+s15+$0x0] =	vst.idx.msk vm2, v22  }
0x2a6: {  	[tilespmem:v63+s15+$0x0] =	vst.idx.msk vm3, v23;
	v23 =	vsel vm3, $0x1, v0  }
0x2a7: {  	[tilespmem:v24+s15+$0x0] =	vst.idx.msk vm1, v21;
	v21 =	vadd.s32 v23, v59  }
.LBB2_21:
0x2a8: {  	v21 =	vimm.s32 $0x0  }
.LBB2_22:
.Ltmp21:
0x2a9: {  	(pc) =	sbr.rel @p1 .LBB2_25-.Ltmp21, $1  }
0x2aa: {  	_ =	sdelay $0x3  }
0x2ab: {  	s0 =	sshll.u32 s25, $0x6;
	s1 =	sshll.u32 s28, $0x6  }
0x2ac: {  	s0 =	ssub.s32 s0, s1  }
0x2ad: {  	s1 =	sshra.s32 s0, $0x2  }
0x2ae: {  	s0 =	ssub.s32 $0x0, s28;
	s1 =	sadd.s32 $0x8000, s1  }
.LBB2_24:
0x2af: {  	v22 =	vld [tilespmem:s1+$0x0];
	_ =	sdelay $0x1  }
0x2b0: {  	s6 =	sadd.s32 s0, s24  }
0x2b1: {  	v23 =	vmov s6  }
0x2b2: {  	vm0 =	vlt.s32 v23, v11  }
0x2b3: {  	v22 =	vnsel vm0, $0x0, v22  }
0x2b4: {  	v23 =	vshll.u32 v22, $0x4  }
0x2b5: {  	v23 =	vadd.s32 v6, v23;
	_ =	sdelay $0x4  }
0x2b6: {  	v23 =	vld.idx.msk [tilespmem:v23+s2+$0x0], $0xffff;
	_ =	sdelay $0x4  }
0x2b7: {  	vm1 =	vlt.s32 v23, $0x0;
	v24 =	vxor.u32 $0xFFFFFFFF, v23  }
0x2b8: {  	v23 =	vsel vm1, v24, v23  }
0x2b9: {  	v23 =	vshrl.u32 v23, $0x14  }
0x2ba: {  	v23 =	vand.u32 $0x3F, v23  }
0x2bb: {  	vm11 =	veq.s32 v23, v10  }
0x2bc: {  	s0 =	sadd.s32 $0x1, s0;
	v23 =	vshll.u32 v21, $0x4;
	vm0 =	vmand vm0, vm11  }
0x2bd: {  	p1 =	seq.s32 s0, $0x0;
	v23 =	vor.u32 v2, v23  }
.Ltmp22:
0x2be: {  	_ = 	snop;
	(pc) =	sbr.rel @!p1 .LBB2_24-.Ltmp22, $3  }
0x2bf: {  	_ =	sdelay $0x1  }
0x2c0: {  	v63 =	vsel vm0, $0x1, v0  }
0x2c1: {  	s1 =	sadd.s32 $0x10, s1;
	v21 =	vadd.s32 v63, v21;
	[tilespmem:v23+s15+$0x0] =	vst.idx.msk vm0, v22  }
.LBB2_25:
0x2c2: {  	v21 =	vxor.u32 $0x80000000, v14  }
0x2c3: {  	(xrf0) =	vmax.scan.msk.u32 $0xffff, v21;
	_ =	sdelay $0x5  }
0x2c4: {  	v21, _, _ =	vpop (xrf0)  }
0x2c5: {  	(v2sf) =	vpush v21, $0xF;
	_ =	sdelay $0xe  }
0x2c6: {  	s25 =	spop (v2sf)  }
0x2c7: {  	s24 =	sxor.u32 $0x80000000, s25  }
0x2c8: {  	s0 =	sshra.s32 s24, $0x1F  }
0x2c9: {  	s0 =	sshrl.u32 s0, $0x1E  }
0x2ca: {  	s0 =	sadd.s32 s0, s24  }
0x2cb: {  	s26 =	sand.u32 $0xFFFFFFFC, s0  }
0x2cc: {  	p1 =	slt.s32 s26, $0x1  }
.Ltmp23:
0x2cd: {  	_ = 	snop;
	(pc) =	sbr.rel @p1 .LBB2_38-.Ltmp23, $1  }
0x2ce: {  	_ =	sdelay $0x3  }
0x2cf: {  	s0 =	simm.s32 $0xC020  }
0x2d0: {  	v21 =	vld [tilespmem:s0+$0x10]  }
0x2d1: {  	v22 =	vld [tilespmem:s0+$0xFFFFFFE0];
	_ =	sdelay $0x1  }
0x2d2: {  	s6 =	simm.s32 $0x3  }
0x2d3: {  	s1 =	simm.s32 $0x0;
	v23 =	vmov s6  }
0x2d4: {  	v24 =	vmov s1;
	v25 =	vld [tilespmem:s0+$0xFFFFFFF0];
	vm7 =	vlt.s32 v23, v14;
	v21 =	vshll.u32 v21, $0x4  }
0x2d5: {  	vm3 =	vlt.s32 v24, v14;
	v23 =	vld [tilespmem:s0+$0x0];
	v22 =	vshll.u32 v22, $0x4;
	v21 =	vnsel vm7, $0x0, v21  }
0x2d6: {  	v22 =	vnsel vm3, $0x0, v22;
	v21 =	vadd.s32 v6, v21  }
0x2d7: {  	s30 =	simm.s32 $0x1;
	p3 =	sgt.s32 s26, $0x4;
	v24 =	vadd.s32 v6, v22  }
.Ltmp24:
0x2d8: {  	s31 =	simm.s32 $0x2;
	v22 =	vmov s30;
	(pc) =	sbr.rel @!p3 .LBB2_27-.Ltmp24, $4  }
0x2d9: {  	vm6 =	vlt.s32 v22, v14;
	v22 =	vmov s31  }
0x2da: {  	v23 =	vshll.u32 v23, $0x4;
	vm2 =	vlt.s32 v22, v14;
	v22 =	vshll.u32 v25, $0x4  }
0x2db: {  	v25 =	vnsel vm6, $0x0, v22;
	v23 =	vnsel vm2, $0x0, v23;
	v22 =	vld.idx.msk [tilespmem:v21+s2+$0x0], $0xffff  }
0x2dc: {  	p2 =	por $0x0, $0x0;
	s0 =	simm.s32 $0x4;
	v30 =	vadd.s32 v6, v25;
	v27 =	vadd.s32 v6, v23;
	v21 =	vld.idx.msk [tilespmem:v24+s2+$0x0], $0xffff  }
0x2dd: {  	_ =	sdelay $0x2  }
0x2de: {  	vm0 =	vmmov vm3  }
0x2df: {  	s1 =	simm.s32 $0x5;
	v24 =	vld.idx.msk [tilespmem:v30+s2+$0x0], $0xffff;
	vm4 =	vmmov vm6;
	vm5 =	vmmov vm2;
	v23 =	vmov s0  }
0x2e0: {  	vm1 =	vmmov vm7;
	s30 =	simm.s32 $0x6;
	v31 =	vld.idx.msk [tilespmem:v27+s2+$0x0], $0xffff;
	s31 =	simm.s32 $0x7;
	v25 =	vmov s1;
	vm3 =	vlt.s32 v23, v14  }
0x2e1: {  	v23 =	vmov s30;
	v33 =	vmov s31;
	vm6 =	vlt.s32 v25, v14  }
0x2e2: {  	s1 =	simm.s32 $0xC060;
	vm2 =	vlt.s32 v23, v14;
	vm7 =	vlt.s32 v22, $0x0;
	v26 =	vxor.u32 $0xFFFFFFFF, v22  }
0x2e3: {  	v25 =	vld [tilespmem:s1+$0x10];
	v23 =	vsel vm7, v26, v22;
	vm7 =	vlt.s32 v21, $0x0;
	v26 =	vxor.u32 $0xFFFFFFFF, v21  }
0x2e4: {  	v27 =	vld [tilespmem:s1+$0xFFFFFFE0];
	v22 =	vnsel vm1, $0x0, v22;
	v23 =	vshrl.u32 v23, $0x10;
	vm8 =	vlt.s32 v24, $0x0  }
0x2e5: {  	v29 =	vld [tilespmem:s1+$0xFFFFFFF0];
	v28 =	vxor.u32 $0xFFFFFFFF, v24;
	vm9 =	vlt.s32 v31, $0x0;
	v30 =	vxor.u32 $0xFFFFFFFF, v31  }
0x2e6: {  	v26 =	vsel vm7, v26, v21;
	vm7 =	vlt.s32 v33, v14;
	v23 =	vand.u32 $0x3F0, v23  }
0x2e7: {  	v32 =	vld [tilespmem:s1+$0x0];
	v28 =	vsel vm8, v28, v24;
	v26 =	vshrl.u32 v26, $0x10;
	v23 =	vor.u32 v2, v23  }
0x2e8: {  	v30 =	vsel vm9, v30, v31;
	vm9 =	vmmov vm0;
	v23 =	vsel vm1, v23, v2  }
0x2e9: {  	v25 =	vshll.u32 v25, $0x4;
	v28 =	vshrl.u32 v28, $0x10;
	v27 =	vshll.u32 v27, $0x4  }
0x2ea: {  	v63 =	vshrl.u32 v30, $0x10;
	v29 =	vshll.u32 v29, $0x4;
	v25 =	vnsel vm7, $0x0, v25  }
0x2eb: {  	v30 =	vsel vm1, $0x1, v0;
	v27 =	vnsel vm3, $0x0, v27;
	v25 =	vadd.s32 v6, v25  }
0x2ec: {  	p3 =	sgt.s32 s26, $0x8;
	v32 =	vshll.u32 v32, $0x4;
	v34 =	vadd.s32 v6, v27;
	v27 =	vnsel vm6, $0x0, v29  }
.Ltmp25:
0x2ed: {  	v26 =	vand.u32 $0x3F0, v26;
	v29 =	vnsel vm2, $0x0, v32;
	[tilespmem:v23+s11+$0x0] =	vst.idx.add.s32.msk $0xffff, v30;
	v30 =	vadd.s32 v6, v27;
	(pc) =	sbr.rel @!p3 .LBB2_51-.Ltmp25, $4  }
0x2ee: {  	v27 =	vadd.s32 v6, v29;
	v29 =	vnsel vm0, $0x0, v21;
	[tilespmem:v23+s12+$0x0] =	vst.idx.add.f32.msk $0xffff, v22;
	v23 =	vand.u32 $0x3F0, v28  }
0x2ef: {  	v22 =	vor.u32 v2, v26;
	v26 =	vand.u32 $0x3F0, v63;
	v23 =	vor.u32 v2, v23  }
0x2f0: {  	v28 =	vsel vm0, v22, v2;
	v26 =	vor.u32 v2, v26;
	v22 =	vld.idx.msk [tilespmem:v25+s2+$0x0], $0xffff;
	v25 =	vsel vm4, v23, v2  }
0x2f1: {  	s28 =	simm.s32 $0x8;
	p2 =	por $0x1, $0x1;
	v21 =	vld.idx.msk [tilespmem:v34+s2+$0x0], $0xffff;
	v23 =	vsel vm5, v26, v2;
	v26 =	vnsel vm4, $0x0, v24;
	v24 =	vnsel vm5, $0x0, v31  }
.LBB2_50:
0x2f2: {  	vm8 =	vmmov vm3;
	vm1 =	vmmov vm4;
	vm4 =	vmmov vm6  }
0x2f3: {  	s0 =	sadd.s32 $0x1, s28;
	v31 =	vld.idx.msk [tilespmem:v30+s2+$0x0], $0xffff;
	vm10 =	vmmov vm5;
	vm5 =	vmmov vm2;
	vm0 =	vmmov vm7;
	s6 =	smov.u32 s28  }
0x2f4: {  	v30 =	vmov s28;
	v32 =	vmov s0;
	s0 =	sadd.s32 $0x2, s28;
	v33 =	vld.idx.msk [tilespmem:v27+s2+$0x0], $0xffff;
	v27 =	vsel vm9, $0x1, v0  }
0x2f5: {  	vm3 =	vlt.s32 v30, v14;
	vm6 =	vlt.s32 v32, v14;
	v30 =	vmov s0;
	[tilespmem:v28+s11+$0x0] =	vst.idx.add.s32.msk $0xffff, v27  }
0x2f6: {  	vm7 =	vlt.s32 v22, $0x0;
	v27 =	vxor.u32 $0xFFFFFFFF, v22;
	[tilespmem:v28+s12+$0x0] =	vst.idx.add.f32.msk $0xffff, v29;
	v28 =	vsel vm1, $0x1, v0  }
0x2f7: {  	s1 =	sadd.s32 $0x40, s1;
	vm2 =	vlt.s32 v30, v14;
	v27 =	vsel vm7, v27, v22;
	[tilespmem:v25+s11+$0x0] =	vst.idx.add.s32.msk $0xffff, v28;
	v28 =	vsel vm10, $0x1, v0  }
0x2f8: {  	vm1 =	vlt.s32 v21, $0x0;
	v30 =	vxor.u32 $0xFFFFFFFF, v21;
	v27 =	vshrl.u32 v27, $0x10;
	v29 =	vld [tilespmem:s1+$0x10]  }
0x2f9: {  	s28 =	sadd.s32 $0x4, s28;
	vm7 =	vlt.s32 v31, $0x0;
	v34 =	vxor.u32 $0xFFFFFFFF, v31;
	v27 =	vand.u32 $0x3F0, v27;
	v32 =	vld [tilespmem:s1+$0xFFFFFFE0]  }
0x2fa: {  	p3 =	slt.s32 s28, s26;
	vm9 =	vlt.s32 v33, $0x0;
	v36 =	vxor.u32 $0xFFFFFFFF, v33;
	v27 =	vor.u32 v2, v27;
	v35 =	vld [tilespmem:s1+$0xFFFFFFF0]  }
0x2fb: {  	s0 =	sadd.s32 $0x3, s6;
	v30 =	vsel vm1, v30, v21;
	v34 =	vsel vm7, v34, v31;
	v27 =	vsel vm0, v27, v2;
	v37 =	vld [tilespmem:s1+$0x0]  }
0x2fc: {  	v38 =	vmov s0;
	v39 =	vshrl.u32 v30, $0x10;
	v30 =	vsel vm9, v36, v33;
	[tilespmem:v25+s12+$0x0] =	vst.idx.add.f32.msk $0xffff, v26  }
0x2fd: {  	vm7 =	vlt.s32 v38, v14;
	v26 =	vshrl.u32 v34, $0x10;
	v25 =	vshll.u32 v29, $0x4;
	[tilespmem:v23+s11+$0x0] =	vst.idx.add.s32.msk $0xffff, v28  }
0x2fe: {  	v29 =	vshrl.u32 v30, $0x10;
	v28 =	vshll.u32 v32, $0x4;
	v25 =	vnsel vm7, $0x0, v25;
	[tilespmem:v23+s12+$0x0] =	vst.idx.add.f32.msk $0xffff, v24  }
0x2ff: {  	v23 =	vshll.u32 v35, $0x4;
	v24 =	vadd.s32 v6, v25;
	v25 =	vsel vm0, $0x1, v0  }
0x300: {  	v22 =	vnsel vm0, $0x0, v22;
	v28 =	vnsel vm3, $0x0, v28;
	v30 =	vshll.u32 v37, $0x4;
	[tilespmem:v27+s11+$0x0] =	vst.idx.add.s32.msk $0xffff, v25  }
0x301: {  	v32 =	vadd.s32 v6, v28;
	v23 =	vnsel vm6, $0x0, v23;
	v25 =	vnsel vm2, $0x0, v30;
	[tilespmem:v27+s12+$0x0] =	vst.idx.add.f32.msk $0xffff, v22  }
.Ltmp26:
0x302: {  	v30 =	vadd.s32 v6, v23;
	v22 =	vand.u32 $0x3F0, v39;
	v27 =	vadd.s32 v6, v25;
	(pc) =	sbr.rel @p3 .LBB2_50-.Ltmp26, $4  }
0x303: {  	v23 =	vor.u32 v2, v22;
	v25 =	vand.u32 $0x3F0, v26;
	v26 =	vand.u32 $0x3F0, v29  }
0x304: {  	v28 =	vsel vm8, v23, v2;
	v23 =	vor.u32 v2, v25;
	v22 =	vld.idx.msk [tilespmem:v24+s2+$0x0], $0xffff;
	v24 =	vor.u32 v2, v26  }
0x305: {  	v29 =	vnsel vm8, $0x0, v21;
	v25 =	vsel vm4, v23, v2;
	v23 =	vsel vm5, v24, v2  }
0x306: {  	vm9 =	vmmov vm8;
	v26 =	vnsel vm4, $0x0, v31;
	v24 =	vnsel vm5, $0x0, v33;
	v21 =	vld.idx.msk [tilespmem:v32+s2+$0x0], $0xffff  }
.LBB2_51:
0x307: {  	_ =	sdelay $0x3  }
0x308: {  	v30 =	vld.idx.msk [tilespmem:v30+s2+$0x0], $0xffff  }
0x309: {  	vm1 =	vmmov vm3;
	vm4 =	vmmov @p2 vm4;
	vm0 =	vmmov vm6  }
0x30a: {  	vm5 =	vmmov @p2 vm5;
	vm3 =	vmmov vm7;
	v27 =	vld.idx.msk [tilespmem:v27+s2+$0x0], $0xffff;
	v31 =	vsel @p2 vm9, $0x1, v0  }
0x30b: {  	v33 =	vsel @p2 vm4, $0x1, v0;
	vm9 =	vlt.s32 v22, $0x0;
	v32 =	vxor.u32 $0xFFFFFFFF, v22  }
0x30c: {  	v34 =	vsel @p2 vm5, $0x1, v0;
	v32 =	vsel vm9, v32, v22;
	vm10 =	vlt.s32 v21, $0x0  }
0x30d: {  	v35 =	vxor.u32 $0xFFFFFFFF, v21;
	v32 =	vshrl.u32 v32, $0x10;
	vm11 =	vlt.s32 v30, $0x0  }
0x30e: {  	v35 =	vsel vm10, v35, v21;
	v36 =	vxor.u32 $0xFFFFFFFF, v30;
	v32 =	vand.u32 $0x3F0, v32  }
0x30f: {  	[tilespmem:v28+s11+$0x0] =	vst.idx.add.s32.msk @p2 $0xffff, v31;
	vm8 =	vlt.s32 v27, $0x0;
	v55 =	vshrl.u32 v35, $0x10;
	v54 =	vor.u32 v2, v32  }
0x310: {  	[tilespmem:v28+s12+$0x0] =	vst.idx.add.f32.msk @p2 $0xffff, v29;
	v56 =	vsel vm11, v36, v30;
	v58 =	vand.u32 $0x3F0, v55;
	v57 =	vsel vm3, v54, v2  }
0x311: {  	[tilespmem:v25+s11+$0x0] =	vst.idx.add.s32.msk @p2 $0xffff, v33;
	v59 =	vxor.u32 $0xFFFFFFFF, v27;
	v28 =	vshrl.u32 v56, $0x10;
	v31 =	vor.u32 v2, v58  }
0x312: {  	[tilespmem:v23+s11+$0x0] =	vst.idx.add.s32.msk @p2 $0xffff, v34;
	v32 =	vsel vm8, v59, v27;
	v60 =	vand.u32 $0x3F0, v28;
	v61 =	vsel vm1, v31, v2  }
0x313: {  	vm2 =	vmmov vm2;
	[tilespmem:v25+s12+$0x0] =	vst.idx.add.f32.msk @p2 $0xffff, v26;
	v62 =	vshrl.u32 v32, $0x10;
	v25 =	vor.u32 v2, v60  }
0x314: {  	[tilespmem:v23+s12+$0x0] =	vst.idx.add.f32.msk @p2 $0xffff, v24;
	v23 =	vsel vm3, $0x1, v0;
	v63 =	vand.u32 $0x3F0, v62;
	v25 =	vsel vm0, v25, v2  }
0x315: {  	v22 =	vnsel vm3, $0x0, v22;
	vm9 =	vmmov vm1;
	[tilespmem:v57+s11+$0x0] =	vst.idx.add.s32.msk $0xffff, v23;
	v23 =	vor.u32 v2, v63  }
0x316: {  	[tilespmem:v57+s12+$0x0] =	vst.idx.add.f32.msk $0xffff, v22;
	v22 =	vsel vm2, v23, v2;
	v23 =	vsel vm9, $0x1, v0  }
0x317: {  	v21 =	vnsel vm1, $0x0, v21;
	vm10 =	vmmov vm0;
	[tilespmem:v61+s11+$0x0] =	vst.idx.add.s32.msk $0xffff, v23  }
0x318: {  	[tilespmem:v61+s12+$0x0] =	vst.idx.add.f32.msk $0xffff, v21;
	v21 =	vsel vm10, $0x1, v0  }
0x319: {  	vm11 =	vmmov vm2;
	v23 =	vnsel vm0, $0x0, v30;
	[tilespmem:v25+s11+$0x0] =	vst.idx.add.s32.msk $0xffff, v21  }
0x31a: {  	v21 =	vsel vm11, $0x1, v0;
	[tilespmem:v25+s12+$0x0] =	vst.idx.add.f32.msk $0xffff, v23  }
0x31b: {  	v23 =	vnsel vm2, $0x0, v27;
	[tilespmem:v22+s11+$0x0] =	vst.idx.add.s32.msk $0xffff, v21  }
0x31c: {  	[tilespmem:v22+s12+$0x0] =	vst.idx.add.f32.msk $0xffff, v23  }
.LBB2_38:
0x31d: {  	p2 =	slt.s32 s26, s24  }
.Ltmp27:
0x31e: {  	_ = 	snop;
	(pc) =	sbr.rel @!p2 .LBB2_39-.Ltmp27, $2  }
0x31f: {  	_ =	sdelay $0x2  }
0x320: {  	s28 =	ssub.s32 s24, s26  }
0x321: {  	s0 =	sshll.u32 s25, $0x6;
	s1 =	sshll.u32 s28, $0x6  }
0x322: {  	s0 =	ssub.s32 s0, s1  }
0x323: {  	s1 =	sshra.s32 s0, $0x2  }
0x324: {  	s0 =	ssub.s32 $0x0, s28;
	s1 =	sadd.s32 $0xC000, s1  }
.LBB2_53:
0x325: {  	v21 =	vld [tilespmem:s1+$0x0];
	_ =	sdelay $0x2  }
0x326: {  	s6 =	sadd.s32 s0, s24  }
0x327: {  	v22 =	vmov s6  }
0x328: {  	vm0 =	vlt.s32 v22, v14;
	v21 =	vshll.u32 v21, $0x4  }
0x329: {  	v21 =	vnsel vm0, $0x0, v21  }
0x32a: {  	v21 =	vadd.s32 v6, v21;
	_ =	sdelay $0x4  }
0x32b: {  	v21 =	vld.idx.msk [tilespmem:v21+s2+$0x0], $0xffff;
	_ =	sdelay $0x4  }
0x32c: {  	vm1 =	vlt.s32 v21, $0x0;
	v22 =	vxor.u32 $0xFFFFFFFF, v21  }
0x32d: {  	v22 =	vsel vm1, v22, v21  }
0x32e: {  	v22 =	vshrl.u32 v22, $0x10  }
0x32f: {  	v22 =	vand.u32 $0x3F0, v22  }
0x330: {  	v22 =	vor.u32 v2, v22  }
0x331: {  	s0 =	sadd.s32 $0x1, s0;
	v22 =	vsel vm0, v22, v2  }
0x332: {  	p2 =	seq.s32 s0, $0x0  }
.Ltmp28:
0x333: {  	_ = 	snop;
	(pc) =	sbr.rel @!p2 .LBB2_53-.Ltmp28, $4  }
0x334: {  	_ = 	snop  }
0x335: {  	v23 =	vsel vm0, $0x1, v0  }
0x336: {  	v21 =	vnsel vm0, $0x0, v21;
	[tilespmem:v22+s11+$0x0] =	vst.idx.add.s32.msk $0xffff, v23  }
0x337: {  	s1 =	sadd.s32 $0x10, s1;
	[tilespmem:v22+s12+$0x0] =	vst.idx.add.f32.msk $0xffff, v21  }
.LBB2_39:
0x338: {  	s0 =	simm.s32 $0x18420  }
0x339: {  	v18 =	vsub.f32 v18, v20;
	v20 =	vld [tilespmem:s0+$0xFFFFFFE0];
	_ =	sdelay $0x1  }
0x33a: {  	v21 =	vld [tilespmem:s0+$0xFFFFFFF0];
	_ =	sdelay $0x1  }
0x33b: {  	v32 =	vimm.f32 $0.0e+00;
	v22 =	vld [tilespmem:s0+$0x0]  }
0x33c: {  	v24 =	vadd.f32 v20, v32  }
0x33d: {  	s29 =	simm.s32 $0x18460;
	v25 =	vld [tilespmem:s0+$0x10]  }
0x33e: {  	s1 =	simm.s32 $0x18020;
	v29 =	vld [tilespmem:s29+$0xFFFFFFE0];
	v27 =	vadd.f32 v21, v24  }
0x33f: {  	v38 =	vld [tilespmem:s1+$0xFFFFFFE0]  }
0x340: {  	v33 =	vld [tilespmem:s29+$0xFFFFFFF0];
	v30 =	vadd.f32 v22, v27  }
0x341: {  	v28 =	vld [tilespmem:s29+$0x0]  }
0x342: {  	v11 =	vsub.s32 v19, v11;
	v23 =	vld [tilespmem:s1+$0xFFFFFFF0];
	[tilespmem:s1+$0xFFFFFFE0] =	vst v0;
	v31 =	vadd.f32 v25, v30  }
0x343: {  	s30 =	simm.s32 $0x18060;
	[tilespmem:s1+$0xFFFFFFF0] =	vst v0;
	v17 =	vadd.f32 v18, v17;
	v18 =	vadd.s32 v15, v11;
	v15 =	vld [tilespmem:s1+$0x0]  }
0x344: {  	[tilespmem:s1+$0x0] =	vst v0;
	v11 =	vld [tilespmem:s30+$0x0];
	v34 =	vadd.f32 v29, v31  }
0x345: {  	[tilespmem:s0+$0xFFFFFFE0] =	vst v1;
	v26 =	vsub.f32 v24, v20;
	v20 =	vld [tilespmem:s29+$0x10];
	v24 =	vsub.f32 v27, v21  }
0x346: {  	v19 =	vimm.s32 $0x0;
	[tilespmem:s30+$0x0] =	vst v0;
	v21 =	vld [tilespmem:s1+$0x10];
	v25 =	vsub.f32 v31, v25;
	v27 =	vadd.f32 v33, v34  }
0x347: {  	[tilespmem:s0+$0xFFFFFFF0] =	vst v1;
	v31 =	vsub.f32 v30, v22;
	v29 =	vsub.f32 v34, v29;
	v34 =	vadd.s32 v19, v38  }
0x348: {  	[tilespmem:s0+$0x0] =	vst v1;
	vm0 =	vge.s32 v34, v16;
	v35 =	vadd.s32 v34, v23;
	v36 =	vadd.f32 v28, v27  }
0x349: {  	[tilespmem:s29+$0x0] =	vst v1;
	v27 =	vsub.f32 v27, v33;
	vm1 =	vmor vm13, vm0;
	vm2 =	vge.s32 v35, v16  }
0x34a: {  	[tilespmem:s1+$0x10] =	vst v0;
	v33 =	vadd.s32 v35, v15;
	vm5 =	vmand vm0, vm14;
	vm3 =	vmor vm1, vm2  }
0x34b: {  	s31 =	simm.s32 $0x0;
	[tilespmem:s0+$0x10] =	vst v1;
	vm4 =	vge.s32 v33, v16;
	v30 =	vadd.s32 v33, v21;
	v37 =	vadd.f32 v20, v36  }
0x34c: {  	s6 =	simm.s32 $0x184A0;
	v22 =	vld [tilespmem:s30+$0xFFFFFFE0];
	[tilespmem:s30+$0xFFFFFFE0] =	vst v0;
	v40 =	vsel vm5, s31, v19;
	v39 =	vsel vm5, v38, v19;
	vm0 =	vmneg vm3  }
0x34d: {  	s7 =	simm.s32 $0x180A0;
	s1 =	simm.s32 $0x4;
	s0 =	simm.s32 $0x8;
	[tilespmem:s29+$0xFFFFFFE0] =	vst v1;
	v38 =	vimm.s32 $0x0;
	vm0 =	vmand vm4, vm0;
	v20 =	vsub.f32 v37, v20  }
.LBB2_40:
0x34e: {  	v41 =	vld [tilespmem:s6+$0xFFFFFFE0];
	p2 =	slt.u32 s0, $0x3C;
	v38 =	vsel vm5, v19, v38;
	v32 =	vsel vm5, v26, v32;
	vm3 =	vmor vm3, vm4;
	v26 =	vmovc v29;
	v19 =	vmovc v30;
	s19 =	smov.u32 s0;
	s0 =	sadd.s32 $0x4, s0  }
0x34f: {  	v43 =	vsub.f32 v36, v28;
	vm1 =	vmneg vm1;
	v42 =	vld [tilespmem:s7+$0x0];
	vm4 =	vmneg vm3  }
0x350: {  	s8 =	sadd.s32 $0x1, s31;
	vm2 =	vmand vm2, vm1;
	vm1 =	vge.s32 v30, v16;
	v36 =	vld [tilespmem:s6+$0xFFFFFFF0]  }
0x351: {  	v29 =	vsel vm2, s8, v40;
	v34 =	vsel vm2, v34, v38;
	v32 =	vsel vm2, v24, v32;
	s8 =	sadd.s32 $0x2, s31;
	v24 =	vmovc v27;
	v44 =	vld [tilespmem:s7+$0xFFFFFFE0]  }
0x352: {  	v27 =	vsel vm2, v23, v39;
	vm2 =	vmand vm1, vm4;
	v29 =	vsel vm0, s8, v29;
	v28 =	vld [tilespmem:s6+$0x0];
	[tilespmem:s30+$0xFFFFFFF0] =	vst v0  }
0x353: {  	v34 =	vsel vm0, v35, v34;
	v31 =	vsel vm0, v31, v32;
	s8 =	sadd.s32 $0x3, s31;
	s31 =	smov.u32 s1;
	s1 =	smov.u32 s19;
	v37 =	vadd.f32 v41, v37;
	[tilespmem:s7+$0x0] =	vst v0;
	v23 =	vld [tilespmem:s30+$0xFFFFFFF0]  }
0x354: {  	v27 =	vsel vm0, v15, v27;
	v15 =	vmovc v11;
	v40 =	vsel vm2, s8, v29;
	v38 =	vsel vm2, v33, v34;
	v39 =	vld [tilespmem:s6+$0x10];
	[tilespmem:s29+$0xFFFFFFF0] =	vst v1  }
0x355: {  	v29 =	vsub.f32 v37, v41;
	v33 =	vadd.f32 v36, v37;
	[tilespmem:s6+$0x0] =	vst v1;
	v41 =	vsel vm2, v21, v27;
	v21 =	vld [tilespmem:s30+$0x10]  }
0x356: {  	vm0 =	vmor vm3, vm1;
	v34 =	vadd.s32 v30, v22;
	v32 =	vsel vm2, v25, v31;
	v11 =	vmovc v42;
	[tilespmem:s30+$0x10] =	vst v0;
	s30 =	smov.u32 s7  }
0x357: {  	vm5 =	vge.s32 v34, v16;
	v27 =	vsub.f32 v33, v36;
	v36 =	vadd.f32 v28, v33;
	[tilespmem:s29+$0x10] =	vst v1;
	s29 =	smov.u32 s6  }
.Ltmp29:
0x358: {  	vm6 =	vmneg vm0;
	v25 =	vmovc v20;
	vm1 =	vmor vm0, vm5;
	v31 =	vmovc v43;
	[tilespmem:s7+$0xFFFFFFE0] =	vst v0;
	v35 =	vadd.s32 v34, v23;
	(pc) =	sbr.rel @p2 .LBB2_40-.Ltmp29, $4  }
0x359: {  	[tilespmem:s6+$0xFFFFFFE0] =	vst v1;
	v37 =	vadd.f32 v39, v36;
	vm2 =	vge.s32 v35, v16;
	v33 =	vadd.s32 v35, v15  }
0x35a: {  	vm3 =	vmor vm1, vm2;
	vm4 =	vge.s32 v33, v16;
	v30 =	vadd.s32 v33, v21  }
0x35b: {  	vm5 =	vmand vm5, vm6;
	v20 =	vsub.f32 v37, v39;
	vm0 =	vmneg vm3  }
0x35c: {  	v40 =	vsel vm5, s31, v40;
	s7 =	sadd.s32 $0x40, s7;
	s6 =	sadd.s32 $0x40, s6;
	v39 =	vsel vm5, v22, v41;
	v22 =	vmovc v44;
	vm0 =	vmand vm4, vm0  }
0x35d: {  	v19 =	vsel vm5, v19, v38;
	v26 =	vsel vm5, v26, v32;
	vm1 =	vmneg vm1  }
0x35e: {  	vm3 =	vmor vm3, vm4;
	v28 =	vsub.f32 v36, v28;
	vm11 =	vge.s32 v30, v16  }
0x35f: {  	s0 =	sadd.s32 $0x1, s31;
	vm1 =	vmand vm2, vm1;
	vm10 =	vmneg vm3;
	vm8 =	vmor vm3, vm11  }
0x360: {  	v58 =	vld [tilespmem:s30+$0xFFFFFFF0];
	s6 =	sadd.s32 $0x2, s31;
	v57 =	vsel vm1, s0, v40;
	v19 =	vsel vm1, v34, v19;
	v24 =	vsel vm1, v24, v26  }
0x361: {  	v23 =	vsel vm1, v23, v39;
	vm7 =	vmand vm11, vm10;
	v59 =	vsel vm0, s6, v57  }
0x362: {  	v60 =	vld [tilespmem:s30+$0x10];
	v19 =	vsel vm0, v35, v19;
	v24 =	vsel vm0, v31, v24;
	v15 =	vsel vm0, v15, v23  }
0x363: {  	s7 =	sadd.s32 $0x3, s31;
	vm0 =	vmneg vm8;
	v15 =	vsel vm7, v21, v15;
	v21 =	vadd.s32 v30, v22  }
0x364: {  	v23 =	vsel vm7, s7, v59;
	v19 =	vsel vm7, v33, v19;
	vm9 =	vge.s32 v21, v16  }
0x365: {  	v24 =	vsel vm7, v25, v24;
	v61 =	vadd.s32 v21, v58;
	vm10 =	vmor vm8, vm9  }
0x366: {  	vm3 =	vge.s32 v61, v16;
	v62 =	vadd.s32 v61, v11;
	vm0 =	vmand vm9, vm0  }
0x367: {  	vm11 =	vmor vm10, vm3;
	vm8 =	vge.s32 v62, v16;
	v63 =	vadd.s32 v62, v60  }
0x368: {  	v23 =	vsel vm0, s1, v23;
	v15 =	vsel vm0, v22, v15;
	v19 =	vsel vm0, v30, v19  }
0x369: {  	vm1 =	vmneg vm10;
	v22 =	vsel vm0, v29, v24;
	vm9 =	vmneg vm11  }
0x36a: {  	s8 =	sadd.s32 $0x1, s1;
	vm10 =	vmor vm11, vm8;
	vm1 =	vmand vm3, vm1;
	vm11 =	vge.s32 v63, v16  }
.Ltmp30:
0x36b: {  	vm2 =	vmand vm8, vm9;
	vm0 =	vmneg vm10;
	v23 =	vsel vm1, s8, v23;
	(pc) =	sbr.rel @p1 .LBB2_42-.Ltmp30, $4  }
0x36c: {  	[tilespmem:s30+$0xFFFFFFF0] =	vst v0;
	s19 =	sadd.s32 $0x2, s1;
	v19 =	vsel vm1, v21, v19;
	v21 =	vsel vm1, v27, v22;
	v15 =	vsel vm1, v58, v15  }
0x36d: {  	s31 =	sadd.s32 $0x3, s1;
	[tilespmem:s30+$0x10] =	vst v0;
	v22 =	vsel vm2, s19, v23;
	vm0 =	vmand vm11, vm0;
	v19 =	vsel vm2, v61, v19  }
0x36e: {  	[tilespmem:s29+$0xFFFFFFF0] =	vst v1;
	v21 =	vsel vm2, v28, v21;
	v15 =	vsel vm2, v11, v15;
	v11 =	vsel vm0, s31, v22  }
0x36f: {  	[tilespmem:s29+$0x10] =	vst v1;
	v19 =	vsel vm0, v62, v19;
	v15 =	vsel vm0, v60, v15;
	v20 =	vsel vm0, v20, v21  }
0x370: {  	s1 =	simm.s32 $0xC020  }
0x371: {  	v22 =	vld [tilespmem:s1+$0x10]  }
0x372: {  	v21 =	vld [tilespmem:s1+$0x0]  }
0x373: {  	v26 =	vld [tilespmem:s1+$0xFFFFFFF0]  }
0x374: {  	s0 =	simm.s32 $0x0;
	v24 =	vld [tilespmem:s1+$0xFFFFFFE0]  }
0x375: {  	v25 =	vimm.s32 $0x0;
	s30 =	simm.s32 $0x2;
	s31 =	simm.s32 $0x3;
	p2 =	sgt.s32 s26, $0x4;
	v23 =	vmov s0  }
.Ltmp31:
0x376: {  	s6 =	simm.s32 $0x1;
	v27 =	vmov s31;
	vm3 =	vlt.s32 v23, v14;
	v23 =	vmov s30;
	(pc) =	sbr.rel @!p2 .LBB2_55-.Ltmp31, $4  }
0x377: {  	v28 =	vmov s6;
	vm5 =	vlt.s32 v27, v14;
	vm4 =	vlt.s32 v23, v14  }
0x378: {  	vm2 =	vlt.s32 v28, v14;
	v21 =	vnsel vm4, $0x0, v21;
	v23 =	vnsel vm5, $0x0, v22  }
0x379: {  	v24 =	vnsel vm3, $0x0, v24;
	v22 =	vnsel vm2, $0x0, v26;
	v26 =	vshll.u32 v23, $0x4  }
0x37a: {  	p1 =	por $0x0, $0x0;
	s0 =	simm.s32 $0x4;
	s1 =	simm.s32 $0xC060;
	v32 =	vshll.u32 v22, $0x4;
	v33 =	vshll.u32 v21, $0x4;
	v28 =	vadd.s32 v6, v26  }
0x37b: {  	_ =	sdelay $0x2  }
0x37c: {  	v27 =	vld [tilespmem:s1+$0x10];
	v29 =	vadd.s32 v6, v33  }
0x37d: {  	v26 =	vshll.u32 v24, $0x4;
	v31 =	vadd.s32 v6, v32;
	v35 =	vld.idx.msk [tilespmem:v28+s2+$0x0], $0xffff  }
0x37e: {  	v30 =	vld [tilespmem:s1+$0x0];
	vm6 =	vmmov vm3;
	v58 =	vadd.s32 v6, v26  }
0x37f: {  	vm1 =	vmmov vm4;
	vm0 =	vmmov vm5;
	v34 =	vld [tilespmem:s1+$0xFFFFFFE0];
	v28 =	vmov s0;
	s30 =	simm.s32 $0x6  }
0x380: {  	v57 =	vld [tilespmem:s1+$0xFFFFFFF0];
	v26 =	vshll.u32 v25, $0x4;
	vm3 =	vlt.s32 v28, v14;
	v28 =	vmov s30  }
0x381: {  	s31 =	simm.s32 $0x7;
	vm7 =	vmmov vm2;
	s6 =	simm.s32 $0x5;
	v26 =	vor.u32 v2, v26;
	vm4 =	vlt.s32 v28, v14;
	v36 =	vld.idx.msk [tilespmem:v29+s2+$0x0], $0xffff  }
0x382: {  	v29 =	vmov s31;
	v37 =	vld.idx.msk [tilespmem:v31+s2+$0x0], $0xffff;
	v31 =	vmov s6;
	vm9 =	vlt.s32 v35, $0x0  }
0x383: {  	v59 =	vxor.u32 $0xFFFFFFFF, v35;
	vm5 =	vlt.s32 v29, v14;
	v38 =	vld.idx.msk [tilespmem:v58+s2+$0x0], $0xffff;
	vm2 =	vlt.s32 v31, v14  }
0x384: {  	v29 =	vnsel vm4, $0x0, v30;
	v30 =	vnsel vm5, $0x0, v27;
	v27 =	vnsel vm3, $0x0, v34  }
0x385: {  	v31 =	vnsel vm2, $0x0, v57;
	v33 =	vshll.u32 v29, $0x4;
	v34 =	vsel vm9, v59, v35  }
0x386: {  	v28 =	vshll.u32 v30, $0x4;
	v32 =	vshll.u32 v31, $0x4;
	v34 =	vshrl.u32 v34, $0x14  }
0x387: {  	v28 =	vadd.s32 v6, v28;
	v34 =	vand.u32 $0x3F, v34;
	vm8 =	vlt.s32 v36, $0x0  }
0x388: {  	vm10 =	vlt.s32 v37, $0x0;
	vm11 =	vlt.s32 v38, $0x0;
	v41 =	vxor.u32 $0xFFFFFFFF, v38  }
0x389: {  	v39 =	vxor.u32 $0xFFFFFFFF, v37;
	v40 =	vxor.u32 $0xFFFFFFFF, v36;
	v60 =	vsel vm11, v41, v38  }
0x38a: {  	v37 =	vsel vm10, v39, v37;
	v36 =	vsel vm8, v40, v36;
	v35 =	vshrl.u32 v60, $0x14  }
0x38b: {  	p2 =	sgt.s32 s26, $0x8;
	v36 =	vshrl.u32 v36, $0x14;
	v37 =	vshrl.u32 v37, $0x14;
	v35 =	vand.u32 $0x3F, v35  }
.Ltmp32:
0x38c: {  	v61 =	vand.u32 $0x3F, v37;
	v36 =	vand.u32 $0x3F, v36;
	vm8 =	veq.s32 v35, v11;
	(pc) =	sbr.rel @!p2 .LBB2_57-.Ltmp32, $4  }
0x38d: {  	vm9 =	vmand vm6, vm8;
	vm6 =	veq.s32 v61, v11;
	vm8 =	veq.s32 v34, v11  }
0x38e: {  	v62 =	vsel vm9, $0x1, v0;
	vm6 =	vmand vm7, vm6;
	vm7 =	veq.s32 v36, v11  }
0x38f: {  	v34 =	vadd.s32 v62, v25;
	v63 =	vsel vm6, $0x1, v0;
	vm7 =	vmand vm1, vm7  }
0x390: {  	s1 =	simm.s32 $0x8;
	s29 =	simm.s32 $0xC0A0;
	p1 =	por $0x1, $0x1;
	vm8 =	vmand vm0, vm8;
	v35 =	vadd.s32 v63, v34;
	v39 =	vsel vm7, $0x1, v0  }
.LBB2_58:
0x391: {  	v33 =	vadd.s32 v6, v33;
	v37 =	vadd.s32 v39, v35;
	v38 =	vsel vm8, $0x1, v0  }
0x392: {  	v36 =	vld [tilespmem:s29+$0x10];
	vm12 =	vmmov vm3;
	vm11 =	vmmov vm4;
	vm10 =	vmmov vm5  }
0x393: {  	v40 =	vshll.u32 v27, $0x4;
	v32 =	vadd.s32 v6, v32;
	v39 =	vld [tilespmem:s29+$0x0];
	v38 =	vadd.s32 v38, v37  }
0x394: {  	v35 =	vshll.u32 v35, $0x4;
	v40 =	vadd.s32 v6, v40;
	v41 =	vld [tilespmem:s29+$0xFFFFFFF0];
	[tilespmem:v26+s16+$0x0] =	vst.idx.msk vm9, v24;
	v26 =	vshll.u32 v37, $0x4;
	v24 =	vmovc v27  }
0x395: {  	v34 =	vshll.u32 v34, $0x4;
	v37 =	vshll.u32 v38, $0x4;
	v27 =	vld [tilespmem:s29+$0xFFFFFFE0];
	v42 =	vor.u32 v2, v26  }
0x396: {  	v34 =	vor.u32 v2, v34;
	v26 =	vor.u32 v2, v37;
	v37 =	vld.idx.msk [tilespmem:v28+s2+$0x0], $0xffff;
	v28 =	vor.u32 v2, v35  }
0x397: {  	s0 =	sadd.s32 $0x2, s1;
	s6 =	sadd.s32 $0x3, s1;
	vm0 =	vmmov vm2;
	v35 =	vmov s1;
	v43 =	vld.idx.msk [tilespmem:v33+s2+$0x0], $0xffff  }
0x398: {  	s7 =	sadd.s32 $0x1, s1;
	vm3 =	vlt.s32 v35, v14;
	v33 =	vmov s0;
	v35 =	vmov s6;
	v44 =	vld.idx.msk [tilespmem:v32+s2+$0x0], $0xffff  }
0x399: {  	v32 =	vmov s7;
	vm4 =	vlt.s32 v33, v14;
	vm5 =	vlt.s32 v35, v14;
	v35 =	vld.idx.msk [tilespmem:v40+s2+$0x0], $0xffff  }
0x39a: {  	vm2 =	vlt.s32 v32, v14;
	v32 =	vnsel vm4, $0x0, v39;
	[tilespmem:v42+s16+$0x0] =	vst.idx.msk vm8, v23;
	v23 =	vmovc v30;
	v30 =	vnsel vm5, $0x0, v36  }
0x39b: {  	v27 =	vnsel vm3, $0x0, v27;
	v36 =	vnsel vm2, $0x0, v41;
	v39 =	vshll.u32 v30, $0x4;
	[tilespmem:v28+s16+$0x0] =	vst.idx.msk vm7, v21;
	v21 =	vmovc v29;
	v29 =	vmovc v32  }
0x39c: {  	v32 =	vshll.u32 v36, $0x4;
	v33 =	vshll.u32 v29, $0x4;
	v28 =	vadd.s32 v6, v39;
	[tilespmem:v34+s16+$0x0] =	vst.idx.msk vm6, v22;
	v22 =	vmovc v31  }
0x39d: {  	s1 =	sadd.s32 $0x4, s1;
	vm1 =	vlt.s32 v43, $0x0;
	vm6 =	vlt.s32 v37, $0x0;
	v34 =	vxor.u32 $0xFFFFFFFF, v37;
	v31 =	vmovc v36  }
0x39e: {  	p2 =	slt.s32 s1, s26;
	v39 =	vxor.u32 $0xFFFFFFFF, v43;
	vm7 =	vlt.s32 v44, $0x0;
	v36 =	vxor.u32 $0xFFFFFFFF, v44  }
0x39f: {  	v34 =	vsel vm6, v34, v37;
	vm8 =	vlt.s32 v35, $0x0;
	v40 =	vxor.u32 $0xFFFFFFFF, v35  }
0x3a0: {  	v37 =	vsel vm1, v39, v43;
	v36 =	vsel vm7, v36, v44;
	v35 =	vsel vm8, v40, v35  }
0x3a1: {  	v37 =	vshrl.u32 v37, $0x14;
	v34 =	vshrl.u32 v34, $0x14;
	v35 =	vshrl.u32 v35, $0x14  }
0x3a2: {  	v36 =	vshrl.u32 v36, $0x14;
	v34 =	vand.u32 $0x3F, v34;
	v35 =	vand.u32 $0x3F, v35  }
.Ltmp33:
0x3a3: {  	vm1 =	veq.s32 v35, v11;
	v35 =	vand.u32 $0x3F, v36;
	v36 =	vand.u32 $0x3F, v37;
	(pc) =	sbr.rel @p2 .LBB2_58-.Ltmp33, $4  }
0x3a4: {  	vm8 =	veq.s32 v34, v11;
	vm9 =	vmand vm12, vm1;
	vm1 =	veq.s32 v35, v11  }
0x3a5: {  	v34 =	vsel vm9, $0x1, v0;
	vm6 =	vmand vm0, vm1;
	vm0 =	veq.s32 v36, v11  }
0x3a6: {  	v34 =	vadd.s32 v34, v38;
	v35 =	vsel vm6, $0x1, v0;
	vm7 =	vmand vm11, vm0  }
0x3a7: {  	s29 =	sadd.s32 $0x40, s29;
	vm8 =	vmand vm10, vm8;
	v35 =	vadd.s32 v35, v34;
	v39 =	vsel vm7, $0x1, v0  }
0x3a8: {  	v36 =	vmov v23  }
0x3a9: {  	v37 =	vmovc v21;
	v38 =	vmovc v22;
	v23 =	vmov v30;
	v21 =	vmov v29;
	v22 =	vmov v31  }
.LBB2_60:
0x3aa: {  	_ = 	snop  }
0x3ab: {  	v29 =	vadd.s32 v6, v33  }
0x3ac: {  	v30 =	vshll.u32 v27, $0x4;
	v31 =	vadd.s32 v6, v32  }
0x3ad: {  	v30 =	vadd.s32 v6, v30  }
0x3ae: {  	v28 =	vld.idx.msk [tilespmem:v28+s2+$0x0], $0xffff;
	_ =	sdelay $0x1  }
0x3af: {  	v32 =	vadd.s32 @p1 v39, v35;
	v33 =	vsel @p1 vm8, $0x1, v0;
	v29 =	vld.idx.msk [tilespmem:v29+s2+$0x0], $0xffff  }
0x3b0: {  	v35 =	vshll.u32 @p1 v35, $0x4;
	v34 =	vshll.u32 @p1 v34, $0x4;
	vm2 =	vmmov vm2;
	v31 =	vld.idx.msk [tilespmem:v31+s2+$0x0], $0xffff  }
0x3b1: {  	v33 =	vadd.s32 @p1 v33, v32;
	v32 =	vshll.u32 @p1 v32, $0x4;
	v35 =	vor.u32 @p1 v2, v35;
	v30 =	vld.idx.msk [tilespmem:v30+s2+$0x0], $0xffff  }
0x3b2: {  	v25 =	vpsel p1, v33, v25;
	vm1 =	vlt.s32 v28, $0x0;
	v52 =	vxor.u32 $0xFFFFFFFF, v28  }
0x3b3: {  	v32 =	vor.u32 @p1 v2, v32;
	v33 =	vshll.u32 v25, $0x4;
	v28 =	vsel vm1, v52, v28  }
0x3b4: {  	v60 =	vor.u32 v2, v33;
	vm1 =	vmmov vm4;
	v28 =	vshrl.u32 v28, $0x14  }
0x3b5: {  	v28 =	vand.u32 $0x3F, v28;
	vm0 =	vlt.s32 v29, $0x0;
	vm10 =	vlt.s32 v31, $0x0  }
0x3b6: {  	v53 =	vxor.u32 $0xFFFFFFFF, v31;
	vm11 =	vlt.s32 v30, $0x0;
	v54 =	vxor.u32 $0xFFFFFFFF, v30  }
0x3b7: {  	v40 =	vxor.u32 $0xFFFFFFFF, v29;
	v31 =	vsel vm10, v53, v31;
	v30 =	vsel vm11, v54, v30  }
0x3b8: {  	v29 =	vsel vm0, v40, v29;
	vm11 =	vmmov vm3;
	v30 =	vshrl.u32 v30, $0x14  }
0x3b9: {  	vm3 =	vmmov vm5;
	v31 =	vshrl.u32 v31, $0x14;
	v30 =	vand.u32 $0x3F, v30  }
0x3ba: {  	v29 =	vshrl.u32 v29, $0x14;
	v55 =	vand.u32 $0x3F, v31;
	vm10 =	veq.s32 v30, v11  }
0x3bb: {  	v29 =	vand.u32 $0x3F, v29;
	vm0 =	vmand vm11, vm10;
	vm11 =	veq.s32 v55, v11  }
0x3bc: {  	vm10 =	veq.s32 v29, v11;
	v56 =	vsel vm0, $0x1, v0;
	vm2 =	vmand vm2, vm11  }
0x3bd: {  	vm1 =	vmand vm1, vm10;
	v25 =	vadd.s32 v56, v25;
	v57 =	vsel vm2, $0x1, v0  }
0x3be: {  	v31 =	vor.u32 @p1 v2, v34;
	v58 =	vsel vm1, $0x1, v0;
	v29 =	vadd.s32 v57, v25  }
0x3bf: {  	vm11 =	veq.s32 v28, v11;
	v25 =	vshll.u32 v25, $0x4;
	v59 =	vadd.s32 v58, v29  }
0x3c0: {  	[tilespmem:v26+s16+$0x0] =	vst.idx.msk @p1 vm9, v24;
	vm3 =	vmand vm3, vm11;
	v25 =	vor.u32 v2, v25;
	v61 =	vshll.u32 v59, $0x4  }
0x3c1: {  	[tilespmem:v35+s16+$0x0] =	vst.idx.msk @p1 vm7, v37;
	v62 =	vshll.u32 v29, $0x4;
	v63 =	vor.u32 v2, v61  }
0x3c2: {  	[tilespmem:v32+s16+$0x0] =	vst.idx.msk @p1 vm8, v36;
	v24 =	vor.u32 v2, v62  }
.Ltmp34:
0x3c3: {  	[tilespmem:v31+s16+$0x0] =	vst.idx.msk @p1 vm6, v38;
	(pc) =	sbr.rel .LBB2_43-.Ltmp34, $4  }
0x3c4: {  	[tilespmem:v60+s16+$0x0] =	vst.idx.msk vm0, v27  }
0x3c5: {  	[tilespmem:v25+s16+$0x0] =	vst.idx.msk vm2, v22  }
0x3c6: {  	[tilespmem:v63+s16+$0x0] =	vst.idx.msk vm3, v23;
	v23 =	vsel vm3, $0x1, v0  }
0x3c7: {  	[tilespmem:v24+s16+$0x0] =	vst.idx.msk vm1, v21;
	v21 =	vadd.s32 v23, v59  }
.LBB2_42:
0x3c8: {  	v21 =	vimm.s32 $0x0  }
.LBB2_43:
0x3c9: {  	p1 =	sge.s32 s26, s24  }
.Ltmp35:
0x3ca: {  	_ = 	snop;
	(pc) =	sbr.rel @p1 .LBB2_46-.Ltmp35, $1  }
0x3cb: {  	_ =	sdelay $0x3  }
0x3cc: {  	s0 =	sshll.u32 s25, $0x6;
	s1 =	sshll.u32 s28, $0x6  }
0x3cd: {  	s0 =	ssub.s32 s0, s1  }
0x3ce: {  	s1 =	sshra.s32 s0, $0x2  }
0x3cf: {  	s0 =	ssub.s32 $0x0, s28;
	s1 =	sadd.s32 $0xC000, s1  }
.LBB2_45:
0x3d0: {  	v22 =	vld [tilespmem:s1+$0x0];
	_ =	sdelay $0x1  }
0x3d1: {  	s6 =	sadd.s32 s0, s24  }
0x3d2: {  	v23 =	vmov s6  }
0x3d3: {  	vm0 =	vlt.s32 v23, v14  }
0x3d4: {  	v22 =	vnsel vm0, $0x0, v22  }
0x3d5: {  	v23 =	vshll.u32 v22, $0x4  }
0x3d6: {  	v23 =	vadd.s32 v6, v23;
	_ =	sdelay $0x4  }
0x3d7: {  	v23 =	vld.idx.msk [tilespmem:v23+s2+$0x0], $0xffff;
	_ =	sdelay $0x4  }
0x3d8: {  	vm1 =	vlt.s32 v23, $0x0;
	v24 =	vxor.u32 $0xFFFFFFFF, v23  }
0x3d9: {  	v23 =	vsel vm1, v24, v23  }
0x3da: {  	v23 =	vshrl.u32 v23, $0x14  }
0x3db: {  	v23 =	vand.u32 $0x3F, v23  }
0x3dc: {  	vm11 =	veq.s32 v23, v11  }
0x3dd: {  	s0 =	sadd.s32 $0x1, s0;
	v23 =	vshll.u32 v21, $0x4;
	vm0 =	vmand vm0, vm11  }
0x3de: {  	p1 =	seq.s32 s0, $0x0;
	v23 =	vor.u32 v2, v23  }
.Ltmp36:
0x3df: {  	_ = 	snop;
	(pc) =	sbr.rel @!p1 .LBB2_45-.Ltmp36, $3  }
0x3e0: {  	_ =	sdelay $0x1  }
0x3e1: {  	v63 =	vsel vm0, $0x1, v0  }
0x3e2: {  	s1 =	sadd.s32 $0x10, s1;
	v21 =	vadd.s32 v63, v21;
	[tilespmem:v23+s16+$0x0] =	vst.idx.msk vm0, v22  }
.LBB2_46:
0x3e3: {  	v14 =	vxor.u32 $0x80000000, v13  }
0x3e4: {  	(xrf0) =	vmax.scan.msk.u32 $0xffff, v14;
	_ =	sdelay $0x5  }
0x3e5: {  	v14, _, _ =	vpop (xrf0)  }
0x3e6: {  	(v2sf) =	vpush v14, $0xF;
	_ =	sdelay $0xe  }
0x3e7: {  	s25 =	spop (v2sf)  }
0x3e8: {  	s24 =	sxor.u32 $0x80000000, s25  }
0x3e9: {  	s0 =	sshra.s32 s24, $0x1F  }
0x3ea: {  	s0 =	sshrl.u32 s0, $0x1E  }
0x3eb: {  	s0 =	sadd.s32 s0, s24  }
0x3ec: {  	s26 =	sand.u32 $0xFFFFFFFC, s0  }
0x3ed: {  	p2 =	slt.s32 s26, $0x1  }
.Ltmp37:
0x3ee: {  	_ = 	snop;
	(pc) =	sbr.rel @p2 .LBB2_61-.Ltmp37, $1  }
0x3ef: {  	_ =	sdelay $0x3  }
0x3f0: {  	s0 =	simm.s32 $0x10020  }
0x3f1: {  	v14 =	vld [tilespmem:s0+$0x10]  }
0x3f2: {  	v21 =	vld [tilespmem:s0+$0xFFFFFFE0];
	_ =	sdelay $0x1  }
0x3f3: {  	s6 =	simm.s32 $0x3  }
0x3f4: {  	s1 =	simm.s32 $0x0;
	v22 =	vmov s6  }
0x3f5: {  	v23 =	vmov s1;
	v24 =	vld [tilespmem:s0+$0xFFFFFFF0];
	vm7 =	vlt.s32 v22, v13;
	v14 =	vshll.u32 v14, $0x4  }
0x3f6: {  	vm3 =	vlt.s32 v23, v13;
	v22 =	vld [tilespmem:s0+$0x0];
	v21 =	vshll.u32 v21, $0x4;
	v14 =	vnsel vm7, $0x0, v14  }
0x3f7: {  	v21 =	vnsel vm3, $0x0, v21;
	v14 =	vadd.s32 v6, v14  }
0x3f8: {  	s30 =	simm.s32 $0x1;
	p3 =	sgt.s32 s26, $0x4;
	v23 =	vadd.s32 v6, v21  }
.Ltmp38:
0x3f9: {  	s31 =	simm.s32 $0x2;
	v21 =	vmov s30;
	(pc) =	sbr.rel @!p3 .LBB2_48-.Ltmp38, $4  }
0x3fa: {  	vm6 =	vlt.s32 v21, v13;
	v21 =	vmov s31  }
0x3fb: {  	v22 =	vshll.u32 v22, $0x4;
	vm2 =	vlt.s32 v21, v13;
	v21 =	vshll.u32 v24, $0x4  }
0x3fc: {  	v24 =	vnsel vm6, $0x0, v21;
	v22 =	vnsel vm2, $0x0, v22;
	v21 =	vld.idx.msk [tilespmem:v14+s2+$0x0], $0xffff  }
0x3fd: {  	p1 =	por $0x0, $0x0;
	s0 =	simm.s32 $0x4;
	v29 =	vadd.s32 v6, v24;
	v26 =	vadd.s32 v6, v22;
	v14 =	vld.idx.msk [tilespmem:v23+s2+$0x0], $0xffff  }
0x3fe: {  	_ =	sdelay $0x2  }
0x3ff: {  	vm0 =	vmmov vm3  }
0x400: {  	s1 =	simm.s32 $0x5;
	v23 =	vld.idx.msk [tilespmem:v29+s2+$0x0], $0xffff;
	vm4 =	vmmov vm6;
	vm5 =	vmmov vm2;
	v22 =	vmov s0  }
0x401: {  	vm1 =	vmmov vm7;
	s30 =	simm.s32 $0x6;
	v30 =	vld.idx.msk [tilespmem:v26+s2+$0x0], $0xffff;
	s31 =	simm.s32 $0x7;
	v24 =	vmov s1;
	vm3 =	vlt.s32 v22, v13  }
0x402: {  	v22 =	vmov s30;
	v32 =	vmov s31;
	vm6 =	vlt.s32 v24, v13  }
0x403: {  	s1 =	simm.s32 $0x10060;
	vm2 =	vlt.s32 v22, v13;
	vm7 =	vlt.s32 v21, $0x0;
	v25 =	vxor.u32 $0xFFFFFFFF, v21  }
0x404: {  	v24 =	vld [tilespmem:s1+$0x10];
	v22 =	vsel vm7, v25, v21;
	vm7 =	vlt.s32 v14, $0x0;
	v25 =	vxor.u32 $0xFFFFFFFF, v14  }
0x405: {  	v26 =	vld [tilespmem:s1+$0xFFFFFFE0];
	v21 =	vnsel vm1, $0x0, v21;
	v22 =	vshrl.u32 v22, $0xA;
	vm8 =	vlt.s32 v23, $0x0  }
0x406: {  	v28 =	vld [tilespmem:s1+$0xFFFFFFF0];
	v27 =	vxor.u32 $0xFFFFFFFF, v23;
	vm9 =	vlt.s32 v30, $0x0;
	v29 =	vxor.u32 $0xFFFFFFFF, v30  }
0x407: {  	v25 =	vsel vm7, v25, v14;
	vm7 =	vlt.s32 v32, v13;
	v22 =	vand.u32 $0x3F0, v22  }
0x408: {  	v31 =	vld [tilespmem:s1+$0x0];
	v27 =	vsel vm8, v27, v23;
	v25 =	vshrl.u32 v25, $0xA;
	v22 =	vor.u32 v2, v22  }
0x409: {  	v29 =	vsel vm9, v29, v30;
	vm9 =	vmmov vm0;
	v22 =	vsel vm1, v22, v2  }
0x40a: {  	v24 =	vshll.u32 v24, $0x4;
	v27 =	vshrl.u32 v27, $0xA;
	v26 =	vshll.u32 v26, $0x4  }
0x40b: {  	v63 =	vshrl.u32 v29, $0xA;
	v28 =	vshll.u32 v28, $0x4;
	v24 =	vnsel vm7, $0x0, v24  }
0x40c: {  	v29 =	vsel vm1, $0x1, v0;
	v26 =	vnsel vm3, $0x0, v26;
	v24 =	vadd.s32 v6, v24  }
0x40d: {  	p3 =	sgt.s32 s26, $0x8;
	v31 =	vshll.u32 v31, $0x4;
	v33 =	vadd.s32 v6, v26;
	v26 =	vnsel vm6, $0x0, v28  }
.Ltmp39:
0x40e: {  	v25 =	vand.u32 $0x3F0, v25;
	v28 =	vnsel vm2, $0x0, v31;
	[tilespmem:v22+s11+$0x0] =	vst.idx.add.s32.msk $0xffff, v29;
	v29 =	vadd.s32 v6, v26;
	(pc) =	sbr.rel @!p3 .LBB2_76-.Ltmp39, $4  }
0x40f: {  	v26 =	vadd.s32 v6, v28;
	v28 =	vnsel vm0, $0x0, v14;
	[tilespmem:v22+s12+$0x0] =	vst.idx.add.f32.msk $0xffff, v21;
	v22 =	vand.u32 $0x3F0, v27  }
0x410: {  	v21 =	vor.u32 v2, v25;
	v25 =	vand.u32 $0x3F0, v63;
	v22 =	vor.u32 v2, v22  }
0x411: {  	v27 =	vsel vm0, v21, v2;
	v25 =	vor.u32 v2, v25;
	v21 =	vld.idx.msk [tilespmem:v24+s2+$0x0], $0xffff;
	v24 =	vsel vm4, v22, v2  }
0x412: {  	s28 =	simm.s32 $0x8;
	p1 =	por $0x1, $0x1;
	v14 =	vld.idx.msk [tilespmem:v33+s2+$0x0], $0xffff;
	v22 =	vsel vm5, v25, v2;
	v25 =	vnsel vm4, $0x0, v23;
	v23 =	vnsel vm5, $0x0, v30  }
.LBB2_75:
0x413: {  	vm8 =	vmmov vm3;
	vm1 =	vmmov vm4;
	vm4 =	vmmov vm6  }
0x414: {  	s0 =	sadd.s32 $0x1, s28;
	v30 =	vld.idx.msk [tilespmem:v29+s2+$0x0], $0xffff;
	vm10 =	vmmov vm5;
	vm5 =	vmmov vm2;
	vm0 =	vmmov vm7;
	s6 =	smov.u32 s28  }
0x415: {  	v29 =	vmov s28;
	v31 =	vmov s0;
	s0 =	sadd.s32 $0x2, s28;
	v32 =	vld.idx.msk [tilespmem:v26+s2+$0x0], $0xffff;
	v26 =	vsel vm9, $0x1, v0  }
0x416: {  	vm3 =	vlt.s32 v29, v13;
	vm6 =	vlt.s32 v31, v13;
	v29 =	vmov s0;
	[tilespmem:v27+s11+$0x0] =	vst.idx.add.s32.msk $0xffff, v26  }
0x417: {  	vm7 =	vlt.s32 v21, $0x0;
	v26 =	vxor.u32 $0xFFFFFFFF, v21;
	[tilespmem:v27+s12+$0x0] =	vst.idx.add.f32.msk $0xffff, v28;
	v27 =	vsel vm1, $0x1, v0  }
0x418: {  	s1 =	sadd.s32 $0x40, s1;
	vm2 =	vlt.s32 v29, v13;
	v26 =	vsel vm7, v26, v21;
	[tilespmem:v24+s11+$0x0] =	vst.idx.add.s32.msk $0xffff, v27;
	v27 =	vsel vm10, $0x1, v0  }
0x419: {  	vm1 =	vlt.s32 v14, $0x0;
	v29 =	vxor.u32 $0xFFFFFFFF, v14;
	v26 =	vshrl.u32 v26, $0xA;
	v28 =	vld [tilespmem:s1+$0x10]  }
0x41a: {  	s28 =	sadd.s32 $0x4, s28;
	vm7 =	vlt.s32 v30, $0x0;
	v33 =	vxor.u32 $0xFFFFFFFF, v30;
	v26 =	vand.u32 $0x3F0, v26;
	v31 =	vld [tilespmem:s1+$0xFFFFFFE0]  }
0x41b: {  	p3 =	slt.s32 s28, s26;
	vm9 =	vlt.s32 v32, $0x0;
	v35 =	vxor.u32 $0xFFFFFFFF, v32;
	v26 =	vor.u32 v2, v26;
	v34 =	vld [tilespmem:s1+$0xFFFFFFF0]  }
0x41c: {  	s0 =	sadd.s32 $0x3, s6;
	v29 =	vsel vm1, v29, v14;
	v33 =	vsel vm7, v33, v30;
	v26 =	vsel vm0, v26, v2;
	v36 =	vld [tilespmem:s1+$0x0]  }
0x41d: {  	v37 =	vmov s0;
	v38 =	vshrl.u32 v29, $0xA;
	v29 =	vsel vm9, v35, v32;
	[tilespmem:v24+s12+$0x0] =	vst.idx.add.f32.msk $0xffff, v25  }
0x41e: {  	vm7 =	vlt.s32 v37, v13;
	v25 =	vshrl.u32 v33, $0xA;
	v24 =	vshll.u32 v28, $0x4;
	[tilespmem:v22+s11+$0x0] =	vst.idx.add.s32.msk $0xffff, v27  }
0x41f: {  	v28 =	vshrl.u32 v29, $0xA;
	v27 =	vshll.u32 v31, $0x4;
	v24 =	vnsel vm7, $0x0, v24;
	[tilespmem:v22+s12+$0x0] =	vst.idx.add.f32.msk $0xffff, v23  }
0x420: {  	v22 =	vshll.u32 v34, $0x4;
	v23 =	vadd.s32 v6, v24;
	v24 =	vsel vm0, $0x1, v0  }
0x421: {  	v21 =	vnsel vm0, $0x0, v21;
	v27 =	vnsel vm3, $0x0, v27;
	v29 =	vshll.u32 v36, $0x4;
	[tilespmem:v26+s11+$0x0] =	vst.idx.add.s32.msk $0xffff, v24  }
0x422: {  	v31 =	vadd.s32 v6, v27;
	v22 =	vnsel vm6, $0x0, v22;
	v24 =	vnsel vm2, $0x0, v29;
	[tilespmem:v26+s12+$0x0] =	vst.idx.add.f32.msk $0xffff, v21  }
.Ltmp40:
0x423: {  	v29 =	vadd.s32 v6, v22;
	v21 =	vand.u32 $0x3F0, v38;
	v26 =	vadd.s32 v6, v24;
	(pc) =	sbr.rel @p3 .LBB2_75-.Ltmp40, $4  }
0x424: {  	v22 =	vor.u32 v2, v21;
	v24 =	vand.u32 $0x3F0, v25;
	v25 =	vand.u32 $0x3F0, v28  }
0x425: {  	v27 =	vsel vm8, v22, v2;
	v22 =	vor.u32 v2, v24;
	v21 =	vld.idx.msk [tilespmem:v23+s2+$0x0], $0xffff;
	v23 =	vor.u32 v2, v25  }
0x426: {  	v28 =	vnsel vm8, $0x0, v14;
	v24 =	vsel vm4, v22, v2;
	v22 =	vsel vm5, v23, v2  }
0x427: {  	vm9 =	vmmov vm8;
	v25 =	vnsel vm4, $0x0, v30;
	v23 =	vnsel vm5, $0x0, v32;
	v14 =	vld.idx.msk [tilespmem:v31+s2+$0x0], $0xffff  }
.LBB2_76:
0x428: {  	_ =	sdelay $0x3  }
0x429: {  	v29 =	vld.idx.msk [tilespmem:v29+s2+$0x0], $0xffff  }
0x42a: {  	vm1 =	vmmov vm3;
	vm4 =	vmmov @p1 vm4;
	vm0 =	vmmov vm6  }
0x42b: {  	vm5 =	vmmov @p1 vm5;
	vm3 =	vmmov vm7;
	v26 =	vld.idx.msk [tilespmem:v26+s2+$0x0], $0xffff;
	v30 =	vsel @p1 vm9, $0x1, v0  }
0x42c: {  	v32 =	vsel @p1 vm4, $0x1, v0;
	vm9 =	vlt.s32 v21, $0x0;
	v31 =	vxor.u32 $0xFFFFFFFF, v21  }
0x42d: {  	v33 =	vsel @p1 vm5, $0x1, v0;
	v31 =	vsel vm9, v31, v21;
	vm10 =	vlt.s32 v14, $0x0  }
0x42e: {  	v34 =	vxor.u32 $0xFFFFFFFF, v14;
	v31 =	vshrl.u32 v31, $0xA;
	vm11 =	vlt.s32 v29, $0x0  }
0x42f: {  	v34 =	vsel vm10, v34, v14;
	v35 =	vxor.u32 $0xFFFFFFFF, v29;
	v31 =	vand.u32 $0x3F0, v31  }
0x430: {  	[tilespmem:v27+s11+$0x0] =	vst.idx.add.s32.msk @p1 $0xffff, v30;
	vm8 =	vlt.s32 v26, $0x0;
	v56 =	vshrl.u32 v34, $0xA;
	v55 =	vor.u32 v2, v31  }
0x431: {  	[tilespmem:v27+s12+$0x0] =	vst.idx.add.f32.msk @p1 $0xffff, v28;
	v57 =	vsel vm11, v35, v29;
	v59 =	vand.u32 $0x3F0, v56;
	v58 =	vsel vm3, v55, v2  }
0x432: {  	[tilespmem:v24+s11+$0x0] =	vst.idx.add.s32.msk @p1 $0xffff, v32;
	v60 =	vxor.u32 $0xFFFFFFFF, v26;
	v27 =	vshrl.u32 v57, $0xA;
	v30 =	vor.u32 v2, v59  }
0x433: {  	[tilespmem:v22+s11+$0x0] =	vst.idx.add.s32.msk @p1 $0xffff, v33;
	v31 =	vsel vm8, v60, v26;
	v61 =	vand.u32 $0x3F0, v27;
	v62 =	vsel vm1, v30, v2  }
0x434: {  	vm2 =	vmmov vm2;
	[tilespmem:v24+s12+$0x0] =	vst.idx.add.f32.msk @p1 $0xffff, v25;
	v63 =	vshrl.u32 v31, $0xA;
	v24 =	vor.u32 v2, v61  }
0x435: {  	[tilespmem:v22+s12+$0x0] =	vst.idx.add.f32.msk @p1 $0xffff, v23;
	v22 =	vsel vm3, $0x1, v0;
	v23 =	vand.u32 $0x3F0, v63;
	v24 =	vsel vm0, v24, v2  }
0x436: {  	v21 =	vnsel vm3, $0x0, v21;
	vm9 =	vmmov vm1;
	[tilespmem:v58+s11+$0x0] =	vst.idx.add.s32.msk $0xffff, v22;
	v22 =	vor.u32 v2, v23  }
0x437: {  	[tilespmem:v58+s12+$0x0] =	vst.idx.add.f32.msk $0xffff, v21;
	v21 =	vsel vm2, v22, v2;
	v22 =	vsel vm9, $0x1, v0  }
0x438: {  	v14 =	vnsel vm1, $0x0, v14;
	vm10 =	vmmov vm0;
	[tilespmem:v62+s11+$0x0] =	vst.idx.add.s32.msk $0xffff, v22  }
0x439: {  	[tilespmem:v62+s12+$0x0] =	vst.idx.add.f32.msk $0xffff, v14;
	v14 =	vsel vm10, $0x1, v0  }
0x43a: {  	vm11 =	vmmov vm2;
	v22 =	vnsel vm0, $0x0, v29;
	[tilespmem:v24+s11+$0x0] =	vst.idx.add.s32.msk $0xffff, v14  }
0x43b: {  	v14 =	vsel vm11, $0x1, v0;
	[tilespmem:v24+s12+$0x0] =	vst.idx.add.f32.msk $0xffff, v22  }
0x43c: {  	v22 =	vnsel vm2, $0x0, v26;
	[tilespmem:v21+s11+$0x0] =	vst.idx.add.s32.msk $0xffff, v14  }
0x43d: {  	[tilespmem:v21+s12+$0x0] =	vst.idx.add.f32.msk $0xffff, v22  }
.LBB2_61:
0x43e: {  	p1 =	sge.s32 s26, s24  }
.Ltmp41:
0x43f: {  	_ = 	snop;
	(pc) =	sbr.rel @p1 .LBB2_64-.Ltmp41, $2  }
0x440: {  	_ =	sdelay $0x2  }
0x441: {  	s28 =	ssub.s32 s24, s26  }
0x442: {  	s0 =	sshll.u32 s25, $0x6;
	s1 =	sshll.u32 s28, $0x6  }
0x443: {  	s0 =	ssub.s32 s0, s1  }
0x444: {  	s1 =	sshra.s32 s0, $0x2  }
0x445: {  	s0 =	ssub.s32 $0x0, s28;
	s1 =	sadd.s32 $0x10000, s1  }
.LBB2_63:
0x446: {  	v14 =	vld [tilespmem:s1+$0x0];
	_ =	sdelay $0x2  }
0x447: {  	s6 =	sadd.s32 s0, s24  }
0x448: {  	v21 =	vmov s6  }
0x449: {  	vm0 =	vlt.s32 v21, v13;
	v14 =	vshll.u32 v14, $0x4  }
0x44a: {  	v14 =	vnsel vm0, $0x0, v14  }
0x44b: {  	v14 =	vadd.s32 v6, v14;
	_ =	sdelay $0x4  }
0x44c: {  	v14 =	vld.idx.msk [tilespmem:v14+s2+$0x0], $0xffff;
	_ =	sdelay $0x4  }
0x44d: {  	vm1 =	vlt.s32 v14, $0x0;
	v21 =	vxor.u32 $0xFFFFFFFF, v14  }
0x44e: {  	v21 =	vsel vm1, v21, v14  }
0x44f: {  	v21 =	vshrl.u32 v21, $0xA  }
0x450: {  	v21 =	vand.u32 $0x3F0, v21  }
0x451: {  	v21 =	vor.u32 v2, v21  }
0x452: {  	s0 =	sadd.s32 $0x1, s0;
	v21 =	vsel vm0, v21, v2  }
0x453: {  	p3 =	seq.s32 s0, $0x0  }
.Ltmp42:
0x454: {  	_ = 	snop;
	(pc) =	sbr.rel @!p3 .LBB2_63-.Ltmp42, $4  }
0x455: {  	_ = 	snop  }
0x456: {  	v22 =	vsel vm0, $0x1, v0  }
0x457: {  	v14 =	vnsel vm0, $0x0, v14;
	[tilespmem:v21+s11+$0x0] =	vst.idx.add.s32.msk $0xffff, v22  }
0x458: {  	s1 =	sadd.s32 $0x10, s1;
	[tilespmem:v21+s12+$0x0] =	vst.idx.add.f32.msk $0xffff, v14  }
.LBB2_64:
0x459: {  	s6 =	simm.s32 $0x18420  }
0x45a: {  	v14 =	vld [tilespmem:s6+$0xFFFFFFE0]  }
0x45b: {  	s0 =	simm.s32 $0x18020;
	v28 =	vld [tilespmem:s6+$0xFFFFFFF0]  }
0x45c: {  	v22 =	vld [tilespmem:s0+$0xFFFFFFE0]  }
0x45d: {  	v21 =	vld [tilespmem:s0+$0xFFFFFFF0]  }
0x45e: {  	v23 =	vld [tilespmem:s0+$0x0]  }
0x45f: {  	v27 =	vimm.f32 $0.0e+00;
	v26 =	vimm.s32 $0x0;
	v30 =	vld [tilespmem:s6+$0x0]  }
0x460: {  	[tilespmem:s0+$0xFFFFFFF0] =	vst v0;
	v25 =	vadd.f32 v14, v27;
	v14 =	vadd.f32 v20, v12;
	v12 =	vsub.s32 v13, v18  }
0x461: {  	[tilespmem:s0+$0xFFFFFFE0] =	vst v0;
	v20 =	vld [tilespmem:s6+$0x10];
	v32 =	vadd.s32 v26, v22;
	v24 =	vadd.s32 $0x1, v12;
	v12 =	vsub.s32 v16, v19  }
0x462: {  	[tilespmem:s0+$0x0] =	vst v0;
	v19 =	vadd.s32 v32, v21;
	v16 =	vld [tilespmem:s0+$0x10];
	v29 =	vadd.f32 v28, v25;
	vm1 =	vge.s32 v32, v24  }
0x463: {  	[tilespmem:s6+$0xFFFFFFE0] =	vst v1;
	vm2 =	vge.s32 v19, v24;
	v28 =	vadd.s32 v19, v23;
	vm0 =	vmor vm13, vm1  }
0x464: {  	[tilespmem:s6+$0xFFFFFFF0] =	vst v1;
	v31 =	vadd.f32 v30, v29;
	vm3 =	vmneg vm0;
	vm5 =	vmor vm0, vm2  }
0x465: {  	[tilespmem:s6+$0x0] =	vst v1;
	vm0 =	vmand vm2, vm3;
	vm3 =	vge.s32 v28, v24;
	vm2 =	vmand vm1, vm14  }
0x466: {  	s1 =	simm.s32 $0x0;
	[tilespmem:s0+$0x10] =	vst v0;
	vm4 =	vmneg vm5;
	v20 =	vadd.f32 v20, v31;
	vm1 =	vmor vm5, vm3  }
0x467: {  	s7 =	simm.s32 $0x18060;
	s0 =	simm.s32 $0x4;
	[tilespmem:s6+$0x10] =	vst v1;
	s6 =	simm.s32 $0x18460;
	v33 =	vsel vm2, s1, v26;
	v32 =	vsel vm2, v32, v26;
	v30 =	vadd.s32 v28, v16  }
.LBB2_65:
0x468: {  	v34 =	vld [tilespmem:s6+$0xFFFFFFE0];
	p3 =	slt.u32 s0, $0x3C;
	v25 =	vsel vm2, v25, v27;
	vm3 =	vmand vm3, vm4;
	vm4 =	vge.s32 v30, v24;
	s8 =	smov.u32 s0;
	s0 =	sadd.s32 $0x4, s0  }
0x469: {  	v26 =	vsel vm2, v22, v26;
	v35 =	vld [tilespmem:s6+$0xFFFFFFF0];
	v25 =	vsel vm0, v29, v25;
	vm2 =	vmor vm1, vm4  }
0x46a: {  	s19 =	sadd.s32 $0x1, s1;
	v26 =	vsel vm0, v21, v26;
	vm1 =	vmneg vm1;
	v22 =	vld [tilespmem:s7+$0xFFFFFFE0];
	[tilespmem:s7+$0xFFFFFFF0] =	vst v0;
	v27 =	vsel vm3, v31, v25  }
0x46b: {  	v19 =	vsel vm0, v19, v32;
	v25 =	vsel vm0, s19, v33;
	s19 =	sadd.s32 $0x2, s1;
	v26 =	vsel vm3, v23, v26;
	[tilespmem:s7+$0xFFFFFFE0] =	vst v0;
	v21 =	vld [tilespmem:s7+$0xFFFFFFF0]  }
0x46c: {  	v19 =	vsel vm3, v28, v19;
	vm0 =	vmand vm4, vm1;
	v29 =	vsel vm3, s19, v25;
	s19 =	sadd.s32 $0x3, s1;
	s1 =	smov.u32 s8;
	[tilespmem:s6+$0xFFFFFFE0] =	vst v1;
	v31 =	vld [tilespmem:s6+$0x0]  }
0x46d: {  	v32 =	vsel vm0, s19, v29;
	v25 =	vadd.f32 v34, v20;
	[tilespmem:s6+$0xFFFFFFF0] =	vst v1;
	v23 =	vld [tilespmem:s7+$0x0];
	v34 =	vsel vm0, v30, v19  }
0x46e: {  	v27 =	vsel vm0, v20, v27;
	v26 =	vsel vm0, v16, v26;
	[tilespmem:s7+$0x0] =	vst v0;
	v33 =	vld [tilespmem:s6+$0x10]  }
0x46f: {  	v30 =	vadd.s32 v30, v22;
	v29 =	vadd.f32 v35, v25;
	[tilespmem:s6+$0x0] =	vst v1  }
0x470: {  	vm1 =	vmneg vm2;
	vm4 =	vge.s32 v30, v24;
	v19 =	vadd.s32 v30, v21;
	v16 =	vld [tilespmem:s7+$0x10]  }
.Ltmp43:
0x471: {  	vm0 =	vmor vm2, vm4;
	vm2 =	vge.s32 v19, v24;
	v31 =	vadd.f32 v31, v29;
	[tilespmem:s7+$0x10] =	vst v0;
	(pc) =	sbr.rel @p3 .LBB2_65-.Ltmp43, $4  }
0x472: {  	vm3 =	vmneg vm0;
	vm5 =	vmor vm0, vm2;
	v28 =	vadd.s32 v19, v23;
	[tilespmem:s6+$0x10] =	vst v1  }
0x473: {  	vm0 =	vmand vm2, vm3;
	vm3 =	vge.s32 v28, v24;
	v20 =	vadd.f32 v33, v31  }
0x474: {  	vm2 =	vmand vm4, vm1;
	vm4 =	vmneg vm5;
	vm1 =	vmor vm5, vm3  }
0x475: {  	s7 =	sadd.s32 $0x40, s7;
	s6 =	sadd.s32 $0x40, s6;
	v33 =	vsel vm2, s1, v32;
	v32 =	vsel vm2, v30, v34;
	v30 =	vadd.s32 v28, v16  }
0x476: {  	v25 =	vsel vm2, v25, v27;
	vm3 =	vmand vm3, vm4;
	v22 =	vsel vm2, v22, v26  }
.Ltmp44:
0x477: {  	vm10 =	vge.s32 v30, v24;
	s0 =	sadd.s32 $0x1, s1;
	vm1 =	vmneg vm1;
	v19 =	vsel vm0, v19, v32;
	(pc) =	sbr.rel @p2 .LBB2_67-.Ltmp44, $4  }
0x478: {  	s30 =	sadd.s32 $0x2, s1;
	v62 =	vsel vm0, v29, v25;
	v21 =	vsel vm0, v21, v22;
	v63 =	vsel vm0, s0, v33  }
0x479: {  	s31 =	sadd.s32 $0x3, s1;
	vm11 =	vmand vm10, vm1;
	v22 =	vsel vm3, v31, v62;
	v24 =	vsel vm3, s30, v63  }
0x47a: {  	v23 =	vsel vm3, v23, v21;
	v21 =	vsel vm3, v28, v19;
	v19 =	vsel vm11, s31, v24  }
0x47b: {  	v21 =	vsel vm11, v30, v21;
	v22 =	vsel vm11, v20, v22;
	v16 =	vsel vm11, v16, v23  }
0x47c: {  	s1 =	simm.s32 $0x10020  }
0x47d: {  	v24 =	vld [tilespmem:s1+$0x10]  }
0x47e: {  	v23 =	vld [tilespmem:s1+$0x0]  }
0x47f: {  	v28 =	vld [tilespmem:s1+$0xFFFFFFF0]  }
0x480: {  	s0 =	simm.s32 $0x0;
	v26 =	vld [tilespmem:s1+$0xFFFFFFE0]  }
0x481: {  	v27 =	vimm.s32 $0x0;
	s30 =	simm.s32 $0x2;
	s31 =	simm.s32 $0x3;
	p3 =	sgt.s32 s26, $0x4;
	v25 =	vmov s0  }
.Ltmp45:
0x482: {  	s6 =	simm.s32 $0x1;
	v29 =	vmov s31;
	vm3 =	vlt.s32 v25, v13;
	v25 =	vmov s30;
	(pc) =	sbr.rel @!p3 .LBB2_78-.Ltmp45, $4  }
0x483: {  	v30 =	vmov s6;
	vm5 =	vlt.s32 v29, v13;
	vm4 =	vlt.s32 v25, v13  }
0x484: {  	vm2 =	vlt.s32 v30, v13;
	v23 =	vnsel vm4, $0x0, v23;
	v25 =	vnsel vm5, $0x0, v24  }
0x485: {  	v26 =	vnsel vm3, $0x0, v26;
	v24 =	vnsel vm2, $0x0, v28;
	v28 =	vshll.u32 v25, $0x4  }
0x486: {  	p2 =	por $0x0, $0x0;
	s0 =	simm.s32 $0x4;
	s1 =	simm.s32 $0x10060;
	v34 =	vshll.u32 v24, $0x4;
	v35 =	vshll.u32 v23, $0x4;
	v30 =	vadd.s32 v6, v28  }
0x487: {  	_ =	sdelay $0x1  }
0x488: {  	v29 =	vld [tilespmem:s1+$0x10];
	v31 =	vadd.s32 v6, v35  }
0x489: {  	v28 =	vshll.u32 v26, $0x4;
	v33 =	vadd.s32 v6, v34;
	v56 =	vld [tilespmem:s1+$0xFFFFFFF0]  }
0x48a: {  	vm6 =	vmmov vm3;
	v37 =	vld.idx.msk [tilespmem:v30+s2+$0x0], $0xffff;
	v57 =	vadd.s32 v6, v28  }
0x48b: {  	v32 =	vld [tilespmem:s1+$0x0];
	vm1 =	vmmov vm4;
	vm0 =	vmmov vm5;
	v30 =	vmov s0  }
0x48c: {  	v36 =	vld [tilespmem:s1+$0xFFFFFFE0];
	s30 =	simm.s32 $0x6;
	vm7 =	vmmov vm2;
	s6 =	simm.s32 $0x5;
	v28 =	vshll.u32 v27, $0x4;
	vm3 =	vlt.s32 v30, v13  }
0x48d: {  	s31 =	simm.s32 $0x7;
	v30 =	vmov s30;
	v58 =	vmov s6;
	v28 =	vor.u32 v2, v28;
	v38 =	vld.idx.msk [tilespmem:v31+s2+$0x0], $0xffff  }
0x48e: {  	vm4 =	vlt.s32 v30, v13;
	vm2 =	vlt.s32 v58, v13;
	v31 =	vmov s31;
	v39 =	vld.idx.msk [tilespmem:v33+s2+$0x0], $0xffff  }
0x48f: {  	v33 =	vnsel vm2, $0x0, v56;
	vm9 =	vlt.s32 v37, $0x0;
	v59 =	vxor.u32 $0xFFFFFFFF, v37;
	v40 =	vld.idx.msk [tilespmem:v57+s2+$0x0], $0xffff  }
0x490: {  	vm5 =	vlt.s32 v31, v13;
	v31 =	vnsel vm4, $0x0, v32;
	v34 =	vshll.u32 v33, $0x4  }
0x491: {  	v32 =	vnsel vm5, $0x0, v29;
	v29 =	vnsel vm3, $0x0, v36;
	v36 =	vsel vm9, v59, v37  }
0x492: {  	v35 =	vshll.u32 v31, $0x4;
	v30 =	vshll.u32 v32, $0x4;
	v36 =	vshrl.u32 v36, $0xE  }
0x493: {  	v30 =	vadd.s32 v6, v30;
	v36 =	vand.u32 $0x3F, v36;
	vm8 =	vlt.s32 v38, $0x0  }
0x494: {  	vm10 =	vlt.s32 v39, $0x0;
	vm11 =	vlt.s32 v40, $0x0;
	v43 =	vxor.u32 $0xFFFFFFFF, v40  }
0x495: {  	v41 =	vxor.u32 $0xFFFFFFFF, v39;
	v42 =	vxor.u32 $0xFFFFFFFF, v38;
	v60 =	vsel vm11, v43, v40  }
0x496: {  	v39 =	vsel vm10, v41, v39;
	v38 =	vsel vm8, v42, v38;
	v37 =	vshrl.u32 v60, $0xE  }
0x497: {  	p3 =	sgt.s32 s26, $0x8;
	v38 =	vshrl.u32 v38, $0xE;
	v39 =	vshrl.u32 v39, $0xE;
	v37 =	vand.u32 $0x3F, v37  }
.Ltmp46:
0x498: {  	v61 =	vand.u32 $0x3F, v39;
	v38 =	vand.u32 $0x3F, v38;
	vm8 =	veq.s32 v37, v19;
	(pc) =	sbr.rel @!p3 .LBB2_80-.Ltmp46, $4  }
0x499: {  	vm9 =	vmand vm6, vm8;
	vm6 =	veq.s32 v61, v19;
	vm8 =	veq.s32 v36, v19  }
0x49a: {  	v62 =	vsel vm9, $0x1, v0;
	vm6 =	vmand vm7, vm6;
	vm7 =	veq.s32 v38, v19  }
0x49b: {  	v36 =	vadd.s32 v62, v27;
	v63 =	vsel vm6, $0x1, v0;
	vm7 =	vmand vm1, vm7  }
0x49c: {  	s1 =	simm.s32 $0x8;
	s29 =	simm.s32 $0x100A0;
	p2 =	por $0x1, $0x1;
	vm8 =	vmand vm0, vm8;
	v37 =	vadd.s32 v63, v36;
	v41 =	vsel vm7, $0x1, v0  }
.LBB2_81:
0x49d: {  	v35 =	vadd.s32 v6, v35;
	v39 =	vadd.s32 v41, v37;
	v40 =	vsel vm8, $0x1, v0  }
0x49e: {  	v38 =	vld [tilespmem:s29+$0x10];
	vm12 =	vmmov vm3;
	vm11 =	vmmov vm4;
	vm10 =	vmmov vm5  }
0x49f: {  	v42 =	vshll.u32 v29, $0x4;
	v34 =	vadd.s32 v6, v34;
	v41 =	vld [tilespmem:s29+$0x0];
	v40 =	vadd.s32 v40, v39  }
0x4a0: {  	v37 =	vshll.u32 v37, $0x4;
	v42 =	vadd.s32 v6, v42;
	v43 =	vld [tilespmem:s29+$0xFFFFFFF0];
	[tilespmem:v28+s13+$0x0] =	vst.idx.msk vm9, v26;
	v28 =	vshll.u32 v39, $0x4;
	v26 =	vmovc v29  }
0x4a1: {  	v36 =	vshll.u32 v36, $0x4;
	v39 =	vshll.u32 v40, $0x4;
	v29 =	vld [tilespmem:s29+$0xFFFFFFE0];
	v44 =	vor.u32 v2, v28  }
0x4a2: {  	v36 =	vor.u32 v2, v36;
	v28 =	vor.u32 v2, v39;
	v39 =	vld.idx.msk [tilespmem:v30+s2+$0x0], $0xffff;
	v30 =	vor.u32 v2, v37  }
0x4a3: {  	s0 =	sadd.s32 $0x2, s1;
	s6 =	sadd.s32 $0x3, s1;
	vm0 =	vmmov vm2;
	v37 =	vmov s1;
	v45 =	vld.idx.msk [tilespmem:v35+s2+$0x0], $0xffff  }
0x4a4: {  	s7 =	sadd.s32 $0x1, s1;
	vm3 =	vlt.s32 v37, v13;
	v35 =	vmov s0;
	v37 =	vmov s6;
	v46 =	vld.idx.msk [tilespmem:v34+s2+$0x0], $0xffff  }
0x4a5: {  	v34 =	vmov s7;
	vm4 =	vlt.s32 v35, v13;
	vm5 =	vlt.s32 v37, v13;
	v37 =	vld.idx.msk [tilespmem:v42+s2+$0x0], $0xffff  }
0x4a6: {  	vm2 =	vlt.s32 v34, v13;
	v34 =	vnsel vm4, $0x0, v41;
	[tilespmem:v44+s13+$0x0] =	vst.idx.msk vm8, v25;
	v25 =	vmovc v32;
	v32 =	vnsel vm5, $0x0, v38  }
0x4a7: {  	v29 =	vnsel vm3, $0x0, v29;
	v38 =	vnsel vm2, $0x0, v43;
	v41 =	vshll.u32 v32, $0x4;
	[tilespmem:v30+s13+$0x0] =	vst.idx.msk vm7, v23;
	v23 =	vmovc v31;
	v31 =	vmovc v34  }
0x4a8: {  	v34 =	vshll.u32 v38, $0x4;
	v35 =	vshll.u32 v31, $0x4;
	v30 =	vadd.s32 v6, v41;
	[tilespmem:v36+s13+$0x0] =	vst.idx.msk vm6, v24;
	v24 =	vmovc v33  }
0x4a9: {  	s1 =	sadd.s32 $0x4, s1;
	vm1 =	vlt.s32 v45, $0x0;
	vm6 =	vlt.s32 v39, $0x0;
	v36 =	vxor.u32 $0xFFFFFFFF, v39;
	v33 =	vmovc v38  }
0x4aa: {  	p3 =	slt.s32 s1, s26;
	v41 =	vxor.u32 $0xFFFFFFFF, v45;
	vm7 =	vlt.s32 v46, $0x0;
	v38 =	vxor.u32 $0xFFFFFFFF, v46  }
0x4ab: {  	v36 =	vsel vm6, v36, v39;
	vm8 =	vlt.s32 v37, $0x0;
	v42 =	vxor.u32 $0xFFFFFFFF, v37  }
0x4ac: {  	v39 =	vsel vm1, v41, v45;
	v38 =	vsel vm7, v38, v46;
	v37 =	vsel vm8, v42, v37  }
0x4ad: {  	v39 =	vshrl.u32 v39, $0xE;
	v36 =	vshrl.u32 v36, $0xE;
	v37 =	vshrl.u32 v37, $0xE  }
0x4ae: {  	v38 =	vshrl.u32 v38, $0xE;
	v36 =	vand.u32 $0x3F, v36;
	v37 =	vand.u32 $0x3F, v37  }
.Ltmp47:
0x4af: {  	vm1 =	veq.s32 v37, v19;
	v37 =	vand.u32 $0x3F, v38;
	v38 =	vand.u32 $0x3F, v39;
	(pc) =	sbr.rel @p3 .LBB2_81-.Ltmp47, $4  }
0x4b0: {  	vm8 =	veq.s32 v36, v19;
	vm9 =	vmand vm12, vm1;
	vm1 =	veq.s32 v37, v19  }
0x4b1: {  	v36 =	vsel vm9, $0x1, v0;
	vm6 =	vmand vm0, vm1;
	vm0 =	veq.s32 v38, v19  }
0x4b2: {  	v36 =	vadd.s32 v36, v40;
	v37 =	vsel vm6, $0x1, v0;
	vm7 =	vmand vm11, vm0  }
0x4b3: {  	s29 =	sadd.s32 $0x40, s29;
	vm8 =	vmand vm10, vm8;
	v37 =	vadd.s32 v37, v36;
	v41 =	vsel vm7, $0x1, v0  }
0x4b4: {  	v38 =	vmov v25  }
0x4b5: {  	v39 =	vmovc v23;
	v40 =	vmovc v24;
	v25 =	vmov v32;
	v23 =	vmov v31;
	v24 =	vmov v33  }
.LBB2_83:
0x4b6: {  	_ =	sdelay $0x1  }
0x4b7: {  	v31 =	vadd.s32 v6, v35  }
0x4b8: {  	v32 =	vshll.u32 v29, $0x4;
	v33 =	vadd.s32 v6, v34  }
0x4b9: {  	v30 =	vld.idx.msk [tilespmem:v30+s2+$0x0], $0xffff;
	v32 =	vadd.s32 v6, v32;
	_ =	sdelay $0x1  }
0x4ba: {  	v34 =	vadd.s32 @p2 v41, v37  }
0x4bb: {  	v35 =	vsel @p2 vm8, $0x1, v0;
	v37 =	vshll.u32 @p2 v37, $0x4;
	v36 =	vshll.u32 @p2 v36, $0x4;
	v31 =	vld.idx.msk [tilespmem:v31+s2+$0x0], $0xffff  }
0x4bc: {  	vm2 =	vmmov vm2;
	v35 =	vadd.s32 @p2 v35, v34;
	v34 =	vshll.u32 @p2 v34, $0x4;
	v33 =	vld.idx.msk [tilespmem:v33+s2+$0x0], $0xffff  }
0x4bd: {  	v27 =	vpsel p2, v35, v27;
	vm1 =	vlt.s32 v30, $0x0;
	v51 =	vxor.u32 $0xFFFFFFFF, v30;
	v32 =	vld.idx.msk [tilespmem:v32+s2+$0x0], $0xffff  }
0x4be: {  	v37 =	vor.u32 @p2 v2, v37;
	v35 =	vshll.u32 v27, $0x4;
	v30 =	vsel vm1, v51, v30  }
0x4bf: {  	v34 =	vor.u32 @p2 v2, v34;
	v59 =	vor.u32 v2, v35;
	v30 =	vshrl.u32 v30, $0xE  }
0x4c0: {  	vm1 =	vmmov vm4;
	v30 =	vand.u32 $0x3F, v30;
	vm0 =	vlt.s32 v31, $0x0  }
0x4c1: {  	vm10 =	vlt.s32 v33, $0x0;
	v52 =	vxor.u32 $0xFFFFFFFF, v33;
	v42 =	vxor.u32 $0xFFFFFFFF, v31  }
0x4c2: {  	vm11 =	vlt.s32 v32, $0x0;
	v53 =	vxor.u32 $0xFFFFFFFF, v32;
	v33 =	vsel vm10, v52, v33  }
0x4c3: {  	v31 =	vsel vm0, v42, v31;
	v32 =	vsel vm11, v53, v32;
	vm11 =	vmmov vm3  }
0x4c4: {  	vm3 =	vmmov vm5;
	v33 =	vshrl.u32 v33, $0xE;
	v32 =	vshrl.u32 v32, $0xE  }
0x4c5: {  	v31 =	vshrl.u32 v31, $0xE;
	v54 =	vand.u32 $0x3F, v33;
	v32 =	vand.u32 $0x3F, v32  }
0x4c6: {  	v31 =	vand.u32 $0x3F, v31;
	v33 =	vor.u32 @p2 v2, v36;
	vm10 =	veq.s32 v32, v19  }
0x4c7: {  	vm0 =	vmand vm11, vm10;
	vm11 =	veq.s32 v54, v19;
	vm10 =	veq.s32 v31, v19  }
0x4c8: {  	v55 =	vsel vm0, $0x1, v0;
	vm2 =	vmand vm2, vm11;
	vm1 =	vmand vm1, vm10  }
0x4c9: {  	vm11 =	veq.s32 v30, v19;
	v27 =	vadd.s32 v55, v27;
	v56 =	vsel vm2, $0x1, v0  }
0x4ca: {  	v57 =	vsel vm1, $0x1, v0;
	v31 =	vadd.s32 v56, v27;
	v27 =	vshll.u32 v27, $0x4  }
0x4cb: {  	[tilespmem:v28+s13+$0x0] =	vst.idx.msk @p2 vm9, v26;
	v58 =	vadd.s32 v57, v31;
	v61 =	vshll.u32 v31, $0x4;
	v27 =	vor.u32 v2, v27  }
0x4cc: {  	[tilespmem:v37+s13+$0x0] =	vst.idx.msk @p2 vm7, v39;
	vm3 =	vmand vm3, vm11;
	v60 =	vshll.u32 v58, $0x4;
	v26 =	vor.u32 v2, v61  }
0x4cd: {  	[tilespmem:v34+s13+$0x0] =	vst.idx.msk @p2 vm8, v38;
	v62 =	vor.u32 v2, v60  }
.Ltmp48:
0x4ce: {  	[tilespmem:v33+s13+$0x0] =	vst.idx.msk @p2 vm6, v40;
	(pc) =	sbr.rel .LBB2_68-.Ltmp48, $4  }
0x4cf: {  	[tilespmem:v59+s13+$0x0] =	vst.idx.msk vm0, v29  }
0x4d0: {  	[tilespmem:v27+s13+$0x0] =	vst.idx.msk vm2, v24  }
0x4d1: {  	v63 =	vsel vm3, $0x1, v0;
	[tilespmem:v26+s13+$0x0] =	vst.idx.msk vm1, v23  }
0x4d2: {  	v23 =	vadd.s32 v63, v58;
	[tilespmem:v62+s13+$0x0] =	vst.idx.msk vm3, v25  }
.LBB2_67:
0x4d3: {  	v23 =	vimm.s32 $0x0  }
.LBB2_68:
.Ltmp49:
0x4d4: {  	(pc) =	sbr.rel @p1 .LBB2_71-.Ltmp49, $1  }
0x4d5: {  	_ =	sdelay $0x3  }
0x4d6: {  	s0 =	sshll.u32 s25, $0x6;
	s1 =	sshll.u32 s28, $0x6  }
0x4d7: {  	s0 =	ssub.s32 s0, s1  }
0x4d8: {  	s1 =	sshra.s32 s0, $0x2  }
0x4d9: {  	s0 =	ssub.s32 $0x0, s28;
	s1 =	sadd.s32 $0x10000, s1  }
.LBB2_70:
0x4da: {  	v24 =	vld [tilespmem:s1+$0x0];
	_ =	sdelay $0x1  }
0x4db: {  	s6 =	sadd.s32 s0, s24  }
0x4dc: {  	v25 =	vmov s6  }
0x4dd: {  	vm0 =	vlt.s32 v25, v13  }
0x4de: {  	v24 =	vnsel vm0, $0x0, v24  }
0x4df: {  	v61 =	vshll.u32 v24, $0x4  }
0x4e0: {  	v25 =	vadd.s32 v6, v61;
	_ =	sdelay $0x4  }
0x4e1: {  	v25 =	vld.idx.msk [tilespmem:v25+s2+$0x0], $0xffff;
	_ =	sdelay $0x4  }
0x4e2: {  	vm1 =	vlt.s32 v25, $0x0;
	v26 =	vxor.u32 $0xFFFFFFFF, v25  }
0x4e3: {  	v25 =	vsel vm1, v26, v25  }
0x4e4: {  	v25 =	vshrl.u32 v25, $0xE  }
0x4e5: {  	v25 =	vand.u32 $0x3F, v25  }
0x4e6: {  	vm11 =	veq.s32 v25, v19  }
0x4e7: {  	v62 =	vshll.u32 v23, $0x4;
	s0 =	sadd.s32 $0x1, s0;
	vm0 =	vmand vm0, vm11  }
0x4e8: {  	p1 =	seq.s32 s0, $0x0;
	v25 =	vor.u32 v2, v62  }
.Ltmp50:
0x4e9: {  	_ = 	snop;
	(pc) =	sbr.rel @!p1 .LBB2_70-.Ltmp50, $3  }
0x4ea: {  	_ =	sdelay $0x1  }
0x4eb: {  	v63 =	vsel vm0, $0x1, v0  }
0x4ec: {  	s1 =	sadd.s32 $0x10, s1;
	v23 =	vadd.s32 v63, v23;
	[tilespmem:v25+s13+$0x0] =	vst.idx.msk vm0, v24  }
.LBB2_71:
0x4ed: {  	v23 =	vxor.u32 $0x80000000, v15  }
0x4ee: {  	(xrf0) =	vmax.scan.msk.u32 $0xffff, v23;
	_ =	sdelay $0x5  }
0x4ef: {  	v23, _, _ =	vpop (xrf0)  }
0x4f0: {  	(v2sf) =	vpush v23, $0xF;
	_ =	sdelay $0xe  }
0x4f1: {  	s25 =	spop (v2sf)  }
0x4f2: {  	s24 =	sxor.u32 $0x80000000, s25  }
0x4f3: {  	s0 =	sshra.s32 s24, $0x1F  }
0x4f4: {  	s0 =	sshrl.u32 s0, $0x1E  }
0x4f5: {  	s0 =	sadd.s32 s0, s24  }
0x4f6: {  	s26 =	sand.u32 $0xFFFFFFFC, s0  }
0x4f7: {  	p1 =	slt.s32 s26, $0x1  }
.Ltmp51:
0x4f8: {  	_ = 	snop;
	(pc) =	sbr.rel @p1 .LBB2_84-.Ltmp51, $1  }
0x4f9: {  	_ =	sdelay $0x3  }
0x4fa: {  	s0 =	simm.s32 $0x14020  }
0x4fb: {  	v23 =	vld [tilespmem:s0+$0x10]  }
0x4fc: {  	v24 =	vld [tilespmem:s0+$0xFFFFFFE0];
	_ =	sdelay $0x1  }
0x4fd: {  	s6 =	simm.s32 $0x3  }
0x4fe: {  	s1 =	simm.s32 $0x0;
	v25 =	vmov s6  }
0x4ff: {  	v26 =	vmov s1;
	v27 =	vld [tilespmem:s0+$0xFFFFFFF0];
	vm7 =	vlt.s32 v25, v15;
	v23 =	vshll.u32 v23, $0x4  }
0x500: {  	vm3 =	vlt.s32 v26, v15;
	v25 =	vld [tilespmem:s0+$0x0];
	v24 =	vshll.u32 v24, $0x4;
	v23 =	vnsel vm7, $0x0, v23  }
0x501: {  	v24 =	vnsel vm3, $0x0, v24;
	v23 =	vadd.s32 v6, v23  }
0x502: {  	s30 =	simm.s32 $0x1;
	p3 =	sgt.s32 s26, $0x4;
	v26 =	vadd.s32 v6, v24  }
.Ltmp52:
0x503: {  	s31 =	simm.s32 $0x2;
	v24 =	vmov s30;
	(pc) =	sbr.rel @!p3 .LBB2_73-.Ltmp52, $4  }
0x504: {  	vm6 =	vlt.s32 v24, v15;
	v24 =	vmov s31  }
0x505: {  	v25 =	vshll.u32 v25, $0x4;
	vm2 =	vlt.s32 v24, v15;
	v24 =	vshll.u32 v27, $0x4  }
0x506: {  	v27 =	vnsel vm6, $0x0, v24;
	v25 =	vnsel vm2, $0x0, v25;
	v24 =	vld.idx.msk [tilespmem:v23+s2+$0x0], $0xffff  }
0x507: {  	p2 =	por $0x0, $0x0;
	s0 =	simm.s32 $0x4;
	v32 =	vadd.s32 v6, v27;
	v29 =	vadd.s32 v6, v25;
	v23 =	vld.idx.msk [tilespmem:v26+s2+$0x0], $0xffff  }
0x508: {  	_ =	sdelay $0x2  }
0x509: {  	vm0 =	vmmov vm3  }
0x50a: {  	s1 =	simm.s32 $0x5;
	v26 =	vld.idx.msk [tilespmem:v32+s2+$0x0], $0xffff;
	vm4 =	vmmov vm6;
	vm5 =	vmmov vm2;
	v25 =	vmov s0  }
0x50b: {  	vm1 =	vmmov vm7;
	s30 =	simm.s32 $0x6;
	v33 =	vld.idx.msk [tilespmem:v29+s2+$0x0], $0xffff;
	s31 =	simm.s32 $0x7;
	v27 =	vmov s1;
	vm3 =	vlt.s32 v25, v15  }
0x50c: {  	v25 =	vmov s30;
	v35 =	vmov s31;
	v63 =	vsel vm1, $0x1, v0  }
0x50d: {  	vm6 =	vlt.s32 v27, v15;
	vm7 =	vlt.s32 v24, $0x0;
	v28 =	vxor.u32 $0xFFFFFFFF, v24  }
0x50e: {  	s1 =	simm.s32 $0x14060;
	vm2 =	vlt.s32 v25, v15;
	v25 =	vsel vm7, v28, v24;
	vm7 =	vlt.s32 v23, $0x0  }
0x50f: {  	v27 =	vld [tilespmem:s1+$0x10];
	v28 =	vxor.u32 $0xFFFFFFFF, v23;
	v24 =	vnsel vm1, $0x0, v24;
	v25 =	vshrl.u32 v25, $0xA  }
0x510: {  	v29 =	vld [tilespmem:s1+$0xFFFFFFE0];
	vm8 =	vlt.s32 v26, $0x0;
	v30 =	vxor.u32 $0xFFFFFFFF, v26;
	vm9 =	vlt.s32 v33, $0x0  }
0x511: {  	v31 =	vld [tilespmem:s1+$0xFFFFFFF0];
	v61 =	vxor.u32 $0xFFFFFFFF, v33;
	v28 =	vsel vm7, v28, v23;
	v25 =	vand.u32 $0x3F0, v25  }
0x512: {  	v34 =	vld [tilespmem:s1+$0x0];
	vm7 =	vlt.s32 v35, v15;
	v30 =	vsel vm8, v30, v26;
	v25 =	vor.u32 v2, v25  }
0x513: {  	v28 =	vshrl.u32 v28, $0xA;
	v32 =	vsel vm9, v61, v33;
	v25 =	vsel vm1, v25, v2  }
0x514: {  	vm9 =	vmmov vm0;
	v27 =	vshll.u32 v27, $0x4;
	v30 =	vshrl.u32 v30, $0xA  }
0x515: {  	v29 =	vshll.u32 v29, $0x4;
	v62 =	vshrl.u32 v32, $0xA;
	v27 =	vnsel vm7, $0x0, v27  }
0x516: {  	v31 =	vshll.u32 v31, $0x4;
	v29 =	vnsel vm3, $0x0, v29;
	v27 =	vadd.s32 v6, v27  }
0x517: {  	p3 =	sgt.s32 s26, $0x8;
	v34 =	vshll.u32 v34, $0x4;
	v36 =	vadd.s32 v6, v29;
	v29 =	vnsel vm6, $0x0, v31  }
.Ltmp53:
0x518: {  	v28 =	vand.u32 $0x3F0, v28;
	v31 =	vnsel vm2, $0x0, v34;
	v32 =	vadd.s32 v6, v29;
	[tilespmem:v25+s11+$0x0] =	vst.idx.add.s32.msk $0xffff, v63;
	(pc) =	sbr.rel @!p3 .LBB2_108-.Ltmp53, $4  }
0x519: {  	v29 =	vadd.s32 v6, v31;
	v31 =	vnsel vm0, $0x0, v23;
	[tilespmem:v25+s12+$0x0] =	vst.idx.add.f32.msk $0xffff, v24;
	v25 =	vand.u32 $0x3F0, v30  }
0x51a: {  	v24 =	vor.u32 v2, v28;
	v28 =	vand.u32 $0x3F0, v62;
	v25 =	vor.u32 v2, v25  }
0x51b: {  	v30 =	vsel vm0, v24, v2;
	v28 =	vor.u32 v2, v28;
	v24 =	vld.idx.msk [tilespmem:v27+s2+$0x0], $0xffff;
	v27 =	vsel vm4, v25, v2  }
0x51c: {  	s28 =	simm.s32 $0x8;
	p2 =	por $0x1, $0x1;
	v23 =	vld.idx.msk [tilespmem:v36+s2+$0x0], $0xffff;
	v25 =	vsel vm5, v28, v2;
	v28 =	vnsel vm4, $0x0, v26;
	v26 =	vnsel vm5, $0x0, v33  }
.LBB2_107:
0x51d: {  	vm8 =	vmmov vm3;
	vm1 =	vmmov vm4;
	vm4 =	vmmov vm6  }
0x51e: {  	s0 =	sadd.s32 $0x1, s28;
	v33 =	vld.idx.msk [tilespmem:v32+s2+$0x0], $0xffff;
	vm10 =	vmmov vm5;
	vm5 =	vmmov vm2;
	vm0 =	vmmov vm7;
	s6 =	smov.u32 s28  }
0x51f: {  	v32 =	vmov s28;
	v34 =	vmov s0;
	s0 =	sadd.s32 $0x2, s28;
	v35 =	vld.idx.msk [tilespmem:v29+s2+$0x0], $0xffff;
	v29 =	vsel vm9, $0x1, v0  }
0x520: {  	vm3 =	vlt.s32 v32, v15;
	vm6 =	vlt.s32 v34, v15;
	v32 =	vmov s0;
	[tilespmem:v30+s11+$0x0] =	vst.idx.add.s32.msk $0xffff, v29  }
0x521: {  	vm7 =	vlt.s32 v24, $0x0;
	v29 =	vxor.u32 $0xFFFFFFFF, v24;
	[tilespmem:v30+s12+$0x0] =	vst.idx.add.f32.msk $0xffff, v31;
	v30 =	vsel vm1, $0x1, v0  }
0x522: {  	s1 =	sadd.s32 $0x40, s1;
	vm2 =	vlt.s32 v32, v15;
	v29 =	vsel vm7, v29, v24;
	[tilespmem:v27+s11+$0x0] =	vst.idx.add.s32.msk $0xffff, v30;
	v30 =	vsel vm10, $0x1, v0  }
0x523: {  	vm1 =	vlt.s32 v23, $0x0;
	v32 =	vxor.u32 $0xFFFFFFFF, v23;
	v29 =	vshrl.u32 v29, $0xA;
	v31 =	vld [tilespmem:s1+$0x10]  }
0x524: {  	s28 =	sadd.s32 $0x4, s28;
	vm7 =	vlt.s32 v33, $0x0;
	v36 =	vxor.u32 $0xFFFFFFFF, v33;
	v29 =	vand.u32 $0x3F0, v29;
	v34 =	vld [tilespmem:s1+$0xFFFFFFE0]  }
0x525: {  	p3 =	slt.s32 s28, s26;
	vm9 =	vlt.s32 v35, $0x0;
	v38 =	vxor.u32 $0xFFFFFFFF, v35;
	v29 =	vor.u32 v2, v29;
	v37 =	vld [tilespmem:s1+$0xFFFFFFF0]  }
0x526: {  	s0 =	sadd.s32 $0x3, s6;
	v32 =	vsel vm1, v32, v23;
	v36 =	vsel vm7, v36, v33;
	v29 =	vsel vm0, v29, v2;
	v39 =	vld [tilespmem:s1+$0x0]  }
0x527: {  	v40 =	vmov s0;
	v41 =	vshrl.u32 v32, $0xA;
	v32 =	vsel vm9, v38, v35;
	[tilespmem:v27+s12+$0x0] =	vst.idx.add.f32.msk $0xffff, v28  }
0x528: {  	vm7 =	vlt.s32 v40, v15;
	v28 =	vshrl.u32 v36, $0xA;
	v27 =	vshll.u32 v31, $0x4;
	[tilespmem:v25+s11+$0x0] =	vst.idx.add.s32.msk $0xffff, v30  }
0x529: {  	v31 =	vshrl.u32 v32, $0xA;
	v30 =	vshll.u32 v34, $0x4;
	v27 =	vnsel vm7, $0x0, v27;
	[tilespmem:v25+s12+$0x0] =	vst.idx.add.f32.msk $0xffff, v26  }
0x52a: {  	v25 =	vshll.u32 v37, $0x4;
	v26 =	vadd.s32 v6, v27;
	v27 =	vsel vm0, $0x1, v0  }
0x52b: {  	v24 =	vnsel vm0, $0x0, v24;
	v30 =	vnsel vm3, $0x0, v30;
	v32 =	vshll.u32 v39, $0x4;
	[tilespmem:v29+s11+$0x0] =	vst.idx.add.s32.msk $0xffff, v27  }
0x52c: {  	v34 =	vadd.s32 v6, v30;
	v25 =	vnsel vm6, $0x0, v25;
	v27 =	vnsel vm2, $0x0, v32;
	[tilespmem:v29+s12+$0x0] =	vst.idx.add.f32.msk $0xffff, v24  }
.Ltmp54:
0x52d: {  	v32 =	vadd.s32 v6, v25;
	v24 =	vand.u32 $0x3F0, v41;
	v29 =	vadd.s32 v6, v27;
	(pc) =	sbr.rel @p3 .LBB2_107-.Ltmp54, $4  }
0x52e: {  	v25 =	vor.u32 v2, v24;
	v27 =	vand.u32 $0x3F0, v28;
	v28 =	vand.u32 $0x3F0, v31  }
0x52f: {  	v30 =	vsel vm8, v25, v2;
	v25 =	vor.u32 v2, v27;
	v24 =	vld.idx.msk [tilespmem:v26+s2+$0x0], $0xffff;
	v26 =	vor.u32 v2, v28  }
0x530: {  	v31 =	vnsel vm8, $0x0, v23;
	v27 =	vsel vm4, v25, v2;
	v25 =	vsel vm5, v26, v2  }
0x531: {  	vm9 =	vmmov vm8;
	v28 =	vnsel vm4, $0x0, v33;
	v26 =	vnsel vm5, $0x0, v35;
	v23 =	vld.idx.msk [tilespmem:v34+s2+$0x0], $0xffff  }
.LBB2_108:
0x532: {  	_ =	sdelay $0x3  }
0x533: {  	v32 =	vld.idx.msk [tilespmem:v32+s2+$0x0], $0xffff  }
0x534: {  	vm1 =	vmmov vm3;
	vm4 =	vmmov @p2 vm4;
	vm0 =	vmmov vm6  }
0x535: {  	vm5 =	vmmov @p2 vm5;
	vm3 =	vmmov vm7;
	v29 =	vld.idx.msk [tilespmem:v29+s2+$0x0], $0xffff;
	v33 =	vsel @p2 vm9, $0x1, v0  }
0x536: {  	v35 =	vsel @p2 vm4, $0x1, v0;
	vm9 =	vlt.s32 v24, $0x0;
	v34 =	vxor.u32 $0xFFFFFFFF, v24  }
0x537: {  	v36 =	vsel @p2 vm5, $0x1, v0;
	v34 =	vsel vm9, v34, v24;
	vm10 =	vlt.s32 v23, $0x0  }
0x538: {  	v37 =	vxor.u32 $0xFFFFFFFF, v23;
	v34 =	vshrl.u32 v34, $0xA;
	vm11 =	vlt.s32 v32, $0x0  }
0x539: {  	v37 =	vsel vm10, v37, v23;
	v38 =	vxor.u32 $0xFFFFFFFF, v32;
	v34 =	vand.u32 $0x3F0, v34  }
0x53a: {  	[tilespmem:v30+s11+$0x0] =	vst.idx.add.s32.msk @p2 $0xffff, v33;
	vm8 =	vlt.s32 v29, $0x0;
	v48 =	vshrl.u32 v37, $0xA;
	v47 =	vor.u32 v2, v34  }
0x53b: {  	[tilespmem:v30+s12+$0x0] =	vst.idx.add.f32.msk @p2 $0xffff, v31;
	v49 =	vsel vm11, v38, v32;
	v51 =	vand.u32 $0x3F0, v48;
	v50 =	vsel vm3, v47, v2  }
0x53c: {  	[tilespmem:v27+s11+$0x0] =	vst.idx.add.s32.msk @p2 $0xffff, v35;
	v52 =	vxor.u32 $0xFFFFFFFF, v29;
	v30 =	vshrl.u32 v49, $0xA;
	v33 =	vor.u32 v2, v51  }
0x53d: {  	[tilespmem:v25+s11+$0x0] =	vst.idx.add.s32.msk @p2 $0xffff, v36;
	v34 =	vsel vm8, v52, v29;
	v53 =	vand.u32 $0x3F0, v30;
	v54 =	vsel vm1, v33, v2  }
0x53e: {  	vm2 =	vmmov vm2;
	[tilespmem:v27+s12+$0x0] =	vst.idx.add.f32.msk @p2 $0xffff, v28;
	v55 =	vshrl.u32 v34, $0xA;
	v27 =	vor.u32 v2, v53  }
0x53f: {  	v56 =	vsel vm3, $0x1, v0;
	[tilespmem:v25+s12+$0x0] =	vst.idx.add.f32.msk @p2 $0xffff, v26;
	v57 =	vand.u32 $0x3F0, v55;
	v27 =	vsel vm0, v27, v2  }
0x540: {  	v58 =	vnsel vm3, $0x0, v24;
	vm9 =	vmmov vm1;
	v59 =	vor.u32 v2, v57;
	[tilespmem:v50+s11+$0x0] =	vst.idx.add.s32.msk $0xffff, v56  }
0x541: {  	v61 =	vsel vm9, $0x1, v0;
	v60 =	vsel vm2, v59, v2;
	[tilespmem:v50+s12+$0x0] =	vst.idx.add.f32.msk $0xffff, v58  }
0x542: {  	v23 =	vnsel vm1, $0x0, v23;
	vm10 =	vmmov vm0;
	[tilespmem:v54+s11+$0x0] =	vst.idx.add.s32.msk $0xffff, v61  }
0x543: {  	[tilespmem:v54+s12+$0x0] =	vst.idx.add.f32.msk $0xffff, v23;
	v23 =	vsel vm10, $0x1, v0  }
0x544: {  	v62 =	vnsel vm0, $0x0, v32;
	vm11 =	vmmov vm2;
	[tilespmem:v27+s11+$0x0] =	vst.idx.add.s32.msk $0xffff, v23  }
0x545: {  	v23 =	vsel vm11, $0x1, v0;
	[tilespmem:v27+s12+$0x0] =	vst.idx.add.f32.msk $0xffff, v62  }
0x546: {  	v63 =	vnsel vm2, $0x0, v29;
	[tilespmem:v60+s11+$0x0] =	vst.idx.add.s32.msk $0xffff, v23  }
0x547: {  	[tilespmem:v60+s12+$0x0] =	vst.idx.add.f32.msk $0xffff, v63  }
.LBB2_84:
0x548: {  	p2 =	slt.s32 s26, s24  }
.Ltmp55:
0x549: {  	_ = 	snop;
	(pc) =	sbr.rel @!p2 .LBB2_85-.Ltmp55, $2  }
0x54a: {  	_ =	sdelay $0x2  }
0x54b: {  	s28 =	ssub.s32 s24, s26  }
0x54c: {  	s0 =	sshll.u32 s25, $0x6;
	s1 =	sshll.u32 s28, $0x6  }
0x54d: {  	s0 =	ssub.s32 s0, s1  }
0x54e: {  	s1 =	sshra.s32 s0, $0x2  }
0x54f: {  	s0 =	ssub.s32 $0x0, s28;
	s1 =	sadd.s32 $0x14000, s1  }
.LBB2_110:
0x550: {  	v23 =	vld [tilespmem:s1+$0x0];
	_ =	sdelay $0x2  }
0x551: {  	s6 =	sadd.s32 s0, s24  }
0x552: {  	v24 =	vmov s6  }
0x553: {  	vm0 =	vlt.s32 v24, v15;
	v23 =	vshll.u32 v23, $0x4  }
0x554: {  	v23 =	vnsel vm0, $0x0, v23  }
0x555: {  	v23 =	vadd.s32 v6, v23;
	_ =	sdelay $0x4  }
0x556: {  	v23 =	vld.idx.msk [tilespmem:v23+s2+$0x0], $0xffff;
	_ =	sdelay $0x4  }
0x557: {  	vm1 =	vlt.s32 v23, $0x0;
	v63 =	vxor.u32 $0xFFFFFFFF, v23  }
0x558: {  	v24 =	vsel vm1, v63, v23  }
0x559: {  	v24 =	vshrl.u32 v24, $0xA  }
0x55a: {  	v24 =	vand.u32 $0x3F0, v24  }
0x55b: {  	v24 =	vor.u32 v2, v24  }
0x55c: {  	s0 =	sadd.s32 $0x1, s0;
	v24 =	vsel vm0, v24, v2  }
0x55d: {  	p2 =	seq.s32 s0, $0x0  }
.Ltmp56:
0x55e: {  	_ = 	snop;
	(pc) =	sbr.rel @!p2 .LBB2_110-.Ltmp56, $4  }
0x55f: {  	_ = 	snop  }
0x560: {  	v25 =	vsel vm0, $0x1, v0  }
0x561: {  	v23 =	vnsel vm0, $0x0, v23;
	[tilespmem:v24+s11+$0x0] =	vst.idx.add.s32.msk $0xffff, v25  }
0x562: {  	s1 =	sadd.s32 $0x10, s1;
	[tilespmem:v24+s12+$0x0] =	vst.idx.add.f32.msk $0xffff, v23  }
.LBB2_85:
0x563: {  	s0 =	simm.s32 $0x18420  }
0x564: {  	v20 =	vsub.f32 v20, v22;
	v22 =	vld [tilespmem:s0+$0xFFFFFFE0];
	_ =	sdelay $0x1  }
0x565: {  	v23 =	vld [tilespmem:s0+$0xFFFFFFF0];
	_ =	sdelay $0x1  }
0x566: {  	v34 =	vimm.f32 $0.0e+00;
	v24 =	vld [tilespmem:s0+$0x0]  }
0x567: {  	v26 =	vadd.f32 v22, v34  }
0x568: {  	s29 =	simm.s32 $0x18460;
	v27 =	vld [tilespmem:s0+$0x10]  }
0x569: {  	s1 =	simm.s32 $0x18020;
	v31 =	vld [tilespmem:s29+$0xFFFFFFE0];
	v29 =	vadd.f32 v23, v26  }
0x56a: {  	v40 =	vld [tilespmem:s1+$0xFFFFFFE0]  }
0x56b: {  	v35 =	vld [tilespmem:s29+$0xFFFFFFF0];
	v32 =	vadd.f32 v24, v29  }
0x56c: {  	v30 =	vld [tilespmem:s29+$0x0]  }
0x56d: {  	v13 =	vsub.s32 v21, v13;
	s30 =	simm.s32 $0x18060;
	v25 =	vld [tilespmem:s1+$0xFFFFFFF0];
	[tilespmem:s1+$0xFFFFFFE0] =	vst v0;
	v33 =	vadd.f32 v27, v32  }
0x56e: {  	v18 =	vadd.s32 v18, v13;
	v13 =	vld [tilespmem:s30+$0x0];
	[tilespmem:s1+$0xFFFFFFF0] =	vst v0  }
0x56f: {  	[tilespmem:s30+$0x0] =	vst v0;
	v17 =	vadd.f32 v20, v17;
	v20 =	vld [tilespmem:s1+$0x0];
	v36 =	vadd.f32 v31, v33  }
0x570: {  	[tilespmem:s1+$0x0] =	vst v0;
	v28 =	vsub.f32 v26, v22;
	v22 =	vld [tilespmem:s29+$0x10];
	v26 =	vsub.f32 v29, v23  }
0x571: {  	v21 =	vimm.s32 $0x0;
	[tilespmem:s0+$0xFFFFFFE0] =	vst v1;
	v23 =	vld [tilespmem:s1+$0x10];
	v27 =	vsub.f32 v33, v27;
	v29 =	vadd.f32 v35, v36  }
0x572: {  	[tilespmem:s0+$0xFFFFFFF0] =	vst v1;
	v33 =	vsub.f32 v32, v24;
	v31 =	vsub.f32 v36, v31;
	v36 =	vadd.s32 v21, v40  }
0x573: {  	[tilespmem:s29+$0x0] =	vst v1;
	vm0 =	vge.s32 v36, v12;
	v37 =	vadd.s32 v36, v25;
	v38 =	vadd.f32 v30, v29  }
0x574: {  	[tilespmem:s0+$0x0] =	vst v1;
	v29 =	vsub.f32 v29, v35;
	vm1 =	vmor vm13, vm0;
	vm2 =	vge.s32 v37, v12  }
0x575: {  	[tilespmem:s1+$0x10] =	vst v0;
	v35 =	vadd.s32 v37, v20;
	vm5 =	vmand vm0, vm14;
	vm3 =	vmor vm1, vm2  }
0x576: {  	s31 =	simm.s32 $0x0;
	[tilespmem:s0+$0x10] =	vst v1;
	vm4 =	vge.s32 v35, v12;
	v32 =	vadd.s32 v35, v23;
	v39 =	vadd.f32 v22, v38  }
0x577: {  	s6 =	simm.s32 $0x184A0;
	v24 =	vld [tilespmem:s30+$0xFFFFFFE0];
	[tilespmem:s30+$0xFFFFFFE0] =	vst v0;
	v42 =	vsel vm5, s31, v21;
	v41 =	vsel vm5, v40, v21;
	vm0 =	vmneg vm3  }
0x578: {  	s7 =	simm.s32 $0x180A0;
	s1 =	simm.s32 $0x4;
	s0 =	simm.s32 $0x8;
	[tilespmem:s29+$0xFFFFFFE0] =	vst v1;
	v40 =	vimm.s32 $0x0;
	vm0 =	vmand vm4, vm0;
	v22 =	vsub.f32 v39, v22  }
.LBB2_86:
0x579: {  	v43 =	vld [tilespmem:s6+$0xFFFFFFE0];
	p2 =	slt.u32 s0, $0x3C;
	v40 =	vsel vm5, v21, v40;
	v34 =	vsel vm5, v28, v34;
	vm3 =	vmor vm3, vm4;
	v28 =	vmovc v31;
	v21 =	vmovc v32;
	s8 =	smov.u32 s0;
	s0 =	sadd.s32 $0x4, s0  }
0x57a: {  	v45 =	vsub.f32 v38, v30;
	vm1 =	vmneg vm1;
	v44 =	vld [tilespmem:s7+$0x0];
	vm4 =	vmneg vm3  }
0x57b: {  	s19 =	sadd.s32 $0x1, s31;
	vm2 =	vmand vm2, vm1;
	vm1 =	vge.s32 v32, v12;
	v38 =	vld [tilespmem:s6+$0xFFFFFFF0]  }
0x57c: {  	v31 =	vsel vm2, s19, v42;
	v36 =	vsel vm2, v36, v40;
	v34 =	vsel vm2, v26, v34;
	s19 =	sadd.s32 $0x2, s31;
	v26 =	vmovc v29;
	v46 =	vld [tilespmem:s7+$0xFFFFFFE0]  }
0x57d: {  	v29 =	vsel vm2, v25, v41;
	vm2 =	vmand vm1, vm4;
	v31 =	vsel vm0, s19, v31;
	v30 =	vld [tilespmem:s6+$0x0];
	[tilespmem:s30+$0xFFFFFFF0] =	vst v0  }
0x57e: {  	v36 =	vsel vm0, v37, v36;
	v33 =	vsel vm0, v33, v34;
	s19 =	sadd.s32 $0x3, s31;
	s31 =	smov.u32 s1;
	s1 =	smov.u32 s8;
	v39 =	vadd.f32 v43, v39;
	[tilespmem:s7+$0x0] =	vst v0;
	v25 =	vld [tilespmem:s30+$0xFFFFFFF0]  }
0x57f: {  	v29 =	vsel vm0, v20, v29;
	v20 =	vmovc v13;
	v42 =	vsel vm2, s19, v31;
	v40 =	vsel vm2, v35, v36;
	v41 =	vld [tilespmem:s6+$0x10];
	[tilespmem:s29+$0xFFFFFFF0] =	vst v1  }
0x580: {  	v31 =	vsub.f32 v39, v43;
	v35 =	vadd.f32 v38, v39;
	[tilespmem:s6+$0x0] =	vst v1;
	v43 =	vsel vm2, v23, v29;
	v23 =	vld [tilespmem:s30+$0x10]  }
0x581: {  	vm0 =	vmor vm3, vm1;
	v36 =	vadd.s32 v32, v24;
	v34 =	vsel vm2, v27, v33;
	v13 =	vmovc v44;
	[tilespmem:s30+$0x10] =	vst v0;
	s30 =	smov.u32 s7  }
0x582: {  	vm5 =	vge.s32 v36, v12;
	v29 =	vsub.f32 v35, v38;
	v38 =	vadd.f32 v30, v35;
	[tilespmem:s29+$0x10] =	vst v1;
	s29 =	smov.u32 s6  }
.Ltmp57:
0x583: {  	vm6 =	vmneg vm0;
	v27 =	vmovc v22;
	vm1 =	vmor vm0, vm5;
	v33 =	vmovc v45;
	[tilespmem:s7+$0xFFFFFFE0] =	vst v0;
	v37 =	vadd.s32 v36, v25;
	(pc) =	sbr.rel @p2 .LBB2_86-.Ltmp57, $4  }
0x584: {  	[tilespmem:s6+$0xFFFFFFE0] =	vst v1;
	v39 =	vadd.f32 v41, v38;
	vm2 =	vge.s32 v37, v12;
	v35 =	vadd.s32 v37, v20  }
0x585: {  	vm3 =	vmor vm1, vm2;
	vm4 =	vge.s32 v35, v12;
	v32 =	vadd.s32 v35, v23  }
0x586: {  	vm5 =	vmand vm5, vm6;
	v22 =	vsub.f32 v39, v41;
	vm0 =	vmneg vm3  }
0x587: {  	v42 =	vsel vm5, s31, v42;
	s7 =	sadd.s32 $0x40, s7;
	s6 =	sadd.s32 $0x40, s6;
	v41 =	vsel vm5, v24, v43;
	v24 =	vmovc v46;
	vm0 =	vmand vm4, vm0  }
0x588: {  	v21 =	vsel vm5, v21, v40;
	v28 =	vsel vm5, v28, v34;
	vm1 =	vmneg vm1  }
0x589: {  	vm3 =	vmor vm3, vm4;
	v30 =	vsub.f32 v38, v30;
	vm11 =	vge.s32 v32, v12  }
0x58a: {  	s0 =	sadd.s32 $0x1, s31;
	vm1 =	vmand vm2, vm1;
	vm10 =	vmneg vm3;
	vm8 =	vmor vm3, vm11  }
0x58b: {  	v55 =	vld [tilespmem:s30+$0xFFFFFFF0];
	s6 =	sadd.s32 $0x2, s31;
	v54 =	vsel vm1, s0, v42;
	v21 =	vsel vm1, v36, v21;
	v26 =	vsel vm1, v26, v28  }
0x58c: {  	v25 =	vsel vm1, v25, v41;
	vm7 =	vmand vm11, vm10;
	v56 =	vsel vm0, s6, v54  }
0x58d: {  	v58 =	vld [tilespmem:s30+$0x10];
	v21 =	vsel vm0, v37, v21;
	v26 =	vsel vm0, v33, v26;
	v20 =	vsel vm0, v20, v25  }
0x58e: {  	s7 =	sadd.s32 $0x3, s31;
	vm0 =	vmneg vm8;
	v20 =	vsel vm7, v23, v20;
	v23 =	vadd.s32 v32, v24  }
0x58f: {  	v57 =	vsel vm7, s7, v56;
	v21 =	vsel vm7, v35, v21;
	vm9 =	vge.s32 v23, v12  }
0x590: {  	v26 =	vsel vm7, v27, v26;
	v59 =	vadd.s32 v23, v55;
	vm10 =	vmor vm8, vm9  }
0x591: {  	vm3 =	vge.s32 v59, v12;
	v60 =	vadd.s32 v59, v13;
	vm0 =	vmand vm9, vm0  }
0x592: {  	vm11 =	vmor vm10, vm3;
	vm8 =	vge.s32 v60, v12;
	v61 =	vadd.s32 v60, v58  }
0x593: {  	v25 =	vsel vm0, s1, v57;
	v20 =	vsel vm0, v24, v20;
	v21 =	vsel vm0, v32, v21  }
0x594: {  	vm1 =	vmneg vm10;
	v62 =	vsel vm0, v31, v26;
	vm9 =	vmneg vm11  }
0x595: {  	s8 =	sadd.s32 $0x1, s1;
	vm10 =	vmor vm11, vm8;
	vm1 =	vmand vm3, vm1;
	vm11 =	vge.s32 v61, v12  }
.Ltmp58:
0x596: {  	vm2 =	vmand vm8, vm9;
	vm0 =	vmneg vm10;
	v25 =	vsel vm1, s8, v25;
	(pc) =	sbr.rel @p1 .LBB2_88-.Ltmp58, $4  }
0x597: {  	[tilespmem:s30+$0xFFFFFFF0] =	vst v0;
	s19 =	sadd.s32 $0x2, s1;
	v21 =	vsel vm1, v23, v21;
	v23 =	vsel vm1, v29, v62;
	v20 =	vsel vm1, v55, v20  }
0x598: {  	s31 =	sadd.s32 $0x3, s1;
	[tilespmem:s30+$0x10] =	vst v0;
	v63 =	vsel vm2, s19, v25;
	vm0 =	vmand vm11, vm0;
	v21 =	vsel vm2, v59, v21  }
0x599: {  	[tilespmem:s29+$0xFFFFFFF0] =	vst v1;
	v23 =	vsel vm2, v30, v23;
	v13 =	vsel vm2, v13, v20;
	v20 =	vsel vm0, s31, v63  }
0x59a: {  	[tilespmem:s29+$0x10] =	vst v1;
	v21 =	vsel vm0, v60, v21;
	v13 =	vsel vm0, v58, v13;
	v22 =	vsel vm0, v22, v23  }
0x59b: {  	s1 =	simm.s32 $0x14020  }
0x59c: {  	v24 =	vld [tilespmem:s1+$0x10]  }
0x59d: {  	v23 =	vld [tilespmem:s1+$0x0]  }
0x59e: {  	v28 =	vld [tilespmem:s1+$0xFFFFFFF0]  }
0x59f: {  	s0 =	simm.s32 $0x0;
	v26 =	vld [tilespmem:s1+$0xFFFFFFE0]  }
0x5a0: {  	v27 =	vimm.s32 $0x0;
	s30 =	simm.s32 $0x2;
	s31 =	simm.s32 $0x3;
	p2 =	sgt.s32 s26, $0x4;
	v25 =	vmov s0  }
.Ltmp59:
0x5a1: {  	s6 =	simm.s32 $0x1;
	v29 =	vmov s31;
	vm2 =	vlt.s32 v25, v15;
	v25 =	vmov s30;
	(pc) =	sbr.rel @!p2 .LBB2_112-.Ltmp59, $4  }
0x5a2: {  	v30 =	vmov s6;
	vm4 =	vlt.s32 v29, v15;
	vm3 =	vlt.s32 v25, v15  }
0x5a3: {  	vm1 =	vlt.s32 v30, v15;
	v23 =	vnsel vm3, $0x0, v23;
	v25 =	vnsel vm4, $0x0, v24  }
0x5a4: {  	v26 =	vnsel vm2, $0x0, v26;
	v24 =	vnsel vm1, $0x0, v28;
	v28 =	vshll.u32 v25, $0x4  }
0x5a5: {  	p1 =	por $0x0, $0x0;
	s0 =	simm.s32 $0x4;
	s1 =	simm.s32 $0x14060;
	v34 =	vshll.u32 v24, $0x4;
	v35 =	vshll.u32 v23, $0x4;
	v30 =	vadd.s32 v6, v28  }
0x5a6: {  	_ =	sdelay $0x1  }
0x5a7: {  	v29 =	vld [tilespmem:s1+$0x10];
	v31 =	vadd.s32 v6, v35  }
0x5a8: {  	v28 =	vshll.u32 v26, $0x4;
	v33 =	vadd.s32 v6, v34;
	v56 =	vld [tilespmem:s1+$0xFFFFFFF0]  }
0x5a9: {  	vm5 =	vmmov vm2;
	v37 =	vld.idx.msk [tilespmem:v30+s2+$0x0], $0xffff;
	v57 =	vadd.s32 v6, v28  }
0x5aa: {  	v32 =	vld [tilespmem:s1+$0x0];
	vm6 =	vmmov vm3;
	vm0 =	vmmov vm4;
	v30 =	vmov s0  }
0x5ab: {  	v36 =	vld [tilespmem:s1+$0xFFFFFFE0];
	s30 =	simm.s32 $0x6;
	vm7 =	vmmov vm1;
	s6 =	simm.s32 $0x5;
	v28 =	vshll.u32 v27, $0x4;
	vm2 =	vlt.s32 v30, v15  }
0x5ac: {  	s31 =	simm.s32 $0x7;
	v30 =	vmov s30;
	v58 =	vmov s6;
	v28 =	vor.u32 v2, v28;
	v38 =	vld.idx.msk [tilespmem:v31+s2+$0x0], $0xffff  }
0x5ad: {  	vm3 =	vlt.s32 v30, v15;
	vm1 =	vlt.s32 v58, v15;
	v31 =	vmov s31;
	v39 =	vld.idx.msk [tilespmem:v33+s2+$0x0], $0xffff  }
0x5ae: {  	v33 =	vnsel vm1, $0x0, v56;
	vm9 =	vlt.s32 v37, $0x0;
	v59 =	vxor.u32 $0xFFFFFFFF, v37;
	v40 =	vld.idx.msk [tilespmem:v57+s2+$0x0], $0xffff  }
0x5af: {  	vm4 =	vlt.s32 v31, v15;
	v31 =	vnsel vm3, $0x0, v32;
	v34 =	vshll.u32 v33, $0x4  }
0x5b0: {  	v32 =	vnsel vm4, $0x0, v29;
	v29 =	vnsel vm2, $0x0, v36;
	v36 =	vsel vm9, v59, v37  }
0x5b1: {  	v35 =	vshll.u32 v31, $0x4;
	v30 =	vshll.u32 v32, $0x4;
	v36 =	vshrl.u32 v36, $0xE  }
0x5b2: {  	v30 =	vadd.s32 v6, v30;
	v36 =	vand.u32 $0x3F, v36;
	vm8 =	vlt.s32 v38, $0x0  }
0x5b3: {  	vm10 =	vlt.s32 v39, $0x0;
	vm11 =	vlt.s32 v40, $0x0;
	v43 =	vxor.u32 $0xFFFFFFFF, v40  }
0x5b4: {  	v41 =	vxor.u32 $0xFFFFFFFF, v39;
	v42 =	vxor.u32 $0xFFFFFFFF, v38;
	v60 =	vsel vm11, v43, v40  }
0x5b5: {  	vm9 =	veq.s32 v36, v20;
	v39 =	vsel vm10, v41, v39;
	v37 =	vshrl.u32 v60, $0xE  }
0x5b6: {  	p2 =	sgt.s32 s26, $0x8;
	v38 =	vsel vm8, v42, v38;
	v39 =	vshrl.u32 v39, $0xE;
	v37 =	vand.u32 $0x3F, v37  }
.Ltmp60:
0x5b7: {  	v38 =	vshrl.u32 v38, $0xE;
	v61 =	vand.u32 $0x3F, v39;
	vm8 =	veq.s32 v37, v20;
	(pc) =	sbr.rel @!p2 .LBB2_114-.Ltmp60, $4  }
0x5b8: {  	v38 =	vand.u32 $0x3F, v38;
	vm8 =	vmand vm5, vm8;
	vm5 =	veq.s32 v61, v20  }
0x5b9: {  	v62 =	vsel vm8, $0x1, v0;
	vm5 =	vmand vm7, vm5;
	vm7 =	veq.s32 v38, v20  }
0x5ba: {  	v36 =	vadd.s32 v62, v27;
	v63 =	vsel vm5, $0x1, v0;
	vm6 =	vmand vm6, vm7  }
0x5bb: {  	s1 =	simm.s32 $0x8;
	s29 =	simm.s32 $0x140A0;
	p1 =	por $0x1, $0x1;
	vm7 =	vmand vm0, vm9;
	v37 =	vadd.s32 v63, v36;
	v41 =	vsel vm6, $0x1, v0  }
.LBB2_115:
0x5bc: {  	v35 =	vadd.s32 v6, v35;
	v39 =	vadd.s32 v41, v37;
	v40 =	vsel vm7, $0x1, v0  }
0x5bd: {  	v38 =	vld [tilespmem:s29+$0x10];
	vm11 =	vmmov vm2;
	vm10 =	vmmov vm3;
	vm9 =	vmmov vm4  }
0x5be: {  	v42 =	vshll.u32 v29, $0x4;
	v34 =	vadd.s32 v6, v34;
	v41 =	vld [tilespmem:s29+$0x0];
	v40 =	vadd.s32 v40, v39  }
0x5bf: {  	v37 =	vshll.u32 v37, $0x4;
	v42 =	vadd.s32 v6, v42;
	v43 =	vld [tilespmem:s29+$0xFFFFFFF0];
	[tilespmem:v28+s14+$0x0] =	vst.idx.msk vm8, v26;
	v28 =	vshll.u32 v39, $0x4;
	v26 =	vmovc v29  }
0x5c0: {  	v36 =	vshll.u32 v36, $0x4;
	v39 =	vshll.u32 v40, $0x4;
	v29 =	vld [tilespmem:s29+$0xFFFFFFE0];
	v44 =	vor.u32 v2, v28  }
0x5c1: {  	v36 =	vor.u32 v2, v36;
	v28 =	vor.u32 v2, v39;
	v39 =	vld.idx.msk [tilespmem:v30+s2+$0x0], $0xffff;
	v30 =	vor.u32 v2, v37  }
0x5c2: {  	s0 =	sadd.s32 $0x2, s1;
	s6 =	sadd.s32 $0x3, s1;
	vm0 =	vmmov vm1;
	v37 =	vmov s1;
	v45 =	vld.idx.msk [tilespmem:v35+s2+$0x0], $0xffff  }
0x5c3: {  	s7 =	sadd.s32 $0x1, s1;
	vm2 =	vlt.s32 v37, v15;
	v35 =	vmov s0;
	v37 =	vmov s6;
	v46 =	vld.idx.msk [tilespmem:v34+s2+$0x0], $0xffff  }
0x5c4: {  	v34 =	vmov s7;
	vm3 =	vlt.s32 v35, v15;
	vm4 =	vlt.s32 v37, v15;
	v37 =	vld.idx.msk [tilespmem:v42+s2+$0x0], $0xffff  }
0x5c5: {  	vm1 =	vlt.s32 v34, v15;
	v34 =	vnsel vm3, $0x0, v41;
	[tilespmem:v44+s14+$0x0] =	vst.idx.msk vm7, v25;
	v25 =	vmovc v32;
	v32 =	vnsel vm4, $0x0, v38  }
0x5c6: {  	v29 =	vnsel vm2, $0x0, v29;
	v38 =	vnsel vm1, $0x0, v43;
	v41 =	vshll.u32 v32, $0x4;
	[tilespmem:v30+s14+$0x0] =	vst.idx.msk vm6, v23;
	v23 =	vmovc v31;
	v31 =	vmovc v34  }
0x5c7: {  	v34 =	vshll.u32 v38, $0x4;
	v35 =	vshll.u32 v31, $0x4;
	v30 =	vadd.s32 v6, v41;
	[tilespmem:v36+s14+$0x0] =	vst.idx.msk vm5, v24;
	v24 =	vmovc v33  }
0x5c8: {  	s1 =	sadd.s32 $0x4, s1;
	vm6 =	vlt.s32 v39, $0x0;
	vm5 =	vlt.s32 v45, $0x0;
	v36 =	vxor.u32 $0xFFFFFFFF, v39;
	v33 =	vmovc v38  }
0x5c9: {  	p2 =	slt.s32 s1, s26;
	v41 =	vxor.u32 $0xFFFFFFFF, v45;
	vm7 =	vlt.s32 v46, $0x0;
	v38 =	vxor.u32 $0xFFFFFFFF, v46  }
0x5ca: {  	v36 =	vsel vm6, v36, v39;
	vm8 =	vlt.s32 v37, $0x0;
	v42 =	vxor.u32 $0xFFFFFFFF, v37  }
0x5cb: {  	v39 =	vsel vm5, v41, v45;
	v38 =	vsel vm7, v38, v46;
	v37 =	vsel vm8, v42, v37  }
0x5cc: {  	v39 =	vshrl.u32 v39, $0xE;
	v36 =	vshrl.u32 v36, $0xE;
	v37 =	vshrl.u32 v37, $0xE  }
0x5cd: {  	v38 =	vshrl.u32 v38, $0xE;
	v36 =	vand.u32 $0x3F, v36;
	v37 =	vand.u32 $0x3F, v37  }
.Ltmp61:
0x5ce: {  	vm5 =	veq.s32 v37, v20;
	v37 =	vand.u32 $0x3F, v38;
	v38 =	vand.u32 $0x3F, v39;
	(pc) =	sbr.rel @p2 .LBB2_115-.Ltmp61, $4  }
0x5cf: {  	vm7 =	veq.s32 v36, v20;
	vm8 =	vmand vm11, vm5;
	vm5 =	veq.s32 v37, v20  }
0x5d0: {  	v36 =	vsel vm8, $0x1, v0;
	vm5 =	vmand vm0, vm5;
	vm0 =	veq.s32 v38, v20  }
0x5d1: {  	v36 =	vadd.s32 v36, v40;
	v37 =	vsel vm5, $0x1, v0;
	vm6 =	vmand vm10, vm0  }
0x5d2: {  	s29 =	sadd.s32 $0x40, s29;
	vm7 =	vmand vm9, vm7;
	v37 =	vadd.s32 v37, v36;
	v41 =	vsel vm6, $0x1, v0  }
0x5d3: {  	v38 =	vmov v25  }
0x5d4: {  	v39 =	vmovc v23;
	v40 =	vmovc v24;
	v25 =	vmov v32;
	v23 =	vmov v31;
	v24 =	vmov v33  }
.LBB2_117:
0x5d5: {  	_ = 	snop  }
0x5d6: {  	v31 =	vadd.s32 v6, v35  }
0x5d7: {  	v32 =	vshll.u32 v29, $0x4;
	v33 =	vadd.s32 v6, v34  }
0x5d8: {  	v32 =	vadd.s32 v6, v32  }
0x5d9: {  	v30 =	vld.idx.msk [tilespmem:v30+s2+$0x0], $0xffff;
	_ =	sdelay $0x1  }
0x5da: {  	v34 =	vadd.s32 @p1 v41, v37;
	v31 =	vld.idx.msk [tilespmem:v31+s2+$0x0], $0xffff  }
0x5db: {  	v35 =	vsel @p1 vm7, $0x1, v0;
	v37 =	vshll.u32 @p1 v37, $0x4;
	v36 =	vshll.u32 @p1 v36, $0x4;
	v33 =	vld.idx.msk [tilespmem:v33+s2+$0x0], $0xffff  }
0x5dc: {  	vm1 =	vmmov vm1;
	v35 =	vadd.s32 @p1 v35, v34;
	v34 =	vshll.u32 @p1 v34, $0x4;
	v32 =	vld.idx.msk [tilespmem:v32+s2+$0x0], $0xffff  }
0x5dd: {  	v27 =	vpsel p1, v35, v27;
	vm9 =	vlt.s32 v30, $0x0;
	v51 =	vxor.u32 $0xFFFFFFFF, v30  }
0x5de: {  	v37 =	vor.u32 @p1 v2, v37;
	v35 =	vshll.u32 v27, $0x4;
	v30 =	vsel vm9, v51, v30  }
0x5df: {  	v34 =	vor.u32 @p1 v2, v34;
	v59 =	vor.u32 v2, v35;
	v30 =	vshrl.u32 v30, $0xE  }
0x5e0: {  	v30 =	vand.u32 $0x3F, v30;
	vm0 =	vlt.s32 v31, $0x0;
	vm10 =	vlt.s32 v33, $0x0  }
0x5e1: {  	v52 =	vxor.u32 $0xFFFFFFFF, v33;
	v42 =	vxor.u32 $0xFFFFFFFF, v31;
	vm9 =	vlt.s32 v32, $0x0  }
0x5e2: {  	v53 =	vxor.u32 $0xFFFFFFFF, v32;
	v33 =	vsel vm10, v52, v33;
	v31 =	vsel vm0, v42, v31  }
0x5e3: {  	vm10 =	vmmov vm2;
	vm2 =	vmmov vm3;
	v32 =	vsel vm9, v53, v32  }
0x5e4: {  	vm3 =	vmmov vm4;
	v33 =	vshrl.u32 v33, $0xE;
	v32 =	vshrl.u32 v32, $0xE  }
0x5e5: {  	v31 =	vshrl.u32 v31, $0xE;
	v54 =	vand.u32 $0x3F, v33;
	v32 =	vand.u32 $0x3F, v32  }
0x5e6: {  	v31 =	vand.u32 $0x3F, v31;
	vm9 =	veq.s32 v54, v20;
	vm11 =	veq.s32 v32, v20  }
0x5e7: {  	v33 =	vor.u32 @p1 v2, v36;
	vm1 =	vmand vm1, vm9;
	vm0 =	vmand vm10, vm11  }
0x5e8: {  	vm10 =	veq.s32 v31, v20;
	v56 =	vsel vm1, $0x1, v0;
	v55 =	vsel vm0, $0x1, v0  }
0x5e9: {  	vm11 =	veq.s32 v30, v20;
	vm2 =	vmand vm2, vm10;
	v27 =	vadd.s32 v55, v27  }
0x5ea: {  	v57 =	vsel vm2, $0x1, v0;
	v31 =	vadd.s32 v56, v27;
	v27 =	vshll.u32 v27, $0x4  }
0x5eb: {  	[tilespmem:v28+s14+$0x0] =	vst.idx.msk @p1 vm8, v26;
	v58 =	vadd.s32 v57, v31;
	v61 =	vshll.u32 v31, $0x4;
	v27 =	vor.u32 v2, v27  }
0x5ec: {  	[tilespmem:v37+s14+$0x0] =	vst.idx.msk @p1 vm6, v39;
	vm3 =	vmand vm3, vm11;
	v60 =	vshll.u32 v58, $0x4;
	v26 =	vor.u32 v2, v61  }
0x5ed: {  	[tilespmem:v34+s14+$0x0] =	vst.idx.msk @p1 vm7, v38;
	v62 =	vor.u32 v2, v60  }
.Ltmp62:
0x5ee: {  	[tilespmem:v33+s14+$0x0] =	vst.idx.msk @p1 vm5, v40;
	(pc) =	sbr.rel .LBB2_89-.Ltmp62, $4  }
0x5ef: {  	[tilespmem:v59+s14+$0x0] =	vst.idx.msk vm0, v29  }
0x5f0: {  	[tilespmem:v27+s14+$0x0] =	vst.idx.msk vm1, v24  }
0x5f1: {  	v63 =	vsel vm3, $0x1, v0;
	[tilespmem:v26+s14+$0x0] =	vst.idx.msk vm2, v23  }
0x5f2: {  	v23 =	vadd.s32 v63, v58;
	[tilespmem:v62+s14+$0x0] =	vst.idx.msk vm3, v25  }
.LBB2_88:
0x5f3: {  	v23 =	vimm.s32 $0x0  }
.LBB2_89:
0x5f4: {  	p1 =	sge.s32 s26, s24  }
.Ltmp63:
0x5f5: {  	_ = 	snop;
	(pc) =	sbr.rel @p1 .LBB2_92-.Ltmp63, $1  }
0x5f6: {  	_ =	sdelay $0x3  }
0x5f7: {  	s0 =	sshll.u32 s25, $0x6;
	s1 =	sshll.u32 s28, $0x6  }
0x5f8: {  	s0 =	ssub.s32 s0, s1  }
0x5f9: {  	s1 =	sshra.s32 s0, $0x2  }
0x5fa: {  	s0 =	ssub.s32 $0x0, s28;
	s1 =	sadd.s32 $0x14000, s1  }
.LBB2_91:
0x5fb: {  	v24 =	vld [tilespmem:s1+$0x0];
	_ =	sdelay $0x1  }
0x5fc: {  	s6 =	sadd.s32 s0, s24  }
0x5fd: {  	v25 =	vmov s6  }
0x5fe: {  	vm0 =	vlt.s32 v25, v15  }
0x5ff: {  	v24 =	vnsel vm0, $0x0, v24  }
0x600: {  	v61 =	vshll.u32 v24, $0x4  }
0x601: {  	v25 =	vadd.s32 v6, v61;
	_ =	sdelay $0x4  }
0x602: {  	v25 =	vld.idx.msk [tilespmem:v25+s2+$0x0], $0xffff;
	_ =	sdelay $0x4  }
0x603: {  	vm1 =	vlt.s32 v25, $0x0;
	v26 =	vxor.u32 $0xFFFFFFFF, v25  }
0x604: {  	v25 =	vsel vm1, v26, v25  }
0x605: {  	v25 =	vshrl.u32 v25, $0xE  }
0x606: {  	v25 =	vand.u32 $0x3F, v25  }
0x607: {  	vm11 =	veq.s32 v25, v20  }
0x608: {  	v62 =	vshll.u32 v23, $0x4;
	s0 =	sadd.s32 $0x1, s0;
	vm0 =	vmand vm0, vm11  }
0x609: {  	p1 =	seq.s32 s0, $0x0;
	v25 =	vor.u32 v2, v62  }
.Ltmp64:
0x60a: {  	_ = 	snop;
	(pc) =	sbr.rel @!p1 .LBB2_91-.Ltmp64, $3  }
0x60b: {  	_ =	sdelay $0x1  }
0x60c: {  	v63 =	vsel vm0, $0x1, v0  }
0x60d: {  	s1 =	sadd.s32 $0x10, s1;
	v23 =	vadd.s32 v63, v23;
	[tilespmem:v25+s14+$0x0] =	vst.idx.msk vm0, v24  }
.LBB2_92:
0x60e: {  	v15 =	vxor.u32 $0x80000000, v16  }
0x60f: {  	(xrf0) =	vmax.scan.msk.u32 $0xffff, v15;
	_ =	sdelay $0x2  }
0x610: {  	v15 =	vxor.u32 $0x80000000, v13;
	_ =	sdelay $0x2  }
0x611: {  	(xrf0) =	vmax.scan.msk.u32 $0xffff, v15;
	v15, _, _ =	vpop (xrf0)  }
0x612: {  	(v2sf) =	vpush v15, $0xF;
	_ =	sdelay $0x4  }
0x613: {  	v15, _, _ =	vpop (xrf0)  }
0x614: {  	(v2sf) =	vpush v15, $0xF;
	_ =	sdelay $0x8  }
0x615: {  	s0 =	spop (v2sf)  }
0x616: {  	p1 =	seq.s32 s0, $0x80000001  }
.Ltmp65:
0x617: {  	_ = 	snop;
	(pc) =	sbr.rel @!p1 .LBB2_93-.Ltmp65, $2  }
0x618: {  	_ =	sdelay $0x2  }
0x619: {  	s24 =	spop (v2sf)  }
0x61a: {  	v8 =	vld [tilespmem:$0x8000];
	_ =	sdelay $0x4  }
0x61b: {  	vm0 =	vgt.s32 v16, $0x0;
	v8 =	vshll.u32 v8, $0x4  }
0x61c: {  	v8 =	vnsel vm0, $0x0, v8  }
0x61d: {  	v8 =	vadd.s32 v9, v8  }
0x61e: {  	v8 =	vor.u32 v2, v8;
	_ =	sdelay $0x4  }
0x61f: {  	v8 =	vld.idx.msk [tilespmem:v8+s2+$0x0], $0xffff  }
.Ltmp66:
0x620: {  	_ = 	snop;
	(pc) =	sbr.rel .LBB2_104-.Ltmp66, $2  }
0x621: {  	_ =	sdelay $0x2  }
0x622: {  	v8 =	vadd.f32 v8, v17  }
.LBB2_93:
0x623: {  	s25 =	sxor.u32 $0x80000000, s0  }
0x624: {  	s1 =	sshra.s32 s25, $0x1F  }
0x625: {  	s1 =	sshrl.u32 s1, $0x1E  }
0x626: {  	s1 =	sadd.s32 s1, s25  }
0x627: {  	s29 =	sand.u32 $0xFFFFFFFC, s1  }
.Ltmp67:
0x628: {  	s1 =	ssub.s32 s25, s29;
	(pc) =	sbr.rel .LBB2_94-.Ltmp67, $4  }
0x629: {  	s31 =	sshll.u32 s0, $0x6;
	v8 =	vshll.u32 v8, $0xC;
	v10 =	vshll.u32 v10, $0x6;
	s6 =	sshll.u32 s1, $0x6  }
0x62a: {  	v8 =	vor.u32 v8, v10;
	s0 =	ssub.s32 s31, s6  }
0x62b: {  	s30 =	simm.s32 $0x0;
	v8 =	vor.u32 v19, v8;
	p2 =	slt.s32 s29, $0x1;
	s0 =	sshra.s32 s0, $0x2  }
0x62c: {  	v8 =	vshll.u32 v8, $0xE;
	p1 =	sge.s32 s29, s25;
	s26 =	ssub.s32 $0x0, s1;
	s28 =	sadd.s32 $0x8000, s0  }
.LBB2_98:
0x62d: {  	s30 =	sadd.s32 $0x1, s30  }
0x62e: {  	p3 =	sne.s32 s30, $0xE  }
.Ltmp68:
0x62f: {  	_ = 	snop;
	(pc) =	sbr.rel @!p3 .LBB2_99-.Ltmp68, $3  }
0x630: {  	_ =	sdelay $0x1  }
0x631: {  	vm0 =	vlt.s32 v15, v18  }
0x632: {  	v8 =	vsel vm0, v8, v10  }
.LBB2_94:
.Ltmp69:
0x633: {  	(pc) =	sbr.rel @p2 .LBB2_95-.Ltmp69, $3  }
0x634: {  	_ =	sdelay $0x1  }
0x635: {  	s0 =	sshrl.u32 s18, s30  }
0x636: {  	v10 =	vor.u32 s0, v8  }
0x637: {  	s1 =	simm.s32 $0x8020  }
0x638: {  	v19 =	vld [tilespmem:s1+$0x10]  }
0x639: {  	v23 =	vld [tilespmem:s1+$0x0]  }
0x63a: {  	v24 =	vld [tilespmem:s1+$0xFFFFFFF0]  }
0x63b: {  	s0 =	simm.s32 $0x0;
	v25 =	vld [tilespmem:s1+$0xFFFFFFE0]  }
0x63c: {  	v15 =	vimm.s32 $0x0;
	s19 =	simm.s32 $0x3;
	s6 =	simm.s32 $0x2;
	v26 =	vmov s0  }
0x63d: {  	s31 =	simm.s32 $0x1;
	p4 =	sgt.s32 s29, $0x4;
	v27 =	vmov s19;
	v28 =	vmov s6;
	vm5 =	vlt.s32 v26, v16  }
.Ltmp70:
0x63e: {  	v26 =	vmov s31;
	vm1 =	vlt.s32 v27, v16;
	vm2 =	vlt.s32 v28, v16;
	(pc) =	sbr.rel @!p4 .LBB2_120-.Ltmp70, $4  }
0x63f: {  	vm6 =	vlt.s32 v26, v16;
	v19 =	vshll.u32 v19, $0x4;
	v24 =	vshll.u32 v24, $0x4  }
0x640: {  	v25 =	vshll.u32 v25, $0x4;
	v23 =	vshll.u32 v23, $0x4;
	v26 =	vnsel vm6, $0x0, v24  }
0x641: {  	v23 =	vnsel vm2, $0x0, v23;
	v19 =	vnsel vm1, $0x0, v19;
	v25 =	vnsel vm5, $0x0, v25  }
0x642: {  	p3 =	por $0x0, $0x0;
	s0 =	simm.s32 $0x4;
	s1 =	simm.s32 $0x8060;
	v23 =	vadd.s32 v6, v23;
	v24 =	vadd.s32 v6, v19;
	v19 =	vadd.s32 v6, v26  }
0x643: {  	v26 =	vld [tilespmem:s1+$0x10]  }
0x644: {  	v27 =	vld [tilespmem:s1+$0x0]  }
0x645: {  	v28 =	vld [tilespmem:s1+$0xFFFFFFF0]  }
0x646: {  	v29 =	vld [tilespmem:s1+$0xFFFFFFE0]  }
0x647: {  	vm0 =	vmmov vm5;
	vm3 =	vmmov vm6;
	v25 =	vadd.s32 v6, v25;
	v33 =	vld.idx.msk [tilespmem:v24+s2+$0x0], $0xffff  }
0x648: {  	s19 =	simm.s32 $0x6;
	s6 =	simm.s32 $0x7;
	vm4 =	vmmov vm1;
	vm7 =	vmmov vm2;
	v30 =	vmov s0;
	s31 =	simm.s32 $0x5;
	v60 =	vld.idx.msk [tilespmem:v23+s2+$0x0], $0xffff  }
0x649: {  	v31 =	vmov s19;
	v32 =	vmov s6;
	v24 =	vmov s31  }
0x64a: {  	vm5 =	vlt.s32 v30, v16;
	vm1 =	vlt.s32 v32, v16;
	vm6 =	vlt.s32 v24, v16  }
0x64b: {  	vm2 =	vlt.s32 v31, v16;
	v23 =	vshll.u32 v26, $0x4;
	v26 =	vld.idx.msk [tilespmem:v19+s2+$0x0], $0xffff;
	v19 =	vshll.u32 v28, $0x4  }
0x64c: {  	v24 =	vshll.u32 v29, $0x4;
	v27 =	vshll.u32 v27, $0x4;
	v28 =	vld.idx.msk [tilespmem:v25+s2+$0x0], $0xffff;
	vm8 =	vlt.s32 v33, $0x0  }
0x64d: {  	vm9 =	vlt.s32 v60, $0x0;
	v61 =	vxor.u32 $0x80000000, v33;
	v30 =	vxor.u32 $0x80000000, v60  }
0x64e: {  	v19 =	vnsel vm6, $0x0, v19;
	v27 =	vnsel vm2, $0x0, v27;
	v29 =	vnsel vm1, $0x0, v23  }
0x64f: {  	v25 =	vnsel vm5, $0x0, v24;
	v23 =	vadd.s32 v6, v27;
	v24 =	vadd.s32 v6, v29  }
0x650: {  	p4 =	sgt.s32 s29, $0x8;
	v19 =	vadd.s32 v6, v19;
	v27 =	vxor.u32 $0xFFFFFFFF, v33;
	v29 =	vxor.u32 $0xFFFFFFFF, v60  }
.Ltmp71:
0x651: {  	vm10 =	vlt.s32 v26, $0x0;
	vm11 =	vlt.s32 v28, $0x0;
	v62 =	vxor.u32 $0xFFFFFFFF, v28;
	(pc) =	sbr.rel @!p4 .LBB2_122-.Ltmp71, $4  }
0x652: {  	v28 =	vxor.u32 $0x80000000, v28;
	v63 =	vxor.u32 $0xFFFFFFFF, v26;
	v26 =	vxor.u32 $0x80000000, v26  }
0x653: {  	v31 =	vsel vm8, v27, v61;
	v28 =	vsel vm11, v62, v28;
	v26 =	vsel vm10, v63, v26  }
0x654: {  	v27 =	vsel vm9, v29, v30;
	vm8 =	vge.s32 v28, v10;
	vm9 =	vge.s32 v26, v10  }
0x655: {  	s0 =	simm.s32 $0x8;
	s1 =	simm.s32 $0x80A0;
	p3 =	por $0x1, $0x1;
	v26 =	vimm.s32 $0x0;
	vm0 =	vmand vm0, vm8;
	vm8 =	vge.s32 v31, v10  }
.LBB2_123:
0x656: {  	v29 =	vsel vm0, $0x1, v0;
	vm9 =	vmand vm3, vm9  }
0x657: {  	v28 =	vld [tilespmem:s1+$0x10];
	vm10 =	vge.s32 v27, v10;
	vm0 =	vmmov vm5;
	vm3 =	vmmov vm6  }
0x658: {  	v27 =	vld [tilespmem:s1+$0x0];
	v26 =	vadd.s32 v29, v26;
	v29 =	vsel vm9, $0x1, v0;
	vm5 =	vmand vm7, vm10  }
0x659: {  	vm4 =	vmand vm4, vm8;
	v30 =	vld [tilespmem:s1+$0xFFFFFFF0];
	v26 =	vadd.s32 v29, v26;
	v29 =	vsel vm5, $0x1, v0  }
0x65a: {  	v25 =	vadd.s32 v6, v25;
	v31 =	vld [tilespmem:s1+$0xFFFFFFE0];
	v26 =	vadd.s32 v29, v26;
	v29 =	vsel vm4, $0x1, v0  }
0x65b: {  	s6 =	sadd.s32 $0x2, s0;
	s7 =	sadd.s32 $0x3, s0;
	vm7 =	vmmov vm2;
	vm4 =	vmmov vm1;
	v26 =	vadd.s32 v29, v26  }
0x65c: {  	s8 =	sadd.s32 $0x1, s0;
	v32 =	vmov s6;
	v33 =	vmov s7;
	v29 =	vmov s0;
	v34 =	vld.idx.msk [tilespmem:v24+s2+$0x0], $0xffff  }
0x65d: {  	vm1 =	vlt.s32 v33, v16;
	vm5 =	vlt.s32 v29, v16;
	v24 =	vmov s8;
	v29 =	vld.idx.msk [tilespmem:v23+s2+$0x0], $0xffff  }
0x65e: {  	vm2 =	vlt.s32 v32, v16;
	vm6 =	vlt.s32 v24, v16;
	v23 =	vshll.u32 v28, $0x4;
	v28 =	vld.idx.msk [tilespmem:v19+s2+$0x0], $0xffff  }
0x65f: {  	v27 =	vshll.u32 v27, $0x4;
	v24 =	vshll.u32 v30, $0x4;
	v19 =	vshll.u32 v31, $0x4;
	v30 =	vld.idx.msk [tilespmem:v25+s2+$0x0], $0xffff  }
0x660: {  	v31 =	vnsel vm6, $0x0, v24;
	v24 =	vnsel vm2, $0x0, v27;
	v27 =	vnsel vm1, $0x0, v23  }
0x661: {  	v25 =	vnsel vm5, $0x0, v19;
	v23 =	vadd.s32 v6, v24;
	v24 =	vadd.s32 v6, v27  }
0x662: {  	s0 =	sadd.s32 $0x4, s0;
	v19 =	vadd.s32 v6, v31;
	vm8 =	vlt.s32 v34, $0x0;
	v27 =	vxor.u32 $0xFFFFFFFF, v34  }
0x663: {  	p4 =	slt.s32 s0, s29;
	v32 =	vxor.u32 $0x80000000, v34;
	vm9 =	vlt.s32 v29, $0x0;
	v31 =	vxor.u32 $0xFFFFFFFF, v29  }
.Ltmp72:
0x664: {  	v29 =	vxor.u32 $0x80000000, v29;
	vm10 =	vlt.s32 v28, $0x0;
	v33 =	vxor.u32 $0xFFFFFFFF, v28;
	(pc) =	sbr.rel @p4 .LBB2_123-.Ltmp72, $4  }
0x665: {  	vm11 =	vlt.s32 v30, $0x0;
	v34 =	vxor.u32 $0xFFFFFFFF, v30;
	v30 =	vxor.u32 $0x80000000, v30  }
0x666: {  	v32 =	vsel vm8, v27, v32;
	v28 =	vxor.u32 $0x80000000, v28;
	v30 =	vsel vm11, v34, v30  }
0x667: {  	v27 =	vsel vm9, v31, v29;
	v28 =	vsel vm10, v33, v28;
	vm8 =	vge.s32 v30, v10  }
0x668: {  	s1 =	sadd.s32 $0x40, s1;
	vm9 =	vge.s32 v28, v10;
	vm0 =	vmand vm0, vm8;
	vm8 =	vge.s32 v32, v10  }
.LBB2_124:
0x669: {  	_ =	sdelay $0x2  }
0x66a: {  	v25 =	vadd.s32 v6, v25  }
0x66b: {  	v28 =	vsel @p3 vm0, $0x1, v0;
	v24 =	vld.idx.msk [tilespmem:v24+s2+$0x0], $0xffff  }
0x66c: {  	vm3 =	vmand @p3 vm3, vm9;
	vm9 =	vge.s32 @p3 v27, v10;
	vm0 =	vmmov vm5;
	v23 =	vld.idx.msk [tilespmem:v23+s2+$0x0], $0xffff  }
0x66d: {  	v19 =	vld.idx.msk [tilespmem:v19+s2+$0x0], $0xffff;
	v26 =	vadd.s32 @p3 v28, v26;
	v27 =	vsel @p3 vm3, $0x1, v0;
	vm3 =	vmand @p3 vm7, vm9  }
0x66e: {  	v26 =	vadd.s32 @p3 v27, v26;
	v27 =	vsel @p3 vm3, $0x1, v0;
	vm3 =	vmand @p3 vm4, vm8  }
0x66f: {  	vm1 =	vmmov vm1;
	v26 =	vadd.s32 @p3 v27, v26;
	v27 =	vsel @p3 vm3, $0x1, v0;
	v25 =	vld.idx.msk [tilespmem:v25+s2+$0x0], $0xffff  }
0x670: {  	vm2 =	vmmov vm2;
	vm4 =	vmmov vm6;
	v26 =	vadd.s32 @p3 v27, v26  }
0x671: {  	vm9 =	vlt.s32 v24, $0x0;
	v62 =	vxor.u32 $0xFFFFFFFF, v24;
	vm5 =	vlt.s32 v23, $0x0  }
0x672: {  	v63 =	vxor.u32 $0xFFFFFFFF, v23;
	v24 =	vxor.u32 $0x80000000, v24;
	vm10 =	vlt.s32 v19, $0x0  }
0x673: {  	v30 =	vxor.u32 $0xFFFFFFFF, v19;
	v23 =	vxor.u32 $0x80000000, v23;
	v19 =	vxor.u32 $0x80000000, v19  }
0x674: {  	vm11 =	vlt.s32 v25, $0x0;
	v29 =	vxor.u32 $0xFFFFFFFF, v25;
	v25 =	vxor.u32 $0x80000000, v25  }
0x675: {  	v15 =	vpsel p3, v26, v15;
	v19 =	vsel vm10, v30, v19;
	v25 =	vsel vm11, v29, v25  }
0x676: {  	v24 =	vsel vm9, v62, v24;
	vm10 =	vge.s32 v19, v10;
	vm9 =	vge.s32 v25, v10  }
0x677: {  	v23 =	vsel vm5, v63, v23;
	vm8 =	vmand vm4, vm10;
	vm0 =	vmand vm0, vm9  }
.Ltmp73:
0x678: {  	vm11 =	vge.s32 v24, v10;
	vm9 =	vge.s32 v23, v10;
	v19 =	vsel vm0, $0x1, v0;
	(pc) =	sbr.rel .LBB2_96-.Ltmp73, $4  }
0x679: {  	vm10 =	vmand vm2, vm9;
	v15 =	vadd.s32 v19, v15;
	v19 =	vsel vm8, $0x1, v0  }
0x67a: {  	vm11 =	vmand vm1, vm11;
	v15 =	vadd.s32 v19, v15;
	v19 =	vsel vm10, $0x1, v0  }
0x67b: {  	v15 =	vadd.s32 v19, v15;
	v19 =	vsel vm11, $0x1, v0  }
0x67c: {  	v15 =	vadd.s32 v19, v15  }
.LBB2_95:
0x67d: {  	v15 =	vimm.s32 $0x0  }
.LBB2_96:
.Ltmp74:
0x67e: {  	(pc) =	sbr.rel @p1 .LBB2_98-.Ltmp74, $2  }
0x67f: {  	_ =	sdelay $0x2  }
0x680: {  	s0 =	smov.u32 s28;
	s1 =	smov.u32 s26  }
.LBB2_97:
0x681: {  	v19 =	vld [tilespmem:s0+$0x0];
	_ =	sdelay $0x2  }
0x682: {  	s6 =	sadd.s32 s1, s25  }
0x683: {  	v23 =	vmov s6  }
0x684: {  	vm0 =	vlt.s32 v23, v16;
	v19 =	vshll.u32 v19, $0x4  }
0x685: {  	v19 =	vnsel vm0, $0x0, v19  }
0x686: {  	v19 =	vadd.s32 v6, v19;
	_ =	sdelay $0x4  }
0x687: {  	v19 =	vld.idx.msk [tilespmem:v19+s2+$0x0], $0xffff;
	_ =	sdelay $0x3  }
0x688: {  	s1 =	sadd.s32 $0x1, s1  }
0x689: {  	p3 =	seq.s32 s1, $0x0;
	vm1 =	vlt.s32 v19, $0x0;
	v23 =	vxor.u32 $0xFFFFFFFF, v19;
	v19 =	vxor.u32 $0x80000000, v19  }
.Ltmp75:
0x68a: {  	v19 =	vsel vm1, v23, v19;
	(pc) =	sbr.rel @!p3 .LBB2_97-.Ltmp75, $4  }
0x68b: {  	vm1 =	vge.s32 v19, v10  }
0x68c: {  	vm0 =	vmand vm0, vm1  }
0x68d: {  	v19 =	vsel vm0, $0x1, v0  }
0x68e: {  	s0 =	sadd.s32 $0x10, s0;
	v15 =	vadd.s32 v19, v15  }
.Ltmp76:
0x68f: {  	_ = 	snop;
	(pc) =	sbr.rel .LBB2_98-.Ltmp76, $1  }
0x690: {  	_ =	sdelay $0x3  }
.LBB2_120:
.Ltmp77:
0x691: {  	(pc) =	sbr.rel .LBB2_124-.Ltmp77, $2  }
0x692: {  	_ =	sdelay $0x2  }
0x693: {  	v26 =	vimm.s32 $0x0  }
.LBB2_122:
.Ltmp78:
0x694: {  	(pc) =	sbr.rel .LBB2_124-.Ltmp78, $2  }
0x695: {  	_ =	sdelay $0x2  }
0x696: {  	v26 =	vimm.s32 $0x0  }
.LBB2_99:
.Ltmp79:
0x697: {  	(pc) =	sbr.rel @p2 .LBB2_100-.Ltmp79, $1  }
0x698: {  	_ =	sdelay $0x3  }
0x699: {  	s1 =	simm.s32 $0x8020  }
0x69a: {  	v19 =	vld [tilespmem:s1+$0x10]  }
0x69b: {  	v23 =	vld [tilespmem:s1+$0x0]  }
0x69c: {  	v24 =	vld [tilespmem:s1+$0xFFFFFFF0]  }
0x69d: {  	s0 =	simm.s32 $0x0;
	v25 =	vld [tilespmem:s1+$0xFFFFFFE0]  }
0x69e: {  	v10 =	vimm.s32 $0x0;
	v15 =	vimm.f32 $0.0e+00;
	s30 =	simm.s32 $0x3;
	s6 =	simm.s32 $0x2;
	v26 =	vmov s0  }
0x69f: {  	s31 =	simm.s32 $0x1;
	p3 =	sgt.s32 s29, $0x4;
	v27 =	vmov s30;
	v28 =	vmov s6;
	vm3 =	vlt.s32 v26, v16  }
.Ltmp80:
0x6a0: {  	v26 =	vmov s31;
	vm4 =	vlt.s32 v27, v16;
	vm1 =	vlt.s32 v28, v16;
	(pc) =	sbr.rel @!p3 .LBB2_126-.Ltmp80, $4  }
0x6a1: {  	vm2 =	vlt.s32 v26, v16;
	v19 =	vshll.u32 v19, $0x4;
	v24 =	vshll.u32 v24, $0x4  }
0x6a2: {  	v25 =	vshll.u32 v25, $0x4;
	v23 =	vshll.u32 v23, $0x4;
	v26 =	vnsel vm2, $0x0, v24  }
0x6a3: {  	v23 =	vnsel vm1, $0x0, v23;
	v19 =	vnsel vm4, $0x0, v19;
	v24 =	vnsel vm3, $0x0, v25  }
0x6a4: {  	p2 =	por $0x0, $0x0;
	s0 =	simm.s32 $0x4;
	s1 =	simm.s32 $0x8060;
	v23 =	vadd.s32 v6, v23;
	v25 =	vadd.s32 v6, v19;
	v19 =	vadd.s32 v6, v24  }
0x6a5: {  	v28 =	vld [tilespmem:s1+$0x10]  }
0x6a6: {  	v29 =	vld [tilespmem:s1+$0x0]  }
0x6a7: {  	v30 =	vld [tilespmem:s1+$0xFFFFFFF0]  }
0x6a8: {  	v31 =	vld [tilespmem:s1+$0xFFFFFFE0]  }
0x6a9: {  	vm7 =	vmmov vm3;
	vm0 =	vmmov vm4;
	v32 =	vadd.s32 v6, v26;
	v24 =	vld.idx.msk [tilespmem:v25+s2+$0x0], $0xffff  }
0x6aa: {  	vm6 =	vmmov vm2;
	s19 =	simm.s32 $0x6;
	s6 =	simm.s32 $0x7;
	vm5 =	vmmov vm1;
	v26 =	vmov s0;
	s31 =	simm.s32 $0x5  }
0x6ab: {  	v33 =	vmov s19;
	v27 =	vmov s6;
	v25 =	vmov s31  }
0x6ac: {  	vm3 =	vlt.s32 v26, v16;
	vm4 =	vlt.s32 v27, v16;
	v27 =	vld.idx.msk [tilespmem:v23+s2+$0x0], $0xffff;
	vm2 =	vlt.s32 v25, v16  }
0x6ad: {  	vm1 =	vlt.s32 v33, v16;
	v23 =	vshll.u32 v28, $0x4;
	v28 =	vld.idx.msk [tilespmem:v19+s2+$0x0], $0xffff;
	v19 =	vshll.u32 v30, $0x4  }
0x6ae: {  	v25 =	vshll.u32 v31, $0x4;
	v29 =	vshll.u32 v29, $0x4;
	v30 =	vld.idx.msk [tilespmem:v32+s2+$0x0], $0xffff;
	vm8 =	vlt.s32 v24, $0x0  }
0x6af: {  	v34 =	vxor.u32 $0x80000000, v24;
	v26 =	vnsel vm2, $0x0, v19;
	v19 =	vnsel vm1, $0x0, v29  }
0x6b0: {  	v29 =	vnsel vm4, $0x0, v23;
	v31 =	vnsel vm3, $0x0, v25;
	v23 =	vadd.s32 v6, v19  }
0x6b1: {  	v25 =	vadd.s32 v6, v29;
	v19 =	vadd.s32 v6, v31;
	v29 =	vxor.u32 $0xFFFFFFFF, v24  }
0x6b2: {  	vm9 =	vlt.s32 v27, $0x0;
	v62 =	vxor.u32 $0xFFFFFFFF, v27;
	vm10 =	vlt.s32 v28, $0x0  }
0x6b3: {  	v31 =	vxor.u32 $0xFFFFFFFF, v28;
	v61 =	vxor.u32 $0x80000000, v28;
	v63 =	vxor.u32 $0xFFFFFFFF, v30  }
0x6b4: {  	v35 =	vxor.u32 $0x80000000, v30;
	v31 =	vsel vm10, v31, v61;
	vm10 =	vlt.s32 v30, $0x0  }
0x6b5: {  	p3 =	sgt.s32 s29, $0x8;
	v29 =	vsel vm8, v29, v34;
	vm11 =	vgt.s32 v31, v8;
	v32 =	vsel vm10, v63, v35  }
.Ltmp81:
0x6b6: {  	v31 =	vxor.u32 $0x80000000, v27;
	vm7 =	vmand vm7, vm11;
	vm8 =	vgt.s32 v32, v8;
	(pc) =	sbr.rel @!p3 .LBB2_128-.Ltmp81, $4  }
0x6b7: {  	v31 =	vsel vm9, v62, v31;
	v28 =	vnsel vm7, $0x0, v28;
	vm6 =	vmand vm6, vm8  }
0x6b8: {  	vm8 =	vgt.s32 v29, v8;
	vm9 =	vgt.s32 v31, v8;
	v28 =	vadd.f32 v28, v15  }
0x6b9: {  	v29 =	vnsel vm6, $0x0, v30;
	vm8 =	vmand vm0, vm8;
	v30 =	vsel vm7, $0x1, v0  }
0x6ba: {  	s1 =	simm.s32 $0x8;
	s30 =	simm.s32 $0x80A0;
	p2 =	por $0x1, $0x1;
	vm7 =	vmand vm5, vm9;
	v29 =	vadd.f32 v29, v28;
	v28 =	vimm.s32 $0x0  }
.LBB2_129:
0x6bb: {  	v28 =	vadd.s32 v30, v28;
	v30 =	vsel vm6, $0x1, v0;
	v27 =	vnsel vm7, $0x0, v27  }
0x6bc: {  	v31 =	vld [tilespmem:s30+$0x10];
	vm0 =	vmmov vm3;
	vm5 =	vmmov vm4;
	vm6 =	vmmov vm2  }
0x6bd: {  	v32 =	vld [tilespmem:s30+$0x0];
	v28 =	vadd.s32 v30, v28;
	v30 =	vsel vm7, $0x1, v0;
	v27 =	vadd.f32 v27, v29  }
0x6be: {  	v24 =	vnsel vm8, $0x0, v24;
	v29 =	vld [tilespmem:s30+$0xFFFFFFF0];
	v28 =	vadd.s32 v30, v28;
	v30 =	vsel vm8, $0x1, v0  }
0x6bf: {  	v26 =	vadd.s32 v6, v26;
	v33 =	vld [tilespmem:s30+$0xFFFFFFE0];
	v28 =	vadd.s32 v30, v28;
	v30 =	vadd.f32 v24, v27  }
0x6c0: {  	s0 =	sadd.s32 $0x2, s1;
	s6 =	sadd.s32 $0x3, s1;
	vm7 =	vmmov vm1  }
0x6c1: {  	s7 =	sadd.s32 $0x1, s1;
	v34 =	vmov s0;
	v35 =	vmov s6;
	v27 =	vmov s1;
	v24 =	vld.idx.msk [tilespmem:v25+s2+$0x0], $0xffff  }
0x6c2: {  	vm4 =	vlt.s32 v35, v16;
	vm3 =	vlt.s32 v27, v16;
	v25 =	vmov s7;
	v27 =	vld.idx.msk [tilespmem:v23+s2+$0x0], $0xffff  }
0x6c3: {  	vm1 =	vlt.s32 v34, v16;
	vm2 =	vlt.s32 v25, v16;
	v23 =	vshll.u32 v31, $0x4;
	v31 =	vld.idx.msk [tilespmem:v19+s2+$0x0], $0xffff  }
0x6c4: {  	v25 =	vshll.u32 v29, $0x4;
	v29 =	vshll.u32 v32, $0x4;
	v19 =	vshll.u32 v33, $0x4;
	v32 =	vld.idx.msk [tilespmem:v26+s2+$0x0], $0xffff  }
0x6c5: {  	v26 =	vnsel vm2, $0x0, v25;
	v25 =	vnsel vm1, $0x0, v29;
	v29 =	vnsel vm4, $0x0, v23  }
0x6c6: {  	v19 =	vnsel vm3, $0x0, v19;
	v23 =	vadd.s32 v6, v25;
	v25 =	vadd.s32 v6, v29  }
0x6c7: {  	v19 =	vadd.s32 v6, v19;
	vm8 =	vlt.s32 v24, $0x0;
	v29 =	vxor.u32 $0xFFFFFFFF, v24  }
0x6c8: {  	v34 =	vxor.u32 $0x80000000, v24;
	vm9 =	vlt.s32 v27, $0x0;
	v33 =	vxor.u32 $0xFFFFFFFF, v27  }
0x6c9: {  	vm10 =	vlt.s32 v31, $0x0;
	v35 =	vxor.u32 $0xFFFFFFFF, v31;
	v36 =	vxor.u32 $0x80000000, v31  }
0x6ca: {  	s1 =	sadd.s32 $0x4, s1;
	v35 =	vsel vm10, v35, v36;
	vm10 =	vlt.s32 v32, $0x0;
	v36 =	vxor.u32 $0x80000000, v27  }
0x6cb: {  	p3 =	slt.s32 s1, s29;
	v37 =	vxor.u32 $0x80000000, v32;
	vm11 =	vgt.s32 v35, v8;
	v35 =	vxor.u32 $0xFFFFFFFF, v32  }
.Ltmp82:
0x6cc: {  	v29 =	vsel vm8, v29, v34;
	vm0 =	vmand vm0, vm11;
	v35 =	vsel vm10, v35, v37;
	(pc) =	sbr.rel @p3 .LBB2_129-.Ltmp82, $4  }
0x6cd: {  	v33 =	vsel vm9, v33, v36;
	v31 =	vnsel vm0, $0x0, v31;
	vm8 =	vgt.s32 v35, v8  }
0x6ce: {  	v31 =	vadd.f32 v31, v30;
	vm6 =	vmand vm6, vm8;
	vm8 =	vgt.s32 v29, v8  }
0x6cf: {  	vm9 =	vgt.s32 v33, v8;
	v29 =	vnsel vm6, $0x0, v32;
	vm8 =	vmand vm5, vm8  }
0x6d0: {  	s30 =	sadd.s32 $0x40, s30;
	vm7 =	vmand vm7, vm9;
	v30 =	vsel vm0, $0x1, v0;
	v29 =	vadd.f32 v29, v31  }
.LBB2_130:
0x6d1: {  	_ =	sdelay $0x3  }
0x6d2: {  	v26 =	vadd.s32 v6, v26;
	v28 =	vadd.s32 @p2 v30, v28;
	v25 =	vld.idx.msk [tilespmem:v25+s2+$0x0], $0xffff  }
0x6d3: {  	v30 =	vsel @p2 vm6, $0x1, v0;
	v27 =	vnsel @p2 vm7, $0x0, v27;
	vm3 =	vmmov vm3;
	v23 =	vld.idx.msk [tilespmem:v23+s2+$0x0], $0xffff  }
0x6d4: {  	vm0 =	vmmov vm4;
	v19 =	vld.idx.msk [tilespmem:v19+s2+$0x0], $0xffff;
	v28 =	vadd.s32 @p2 v30, v28;
	v30 =	vsel @p2 vm7, $0x1, v0  }
0x6d5: {  	v27 =	vadd.f32 @p2 v27, v29;
	v29 =	vsel @p2 vm8, $0x1, v0;
	v28 =	vadd.s32 @p2 v30, v28  }
0x6d6: {  	vm2 =	vmmov vm2;
	v24 =	vnsel @p2 vm8, $0x0, v24;
	v28 =	vadd.s32 @p2 v29, v28  }
0x6d7: {  	vm1 =	vmmov vm1;
	v24 =	vadd.f32 @p2 v24, v27;
	v10 =	vpsel p2, v28, v10;
	v26 =	vld.idx.msk [tilespmem:v26+s2+$0x0], $0xffff  }
0x6d8: {  	vm4 =	vlt.s32 v25, $0x0;
	v58 =	vxor.u32 $0xFFFFFFFF, v25;
	vm5 =	vlt.s32 v23, $0x0  }
0x6d9: {  	vm10 =	vlt.s32 v19, $0x0;
	v60 =	vxor.u32 $0xFFFFFFFF, v19;
	v31 =	vxor.u32 $0x80000000, v19  }
0x6da: {  	v59 =	vxor.u32 $0xFFFFFFFF, v23;
	v32 =	vxor.u32 $0x80000000, v25;
	v30 =	vsel vm10, v60, v31  }
0x6db: {  	v33 =	vxor.u32 $0x80000000, v23;
	v15 =	vpsel p2, v24, v15;
	vm9 =	vgt.s32 v30, v8  }
0x6dc: {  	vm11 =	vlt.s32 v26, $0x0;
	v61 =	vxor.u32 $0xFFFFFFFF, v26;
	v62 =	vxor.u32 $0x80000000, v26  }
0x6dd: {  	v27 =	vsel vm4, v58, v32;
	vm3 =	vmand vm3, vm9;
	v30 =	vsel vm11, v61, v62  }
0x6de: {  	v29 =	vsel vm5, v59, v33;
	v19 =	vnsel vm3, $0x0, v19;
	vm10 =	vgt.s32 v30, v8  }
0x6df: {  	vm5 =	vgt.s32 v29, v8;
	v15 =	vadd.f32 v19, v15;
	vm2 =	vmand vm2, vm10  }
0x6e0: {  	vm1 =	vmand vm1, vm5;
	v63 =	vsel vm3, $0x1, v0;
	v19 =	vnsel vm2, $0x0, v26  }
.Ltmp83:
0x6e1: {  	v23 =	vnsel vm1, $0x0, v23;
	vm11 =	vgt.s32 v27, v8;
	v15 =	vadd.f32 v19, v15;
	(pc) =	sbr.rel .LBB2_101-.Ltmp83, $4  }
0x6e2: {  	v10 =	vadd.s32 v63, v10;
	vm0 =	vmand vm0, vm11;
	v19 =	vsel vm2, $0x1, v0  }
0x6e3: {  	v10 =	vadd.s32 v19, v10;
	v19 =	vsel vm1, $0x1, v0;
	v23 =	vadd.f32 v23, v15  }
0x6e4: {  	v10 =	vadd.s32 v19, v10;
	v15 =	vsel vm0, $0x1, v0;
	v19 =	vnsel vm0, $0x0, v25  }
0x6e5: {  	v15 =	vadd.s32 v15, v10;
	v10 =	vadd.f32 v19, v23  }
.LBB2_100:
0x6e6: {  	v10 =	vimm.f32 $0.0e+00;
	v15 =	vimm.s32 $0x0  }
.LBB2_101:
.Ltmp84:
0x6e7: {  	(pc) =	sbr.rel @p1 .LBB2_103-.Ltmp84, $1  }
0x6e8: {  	_ =	sdelay $0x3  }
.LBB2_102:
0x6e9: {  	v19 =	vld [tilespmem:s28+$0x0];
	_ =	sdelay $0x2  }
0x6ea: {  	s0 =	sadd.s32 s26, s25  }
0x6eb: {  	v23 =	vmov s0  }
0x6ec: {  	vm0 =	vlt.s32 v23, v16;
	v19 =	vshll.u32 v19, $0x4  }
0x6ed: {  	v19 =	vnsel vm0, $0x0, v19  }
0x6ee: {  	v19 =	vadd.s32 v6, v19;
	_ =	sdelay $0x4  }
0x6ef: {  	v19 =	vld.idx.msk [tilespmem:v19+s2+$0x0], $0xffff;
	_ =	sdelay $0x3  }
0x6f0: {  	s26 =	sadd.s32 $0x1, s26  }
0x6f1: {  	p1 =	seq.s32 s26, $0x0;
	vm1 =	vlt.s32 v19, $0x0;
	v23 =	vxor.u32 $0xFFFFFFFF, v19;
	v24 =	vxor.u32 $0x80000000, v19  }
.Ltmp85:
0x6f2: {  	v23 =	vsel vm1, v23, v24;
	(pc) =	sbr.rel @!p1 .LBB2_102-.Ltmp85, $4  }
0x6f3: {  	vm1 =	vgt.s32 v23, v8  }
0x6f4: {  	vm0 =	vmand vm0, vm1  }
0x6f5: {  	v23 =	vsel vm0, $0x1, v0;
	v19 =	vnsel vm0, $0x0, v19  }
0x6f6: {  	s28 =	sadd.s32 $0x10, s28;
	v15 =	vadd.s32 v23, v15;
	v10 =	vadd.f32 v19, v10  }
.LBB2_103:
0x6f7: {  	v15 =	vsub.s32 v18, v15;
	vm0 =	vgt.s32 v8, $0xFFFFFFFF  }
0x6f8: {  	v15 =	vcvt.s32.f32 v15;
	v16 =	vsel vm0, $0xFFFFFFFF, v5  }
0x6f9: {  	v8 =	vxor.u32 v8, v16  }
0x6fa: {  	v10 =	vadd.f32 v10, v17;
	v8 =	vmul.f32 v15, v8;
	_ =	sdelay $0x1  }
0x6fb: {  	v8 =	vadd.f32 v8, v10  }
.LBB2_104:
0x6fc: {  	p1 =	sne.s32 s24, $0x80000001  }
.Ltmp86:
0x6fd: {  	_ = 	snop;
	(pc) =	sbr.rel @p1 .LBB2_131-.Ltmp86, $2  }
0x6fe: {  	_ =	sdelay $0x2  }
0x6ff: {  	v10 =	vadd.f32 v22, v14  }
0x700: {  	v6 =	vld [tilespmem:$0xC000];
	_ =	sdelay $0x4  }
0x701: {  	vm0 =	vgt.s32 v13, $0x0;
	v6 =	vshll.u32 v6, $0x4  }
0x702: {  	v6 =	vnsel vm0, $0x0, v6  }
0x703: {  	v6 =	vadd.s32 v9, v6  }
0x704: {  	v6 =	vor.u32 v2, v6;
	_ =	sdelay $0x4  }
0x705: {  	v6 =	vld.idx.msk [tilespmem:v6+s2+$0x0], $0xffff  }
.Ltmp87:
0x706: {  	_ = 	snop;
	(pc) =	sbr.rel .LBB2_142-.Ltmp87, $2  }
0x707: {  	_ =	sdelay $0x2  }
0x708: {  	v6 =	vadd.f32 v6, v10  }
.LBB2_131:
0x709: {  	s25 =	sxor.u32 $0x80000000, s24  }
0x70a: {  	s0 =	sshra.s32 s25, $0x1F  }
0x70b: {  	s0 =	sshrl.u32 s0, $0x1E  }
0x70c: {  	s0 =	sadd.s32 s0, s25  }
0x70d: {  	s28 =	sand.u32 $0xFFFFFFFC, s0  }
.Ltmp88:
0x70e: {  	s0 =	ssub.s32 s25, s28;
	(pc) =	sbr.rel .LBB2_132-.Ltmp88, $4  }
0x70f: {  	s1 =	sshll.u32 s24, $0x6;
	v9 =	vshll.u32 v7, $0xC;
	v11 =	vshll.u32 v11, $0x6;
	s6 =	sshll.u32 s0, $0x6  }
0x710: {  	v7 =	vsub.s32 v12, v21;
	v9 =	vor.u32 v9, v11;
	s1 =	ssub.s32 s1, s6  }
0x711: {  	s29 =	simm.s32 $0x0;
	v11 =	vsub.s32 v13, v7;
	v9 =	vor.u32 v20, v9;
	p2 =	slt.s32 s28, $0x1;
	s1 =	sshra.s32 s1, $0x2  }
0x712: {  	v11 =	vadd.s32 $0x1, v11;
	v9 =	vshll.u32 v9, $0xE;
	p1 =	sge.s32 s28, s25;
	s24 =	ssub.s32 $0x0, s0;
	s26 =	sadd.s32 $0xC000, s1  }
.LBB2_136:
0x713: {  	s29 =	sadd.s32 $0x1, s29  }
0x714: {  	p3 =	sne.s32 s29, $0xE  }
.Ltmp89:
0x715: {  	_ = 	snop;
	(pc) =	sbr.rel @!p3 .LBB2_137-.Ltmp89, $3  }
0x716: {  	_ =	sdelay $0x1  }
0x717: {  	vm0 =	vlt.s32 v14, v11  }
0x718: {  	v9 =	vsel vm0, v9, v12  }
.LBB2_132:
.Ltmp90:
0x719: {  	(pc) =	sbr.rel @p2 .LBB2_133-.Ltmp90, $3  }
0x71a: {  	_ =	sdelay $0x1  }
0x71b: {  	s0 =	sshrl.u32 s18, s29  }
0x71c: {  	v12 =	vor.u32 s0, v9  }
0x71d: {  	s1 =	simm.s32 $0xC020  }
0x71e: {  	v15 =	vld [tilespmem:s1+$0x10]  }
0x71f: {  	v16 =	vld [tilespmem:s1+$0x0]  }
0x720: {  	v17 =	vld [tilespmem:s1+$0xFFFFFFF0]  }
0x721: {  	s0 =	simm.s32 $0x0;
	v18 =	vld [tilespmem:s1+$0xFFFFFFE0]  }
0x722: {  	v14 =	vimm.s32 $0x0;
	s30 =	simm.s32 $0x3;
	s6 =	simm.s32 $0x2;
	v19 =	vmov s0  }
0x723: {  	s31 =	simm.s32 $0x1;
	p4 =	sgt.s32 s28, $0x4;
	v20 =	vmov s30;
	v21 =	vmov s6;
	vm5 =	vlt.s32 v19, v13  }
.Ltmp91:
0x724: {  	v19 =	vmov s31;
	vm1 =	vlt.s32 v20, v13;
	vm2 =	vlt.s32 v21, v13;
	(pc) =	sbr.rel @!p4 .LBB2_146-.Ltmp91, $4  }
0x725: {  	vm6 =	vlt.s32 v19, v13;
	v15 =	vshll.u32 v15, $0x4;
	v17 =	vshll.u32 v17, $0x4  }
0x726: {  	v18 =	vshll.u32 v18, $0x4;
	v16 =	vshll.u32 v16, $0x4;
	v19 =	vnsel vm6, $0x0, v17  }
0x727: {  	v16 =	vnsel vm2, $0x0, v16;
	v15 =	vnsel vm1, $0x0, v15;
	v18 =	vnsel vm5, $0x0, v18  }
0x728: {  	p3 =	por $0x0, $0x0;
	s0 =	simm.s32 $0x4;
	s1 =	simm.s32 $0xC060;
	v16 =	vadd.s32 v6, v16;
	v17 =	vadd.s32 v6, v15;
	v15 =	vadd.s32 v6, v19  }
0x729: {  	v19 =	vld [tilespmem:s1+$0x10]  }
0x72a: {  	v20 =	vld [tilespmem:s1+$0x0]  }
0x72b: {  	v21 =	vld [tilespmem:s1+$0xFFFFFFF0]  }
0x72c: {  	v22 =	vld [tilespmem:s1+$0xFFFFFFE0]  }
0x72d: {  	vm0 =	vmmov vm5;
	vm3 =	vmmov vm6;
	v18 =	vadd.s32 v6, v18;
	v26 =	vld.idx.msk [tilespmem:v17+s2+$0x0], $0xffff  }
0x72e: {  	s6 =	simm.s32 $0x7;
	vm4 =	vmmov vm1;
	vm7 =	vmmov vm2;
	v23 =	vmov s0;
	s31 =	simm.s32 $0x5  }
0x72f: {  	s30 =	simm.s32 $0x6;
	v25 =	vmov s6;
	v17 =	vmov s31;
	vm5 =	vlt.s32 v23, v13;
	v23 =	vld.idx.msk [tilespmem:v16+s2+$0x0], $0xffff  }
0x730: {  	v24 =	vmov s30;
	vm1 =	vlt.s32 v25, v13;
	vm6 =	vlt.s32 v17, v13  }
0x731: {  	vm2 =	vlt.s32 v24, v13;
	v16 =	vshll.u32 v19, $0x4;
	v19 =	vld.idx.msk [tilespmem:v15+s2+$0x0], $0xffff;
	v15 =	vshll.u32 v21, $0x4  }
0x732: {  	v17 =	vshll.u32 v22, $0x4;
	v20 =	vshll.u32 v20, $0x4;
	v21 =	vld.idx.msk [tilespmem:v18+s2+$0x0], $0xffff;
	vm8 =	vlt.s32 v26, $0x0  }
0x733: {  	v61 =	vxor.u32 $0x80000000, v26;
	v15 =	vnsel vm6, $0x0, v15;
	v20 =	vnsel vm2, $0x0, v20  }
0x734: {  	v22 =	vnsel vm1, $0x0, v16;
	v18 =	vnsel vm5, $0x0, v17;
	vm9 =	vlt.s32 v23, $0x0  }
0x735: {  	v16 =	vadd.s32 v6, v20;
	v17 =	vadd.s32 v6, v22;
	v15 =	vadd.s32 v6, v15  }
0x736: {  	p4 =	sgt.s32 s28, $0x8;
	v20 =	vxor.u32 $0xFFFFFFFF, v26;
	v22 =	vxor.u32 $0xFFFFFFFF, v23;
	v23 =	vxor.u32 $0x80000000, v23  }
.Ltmp92:
0x737: {  	vm10 =	vlt.s32 v19, $0x0;
	vm11 =	vlt.s32 v21, $0x0;
	v62 =	vxor.u32 $0xFFFFFFFF, v21;
	(pc) =	sbr.rel @!p4 .LBB2_148-.Ltmp92, $4  }
0x738: {  	v21 =	vxor.u32 $0x80000000, v21;
	v63 =	vxor.u32 $0xFFFFFFFF, v19;
	v19 =	vxor.u32 $0x80000000, v19  }
0x739: {  	v24 =	vsel vm8, v20, v61;
	v21 =	vsel vm11, v62, v21;
	v19 =	vsel vm10, v63, v19  }
0x73a: {  	v20 =	vsel vm9, v22, v23;
	vm8 =	vge.s32 v21, v12;
	vm9 =	vge.s32 v19, v12  }
0x73b: {  	s0 =	simm.s32 $0x8;
	s1 =	simm.s32 $0xC0A0;
	p3 =	por $0x1, $0x1;
	v19 =	vimm.s32 $0x0;
	vm0 =	vmand vm0, vm8;
	vm8 =	vge.s32 v24, v12  }
.LBB2_149:
0x73c: {  	v22 =	vsel vm0, $0x1, v0;
	vm9 =	vmand vm3, vm9  }
0x73d: {  	v21 =	vld [tilespmem:s1+$0x10];
	vm10 =	vge.s32 v20, v12;
	vm0 =	vmmov vm5;
	vm3 =	vmmov vm6  }
0x73e: {  	v20 =	vld [tilespmem:s1+$0x0];
	v19 =	vadd.s32 v22, v19;
	v22 =	vsel vm9, $0x1, v0;
	vm5 =	vmand vm7, vm10  }
0x73f: {  	vm4 =	vmand vm4, vm8;
	v23 =	vld [tilespmem:s1+$0xFFFFFFF0];
	v19 =	vadd.s32 v22, v19;
	v22 =	vsel vm5, $0x1, v0  }
0x740: {  	v18 =	vadd.s32 v6, v18;
	v24 =	vld [tilespmem:s1+$0xFFFFFFE0];
	v19 =	vadd.s32 v22, v19;
	v22 =	vsel vm4, $0x1, v0  }
0x741: {  	s6 =	sadd.s32 $0x2, s0;
	s7 =	sadd.s32 $0x3, s0;
	vm7 =	vmmov vm2;
	vm4 =	vmmov vm1;
	v19 =	vadd.s32 v22, v19  }
0x742: {  	s8 =	sadd.s32 $0x1, s0;
	v25 =	vmov s6;
	v26 =	vmov s7;
	v22 =	vmov s0;
	v27 =	vld.idx.msk [tilespmem:v17+s2+$0x0], $0xffff  }
0x743: {  	vm1 =	vlt.s32 v26, v13;
	vm5 =	vlt.s32 v22, v13;
	v17 =	vmov s8;
	v22 =	vld.idx.msk [tilespmem:v16+s2+$0x0], $0xffff  }
0x744: {  	vm2 =	vlt.s32 v25, v13;
	vm6 =	vlt.s32 v17, v13;
	v16 =	vshll.u32 v21, $0x4;
	v21 =	vld.idx.msk [tilespmem:v15+s2+$0x0], $0xffff  }
0x745: {  	v20 =	vshll.u32 v20, $0x4;
	v17 =	vshll.u32 v23, $0x4;
	v15 =	vshll.u32 v24, $0x4;
	v23 =	vld.idx.msk [tilespmem:v18+s2+$0x0], $0xffff  }
0x746: {  	v24 =	vnsel vm6, $0x0, v17;
	v17 =	vnsel vm2, $0x0, v20;
	v20 =	vnsel vm1, $0x0, v16  }
0x747: {  	v18 =	vnsel vm5, $0x0, v15;
	v16 =	vadd.s32 v6, v17;
	v17 =	vadd.s32 v6, v20  }
0x748: {  	s0 =	sadd.s32 $0x4, s0;
	v15 =	vadd.s32 v6, v24;
	vm8 =	vlt.s32 v27, $0x0;
	v20 =	vxor.u32 $0xFFFFFFFF, v27  }
0x749: {  	p4 =	slt.s32 s0, s28;
	v25 =	vxor.u32 $0x80000000, v27;
	vm9 =	vlt.s32 v22, $0x0;
	v24 =	vxor.u32 $0xFFFFFFFF, v22  }
.Ltmp93:
0x74a: {  	v22 =	vxor.u32 $0x80000000, v22;
	vm10 =	vlt.s32 v21, $0x0;
	v26 =	vxor.u32 $0xFFFFFFFF, v21;
	(pc) =	sbr.rel @p4 .LBB2_149-.Ltmp93, $4  }
0x74b: {  	vm11 =	vlt.s32 v23, $0x0;
	v27 =	vxor.u32 $0xFFFFFFFF, v23;
	v23 =	vxor.u32 $0x80000000, v23  }
0x74c: {  	v25 =	vsel vm8, v20, v25;
	v21 =	vxor.u32 $0x80000000, v21;
	v23 =	vsel vm11, v27, v23  }
0x74d: {  	v20 =	vsel vm9, v24, v22;
	v21 =	vsel vm10, v26, v21;
	vm8 =	vge.s32 v23, v12  }
0x74e: {  	s1 =	sadd.s32 $0x40, s1;
	vm9 =	vge.s32 v21, v12;
	vm0 =	vmand vm0, vm8;
	vm8 =	vge.s32 v25, v12  }
.LBB2_150:
0x74f: {  	_ =	sdelay $0x2  }
0x750: {  	v18 =	vadd.s32 v6, v18  }
0x751: {  	v21 =	vsel @p3 vm0, $0x1, v0;
	v17 =	vld.idx.msk [tilespmem:v17+s2+$0x0], $0xffff  }
0x752: {  	vm3 =	vmand @p3 vm3, vm9;
	vm9 =	vge.s32 @p3 v20, v12;
	vm0 =	vmmov vm5;
	v16 =	vld.idx.msk [tilespmem:v16+s2+$0x0], $0xffff  }
0x753: {  	v15 =	vld.idx.msk [tilespmem:v15+s2+$0x0], $0xffff;
	v19 =	vadd.s32 @p3 v21, v19;
	v20 =	vsel @p3 vm3, $0x1, v0;
	vm3 =	vmand @p3 vm7, vm9  }
0x754: {  	v19 =	vadd.s32 @p3 v20, v19;
	v20 =	vsel @p3 vm3, $0x1, v0;
	vm3 =	vmand @p3 vm4, vm8  }
0x755: {  	vm1 =	vmmov vm1;
	v19 =	vadd.s32 @p3 v20, v19;
	v20 =	vsel @p3 vm3, $0x1, v0;
	v18 =	vld.idx.msk [tilespmem:v18+s2+$0x0], $0xffff  }
0x756: {  	vm2 =	vmmov vm2;
	vm4 =	vmmov vm6;
	v19 =	vadd.s32 @p3 v20, v19  }
0x757: {  	vm9 =	vlt.s32 v17, $0x0;
	v62 =	vxor.u32 $0xFFFFFFFF, v17;
	vm5 =	vlt.s32 v16, $0x0  }
0x758: {  	v63 =	vxor.u32 $0xFFFFFFFF, v16;
	v17 =	vxor.u32 $0x80000000, v17;
	vm10 =	vlt.s32 v15, $0x0  }
0x759: {  	v23 =	vxor.u32 $0xFFFFFFFF, v15;
	v16 =	vxor.u32 $0x80000000, v16;
	v15 =	vxor.u32 $0x80000000, v15  }
0x75a: {  	vm11 =	vlt.s32 v18, $0x0;
	v22 =	vxor.u32 $0xFFFFFFFF, v18;
	v18 =	vxor.u32 $0x80000000, v18  }
0x75b: {  	v14 =	vpsel p3, v19, v14;
	v15 =	vsel vm10, v23, v15;
	v18 =	vsel vm11, v22, v18  }
0x75c: {  	v17 =	vsel vm9, v62, v17;
	vm10 =	vge.s32 v15, v12;
	vm9 =	vge.s32 v18, v12  }
0x75d: {  	v16 =	vsel vm5, v63, v16;
	vm8 =	vmand vm4, vm10;
	vm0 =	vmand vm0, vm9  }
.Ltmp94:
0x75e: {  	vm11 =	vge.s32 v17, v12;
	vm9 =	vge.s32 v16, v12;
	v15 =	vsel vm0, $0x1, v0;
	(pc) =	sbr.rel .LBB2_134-.Ltmp94, $4  }
0x75f: {  	vm10 =	vmand vm2, vm9;
	v14 =	vadd.s32 v15, v14;
	v15 =	vsel vm8, $0x1, v0  }
0x760: {  	vm11 =	vmand vm1, vm11;
	v14 =	vadd.s32 v15, v14;
	v15 =	vsel vm10, $0x1, v0  }
0x761: {  	v14 =	vadd.s32 v15, v14;
	v15 =	vsel vm11, $0x1, v0  }
0x762: {  	v14 =	vadd.s32 v15, v14  }
.LBB2_133:
0x763: {  	v14 =	vimm.s32 $0x0  }
.LBB2_134:
.Ltmp95:
0x764: {  	(pc) =	sbr.rel @p1 .LBB2_136-.Ltmp95, $2  }
0x765: {  	_ =	sdelay $0x2  }
0x766: {  	s0 =	smov.u32 s26;
	s1 =	smov.u32 s24  }
.LBB2_135:
0x767: {  	v15 =	vld [tilespmem:s0+$0x0];
	_ =	sdelay $0x2  }
0x768: {  	s6 =	sadd.s32 s1, s25  }
0x769: {  	v16 =	vmov s6  }
0x76a: {  	vm0 =	vlt.s32 v16, v13;
	v15 =	vshll.u32 v15, $0x4  }
0x76b: {  	v15 =	vnsel vm0, $0x0, v15  }
0x76c: {  	v15 =	vadd.s32 v6, v15;
	_ =	sdelay $0x4  }
0x76d: {  	v15 =	vld.idx.msk [tilespmem:v15+s2+$0x0], $0xffff;
	_ =	sdelay $0x3  }
0x76e: {  	s1 =	sadd.s32 $0x1, s1  }
0x76f: {  	p3 =	seq.s32 s1, $0x0;
	vm1 =	vlt.s32 v15, $0x0;
	v63 =	vxor.u32 $0xFFFFFFFF, v15;
	v15 =	vxor.u32 $0x80000000, v15  }
.Ltmp96:
0x770: {  	v15 =	vsel vm1, v63, v15;
	(pc) =	sbr.rel @!p3 .LBB2_135-.Ltmp96, $4  }
0x771: {  	vm1 =	vge.s32 v15, v12  }
0x772: {  	vm0 =	vmand vm0, vm1  }
0x773: {  	v15 =	vsel vm0, $0x1, v0  }
0x774: {  	s0 =	sadd.s32 $0x10, s0;
	v14 =	vadd.s32 v15, v14  }
.Ltmp97:
0x775: {  	_ = 	snop;
	(pc) =	sbr.rel .LBB2_136-.Ltmp97, $1  }
0x776: {  	_ =	sdelay $0x3  }
.LBB2_146:
.Ltmp98:
0x777: {  	(pc) =	sbr.rel .LBB2_150-.Ltmp98, $2  }
0x778: {  	_ =	sdelay $0x2  }
0x779: {  	v19 =	vimm.s32 $0x0  }
.LBB2_148:
.Ltmp99:
0x77a: {  	(pc) =	sbr.rel .LBB2_150-.Ltmp99, $2  }
0x77b: {  	_ =	sdelay $0x2  }
0x77c: {  	v19 =	vimm.s32 $0x0  }
.LBB2_137:
.Ltmp100:
0x77d: {  	(pc) =	sbr.rel @p2 .LBB2_138-.Ltmp100, $1  }
0x77e: {  	_ =	sdelay $0x3  }
0x77f: {  	s1 =	simm.s32 $0xC020  }
0x780: {  	v14 =	vld [tilespmem:s1+$0x10]  }
0x781: {  	v15 =	vld [tilespmem:s1+$0x0]  }
0x782: {  	v16 =	vld [tilespmem:s1+$0xFFFFFFF0]  }
0x783: {  	s0 =	simm.s32 $0x0;
	v17 =	vld [tilespmem:s1+$0xFFFFFFE0]  }
0x784: {  	v11 =	vimm.s32 $0x0;
	v12 =	vimm.f32 $0.0e+00;
	s30 =	simm.s32 $0x3;
	s6 =	simm.s32 $0x2;
	v18 =	vmov s0  }
0x785: {  	s31 =	simm.s32 $0x1;
	p3 =	sgt.s32 s28, $0x4;
	v19 =	vmov s30;
	v20 =	vmov s6;
	vm3 =	vlt.s32 v18, v13  }
.Ltmp101:
0x786: {  	v18 =	vmov s31;
	vm4 =	vlt.s32 v19, v13;
	vm1 =	vlt.s32 v20, v13;
	(pc) =	sbr.rel @!p3 .LBB2_152-.Ltmp101, $4  }
0x787: {  	vm2 =	vlt.s32 v18, v13;
	v14 =	vshll.u32 v14, $0x4;
	v16 =	vshll.u32 v16, $0x4  }
0x788: {  	v17 =	vshll.u32 v17, $0x4;
	v15 =	vshll.u32 v15, $0x4;
	v18 =	vnsel vm2, $0x0, v16  }
0x789: {  	v15 =	vnsel vm1, $0x0, v15;
	v14 =	vnsel vm4, $0x0, v14;
	v16 =	vnsel vm3, $0x0, v17  }
0x78a: {  	p2 =	por $0x0, $0x0;
	s0 =	simm.s32 $0x4;
	s1 =	simm.s32 $0xC060;
	v15 =	vadd.s32 v6, v15;
	v17 =	vadd.s32 v6, v14;
	v14 =	vadd.s32 v6, v16  }
0x78b: {  	v20 =	vld [tilespmem:s1+$0x10]  }
0x78c: {  	v21 =	vld [tilespmem:s1+$0x0]  }
0x78d: {  	v22 =	vld [tilespmem:s1+$0xFFFFFFF0]  }
0x78e: {  	v23 =	vld [tilespmem:s1+$0xFFFFFFE0]  }
0x78f: {  	vm7 =	vmmov vm3;
	vm0 =	vmmov vm4;
	v24 =	vadd.s32 v6, v18;
	v16 =	vld.idx.msk [tilespmem:v17+s2+$0x0], $0xffff  }
0x790: {  	vm6 =	vmmov vm2;
	s30 =	simm.s32 $0x6;
	s6 =	simm.s32 $0x7;
	vm5 =	vmmov vm1;
	v18 =	vmov s0;
	s31 =	simm.s32 $0x5  }
0x791: {  	v25 =	vmov s30;
	v19 =	vmov s6;
	v17 =	vmov s31  }
0x792: {  	vm3 =	vlt.s32 v18, v13;
	vm4 =	vlt.s32 v19, v13;
	v19 =	vld.idx.msk [tilespmem:v15+s2+$0x0], $0xffff;
	vm2 =	vlt.s32 v17, v13  }
0x793: {  	vm1 =	vlt.s32 v25, v13;
	v15 =	vshll.u32 v20, $0x4;
	v20 =	vld.idx.msk [tilespmem:v14+s2+$0x0], $0xffff;
	v14 =	vshll.u32 v22, $0x4  }
0x794: {  	v17 =	vshll.u32 v23, $0x4;
	v21 =	vshll.u32 v21, $0x4;
	v22 =	vld.idx.msk [tilespmem:v24+s2+$0x0], $0xffff;
	vm8 =	vlt.s32 v16, $0x0  }
0x795: {  	v26 =	vxor.u32 $0x80000000, v16;
	v18 =	vnsel vm2, $0x0, v14;
	v14 =	vnsel vm1, $0x0, v21  }
0x796: {  	v21 =	vnsel vm4, $0x0, v15;
	v23 =	vnsel vm3, $0x0, v17;
	v15 =	vadd.s32 v6, v14  }
0x797: {  	v17 =	vadd.s32 v6, v21;
	v14 =	vadd.s32 v6, v23;
	v21 =	vxor.u32 $0xFFFFFFFF, v16  }
0x798: {  	vm9 =	vlt.s32 v19, $0x0;
	v62 =	vxor.u32 $0xFFFFFFFF, v19;
	vm10 =	vlt.s32 v20, $0x0  }
0x799: {  	v23 =	vxor.u32 $0xFFFFFFFF, v20;
	v61 =	vxor.u32 $0x80000000, v20;
	v63 =	vxor.u32 $0xFFFFFFFF, v22  }
0x79a: {  	v27 =	vxor.u32 $0x80000000, v22;
	v23 =	vsel vm10, v23, v61;
	vm10 =	vlt.s32 v22, $0x0  }
0x79b: {  	p3 =	sgt.s32 s28, $0x8;
	v21 =	vsel vm8, v21, v26;
	vm11 =	vlt.s32 v23, v9;
	v24 =	vsel vm10, v63, v27  }
.Ltmp102:
0x79c: {  	v23 =	vxor.u32 $0x80000000, v19;
	vm7 =	vmand vm7, vm11;
	vm8 =	vlt.s32 v24, v9;
	(pc) =	sbr.rel @!p3 .LBB2_154-.Ltmp102, $4  }
0x79d: {  	v23 =	vsel vm9, v62, v23;
	v20 =	vnsel vm7, $0x0, v20;
	vm6 =	vmand vm6, vm8  }
0x79e: {  	vm8 =	vlt.s32 v21, v9;
	vm9 =	vlt.s32 v23, v9;
	v20 =	vadd.f32 v20, v12  }
0x79f: {  	v21 =	vnsel vm6, $0x0, v22;
	vm8 =	vmand vm0, vm8;
	v22 =	vsel vm7, $0x1, v0  }
0x7a0: {  	s1 =	simm.s32 $0x8;
	s29 =	simm.s32 $0xC0A0;
	p2 =	por $0x1, $0x1;
	vm7 =	vmand vm5, vm9;
	v21 =	vadd.f32 v21, v20;
	v20 =	vimm.s32 $0x0  }
.LBB2_155:
0x7a1: {  	v20 =	vadd.s32 v22, v20;
	v22 =	vsel vm6, $0x1, v0;
	v19 =	vnsel vm7, $0x0, v19  }
0x7a2: {  	v23 =	vld [tilespmem:s29+$0x10];
	vm0 =	vmmov vm3;
	vm5 =	vmmov vm4;
	vm6 =	vmmov vm2  }
0x7a3: {  	v24 =	vld [tilespmem:s29+$0x0];
	v20 =	vadd.s32 v22, v20;
	v22 =	vsel vm7, $0x1, v0;
	v19 =	vadd.f32 v19, v21  }
0x7a4: {  	v16 =	vnsel vm8, $0x0, v16;
	v21 =	vld [tilespmem:s29+$0xFFFFFFF0];
	v20 =	vadd.s32 v22, v20;
	v22 =	vsel vm8, $0x1, v0  }
0x7a5: {  	v18 =	vadd.s32 v6, v18;
	v25 =	vld [tilespmem:s29+$0xFFFFFFE0];
	v20 =	vadd.s32 v22, v20;
	v22 =	vadd.f32 v16, v19  }
0x7a6: {  	s0 =	sadd.s32 $0x2, s1;
	s6 =	sadd.s32 $0x3, s1;
	vm7 =	vmmov vm1  }
0x7a7: {  	s7 =	sadd.s32 $0x1, s1;
	v26 =	vmov s0;
	v27 =	vmov s6;
	v19 =	vmov s1;
	v16 =	vld.idx.msk [tilespmem:v17+s2+$0x0], $0xffff  }
0x7a8: {  	vm4 =	vlt.s32 v27, v13;
	vm3 =	vlt.s32 v19, v13;
	v17 =	vmov s7;
	v19 =	vld.idx.msk [tilespmem:v15+s2+$0x0], $0xffff  }
0x7a9: {  	vm1 =	vlt.s32 v26, v13;
	vm2 =	vlt.s32 v17, v13;
	v15 =	vshll.u32 v23, $0x4;
	v23 =	vld.idx.msk [tilespmem:v14+s2+$0x0], $0xffff  }
0x7aa: {  	v17 =	vshll.u32 v21, $0x4;
	v21 =	vshll.u32 v24, $0x4;
	v14 =	vshll.u32 v25, $0x4;
	v24 =	vld.idx.msk [tilespmem:v18+s2+$0x0], $0xffff  }
0x7ab: {  	v18 =	vnsel vm2, $0x0, v17;
	v17 =	vnsel vm1, $0x0, v21;
	v21 =	vnsel vm4, $0x0, v15  }
0x7ac: {  	v14 =	vnsel vm3, $0x0, v14;
	v15 =	vadd.s32 v6, v17;
	v17 =	vadd.s32 v6, v21  }
0x7ad: {  	v14 =	vadd.s32 v6, v14;
	vm8 =	vlt.s32 v16, $0x0;
	v21 =	vxor.u32 $0xFFFFFFFF, v16  }
0x7ae: {  	v26 =	vxor.u32 $0x80000000, v16;
	vm9 =	vlt.s32 v19, $0x0;
	v25 =	vxor.u32 $0xFFFFFFFF, v19  }
0x7af: {  	vm10 =	vlt.s32 v23, $0x0;
	v27 =	vxor.u32 $0xFFFFFFFF, v23;
	v28 =	vxor.u32 $0x80000000, v23  }
0x7b0: {  	s1 =	sadd.s32 $0x4, s1;
	v27 =	vsel vm10, v27, v28;
	vm10 =	vlt.s32 v24, $0x0;
	v28 =	vxor.u32 $0x80000000, v19  }
0x7b1: {  	p3 =	slt.s32 s1, s28;
	v29 =	vxor.u32 $0x80000000, v24;
	vm11 =	vlt.s32 v27, v9;
	v27 =	vxor.u32 $0xFFFFFFFF, v24  }
.Ltmp103:
0x7b2: {  	v21 =	vsel vm8, v21, v26;
	vm0 =	vmand vm0, vm11;
	v27 =	vsel vm10, v27, v29;
	(pc) =	sbr.rel @p3 .LBB2_155-.Ltmp103, $4  }
0x7b3: {  	v25 =	vsel vm9, v25, v28;
	v23 =	vnsel vm0, $0x0, v23;
	vm8 =	vlt.s32 v27, v9  }
0x7b4: {  	v23 =	vadd.f32 v23, v22;
	vm6 =	vmand vm6, vm8;
	vm8 =	vlt.s32 v21, v9  }
0x7b5: {  	vm9 =	vlt.s32 v25, v9;
	v21 =	vnsel vm6, $0x0, v24;
	vm8 =	vmand vm5, vm8  }
0x7b6: {  	s29 =	sadd.s32 $0x40, s29;
	vm7 =	vmand vm7, vm9;
	v22 =	vsel vm0, $0x1, v0;
	v21 =	vadd.f32 v21, v23  }
.LBB2_156:
0x7b7: {  	_ =	sdelay $0x3  }
0x7b8: {  	v18 =	vadd.s32 v6, v18;
	v20 =	vadd.s32 @p2 v22, v20;
	v17 =	vld.idx.msk [tilespmem:v17+s2+$0x0], $0xffff  }
0x7b9: {  	v22 =	vsel @p2 vm6, $0x1, v0;
	v19 =	vnsel @p2 vm7, $0x0, v19;
	vm3 =	vmmov vm3;
	v15 =	vld.idx.msk [tilespmem:v15+s2+$0x0], $0xffff  }
0x7ba: {  	vm0 =	vmmov vm4;
	v14 =	vld.idx.msk [tilespmem:v14+s2+$0x0], $0xffff;
	v20 =	vadd.s32 @p2 v22, v20;
	v22 =	vsel @p2 vm7, $0x1, v0  }
0x7bb: {  	v19 =	vadd.f32 @p2 v19, v21;
	v21 =	vsel @p2 vm8, $0x1, v0;
	v20 =	vadd.s32 @p2 v22, v20  }
0x7bc: {  	vm2 =	vmmov vm2;
	v16 =	vnsel @p2 vm8, $0x0, v16;
	v20 =	vadd.s32 @p2 v21, v20  }
0x7bd: {  	vm1 =	vmmov vm1;
	v16 =	vadd.f32 @p2 v16, v19;
	v11 =	vpsel p2, v20, v11;
	v18 =	vld.idx.msk [tilespmem:v18+s2+$0x0], $0xffff  }
0x7be: {  	vm4 =	vlt.s32 v17, $0x0;
	v58 =	vxor.u32 $0xFFFFFFFF, v17;
	vm5 =	vlt.s32 v15, $0x0  }
0x7bf: {  	vm10 =	vlt.s32 v14, $0x0;
	v60 =	vxor.u32 $0xFFFFFFFF, v14;
	v23 =	vxor.u32 $0x80000000, v14  }
0x7c0: {  	v59 =	vxor.u32 $0xFFFFFFFF, v15;
	v24 =	vxor.u32 $0x80000000, v17;
	v22 =	vsel vm10, v60, v23  }
0x7c1: {  	v25 =	vxor.u32 $0x80000000, v15;
	v12 =	vpsel p2, v16, v12;
	vm9 =	vlt.s32 v22, v9  }
0x7c2: {  	vm11 =	vlt.s32 v18, $0x0;
	v61 =	vxor.u32 $0xFFFFFFFF, v18;
	v62 =	vxor.u32 $0x80000000, v18  }
0x7c3: {  	v19 =	vsel vm4, v58, v24;
	vm3 =	vmand vm3, vm9;
	v22 =	vsel vm11, v61, v62  }
0x7c4: {  	v21 =	vsel vm5, v59, v25;
	v14 =	vnsel vm3, $0x0, v14;
	vm10 =	vlt.s32 v22, v9  }
0x7c5: {  	vm5 =	vlt.s32 v21, v9;
	v12 =	vadd.f32 v14, v12;
	vm2 =	vmand vm2, vm10  }
0x7c6: {  	vm1 =	vmand vm1, vm5;
	v63 =	vsel vm3, $0x1, v0;
	v14 =	vnsel vm2, $0x0, v18  }
.Ltmp104:
0x7c7: {  	v15 =	vnsel vm1, $0x0, v15;
	vm11 =	vlt.s32 v19, v9;
	v12 =	vadd.f32 v14, v12;
	(pc) =	sbr.rel .LBB2_139-.Ltmp104, $4  }
0x7c8: {  	v11 =	vadd.s32 v63, v11;
	vm0 =	vmand vm0, vm11;
	v14 =	vsel vm2, $0x1, v0  }
0x7c9: {  	v11 =	vadd.s32 v14, v11;
	v14 =	vsel vm1, $0x1, v0;
	v15 =	vadd.f32 v15, v12  }
0x7ca: {  	v11 =	vadd.s32 v14, v11;
	v12 =	vsel vm0, $0x1, v0;
	v14 =	vnsel vm0, $0x0, v17  }
0x7cb: {  	v12 =	vadd.s32 v12, v11;
	v11 =	vadd.f32 v14, v15  }
.LBB2_138:
0x7cc: {  	v11 =	vimm.f32 $0.0e+00;
	v12 =	vimm.s32 $0x0  }
.LBB2_139:
.Ltmp105:
0x7cd: {  	(pc) =	sbr.rel @p1 .LBB2_141-.Ltmp105, $1  }
0x7ce: {  	_ =	sdelay $0x3  }
.LBB2_140:
0x7cf: {  	v14 =	vld [tilespmem:s26+$0x0];
	_ =	sdelay $0x2  }
0x7d0: {  	s0 =	sadd.s32 s24, s25  }
0x7d1: {  	v15 =	vmov s0  }
0x7d2: {  	vm0 =	vlt.s32 v15, v13;
	v14 =	vshll.u32 v14, $0x4  }
0x7d3: {  	v14 =	vnsel vm0, $0x0, v14  }
0x7d4: {  	v14 =	vadd.s32 v6, v14;
	_ =	sdelay $0x4  }
0x7d5: {  	v14 =	vld.idx.msk [tilespmem:v14+s2+$0x0], $0xffff;
	_ =	sdelay $0x3  }
0x7d6: {  	s24 =	sadd.s32 $0x1, s24  }
0x7d7: {  	p1 =	seq.s32 s24, $0x0;
	vm1 =	vlt.s32 v14, $0x0;
	v15 =	vxor.u32 $0xFFFFFFFF, v14;
	v16 =	vxor.u32 $0x80000000, v14  }
.Ltmp106:
0x7d8: {  	v15 =	vsel vm1, v15, v16;
	(pc) =	sbr.rel @!p1 .LBB2_140-.Ltmp106, $4  }
0x7d9: {  	vm1 =	vlt.s32 v15, v9  }
0x7da: {  	vm0 =	vmand vm0, vm1  }
0x7db: {  	v15 =	vsel vm0, $0x1, v0;
	v14 =	vnsel vm0, $0x0, v14  }
0x7dc: {  	s26 =	sadd.s32 $0x10, s26;
	v12 =	vadd.s32 v15, v12;
	v11 =	vadd.f32 v14, v11  }
.Ltmp107:
0x7dd: {  	_ = 	snop;
	(pc) =	sbr.rel .LBB2_141-.Ltmp107, $1  }
0x7de: {  	_ =	sdelay $0x3  }
.LBB2_14:
.Ltmp108:
0x7df: {  	(pc) =	sbr.rel .LBB2_30-.Ltmp108, $2  }
0x7e0: {  	_ =	sdelay $0x2  }
0x7e1: {  	_ = 	snop  }
.LBB2_32:
.Ltmp109:
0x7e2: {  	(pc) =	sbr.rel .LBB2_37-.Ltmp109, $2  }
0x7e3: {  	_ =	sdelay $0x2  }
0x7e4: {  	v27 =	vmov v24  }
.LBB2_27:
.Ltmp110:
0x7e5: {  	(pc) =	sbr.rel .LBB2_51-.Ltmp110, $2  }
0x7e6: {  	_ =	sdelay $0x2  }
0x7e7: {  	_ = 	snop  }
.LBB2_55:
.Ltmp111:
0x7e8: {  	(pc) =	sbr.rel .LBB2_60-.Ltmp111, $2  }
0x7e9: {  	_ =	sdelay $0x2  }
0x7ea: {  	v27 =	vmov v24  }
.LBB2_48:
.Ltmp112:
0x7eb: {  	(pc) =	sbr.rel .LBB2_76-.Ltmp112, $2  }
0x7ec: {  	_ =	sdelay $0x2  }
0x7ed: {  	_ = 	snop  }
.LBB2_78:
.Ltmp113:
0x7ee: {  	(pc) =	sbr.rel .LBB2_83-.Ltmp113, $2  }
0x7ef: {  	_ =	sdelay $0x2  }
0x7f0: {  	v29 =	vmov v26  }
.LBB2_73:
.Ltmp114:
0x7f1: {  	(pc) =	sbr.rel .LBB2_108-.Ltmp114, $2  }
0x7f2: {  	_ =	sdelay $0x2  }
0x7f3: {  	_ = 	snop  }
.LBB2_112:
.Ltmp115:
0x7f4: {  	(pc) =	sbr.rel .LBB2_117-.Ltmp115, $2  }
0x7f5: {  	_ =	sdelay $0x2  }
0x7f6: {  	v29 =	vmov v26  }
.LBB2_34:
.Ltmp116:
0x7f7: {  	(pc) =	sbr.rel .LBB2_37-.Ltmp116, $3  }
0x7f8: {  	_ =	sdelay $0x1  }
0x7f9: {  	v36 =	vmov v23  }
0x7fa: {  	v37 =	vmovc v21;
	v38 =	vmovc v22;
	v23 =	vmov v30;
	v21 =	vmov v29;
	v22 =	vmov v31  }
.LBB2_57:
.Ltmp117:
0x7fb: {  	(pc) =	sbr.rel .LBB2_60-.Ltmp117, $3  }
0x7fc: {  	_ =	sdelay $0x1  }
0x7fd: {  	v36 =	vmov v23  }
0x7fe: {  	v37 =	vmovc v21;
	v38 =	vmovc v22;
	v23 =	vmov v30;
	v21 =	vmov v29;
	v22 =	vmov v31  }
.LBB2_80:
.Ltmp118:
0x7ff: {  	(pc) =	sbr.rel .LBB2_83-.Ltmp118, $3  }
0x800: {  	_ =	sdelay $0x1  }
0x801: {  	v38 =	vmov v25  }
0x802: {  	v39 =	vmovc v23;
	v40 =	vmovc v24;
	v25 =	vmov v32;
	v23 =	vmov v31;
	v24 =	vmov v33  }
.LBB2_114:
.Ltmp119:
0x803: {  	(pc) =	sbr.rel .LBB2_117-.Ltmp119, $3  }
0x804: {  	_ =	sdelay $0x1  }
0x805: {  	v38 =	vmov v25  }
0x806: {  	v39 =	vmovc v23;
	v40 =	vmovc v24;
	v25 =	vmov v32;
	v23 =	vmov v31;
	v24 =	vmov v33  }
.LBB2_126:
.Ltmp120:
0x807: {  	(pc) =	sbr.rel .LBB2_130-.Ltmp120, $2  }
0x808: {  	_ =	sdelay $0x2  }
0x809: {  	v28 =	vimm.s32 $0x0  }
.LBB2_152:
.Ltmp121:
0x80a: {  	(pc) =	sbr.rel .LBB2_156-.Ltmp121, $2  }
0x80b: {  	_ =	sdelay $0x2  }
0x80c: {  	v20 =	vimm.s32 $0x0  }
.LBB2_128:
.Ltmp122:
0x80d: {  	(pc) =	sbr.rel .LBB2_130-.Ltmp122, $2  }
0x80e: {  	_ =	sdelay $0x2  }
0x80f: {  	v28 =	vimm.s32 $0x0  }
.LBB2_154:
.Ltmp123:
0x810: {  	(pc) =	sbr.rel .LBB2_156-.Ltmp123, $2  }
0x811: {  	_ =	sdelay $0x2  }
0x812: {  	v20 =	vimm.s32 $0x0  }
.LBB2_144:
0x813: {  	_ =	sfence.sel $0x180000  }
0x814: {  	[bflag:$0x0] =	sbarrier.arrive $0xFFFF  }
0x815: {  	_ =	strace $0x90000047  }
0x816: {  	s0 =	stileid.u32;
	[bflag:$0x2] =	sbarrier.arrive $0xFFFF  }
0x817: {  	p0 =	sne.s32 s0, $0x0;
	s0 =	rddreg [dreg:$0x1]  }
0x818: {  	s0 =	sadd.s32 @!p0 $0x100000, s0  }
0x819: {  	[sflag:s0] =	ssyncadd.tile.s32 @!p0 $0x1;
	_ =	shalt  }
.Lfunc_end2:
_tile_overlayer_lowered:
.L_overlay_start_2:
0x81a: {  	(tag) =	ssettag $0x2  }
0x81b: {  	s0 =	rddreg [dreg:$0x0];
	s2 =	stileid.u32  }
0x81c: {  	s1 =	rddreg [dreg:$0x1];
	p0 =	sne.s32 s2, $0x0  }
0x81d: {  	s3 =	rddreg [dreg:$0x2];
	[bflag:$0x3] =	sbarrier.arrive $0xFFFF;
	s2 =	simm.s32 @!p0 $0x1C03  }
0x81e: {  	[timem:s3], [sflag:s2] =	dma.local @!p0 [hbm:s0], s1  }
0x81f: {  	s0 =	simm.s32 @!p0 $0x3  }
0x820: {  	_ =	swait.ge @!p0 [sflag:s0], s1  }
0x821: {  	s1 =	ssub.s32 @!p0 $0x0, s1;
	[sflag:s0] =	ssyncset.done @!p0 $0x0  }
0x822: {  	[sflag:s0] =	ssyncadd.s32 @!p0 s1  }
0x823: {  	[bflag:$0x3] =	sbarrier.arrive $0xFFFF  }
0x824: {  	_ =	shalt  }

</sc_bundles>
